<compile_context>
chip_gen: v7x
topology: tpu7x:2x2x1
jax: 0.10.2.dev20260603
libtpu: 0.0.44.dev20260713+nightly
codegen_flags: <defaults>
</compile_context>

<pallas_src>
import functools

import jax
import jax.numpy as jnp
from jax import lax
from jax.experimental import pallas as pl
from jax.experimental.pallas import tpu as pltpu
from jax.experimental.pallas import tpu_sc as plsc

F32 = jnp.float32
I32 = jnp.int32

GSTEP = 100000.0
NROWS = 100000
KD = 128
RPW = 3136
CH = 224
NCH = RPW // CH
NGRP = CH // 16


def _tc1_body(act, pfc, w1t, b1, w2t, b2, ts, qnb_o, ma_o):
    comb = jnp.concatenate([act[...], pfc[...]], axis=1)
    h = jnp.maximum(comb @ w1t[...] + b1[...], 0.0)
    qk = h @ w2t[...] + b2[...]
    n = jnp.maximum(jnp.sqrt(jnp.sum(qk * qk)), 1e-12)
    qnb_o[...] = qk / n
    ma_o[...] = jnp.maximum(GSTEP - jnp.min(ts[...]), 1.0).reshape(1, 1)


_tc1 = pl.pallas_call(
    _tc1_body,
    out_shape=(jax.ShapeDtypeStruct((1, KD), F32),
               jax.ShapeDtypeStruct((1, 1), F32)),
)


def _rsqrt(x):
    i = plsc.bitcast(x, I32)
    i = jnp.int32(0x5F3759DF) - (i >> 1)
    y = plsc.bitcast(i, F32)
    for _ in range(3):
        y = y * (1.5 - 0.5 * x * y * y)
    return y


def _sc_body(qn_h, keys_h, ts_h, td_h, par_h, o_rel, o_idx, o_sim, o_td,
             qn_v, par_v, kb0, kb1, ts_v, td_v, res_v, pb_v, nb_v, s0, s1):
    wid = lax.axis_index("c") * 16 + lax.axis_index("s")
    base = jnp.minimum(wid * RPW, NROWS - RPW)

    pltpu.sync_copy(qn_h, qn_v)
    pltpu.sync_copy(par_h, par_v)
    pltpu.sync_copy(ts_h.at[pl.ds(base, RPW)], ts_v)
    pltpu.sync_copy(td_h.at[pl.ds(base, RPW)], td_v)

    pvs = [par_v[pl.ds(16 * i, 16)] for i in range(3)]

    def pget(m):
        return pvs[m // 16][m % 16]

    sw = [[pget(k * 3 + c) for c in range(3)] for k in range(8)]
    sb = [pget(24 + k) for k in range(8)]
    s2 = [pget(32 + k) for k in range(8)]
    sb2s = pget(40)
    maxage = pget(41)

    iot = lax.broadcasted_iota(I32, (16,), 0)
    zf = jnp.zeros((16,), F32)
    qc = [qn_v[pl.ds(16 * i, 16)] for i in range(8)]

    def dma(c, kb, sem):
        return pltpu.make_async_copy(
            keys_h.at[pl.ds((base + c * CH) * KD, CH * KD)], kb, sem)

    dma(0, kb0, s0).start()
    init = (jnp.full((16,), -3.4e38, F32), jnp.zeros((16,), I32), zf, zf, *qc)

    def chunk_body(c, cr):
        def proc(kb, sem_w, kb_n, sem_n):
            dma(c, kb, sem_w).wait()

            @pl.when(c + 1 < NCH)
            def _prefetch():
                dma(c + 1, kb_n, sem_n).start()

            def group_body(g, gcr):
                br, bix, bs, bt, *qr = gcr
                r0 = g * 16
                for r in range(16):
                    rb = (r0 + r) * KD
                    xs = [kb[pl.ds(rb + 16 * cc, 16)] for cc in range(8)]
                    sA = ((xs[0] * qr[0] + xs[1] * qr[1])
                          + (xs[2] * qr[2] + xs[3] * qr[3]))
                    sB = ((xs[4] * qr[4] + xs[5] * qr[5])
                          + (xs[6] * qr[6] + xs[7] * qr[7]))
                    nA = ((xs[0] * xs[0] + xs[1] * xs[1])
                          + (xs[2] * xs[2] + xs[3] * xs[3]))
                    nB = ((xs[4] * xs[4] + xs[5] * xs[5])
                          + (xs[6] * xs[6] + xs[7] * xs[7]))
                    pb_v[pl.ds(r * 17, 16)] = sA + sB
                    nb_v[pl.ds(r * 17, 16)] = nA + nB
                tix = iot * 17
                sacc = [None] * 4
                nacc = [None] * 4
                for j in range(16):
                    tj = plsc.load_gather(pb_v, [tix + j])
                    uj = plsc.load_gather(nb_v, [tix + j])
                    k4 = j % 4
                    sacc[k4] = tj if sacc[k4] is None else sacc[k4] + tj
                    nacc[k4] = uj if nacc[k4] is None else nacc[k4] + uj
                sdv = (sacc[0] + sacc[1]) + (sacc[2] + sacc[3])
                nmv = (nacc[0] + nacc[1]) + (nacc[2] + nacc[3])
                simn = sdv * _rsqrt(jnp.maximum(nmv, 1e-24))
                loc = c * CH + r0
                ts16 = ts_v[pl.ds(loc, 16)]
                td16 = td_v[pl.ds(loc, 16)]
                tdc16 = jnp.maximum(jnp.abs(td16), 1e-6)
                rec = 1.0 - (GSTEP - ts16) / maxage
                rel = jnp.full((16,), 0.0, F32) + sb2s
                for k in range(8):
                    hk = jnp.maximum(
                        sw[k][0] * simn + sw[k][1] * tdc16 + sw[k][2] * rec
                        + sb[k], 0.0)
                    rel = rel + s2[k] * hk
                gidx = base + c * CH + r0 + iot
                upd = rel > br
                br = jnp.where(upd, rel, br)
                bix = jnp.where(upd, gidx, bix)
                bs = jnp.where(upd, simn, bs)
                bt = jnp.where(upd, td16, bt)
                return (br, bix, bs, bt, *qr)

            return lax.fori_loop(0, NGRP, group_body, cr)

        return lax.cond(c % 2 == 0,
                        lambda: proc(kb0, s0, kb1, s1),
                        lambda: proc(kb1, s1, kb0, s0))

    br, bix, bs, bt, *_qf = lax.fori_loop(0, NCH, chunk_body, init)
    for vec, oh in ((br, o_rel), (bix.astype(F32), o_idx), (bs, o_sim),
                    (bt, o_td)):
        res_v[0] = vec
        pltpu.sync_copy(res_v, oh.at[pl.ds(wid, 1)])


_sc_scan = functools.partial(
    pl.kernel,
    out_type=(jax.ShapeDtypeStruct((32, 16), F32),) * 4,
    mesh=plsc.VectorSubcoreMesh(core_axis_name="c", subcore_axis_name="s",
                                num_cores=2, num_subcores=16),
    scratch_types=[
        pltpu.VMEM((KD,), F32),
        pltpu.VMEM((48,), F32),
        pltpu.VMEM((CH * KD,), F32),
        pltpu.VMEM((CH * KD,), F32),
        pltpu.VMEM((RPW,), F32),
        pltpu.VMEM((RPW,), F32),
        pltpu.VMEM((1, 16), F32),
        pltpu.VMEM((272,), F32),
        pltpu.VMEM((272,), F32),
        pltpu.SemaphoreType.DMA,
        pltpu.SemaphoreType.DMA,
    ],
    compiler_params=pltpu.CompilerParams(needs_layout_passes=False),
)(_sc_body)


def _tc2_body(rel_r, idx_r, sim_r, td_r, gw1, gb1, gw2t, gb2, rpwt, rpb,
              rnwt, rnb, tdc, ep_any, out, ep_v, sem):
    rel = rel_r[...]
    sim = sim_r[...]
    td = td_r[...]
    idxf = idx_r[...]
    maxv = jnp.max(rel)
    eq = rel == maxv
    bif = jnp.min(jnp.where(eq, idxf, 3.4e38))
    sel = jnp.logical_and(eq, idxf == bif)
    simw = jnp.max(jnp.where(sel, sim, -3.4e38))
    tdw = jnp.max(jnp.where(sel, td, -3.4e38))
    bi = bif.astype(I32)
    copy = pltpu.make_async_copy(ep_any.at[pl.ds(bi, 1)], ep_v, sem)
    copy.start()
    copy.wait()
    ep = ep_v[...]
    tda = jnp.abs(tdc[0, 0])
    etda = jnp.abs(tdw)
    a1 = jnp.tanh(gw1[:, 0:1] * simw + gw1[:, 1:2] * tda
                  + gw1[:, 2:3] * etda + gb1[...])
    s = jnp.sum(a1 * gw2t[...]) + gb2[0, 0]
    al = jnp.tanh(jnp.full((1, 1), 0.0, F32) + s)
    pd = al * (ep @ rpwt[...] + rpb[...])
    nm = al * (ep @ rnwt[...] + rnb[...])
    out[...] = jnp.concatenate([pd, nm, jnp.zeros((1, 20), F32)], axis=1)


_tc2 = pl.pallas_call(
    _tc2_body,
    out_shape=jax.ShapeDtypeStruct((1, 64), F32),
    in_specs=[pl.BlockSpec(memory_space=pltpu.VMEM)] * 13
    + [pl.BlockSpec(memory_space=pl.ANY)],
    scratch_shapes=[pltpu.VMEM((1, 44), F32), pltpu.SemaphoreType.DMA],
)


def kernel(activation_summary, pfc_state, episodes, ep_keys, ep_td_errors,
           ep_timestamps, W1, b1, W2, b2, sW1, sb1, sW2, sb2, gW1, gb1, gW2,
           gb2, rpW, rpb, rnW, rnb, current_td_error):
    qnb, maxage = _tc1(
        activation_summary.reshape(1, KD), pfc_state.reshape(1, 32),
        W1.T, b1.reshape(1, -1), W2.T, b2.reshape(1, -1),
        ep_timestamps.reshape(8, NROWS // 8))
    par = jnp.concatenate([
        sW1.ravel(), sb1, sW2.ravel(), sb2, maxage.ravel(),
        jnp.zeros((6,), F32)])
    rel_r, idx_r, sim_r, td_r = _sc_scan(
        qnb.reshape(KD), ep_keys.reshape(NROWS * KD),
        ep_timestamps, ep_td_errors, par)
    tdc = jnp.asarray(current_td_error, F32).reshape(1, 1)
    out = _tc2(rel_r, idx_r, sim_r, td_r, gW1, gb1.reshape(16, 1),
               gW2.reshape(16, 1), gb2.reshape(1, 1), rpW.T,
               rpb.reshape(1, 32), rnW.T, rnb.reshape(1, 12), tdc, episodes)
    return out[0, :44]

# --- scband reference (transcript-rebuilt; emitter-appended) ---
"""Pipeline reference for scband-hippocampus-16999480557899 (READ-ONLY COPY).

The authoritative reference and input builder live on the scoring server;
editing this copy changes nothing except your own understanding.
"""

import jax, jax.numpy as jnp
import numpy as np

KEY_DIM = 128
PFC_DIM = 32
N_PATCHES = 4
CAPACITY = 100000
D_MEM = PFC_DIM + N_PATCHES * 3  # 44
NM_DIM = N_PATCHES * 3           # 12
GLOBAL_STEP = 100000.0


def setup_inputs(seed: int = 0) -> dict:
    key = jax.random.key(seed)
    ks = jax.random.split(key, 12)
    inp = {}
    inp['activation_summary'] = jax.random.normal(ks[0], (KEY_DIM,), dtype=jnp.float32)
    inp['pfc_state'] = jax.random.normal(ks[1], (PFC_DIM,), dtype=jnp.float32)
    # memory buffers (populated, all valid)
    inp['episodes'] = jax.random.normal(ks[2], (CAPACITY, D_MEM), dtype=jnp.float32)
    inp['ep_keys'] = jax.random.normal(ks[3], (CAPACITY, KEY_DIM), dtype=jnp.float32)
    inp['ep_td_errors'] = jax.random.normal(ks[4], (CAPACITY,), dtype=jnp.float32)
    inp['ep_timestamps'] = jax.random.uniform(ks[5], (CAPACITY,), dtype=jnp.float32, minval=0.0, maxval=GLOBAL_STEP - 1.0)
    # key_proj: Linear(key+pfc -> 2k) ReLU Linear(2k -> k), custom identity init
    W1 = np.zeros((KEY_DIM * 2, KEY_DIM + PFC_DIM), np.float32)
    W1[:KEY_DIM, :KEY_DIM] = np.eye(KEY_DIM, dtype=np.float32)
    b1 = np.zeros((KEY_DIM * 2,), np.float32)
    W2 = np.zeros((KEY_DIM, KEY_DIM * 2), np.float32)
    W2[:, :KEY_DIM] = np.eye(KEY_DIM, dtype=np.float32)
    b2 = np.zeros((KEY_DIM,), np.float32)
    inp['W1'] = jnp.asarray(W1); inp['b1'] = jnp.asarray(b1)
    inp['W2'] = jnp.asarray(W2); inp['b2'] = jnp.asarray(b2)
    # episode_scorer: Linear(3->8) ReLU Linear(8->1), custom init
    sW1 = np.zeros((8, 3), np.float32); sW1[0, 0] = 1.0; sW1[1, 1] = 1.0
    sb1 = np.zeros((8,), np.float32)
    sW2 = np.ones((1, 8), np.float32)
    sb2 = np.zeros((1,), np.float32)
    inp['sW1'] = jnp.asarray(sW1); inp['sb1'] = jnp.asarray(sb1)
    inp['sW2'] = jnp.asarray(sW2); inp['sb2'] = jnp.asarray(sb2)
    # read_gate: Linear(3->16) Tanh Linear(16->1) Tanh; bias of last linear = 0.1
    gW1 = jax.random.normal(ks[6], (16, 3), dtype=jnp.float32) * 0.1
    gb1 = jnp.zeros((16,), dtype=jnp.float32)
    gW2 = jax.random.normal(ks[7], (1, 16), dtype=jnp.float32) * 0.1
    gb2 = jnp.full((1,), 0.1, dtype=jnp.float32)
    inp['gW1'] = gW1; inp['gb1'] = gb1; inp['gW2'] = gW2; inp['gb2'] = gb2
    # read_to_pfc: Linear(d_mem -> pfc_dim), identity*0.1 init
    rpW = np.zeros((PFC_DIM, D_MEM), np.float32)
    rpW[:PFC_DIM, :PFC_DIM] = np.eye(PFC_DIM, dtype=np.float32) * 0.1
    rpb = np.zeros((PFC_DIM,), np.float32)
    inp['rpW'] = jnp.asarray(rpW); inp['rpb'] = jnp.asarray(rpb)
    # read_to_neuromod: Linear(d_mem -> nm_dim), identity*0.1 on slice init
    rnW = np.zeros((NM_DIM, D_MEM), np.float32)
    rnW[:, PFC_DIM:PFC_DIM + NM_DIM] = np.eye(NM_DIM, dtype=np.float32) * 0.1
    rnb = np.zeros((NM_DIM,), np.float32)
    inp['rnW'] = jnp.asarray(rnW); inp['rnb'] = jnp.asarray(rnb)
    inp['current_td_error'] = 1
    return inp


def reference(activation_summary, pfc_state, episodes, ep_keys, ep_td_errors, ep_timestamps,
              W1, b1, W2, b2, sW1, sb1, sW2, sb2, gW1, gb1, gW2, gb2,
              rpW, rpb, rnW, rnb, current_td_error):
    # _make_key: DG pattern separation
    combined = jnp.concatenate([activation_summary, pfc_state])
    h = jax.nn.relu(W1 @ combined + b1)
    qkey = W2 @ h + b2
    # _find_best: CA3 pattern completion over full memory pool (all valid)
    qn = qkey / jnp.maximum(jnp.linalg.norm(qkey), 1e-12)
    sn = ep_keys / jnp.maximum(jnp.linalg.norm(ep_keys, axis=-1, keepdims=True), 1e-12)
    key_sims = sn @ qn
    ages = GLOBAL_STEP - ep_timestamps
    max_age = jnp.clip(jnp.max(ages), 1.0, None)
    recency = 1.0 - ages / max_age
    scorer_in = jnp.stack([key_sims, jnp.clip(jnp.abs(ep_td_errors), 1e-06, None), recency], axis=-1)
    relevance = (jax.nn.relu(scorer_in @ sW1.T + sb1) @ sW2.T + sb2)[..., 0]
    best = jnp.argmax(relevance)  # winner-take-all gather
    ep_content = jnp.take(episodes, best, axis=0)
    best_sim = jnp.take(key_sims, best)
    ep_td = jnp.take(ep_td_errors, best)
    # read gate + reinstatement
    td = jnp.abs(jnp.asarray(current_td_error).astype(jnp.float32))
    gate_in = jnp.stack([best_sim, td, jnp.abs(ep_td)])
    alpha = jnp.tanh((jnp.tanh(gate_in @ gW1.T + gb1) @ gW2.T + gb2))[0]
    pfc_delta = alpha * (rpW @ ep_content + rpb)
    neuromod = alpha * (rnW @ ep_content + rnb)
    return jnp.concatenate([pfc_delta, neuromod])

if __name__ == "__main__":
    import jax
    _d = setup_inputs()
    print(jax.jit(kernel)(*tuple(_d.values())))

</pallas_src>

<mosaic_0001>
#map = affine_map<(d0, d1) -> (0)>
#map1 = affine_map<(d0, d1) -> (0, 0)>
module attributes {stable_mosaic.version = 14 : i64} {
  func.func @_sc_body(%arg0: i32, %arg1: i32, %arg2: memref<128xf32, #tpu.memory_space<hbm>>, %arg3: memref<12800000xf32, #tpu.memory_space<hbm>>, %arg4: memref<100000xf32, #tpu.memory_space<hbm>>, %arg5: memref<100000xf32, #tpu.memory_space<hbm>>, %arg6: memref<48xf32, #tpu.memory_space<hbm>>, %arg7: memref<32x16xf32, #tpu.memory_space<hbm>>, %arg8: memref<32x16xf32, #tpu.memory_space<hbm>>, %arg9: memref<32x16xf32, #tpu.memory_space<hbm>>, %arg10: memref<32x16xf32, #tpu.memory_space<hbm>>, %arg11: memref<128xf32, #tpu.memory_space<vmem>>, %arg12: memref<48xf32, #tpu.memory_space<vmem>>, %arg13: memref<28672xf32, #tpu.memory_space<vmem>>, %arg14: memref<28672xf32, #tpu.memory_space<vmem>>, %arg15: memref<3136xf32, #tpu.memory_space<vmem>>, %arg16: memref<3136xf32, #tpu.memory_space<vmem>>, %arg17: memref<1x16xf32, #tpu.memory_space<vmem>>, %arg18: memref<272xf32, #tpu.memory_space<vmem>>, %arg19: memref<272xf32, #tpu.memory_space<vmem>>, %arg20: memref<!tpu.dma_semaphore, #tpu.memory_space<semaphore_mem>>, %arg21: memref<!tpu.dma_semaphore, #tpu.memory_space<semaphore_mem>>) attributes {dimension_semantics = [#tpu.dimension_semantics<core_parallel>, #tpu.dimension_semantics<subcore_parallel>], iteration_bounds = array<i64: 2, 16>, scalar_prefetch = 0 : i64, scratch_operands = 11 : i64, tpu.core_type = #tpu.core_type<sc_vector_subcore>, window_params = [{transform_indices = #map}, {transform_indices = #map}, {transform_indices = #map}, {transform_indices = #map}, {transform_indices = #map}, {transform_indices = #map1}, {transform_indices = #map1}, {transform_indices = #map1}, {transform_indices = #map1}]} {
    %mul3A = arith.constant 16 : i32
    %mul3A_0 = arith.muli %arg0, %mul3A : i32
    %add3A = arith.addi %mul3A_0, %arg1 : i32
    %mul3A_1 = arith.constant 3136 : i32
    %mul3A_2 = arith.muli %add3A, %mul3A_1 : i32
    %min3A = arith.constant 96864 : i32
    %min3A_3 = arith.minsi %mul3A_2, %min3A : i32
    "tpu.region"() ({
      %run_scoped3A = tpu.sem_alloc : memref<!tpu.dma_semaphore, #tpu.memory_space<semaphore_mem>>
      tpu.enqueue_dma source(%arg2 : memref<128xf32, #tpu.memory_space<hbm>>) target(%arg11 : memref<128xf32, #tpu.memory_space<vmem>>) target_semaphore(%run_scoped3A : memref<!tpu.dma_semaphore, #tpu.memory_space<semaphore_mem>>)
      tpu.wait_dma2 semaphore(%run_scoped3A : memref<!tpu.dma_semaphore, #tpu.memory_space<semaphore_mem>>) src(%arg2 : memref<128xf32, #tpu.memory_space<hbm>>) dst(%arg11 : memref<128xf32, #tpu.memory_space<vmem>>)
      tpu.yield
    }) : () -> ()
    "tpu.region"() ({
      %run_scoped3A = tpu.sem_alloc : memref<!tpu.dma_semaphore, #tpu.memory_space<semaphore_mem>>
      tpu.enqueue_dma source(%arg6 : memref<48xf32, #tpu.memory_space<hbm>>) target(%arg12 : memref<48xf32, #tpu.memory_space<vmem>>) target_semaphore(%run_scoped3A : memref<!tpu.dma_semaphore, #tpu.memory_space<semaphore_mem>>)
      tpu.wait_dma2 semaphore(%run_scoped3A : memref<!tpu.dma_semaphore, #tpu.memory_space<semaphore_mem>>) src(%arg6 : memref<48xf32, #tpu.memory_space<hbm>>) dst(%arg12 : memref<48xf32, #tpu.memory_space<vmem>>)
      tpu.yield
    }) : () -> ()
    "tpu.region"() ({
      %run_scoped3A = tpu.sem_alloc : memref<!tpu.dma_semaphore, #tpu.memory_space<semaphore_mem>>
      %dma_start3A_137 = tpu.memref_slice %arg4[%min3A_3] : memref<100000xf32, #tpu.memory_space<hbm>> -> memref<3136xf32, #tpu.memory_space<hbm>>
      %dma_start3A_138 = tpu.memref_slice %arg4[%min3A_3] : memref<100000xf32, #tpu.memory_space<hbm>> -> memref<3136xf32, #tpu.memory_space<hbm>>
      tpu.enqueue_dma source(%dma_start3A_138 : memref<3136xf32, #tpu.memory_space<hbm>>) target(%arg15 : memref<3136xf32, #tpu.memory_space<vmem>>) target_semaphore(%run_scoped3A : memref<!tpu.dma_semaphore, #tpu.memory_space<semaphore_mem>>)
      %dma_wait3A = tpu.memref_slice %arg4[%min3A_3] : memref<100000xf32, #tpu.memory_space<hbm>> -> memref<3136xf32, #tpu.memory_space<hbm>>
      %dma_wait3A_139 = tpu.memref_slice %arg4[%min3A_3] : memref<100000xf32, #tpu.memory_space<hbm>> -> memref<3136xf32, #tpu.memory_space<hbm>>
      tpu.wait_dma2 semaphore(%run_scoped3A : memref<!tpu.dma_semaphore, #tpu.memory_space<semaphore_mem>>) src(%dma_wait3A_139 : memref<3136xf32, #tpu.memory_space<hbm>>) dst(%arg15 : memref<3136xf32, #tpu.memory_space<vmem>>)
      tpu.yield
    }) : () -> ()
    "tpu.region"() ({
      %run_scoped3A = tpu.sem_alloc : memref<!tpu.dma_semaphore, #tpu.memory_space<semaphore_mem>>
      %dma_start3A_137 = tpu.memref_slice %arg5[%min3A_3] : memref<100000xf32, #tpu.memory_space<hbm>> -> memref<3136xf32, #tpu.memory_space<hbm>>
      %dma_start3A_138 = tpu.memref_slice %arg5[%min3A_3] : memref<100000xf32, #tpu.memory_space<hbm>> -> memref<3136xf32, #tpu.memory_space<hbm>>
      tpu.enqueue_dma source(%dma_start3A_138 : memref<3136xf32, #tpu.memory_space<hbm>>) target(%arg16 : memref<3136xf32, #tpu.memory_space<vmem>>) target_semaphore(%run_scoped3A : memref<!tpu.dma_semaphore, #tpu.memory_space<semaphore_mem>>)
      %dma_wait3A = tpu.memref_slice %arg5[%min3A_3] : memref<100000xf32, #tpu.memory_space<hbm>> -> memref<3136xf32, #tpu.memory_space<hbm>>
      %dma_wait3A_139 = tpu.memref_slice %arg5[%min3A_3] : memref<100000xf32, #tpu.memory_space<hbm>> -> memref<3136xf32, #tpu.memory_space<hbm>>
      tpu.wait_dma2 semaphore(%run_scoped3A : memref<!tpu.dma_semaphore, #tpu.memory_space<semaphore_mem>>) src(%dma_wait3A_139 : memref<3136xf32, #tpu.memory_space<hbm>>) dst(%arg16 : memref<3136xf32, #tpu.memory_space<vmem>>)
      tpu.yield
    }) : () -> ()
    %get3A = arith.constant 0 : index
    %get3A_4 = tpu.vector_load %arg12[%get3A] {strides = array<i32>} : memref<48xf32, #tpu.memory_space<vmem>>, vector<16xf32>,
    %get3A_5 = arith.constant 16 : index
    %get3A_6 = tpu.vector_load %arg12[%get3A_5] {strides = array<i32>} : memref<48xf32, #tpu.memory_space<vmem>>, vector<16xf32>,
    %get3A_7 = arith.constant 32 : index
    %get3A_8 = tpu.vector_load %arg12[%get3A_7] {strides = array<i32>} : memref<48xf32, #tpu.memory_space<vmem>>, vector<16xf32>,
    %slice3A = vector.extract_strided_slice %get3A_4 {offsets = [0], sizes = [1], strides = [1]} : vector<16xf32> to vector<1xf32>
    %squeeze3A = vector.extract %slice3A[0] : f32 from vector<1xf32>
    %slice3A_9 = vector.extract_strided_slice %get3A_4 {offsets = [1], sizes = [1], strides = [1]} : vector<16xf32> to vector<1xf32>
    %squeeze3A_10 = vector.extract %slice3A_9[0] : f32 from vector<1xf32>
    %slice3A_11 = vector.extract_strided_slice %get3A_4 {offsets = [2], sizes = [1], strides = [1]} : vector<16xf32> to vector<1xf32>
    %squeeze3A_12 = vector.extract %slice3A_11[0] : f32 from vector<1xf32>
    %slice3A_13 = vector.extract_strided_slice %get3A_4 {offsets = [3], sizes = [1], strides = [1]} : vector<16xf32> to vector<1xf32>
    %squeeze3A_14 = vector.extract %slice3A_13[0] : f32 from vector<1xf32>
    %slice3A_15 = vector.extract_strided_slice %get3A_4 {offsets = [4], sizes = [1], strides = [1]} : vector<16xf32> to vector<1xf32>
    %squeeze3A_16 = vector.extract %slice3A_15[0] : f32 from vector<1xf32>
    %slice3A_17 = vector.extract_strided_slice %get3A_4 {offsets = [5], sizes = [1], strides = [1]} : vector<16xf32> to vector<1xf32>
    %squeeze3A_18 = vector.extract %slice3A_17[0] : f32 from vector<1xf32>
    %slice3A_19 = vector.extract_strided_slice %get3A_4 {offsets = [6], sizes = [1], strides = [1]} : vector<16xf32> to vector<1xf32>
    %squeeze3A_20 = vector.extract %slice3A_19[0] : f32 from vector<1xf32>
    %slice3A_21 = vector.extract_strided_slice %get3A_4 {offsets = [7], sizes = [1], strides = [1]} : vector<16xf32> to vector<1xf32>
    %squeeze3A_22 = vector.extract %slice3A_21[0] : f32 from vector<1xf32>
    %slice3A_23 = vector.extract_strided_slice %get3A_4 {offsets = [8], sizes = [1], strides = [1]} : vector<16xf32> to vector<1xf32>
    %squeeze3A_24 = vector.extract %slice3A_23[0] : f32 from vector<1xf32>
    %slice3A_25 = vector.extract_strided_slice %get3A_4 {offsets = [9], sizes = [1], strides = [1]} : vector<16xf32> to vector<1xf32>
    %squeeze3A_26 = vector.extract %slice3A_25[0] : f32 from vector<1xf32>
    %slice3A_27 = vector.extract_strided_slice %get3A_4 {offsets = [10], sizes = [1], strides = [1]} : vector<16xf32> to vector<1xf32>
    %squeeze3A_28 = vector.extract %slice3A_27[0] : f32 from vector<1xf32>
    %slice3A_29 = vector.extract_strided_slice %get3A_4 {offsets = [11], sizes = [1], strides = [1]} : vector<16xf32> to vector<1xf32>
    %squeeze3A_30 = vector.extract %slice3A_29[0] : f32 from vector<1xf32>
    %slice3A_31 = vector.extract_strided_slice %get3A_4 {offsets = [12], sizes = [1], strides = [1]} : vector<16xf32> to vector<1xf32>
    %squeeze3A_32 = vector.extract %slice3A_31[0] : f32 from vector<1xf32>
    %slice3A_33 = vector.extract_strided_slice %get3A_4 {offsets = [13], sizes = [1], strides = [1]} : vector<16xf32> to vector<1xf32>
    %squeeze3A_34 = vector.extract %slice3A_33[0] : f32 from vector<1xf32>
    %slice3A_35 = vector.extract_strided_slice %get3A_4 {offsets = [14], sizes = [1], strides = [1]} : vector<16xf32> to vector<1xf32>
    %squeeze3A_36 = vector.extract %slice3A_35[0] : f32 from vector<1xf32>
    %slice3A_37 = vector.extract_strided_slice %get3A_4 {offsets = [15], sizes = [1], strides = [1]} : vector<16xf32> to vector<1xf32>
    %squeeze3A_38 = vector.extract %slice3A_37[0] : f32 from vector<1xf32>
    %slice3A_39 = vector.extract_strided_slice %get3A_6 {offsets = [0], sizes = [1], strides = [1]} : vector<16xf32> to vector<1xf32>
    %squeeze3A_40 = vector.extract %slice3A_39[0] : f32 from vector<1xf32>
    %slice3A_41 = vector.extract_strided_slice %get3A_6 {offsets = [1], sizes = [1], strides = [1]} : vector<16xf32> to vector<1xf32>
    %squeeze3A_42 = vector.extract %slice3A_41[0] : f32 from vector<1xf32>
    %slice3A_43 = vector.extract_strided_slice %get3A_6 {offsets = [2], sizes = [1], strides = [1]} : vector<16xf32> to vector<1xf32>
    %squeeze3A_44 = vector.extract %slice3A_43[0] : f32 from vector<1xf32>
    %slice3A_45 = vector.extract_strided_slice %get3A_6 {offsets = [3], sizes = [1], strides = [1]} : vector<16xf32> to vector<1xf32>
    %squeeze3A_46 = vector.extract %slice3A_45[0] : f32 from vector<1xf32>
    %slice3A_47 = vector.extract_strided_slice %get3A_6 {offsets = [4], sizes = [1], strides = [1]} : vector<16xf32> to vector<1xf32>
    %squeeze3A_48 = vector.extract %slice3A_47[0] : f32 from vector<1xf32>
    %slice3A_49 = vector.extract_strided_slice %get3A_6 {offsets = [5], sizes = [1], strides = [1]} : vector<16xf32> to vector<1xf32>
    %squeeze3A_50 = vector.extract %slice3A_49[0] : f32 from vector<1xf32>
    %slice3A_51 = vector.extract_strided_slice %get3A_6 {offsets = [6], sizes = [1], strides = [1]} : vector<16xf32> to vector<1xf32>
    %squeeze3A_52 = vector.extract %slice3A_51[0] : f32 from vector<1xf32>
    %slice3A_53 = vector.extract_strided_slice %get3A_6 {offsets = [7], sizes = [1], strides = [1]} : vector<16xf32> to vector<1xf32>
    %squeeze3A_54 = vector.extract %slice3A_53[0] : f32 from vector<1xf32>
    %slice3A_55 = vector.extract_strided_slice %get3A_6 {offsets = [8], sizes = [1], strides = [1]} : vector<16xf32> to vector<1xf32>
    %squeeze3A_56 = vector.extract %slice3A_55[0] : f32 from vector<1xf32>
    %slice3A_57 = vector.extract_strided_slice %get3A_6 {offsets = [9], sizes = [1], strides = [1]} : vector<16xf32> to vector<1xf32>
    %squeeze3A_58 = vector.extract %slice3A_57[0] : f32 from vector<1xf32>
    %slice3A_59 = vector.extract_strided_slice %get3A_6 {offsets = [10], sizes = [1], strides = [1]} : vector<16xf32> to vector<1xf32>
    %squeeze3A_60 = vector.extract %slice3A_59[0] : f32 from vector<1xf32>
    %slice3A_61 = vector.extract_strided_slice %get3A_6 {offsets = [11], sizes = [1], strides = [1]} : vector<16xf32> to vector<1xf32>
    %squeeze3A_62 = vector.extract %slice3A_61[0] : f32 from vector<1xf32>
    %slice3A_63 = vector.extract_strided_slice %get3A_6 {offsets = [12], sizes = [1], strides = [1]} : vector<16xf32> to vector<1xf32>
    %squeeze3A_64 = vector.extract %slice3A_63[0] : f32 from vector<1xf32>
    %slice3A_65 = vector.extract_strided_slice %get3A_6 {offsets = [13], sizes = [1], strides = [1]} : vector<16xf32> to vector<1xf32>
    %squeeze3A_66 = vector.extract %slice3A_65[0] : f32 from vector<1xf32>
    %slice3A_67 = vector.extract_strided_slice %get3A_6 {offsets = [14], sizes = [1], strides = [1]} : vector<16xf32> to vector<1xf32>
    %squeeze3A_68 = vector.extract %slice3A_67[0] : f32 from vector<1xf32>
    %slice3A_69 = vector.extract_strided_slice %get3A_6 {offsets = [15], sizes = [1], strides = [1]} : vector<16xf32> to vector<1xf32>
    %squeeze3A_70 = vector.extract %slice3A_69[0] : f32 from vector<1xf32>
    %slice3A_71 = vector.extract_strided_slice %get3A_8 {offsets = [0], sizes = [1], strides = [1]} : vector<16xf32> to vector<1xf32>
    %squeeze3A_72 = vector.extract %slice3A_71[0] : f32 from vector<1xf32>
    %slice3A_73 = vector.extract_strided_slice %get3A_8 {offsets = [1], sizes = [1], strides = [1]} : vector<16xf32> to vector<1xf32>
    %squeeze3A_74 = vector.extract %slice3A_73[0] : f32 from vector<1xf32>
    %slice3A_75 = vector.extract_strided_slice %get3A_8 {offsets = [2], sizes = [1], strides = [1]} : vector<16xf32> to vector<1xf32>
    %squeeze3A_76 = vector.extract %slice3A_75[0] : f32 from vector<1xf32>
    %slice3A_77 = vector.extract_strided_slice %get3A_8 {offsets = [3], sizes = [1], strides = [1]} : vector<16xf32> to vector<1xf32>
    %squeeze3A_78 = vector.extract %slice3A_77[0] : f32 from vector<1xf32>
    %slice3A_79 = vector.extract_strided_slice %get3A_8 {offsets = [4], sizes = [1], strides = [1]} : vector<16xf32> to vector<1xf32>
    %squeeze3A_80 = vector.extract %slice3A_79[0] : f32 from vector<1xf32>
    %slice3A_81 = vector.extract_strided_slice %get3A_8 {offsets = [5], sizes = [1], strides = [1]} : vector<16xf32> to vector<1xf32>
    %squeeze3A_82 = vector.extract %slice3A_81[0] : f32 from vector<1xf32>
    %slice3A_83 = vector.extract_strided_slice %get3A_8 {offsets = [6], sizes = [1], strides = [1]} : vector<16xf32> to vector<1xf32>
    %squeeze3A_84 = vector.extract %slice3A_83[0] : f32 from vector<1xf32>
    %slice3A_85 = vector.extract_strided_slice %get3A_8 {offsets = [7], sizes = [1], strides = [1]} : vector<16xf32> to vector<1xf32>
    %squeeze3A_86 = vector.extract %slice3A_85[0] : f32 from vector<1xf32>
    %slice3A_87 = vector.extract_strided_slice %get3A_8 {offsets = [8], sizes = [1], strides = [1]} : vector<16xf32> to vector<1xf32>
    %squeeze3A_88 = vector.extract %slice3A_87[0] : f32 from vector<1xf32>
    %slice3A_89 = vector.extract_strided_slice %get3A_8 {offsets = [9], sizes = [1], strides = [1]} : vector<16xf32> to vector<1xf32>
    %squeeze3A_90 = vector.extract %slice3A_89[0] : f32 from vector<1xf32>
    %iota3A = tpu.iota {dimensions = array<i32: 0>} : vector<16xi32>
    %broadcast_in_dim3A = arith.constant 0.000000e+00 : f32
    %broadcast_in_dim3A_91 = vector.broadcast %broadcast_in_dim3A : f32 to vector<16xf32>
    %get3A_92 = arith.constant 0 : index
    %get3A_93 = tpu.vector_load %arg11[%get3A_92] {strides = array<i32>} : memref<128xf32, #tpu.memory_space<vmem>>, vector<16xf32>,
    %get3A_94 = arith.constant 16 : index
    %get3A_95 = tpu.vector_load %arg11[%get3A_94] {strides = array<i32>} : memref<128xf32, #tpu.memory_space<vmem>>, vector<16xf32>,
    %get3A_96 = arith.constant 32 : index
    %get3A_97 = tpu.vector_load %arg11[%get3A_96] {strides = array<i32>} : memref<128xf32, #tpu.memory_space<vmem>>, vector<16xf32>,
    %get3A_98 = arith.constant 48 : index
    %get3A_99 = tpu.vector_load %arg11[%get3A_98] {strides = array<i32>} : memref<128xf32, #tpu.memory_space<vmem>>, vector<16xf32>,
    %get3A_100 = arith.constant 64 : index
    %get3A_101 = tpu.vector_load %arg11[%get3A_100] {strides = array<i32>} : memref<128xf32, #tpu.memory_space<vmem>>, vector<16xf32>,
    %get3A_102 = arith.constant 80 : index
    %get3A_103 = tpu.vector_load %arg11[%get3A_102] {strides = array<i32>} : memref<128xf32, #tpu.memory_space<vmem>>, vector<16xf32>,
    %get3A_104 = arith.constant 96 : index
    %get3A_105 = tpu.vector_load %arg11[%get3A_104] {strides = array<i32>} : memref<128xf32, #tpu.memory_space<vmem>>, vector<16xf32>,
    %get3A_106 = arith.constant 112 : index
    %get3A_107 = tpu.vector_load %arg11[%get3A_106] {strides = array<i32>} : memref<128xf32, #tpu.memory_space<vmem>>, vector<16xf32>,
    %add3A_108 = arith.constant 0 : i32
    %add3A_109 = arith.addi %min3A_3, %add3A_108 : i32
    %mul3A_110 = arith.constant 128 : i32
    %mul3A_111 = arith.muli %add3A_109, %mul3A_110 : i32
    %dma_start3A = tpu.memref_slice %arg3[%mul3A_111] : memref<12800000xf32, #tpu.memory_space<hbm>> -> memref<28672xf32, #tpu.memory_space<hbm>>
    %dma_start3A_112 = tpu.memref_slice %arg3[%mul3A_111] : memref<12800000xf32, #tpu.memory_space<hbm>> -> memref<28672xf32, #tpu.memory_space<hbm>>
    tpu.enqueue_dma source(%dma_start3A_112 : memref<28672xf32, #tpu.memory_space<hbm>>) target(%arg13 : memref<28672xf32, #tpu.memory_space<vmem>>) target_semaphore(%arg20 : memref<!tpu.dma_semaphore, #tpu.memory_space<semaphore_mem>>)
    %broadcast_in_dim3A_113 = arith.constant -3.400000e+38 : f32
    %broadcast_in_dim3A_114 = vector.broadcast %broadcast_in_dim3A_113 : f32 to vector<16xf32>
    %broadcast_in_dim3A_115 = arith.constant 0 : i32
    %broadcast_in_dim3A_116 = vector.broadcast %broadcast_in_dim3A_115 : i32 to vector<16xi32>
    %scan3A = arith.constant 0 : i32
    %scan3A_117 = arith.constant 14 : i32
    %scan3A_118 = arith.addi %scan3A, %scan3A_117 : i32
    %scan3A_119 = arith.constant 1 : i32
    %scan3A_120:4 = scf.for %scan3A_137 = %scan3A to %scan3A_118 step %scan3A_119 iter_args(%scan3A_138 = %broadcast_in_dim3A_114, %scan3A_139 = %broadcast_in_dim3A_116, %scan3A_140 = %broadcast_in_dim3A_91, %scan3A_141 = %broadcast_in_dim3A_91) -> (vector<16xf32>, vector<16xi32>, vector<16xf32>, vector<16xf32>)  : i32 {
      %jit3A = arith.constant 2 : i32
      %eq3A = arith.constant 0 : i32
      %eq3A_142 = arith.cmpi eq, %jit3A, %eq3A : i32
      %jit3A_143 = arith.constant 1 : i32
      %select_n3A = arith.select %eq3A_142, %jit3A_143, %jit3A : i32
      %rem3A = arith.remsi %scan3A_137, %select_n3A : i32
      %ne3A = arith.constant 0 : i32
      %ne3A_144 = arith.cmpi ne, %rem3A, %ne3A : i32
      %lt3A = arith.constant 0 : i32
      %lt3A_145 = arith.cmpi slt, %rem3A, %lt3A : i32
      %lt3A_146 = arith.constant 0 : i32
      %lt3A_147 = arith.cmpi slt, %select_n3A, %lt3A_146 : i32
      %ne3A_148 = arith.xori %lt3A_145, %lt3A_147 : i1
      %and3A = arith.andi %ne3A_148, %ne3A_144 : i1
      %add3A_149 = arith.addi %rem3A, %select_n3A : i32
      %select_n3A_150 = arith.select %and3A, %add3A_149, %rem3A : i32
      %eq3A_151 = arith.constant 0 : i32
      %eq3A_152 = arith.cmpi eq, %select_n3A_150, %eq3A_151 : i32
      %convert_element_type3A_153 = arith.extui %eq3A_152 : i1 to i32
      %cond3A = arith.constant 0 : i32
      %cond3A_154 = arith.cmpi ne, %convert_element_type3A_153, %cond3A : i32
      %cond3A_155:4 = scf.if %cond3A_154 -> (vector<16xf32>, vector<16xi32>, vector<16xf32>, vector<16xf32>) {
        %mul3A_156 = arith.constant 224 : i32
        %mul3A_157 = arith.muli %scan3A_137, %mul3A_156 : i32
        %add3A_158 = arith.addi %min3A_3, %mul3A_157 : i32
        %mul3A_159 = arith.constant 128 : i32
        %mul3A_160 = arith.muli %add3A_158, %mul3A_159 : i32
        %dma_wait3A = tpu.memref_slice %arg3[%mul3A_160] : memref<12800000xf32, #tpu.memory_space<hbm>> -> memref<28672xf32, #tpu.memory_space<hbm>>
        %dma_wait3A_161 = tpu.memref_slice %arg3[%mul3A_160] : memref<12800000xf32, #tpu.memory_space<hbm>> -> memref<28672xf32, #tpu.memory_space<hbm>>
        tpu.wait_dma2 semaphore(%arg20 : memref<!tpu.dma_semaphore, #tpu.memory_space<semaphore_mem>>) src(%dma_wait3A_161 : memref<28672xf32, #tpu.memory_space<hbm>>) dst(%arg13 : memref<28672xf32, #tpu.memory_space<vmem>>)
        %add3A_162 = arith.constant 1 : i32
        %add3A_163 = arith.addi %scan3A_137, %add3A_162 : i32
        %lt3A_164 = arith.constant 14 : i32
        %lt3A_165 = arith.cmpi slt, %add3A_163, %lt3A_164 : i32
        %convert_element_type3A_166 = arith.extui %lt3A_165 : i1 to i32
        %cond3A_167 = arith.constant 0 : i32
        %cond3A_168 = arith.cmpi ne, %convert_element_type3A_166, %cond3A_167 : i32
        scf.if %cond3A_168 {
          %add3A_175 = arith.constant 1 : i32
          %add3A_176 = arith.addi %scan3A_137, %add3A_175 : i32
          %mul3A_177 = arith.constant 224 : i32
          %mul3A_178 = arith.muli %add3A_176, %mul3A_177 : i32
          %add3A_179 = arith.addi %min3A_3, %mul3A_178 : i32
          %mul3A_180 = arith.constant 128 : i32
          %mul3A_181 = arith.muli %add3A_179, %mul3A_180 : i32
          %dma_start3A_182 = tpu.memref_slice %arg3[%mul3A_181] : memref<12800000xf32, #tpu.memory_space<hbm>> -> memref<28672xf32, #tpu.memory_space<hbm>>
          %dma_start3A_183 = tpu.memref_slice %arg3[%mul3A_181] : memref<12800000xf32, #tpu.memory_space<hbm>> -> memref<28672xf32, #tpu.memory_space<hbm>>
          tpu.enqueue_dma source(%dma_start3A_183 : memref<28672xf32, #tpu.memory_space<hbm>>) target(%arg14 : memref<28672xf32, #tpu.memory_space<vmem>>) target_semaphore(%arg21 : memref<!tpu.dma_semaphore, #tpu.memory_space<semaphore_mem>>)
        } else {
        }
        %scan3A_169 = arith.constant 0 : i32
        %scan3A_170 = arith.constant 14 : i32
        %scan3A_171 = arith.addi %scan3A_169, %scan3A_170 : i32
        %scan3A_172 = arith.constant 1 : i32
        %scan3A_173:4 = scf.for %scan3A_175 = %scan3A_169 to %scan3A_171 step %scan3A_172 iter_args(%scan3A_176 = %scan3A_138, %scan3A_177 = %scan3A_139, %scan3A_178 = %scan3A_140, %scan3A_179 = %scan3A_141) -> (vector<16xf32>, vector<16xi32>, vector<16xf32>, vector<16xf32>)  : i32 {
          %mul3A_180 = arith.constant 16 : i32
          %mul3A_181 = arith.muli %scan3A_175, %mul3A_180 : i32
          %add3A_182 = arith.constant 0 : i32
          %add3A_183 = arith.addi %mul3A_181, %add3A_182 : i32
          %mul3A_184 = arith.constant 128 : i32
          %mul3A_185 = arith.muli %add3A_183, %mul3A_184 : i32
          %add3A_186 = arith.constant 0 : i32
          %add3A_187 = arith.addi %mul3A_185, %add3A_186 : i32
          %get3A_188 = arith.index_cast %add3A_187 : i32 to index
          %get3A_189 = tpu.vector_load %arg13[%get3A_188] {strides = array<i32>} : memref<28672xf32, #tpu.memory_space<vmem>>, vector<16xf32>,
          %add3A_190 = arith.constant 16 : i32
          %add3A_191 = arith.addi %mul3A_185, %add3A_190 : i32
          %get3A_192 = arith.index_cast %add3A_191 : i32 to index
          %get3A_193 = tpu.vector_load %arg13[%get3A_192] {strides = array<i32>} : memref<28672xf32, #tpu.memory_space<vmem>>, vector<16xf32>,
          %add3A_194 = arith.constant 32 : i32
          %add3A_195 = arith.addi %mul3A_185, %add3A_194 : i32
          %get3A_196 = arith.index_cast %add3A_195 : i32 to index
          %get3A_197 = tpu.vector_load %arg13[%get3A_196] {strides = array<i32>} : memref<28672xf32, #tpu.memory_space<vmem>>, vector<16xf32>,
          %add3A_198 = arith.constant 48 : i32
          %add3A_199 = arith.addi %mul3A_185, %add3A_198 : i32
          %get3A_200 = arith.index_cast %add3A_199 : i32 to index
          %get3A_201 = tpu.vector_load %arg13[%get3A_200] {strides = array<i32>} : memref<28672xf32, #tpu.memory_space<vmem>>, vector<16xf32>,
          %add3A_202 = arith.constant 64 : i32
          %add3A_203 = arith.addi %mul3A_185, %add3A_202 : i32
          %get3A_204 = arith.index_cast %add3A_203 : i32 to index
          %get3A_205 = tpu.vector_load %arg13[%get3A_204] {strides = array<i32>} : memref<28672xf32, #tpu.memory_space<vmem>>, vector<16xf32>,
          %add3A_206 = arith.constant 80 : i32
          %add3A_207 = arith.addi %mul3A_185, %add3A_206 : i32
          %get3A_208 = arith.index_cast %add3A_207 : i32 to index
          %get3A_209 = tpu.vector_load %arg13[%get3A_208] {strides = array<i32>} : memref<28672xf32, #tpu.memory_space<vmem>>, vector<16xf32>,
          %add3A_210 = arith.constant 96 : i32
          %add3A_211 = arith.addi %mul3A_185, %add3A_210 : i32
          %get3A_212 = arith.index_cast %add3A_211 : i32 to index
          %get3A_213 = tpu.vector_load %arg13[%get3A_212] {strides = array<i32>} : memref<28672xf32, #tpu.memory_space<vmem>>, vector<16xf32>,
          %add3A_214 = arith.constant 112 : i32
          %add3A_215 = arith.addi %mul3A_185, %add3A_214 : i32
          %get3A_216 = arith.index_cast %add3A_215 : i32 to index
          %get3A_217 = tpu.vector_load %arg13[%get3A_216] {strides = array<i32>} : memref<28672xf32, #tpu.memory_space<vmem>>, vector<16xf32>,
          %mul3A_218 = arith.mulf %get3A_189, %get3A_93 : vector<16xf32>
          %mul3A_219 = arith.mulf %get3A_193, %get3A_95 : vector<16xf32>
          %add3A_220 = arith.addf %mul3A_218, %mul3A_219 : vector<16xf32>
          %mul3A_221 = arith.mulf %get3A_197, %get3A_97 : vector<16xf32>
          %mul3A_222 = arith.mulf %get3A_201, %get3A_99 : vector<16xf32>
          %add3A_223 = arith.addf %mul3A_221, %mul3A_222 : vector<16xf32>
          %add3A_224 = arith.addf %add3A_220, %add3A_223 : vector<16xf32>
          %mul3A_225 = arith.mulf %get3A_205, %get3A_101 : vector<16xf32>
          %mul3A_226 = arith.mulf %get3A_209, %get3A_103 : vector<16xf32>
          %add3A_227 = arith.addf %mul3A_225, %mul3A_226 : vector<16xf32>
          %mul3A_228 = arith.mulf %get3A_213, %get3A_105 : vector<16xf32>
          %mul3A_229 = arith.mulf %get3A_217, %get3A_107 : vector<16xf32>
          %add3A_230 = arith.addf %mul3A_228, %mul3A_229 : vector<16xf32>
          %add3A_231 = arith.addf %add3A_227, %add3A_230 : vector<16xf32>
          %mul3A_232 = arith.mulf %get3A_189, %get3A_189 : vector<16xf32>
          %mul3A_233 = arith.mulf %get3A_193, %get3A_193 : vector<16xf32>
          %add3A_234 = arith.addf %mul3A_232, %mul3A_233 : vector<16xf32>
          %mul3A_235 = arith.mulf %get3A_197, %get3A_197 : vector<16xf32>
          %mul3A_236 = arith.mulf %get3A_201, %get3A_201 : vector<16xf32>
          %add3A_237 = arith.addf %mul3A_235, %mul3A_236 : vector<16xf32>
          %add3A_238 = arith.addf %add3A_234, %add3A_237 : vector<16xf32>
          %mul3A_239 = arith.mulf %get3A_205, %get3A_205 : vector<16xf32>
          %mul3A_240 = arith.mulf %get3A_209, %get3A_209 : vector<16xf32>
          %add3A_241 = arith.addf %mul3A_239, %mul3A_240 : vector<16xf32>
          %mul3A_242 = arith.mulf %get3A_213, %get3A_213 : vector<16xf32>
          %mul3A_243 = arith.mulf %get3A_217, %get3A_217 : vector<16xf32>
          %add3A_244 = arith.addf %mul3A_242, %mul3A_243 : vector<16xf32>
          %add3A_245 = arith.addf %add3A_241, %add3A_244 : vector<16xf32>
          %add3A_246 = arith.addf %add3A_224, %add3A_231 : vector<16xf32>
          %swap3A_247 = arith.constant 0 : index
          %swap3A_248 = tpu.vector_load %arg18[%swap3A_247] {strides = array<i32>} : memref<272xf32, #tpu.memory_space<vmem>>, vector<16xf32>,
          tpu.vector_store %arg18[%swap3A_247], %add3A_246 {strides = array<i32>} : memref<272xf32, #tpu.memory_space<vmem>>, vector<16xf32>,
          %add3A_249 = arith.addf %add3A_238, %add3A_245 : vector<16xf32>
          %swap3A_250 = arith.constant 0 : index
          %swap3A_251 = tpu.vector_load %arg19[%swap3A_250] {strides = array<i32>} : memref<272xf32, #tpu.memory_space<vmem>>, vector<16xf32>,
          tpu.vector_store %arg19[%swap3A_250], %add3A_249 {strides = array<i32>} : memref<272xf32, #tpu.memory_space<vmem>>, vector<16xf32>,
          %add3A_252 = arith.constant 1 : i32
          %add3A_253 = arith.addi %mul3A_181, %add3A_252 : i32
          %mul3A_254 = arith.constant 128 : i32
          %mul3A_255 = arith.muli %add3A_253, %mul3A_254 : i32
          %add3A_256 = arith.constant 0 : i32
          %add3A_257 = arith.addi %mul3A_255, %add3A_256 : i32
          %get3A_258 = arith.index_cast %add3A_257 : i32 to index
          %get3A_259 = tpu.vector_load %arg13[%get3A_258] {strides = array<i32>} : memref<28672xf32, #tpu.memory_space<vmem>>, vector<16xf32>,
          %add3A_260 = arith.constant 16 : i32
          %add3A_261 = arith.addi %mul3A_255, %add3A_260 : i32
          %get3A_262 = arith.index_cast %add3A_261 : i32 to index
          %get3A_263 = tpu.vector_load %arg13[%get3A_262] {strides = array<i32>} : memref<28672xf32, #tpu.memory_space<vmem>>, vector<16xf32>,
          %add3A_264 = arith.constant 32 : i32
          %add3A_265 = arith.addi %mul3A_255, %add3A_264 : i32
          %get3A_266 = arith.index_cast %add3A_265 : i32 to index
          %get3A_267 = tpu.vector_load %arg13[%get3A_266] {strides = array<i32>} : memref<28672xf32, #tpu.memory_space<vmem>>, vector<16xf32>,
          %add3A_268 = arith.constant 48 : i32
          %add3A_269 = arith.addi %mul3A_255, %add3A_268 : i32
          %get3A_270 = arith.index_cast %add3A_269 : i32 to index
          %get3A_271 = tpu.vector_load %arg13[%get3A_270] {strides = array<i32>} : memref<28672xf32, #tpu.memory_space<vmem>>, vector<16xf32>,
          %add3A_272 = arith.constant 64 : i32
          %add3A_273 = arith.addi %mul3A_255, %add3A_272 : i32
          %get3A_274 = arith.index_cast %add3A_273 : i32 to index
          %get3A_275 = tpu.vector_load %arg13[%get3A_274] {strides = array<i32>} : memref<28672xf32, #tpu.memory_space<vmem>>, vector<16xf32>,
          %add3A_276 = arith.constant 80 : i32
          %add3A_277 = arith.addi %mul3A_255, %add3A_276 : i32
          %get3A_278 = arith.index_cast %add3A_277 : i32 to index
          %get3A_279 = tpu.vector_load %arg13[%get3A_278] {strides = array<i32>} : memref<28672xf32, #tpu.memory_space<vmem>>, vector<16xf32>,
          %add3A_280 = arith.constant 96 : i32
          %add3A_281 = arith.addi %mul3A_255, %add3A_280 : i32
          %get3A_282 = arith.index_cast %add3A_281 : i32 to index
          %get3A_283 = tpu.vector_load %arg13[%get3A_282] {strides = array<i32>} : memref<28672xf32, #tpu.memory_space<vmem>>, vector<16xf32>,
          %add3A_284 = arith.constant 112 : i32
          %add3A_285 = arith.addi %mul3A_255, %add3A_284 : i32
          %get3A_286 = arith.index_cast %add3A_285 : i32 to index
          %get3A_287 = tpu.vector_load %arg13[%get3A_286] {strides = array<i32>} : memref<28672xf32, #tpu.memory_space<vmem>>, vector<16xf32>,
          %mul3A_288 = arith.mulf %get3A_259, %get3A_93 : vector<16xf32>
          %mul3A_289 = arith.mulf %get3A_263, %get3A_95 : vector<16xf32>
          %add3A_290 = arith.addf %mul3A_288, %mul3A_289 : vector<16xf32>
          %mul3A_291 = arith.mulf %get3A_267, %get3A_97 : vector<16xf32>
          %mul3A_292 = arith.mulf %get3A_271, %get3A_99 : vector<16xf32>
          %add3A_293 = arith.addf %mul3A_291, %mul3A_292 : vector<16xf32>
          %add3A_294 = arith.addf %add3A_290, %add3A_293 : vector<16xf32>
          %mul3A_295 = arith.mulf %get3A_275, %get3A_101 : vector<16xf32>
          %mul3A_296 = arith.mulf %get3A_279, %get3A_103 : vector<16xf32>
          %add3A_297 = arith.addf %mul3A_295, %mul3A_296 : vector<16xf32>
          %mul3A_298 = arith.mulf %get3A_283, %get3A_105 : vector<16xf32>
          %mul3A_299 = arith.mulf %get3A_287, %get3A_107 : vector<16xf32>
          %add3A_300 = arith.addf %mul3A_298, %mul3A_299 : vector<16xf32>
          %add3A_301 = arith.addf %add3A_297, %add3A_300 : vector<16xf32>
          %mul3A_302 = arith.mulf %get3A_259, %get3A_259 : vector<16xf32>
          %mul3A_303 = arith.mulf %get3A_263, %get3A_263 : vector<16xf32>
          %add3A_304 = arith.addf %mul3A_302, %mul3A_303 : vector<16xf32>
          %mul3A_305 = arith.mulf %get3A_267, %get3A_267 : vector<16xf32>
          %mul3A_306 = arith.mulf %get3A_271, %get3A_271 : vector<16xf32>
          %add3A_307 = arith.addf %mul3A_305, %mul3A_306 : vector<16xf32>
          %add3A_308 = arith.addf %add3A_304, %add3A_307 : vector<16xf32>
          %mul3A_309 = arith.mulf %get3A_275, %get3A_275 : vector<16xf32>
          %mul3A_310 = arith.mulf %get3A_279, %get3A_279 : vector<16xf32>
          %add3A_311 = arith.addf %mul3A_309, %mul3A_310 : vector<16xf32>
          %mul3A_312 = arith.mulf %get3A_283, %get3A_283 : vector<16xf32>
          %mul3A_313 = arith.mulf %get3A_287, %get3A_287 : vector<16xf32>
          %add3A_314 = arith.addf %mul3A_312, %mul3A_313 : vector<16xf32>
          %add3A_315 = arith.addf %add3A_311, %add3A_314 : vector<16xf32>
          %add3A_316 = arith.addf %add3A_294, %add3A_301 : vector<16xf32>
          %swap3A_317 = arith.constant 17 : index
          %swap3A_318 = tpu.vector_load %arg18[%swap3A_317] {strides = array<i32>} : memref<272xf32, #tpu.memory_space<vmem>>, vector<16xf32>,
          tpu.vector_store %arg18[%swap3A_317], %add3A_316 {strides = array<i32>} : memref<272xf32, #tpu.memory_space<vmem>>, vector<16xf32>,
          %add3A_319 = arith.addf %add3A_308, %add3A_315 : vector<16xf32>
          %swap3A_320 = arith.constant 17 : index
          %swap3A_321 = tpu.vector_load %arg19[%swap3A_320] {strides = array<i32>} : memref<272xf32, #tpu.memory_space<vmem>>, vector<16xf32>,
          tpu.vector_store %arg19[%swap3A_320], %add3A_319 {strides = array<i32>} : memref<272xf32, #tpu.memory_space<vmem>>, vector<16xf32>,
          %add3A_322 = arith.constant 2 : i32
          %add3A_323 = arith.addi %mul3A_181, %add3A_322 : i32
          %mul3A_324 = arith.constant 128 : i32
          %mul3A_325 = arith.muli %add3A_323, %mul3A_324 : i32
          %add3A_326 = arith.constant 0 : i32
          %add3A_327 = arith.addi %mul3A_325, %add3A_326 : i32
          %get3A_328 = arith.index_cast %add3A_327 : i32 to index
          %get3A_329 = tpu.vector_load %arg13[%get3A_328] {strides = array<i32>} : memref<28672xf32, #tpu.memory_space<vmem>>, vector<16xf32>,
          %add3A_330 = arith.constant 16 : i32
          %add3A_331 = arith.addi %mul3A_325, %add3A_330 : i32
          %get3A_332 = arith.index_cast %add3A_331 : i32 to index
          %get3A_333 = tpu.vector_load %arg13[%get3A_332] {strides = array<i32>} : memref<28672xf32, #tpu.memory_space<vmem>>, vector<16xf32>,
          %add3A_334 = arith.constant 32 : i32
          %add3A_335 = arith.addi %mul3A_325, %add3A_334 : i32
          %get3A_336 = arith.index_cast %add3A_335 : i32 to index
          %get3A_337 = tpu.vector_load %arg13[%get3A_336] {strides = array<i32>} : memref<28672xf32, #tpu.memory_space<vmem>>, vector<16xf32>,
          %add3A_338 = arith.constant 48 : i32
          %add3A_339 = arith.addi %mul3A_325, %add3A_338 : i32
          %get3A_340 = arith.index_cast %add3A_339 : i32 to index
          %get3A_341 = tpu.vector_load %arg13[%get3A_340] {strides = array<i32>} : memref<28672xf32, #tpu.memory_space<vmem>>, vector<16xf32>,
          %add3A_342 = arith.constant 64 : i32
          %add3A_343 = arith.addi %mul3A_325, %add3A_342 : i32
          %get3A_344 = arith.index_cast %add3A_343 : i32 to index
          %get3A_345 = tpu.vector_load %arg13[%get3A_344] {strides = array<i32>} : memref<28672xf32, #tpu.memory_space<vmem>>, vector<16xf32>,
          %add3A_346 = arith.constant 80 : i32
          %add3A_347 = arith.addi %mul3A_325, %add3A_346 : i32
          %get3A_348 = arith.index_cast %add3A_347 : i32 to index
          %get3A_349 = tpu.vector_load %arg13[%get3A_348] {strides = array<i32>} : memref<28672xf32, #tpu.memory_space<vmem>>, vector<16xf32>,
          %add3A_350 = arith.constant 96 : i32
          %add3A_351 = arith.addi %mul3A_325, %add3A_350 : i32
          %get3A_352 = arith.index_cast %add3A_351 : i32 to index
          %get3A_353 = tpu.vector_load %arg13[%get3A_352] {strides = array<i32>} : memref<28672xf32, #tpu.memory_space<vmem>>, vector<16xf32>,
          %add3A_354 = arith.constant 112 : i32
          %add3A_355 = arith.addi %mul3A_325, %add3A_354 : i32
          %get3A_356 = arith.index_cast %add3A_355 : i32 to index
          %get3A_357 = tpu.vector_load %arg13[%get3A_356] {strides = array<i32>} : memref<28672xf32, #tpu.memory_space<vmem>>, vector<16xf32>,
          %mul3A_358 = arith.mulf %get3A_329, %get3A_93 : vector<16xf32>
          %mul3A_359 = arith.mulf %get3A_333, %get3A_95 : vector<16xf32>
          %add3A_360 = arith.addf %mul3A_358, %mul3A_359 : vector<16xf32>
          %mul3A_361 = arith.mulf %get3A_337, %get3A_97 : vector<16xf32>
          %mul3A_362 = arith.mulf %get3A_341, %get3A_99 : vector<16xf32>
          %add3A_363 = arith.addf %mul3A_361, %mul3A_362 : vector<16xf32>
          %add3A_364 = arith.addf %add3A_360, %add3A_363 : vector<16xf32>
          %mul3A_365 = arith.mulf %get3A_345, %get3A_101 : vector<16xf32>
          %mul3A_366 = arith.mulf %get3A_349, %get3A_103 : vector<16xf32>
          %add3A_367 = arith.addf %mul3A_365, %mul3A_366 : vector<16xf32>
          %mul3A_368 = arith.mulf %get3A_353, %get3A_105 : vector<16xf32>
          %mul3A_369 = arith.mulf %get3A_357, %get3A_107 : vector<16xf32>
          %add3A_370 = arith.addf %mul3A_368, %mul3A_369 : vector<16xf32>
          %add3A_371 = arith.addf %add3A_367, %add3A_370 : vector<16xf32>
          %mul3A_372 = arith.mulf %get3A_329, %get3A_329 : vector<16xf32>
          %mul3A_373 = arith.mulf %get3A_333, %get3A_333 : vector<16xf32>
          %add3A_374 = arith.addf %mul3A_372, %mul3A_373 : vector<16xf32>
          %mul3A_375 = arith.mulf %get3A_337, %get3A_337 : vector<16xf32>
          %mul3A_376 = arith.mulf %get3A_341, %get3A_341 : vector<16xf32>
          %add3A_377 = arith.addf %mul3A_375, %mul3A_376 : vector<16xf32>
          %add3A_378 = arith.addf %add3A_374, %add3A_377 : vector<16xf32>
          %mul3A_379 = arith.mulf %get3A_345, %get3A_345 : vector<16xf32>
          %mul3A_380 = arith.mulf %get3A_349, %get3A_349 : vector<16xf32>
          %add3A_381 = arith.addf %mul3A_379, %mul3A_380 : vector<16xf32>
          %mul3A_382 = arith.mulf %get3A_353, %get3A_353 : vector<16xf32>
          %mul3A_383 = arith.mulf %get3A_357, %get3A_357 : vector<16xf32>
          %add3A_384 = arith.addf %mul3A_382, %mul3A_383 : vector<16xf32>
          %add3A_385 = arith.addf %add3A_381, %add3A_384 : vector<16xf32>
          %add3A_386 = arith.addf %add3A_364, %add3A_371 : vector<16xf32>
          %swap3A_387 = arith.constant 34 : index
          %swap3A_388 = tpu.vector_load %arg18[%swap3A_387] {strides = array<i32>} : memref<272xf32, #tpu.memory_space<vmem>>, vector<16xf32>,
          tpu.vector_store %arg18[%swap3A_387], %add3A_386 {strides = array<i32>} : memref<272xf32, #tpu.memory_space<vmem>>, vector<16xf32>,
          %add3A_389 = arith.addf %add3A_378, %add3A_385 : vector<16xf32>
          %swap3A_390 = arith.constant 34 : index
          %swap3A_391 = tpu.vector_load %arg19[%swap3A_390] {strides = array<i32>} : memref<272xf32, #tpu.memory_space<vmem>>, vector<16xf32>,
          tpu.vector_store %arg19[%swap3A_390], %add3A_389 {strides = array<i32>} : memref<272xf32, #tpu.memory_space<vmem>>, vector<16xf32>,
          %add3A_392 = arith.constant 3 : i32
          %add3A_393 = arith.addi %mul3A_181, %add3A_392 : i32
          %mul3A_394 = arith.constant 128 : i32
          %mul3A_395 = arith.muli %add3A_393, %mul3A_394 : i32
          %add3A_396 = arith.constant 0 : i32
          %add3A_397 = arith.addi %mul3A_395, %add3A_396 : i32
          %get3A_398 = arith.index_cast %add3A_397 : i32 to index
          %get3A_399 = tpu.vector_load %arg13[%get3A_398] {strides = array<i32>} : memref<28672xf32, #tpu.memory_space<vmem>>, vector<16xf32>,
          %add3A_400 = arith.constant 16 : i32
          %add3A_401 = arith.addi %mul3A_395, %add3A_400 : i32
          %get3A_402 = arith.index_cast %add3A_401 : i32 to index
          %get3A_403 = tpu.vector_load %arg13[%get3A_402] {strides = array<i32>} : memref<28672xf32, #tpu.memory_space<vmem>>, vector<16xf32>,
          %add3A_404 = arith.constant 32 : i32
          %add3A_405 = arith.addi %mul3A_395, %add3A_404 : i32
          %get3A_406 = arith.index_cast %add3A_405 : i32 to index
          %get3A_407 = tpu.vector_load %arg13[%get3A_406] {strides = array<i32>} : memref<28672xf32, #tpu.memory_space<vmem>>, vector<16xf32>,
          %add3A_408 = arith.constant 48 : i32
          %add3A_409 = arith.addi %mul3A_395, %add3A_408 : i32
          %get3A_410 = arith.index_cast %add3A_409 : i32 to index
          %get3A_411 = tpu.vector_load %arg13[%get3A_410] {strides = array<i32>} : memref<28672xf32, #tpu.memory_space<vmem>>, vector<16xf32>,
          %add3A_412 = arith.constant 64 : i32
          %add3A_413 = arith.addi %mul3A_395, %add3A_412 : i32
          %get3A_414 = arith.index_cast %add3A_413 : i32 to index
          %get3A_415 = tpu.vector_load %arg13[%get3A_414] {strides = array<i32>} : memref<28672xf32, #tpu.memory_space<vmem>>, vector<16xf32>,
          %add3A_416 = arith.constant 80 : i32
          %add3A_417 = arith.addi %mul3A_395, %add3A_416 : i32
          %get3A_418 = arith.index_cast %add3A_417 : i32 to index
          %get3A_419 = tpu.vector_load %arg13[%get3A_418] {strides = array<i32>} : memref<28672xf32, #tpu.memory_space<vmem>>, vector<16xf32>,
          %add3A_420 = arith.constant 96 : i32
          %add3A_421 = arith.addi %mul3A_395, %add3A_420 : i32
          %get3A_422 = arith.index_cast %add3A_421 : i32 to index
          %get3A_423 = tpu.vector_load %arg13[%get3A_422] {strides = array<i32>} : memref<28672xf32, #tpu.memory_space<vmem>>, vector<16xf32>,
          %add3A_424 = arith.constant 112 : i32
          %add3A_425 = arith.addi %mul3A_395, %add3A_424 : i32
          %get3A_426 = arith.index_cast %add3A_425 : i32 to index
          %get3A_427 = tpu.vector_load %arg13[%get3A_426] {strides = array<i32>} : memref<28672xf32, #tpu.memory_space<vmem>>, vector<16xf32>,
          %mul3A_428 = arith.mulf %get3A_399, %get3A_93 : vector<16xf32>
          %mul3A_429 = arith.mulf %get3A_403, %get3A_95 : vector<16xf32>
          %add3A_430 = arith.addf %mul3A_428, %mul3A_429 : vector<16xf32>
          %mul3A_431 = arith.mulf %get3A_407, %get3A_97 : vector<16xf32>
          %mul3A_432 = arith.mulf %get3A_411, %get3A_99 : vector<16xf32>
          %add3A_433 = arith.addf %mul3A_431, %mul3A_432 : vector<16xf32>
          %add3A_434 = arith.addf %add3A_430, %add3A_433 : vector<16xf32>
          %mul3A_435 = arith.mulf %get3A_415, %get3A_101 : vector<16xf32>
          %mul3A_436 = arith.mulf %get3A_419, %get3A_103 : vector<16xf32>
          %add3A_437 = arith.addf %mul3A_435, %mul3A_436 : vector<16xf32>
          %mul3A_438 = arith.mulf %get3A_423, %get3A_105 : vector<16xf32>
          %mul3A_439 = arith.mulf %get3A_427, %get3A_107 : vector<16xf32>
          %add3A_440 = arith.addf %mul3A_438, %mul3A_439 : vector<16xf32>
          %add3A_441 = arith.addf %add3A_437, %add3A_440 : vector<16xf32>
          %mul3A_442 = arith.mulf %get3A_399, %get3A_399 : vector<16xf32>
          %mul3A_443 = arith.mulf %get3A_403, %get3A_403 : vector<16xf32>
          %add3A_444 = arith.addf %mul3A_442, %mul3A_443 : vector<16xf32>
          %mul3A_445 = arith.mulf %get3A_407, %get3A_407 : vector<16xf32>
          %mul3A_446 = arith.mulf %get3A_411, %get3A_411 : vector<16xf32>
          %add3A_447 = arith.addf %mul3A_445, %mul3A_446 : vector<16xf32>
          %add3A_448 = arith.addf %add3A_444, %add3A_447 : vector<16xf32>
          %mul3A_449 = arith.mulf %get3A_415, %get3A_415 : vector<16xf32>
          %mul3A_450 = arith.mulf %get3A_419, %get3A_419 : vector<16xf32>
          %add3A_451 = arith.addf %mul3A_449, %mul3A_450 : vector<16xf32>
          %mul3A_452 = arith.mulf %get3A_423, %get3A_423 : vector<16xf32>
          %mul3A_453 = arith.mulf %get3A_427, %get3A_427 : vector<16xf32>
          %add3A_454 = arith.addf %mul3A_452, %mul3A_453 : vector<16xf32>
          %add3A_455 = arith.addf %add3A_451, %add3A_454 : vector<16xf32>
          %add3A_456 = arith.addf %add3A_434, %add3A_441 : vector<16xf32>
          %swap3A_457 = arith.constant 51 : index
          %swap3A_458 = tpu.vector_load %arg18[%swap3A_457] {strides = array<i32>} : memref<272xf32, #tpu.memory_space<vmem>>, vector<16xf32>,
          tpu.vector_store %arg18[%swap3A_457], %add3A_456 {strides = array<i32>} : memref<272xf32, #tpu.memory_space<vmem>>, vector<16xf32>,
          %add3A_459 = arith.addf %add3A_448, %add3A_455 : vector<16xf32>
          %swap3A_460 = arith.constant 51 : index
          %swap3A_461 = tpu.vector_load %arg19[%swap3A_460] {strides = array<i32>} : memref<272xf32, #tpu.memory_space<vmem>>, vector<16xf32>,
          tpu.vector_store %arg19[%swap3A_460], %add3A_459 {strides = array<i32>} : memref<272xf32, #tpu.memory_space<vmem>>, vector<16xf32>,
          %add3A_462 = arith.constant 4 : i32
          %add3A_463 = arith.addi %mul3A_181, %add3A_462 : i32
          %mul3A_464 = arith.constant 128 : i32
          %mul3A_465 = arith.muli %add3A_463, %mul3A_464 : i32
          %add3A_466 = arith.constant 0 : i32
          %add3A_467 = arith.addi %mul3A_465, %add3A_466 : i32
          %get3A_468 = arith.index_cast %add3A_467 : i32 to index
          %get3A_469 = tpu.vector_load %arg13[%get3A_468] {strides = array<i32>} : memref<28672xf32, #tpu.memory_space<vmem>>, vector<16xf32>,
          %add3A_470 = arith.constant 16 : i32
          %add3A_471 = arith.addi %mul3A_465, %add3A_470 : i32
          %get3A_472 = arith.index_cast %add3A_471 : i32 to index
          %get3A_473 = tpu.vector_load %arg13[%get3A_472] {strides = array<i32>} : memref<28672xf32, #tpu.memory_space<vmem>>, vector<16xf32>,
          %add3A_474 = arith.constant 32 : i32
          %add3A_475 = arith.addi %mul3A_465, %add3A_474 : i32
          %get3A_476 = arith.index_cast %add3A_475 : i32 to index
          %get3A_477 = tpu.vector_load %arg13[%get3A_476] {strides = array<i32>} : memref<28672xf32, #tpu.memory_space<vmem>>, vector<16xf32>,
          %add3A_478 = arith.constant 48 : i32
          %add3A_479 = arith.addi %mul3A_465, %add3A_478 : i32
          %get3A_480 = arith.index_cast %add3A_479 : i32 to index
          %get3A_481 = tpu.vector_load %arg13[%get3A_480] {strides = array<i32>} : memref<28672xf32, #tpu.memory_space<vmem>>, vector<16xf32>,
          %add3A_482 = arith.constant 64 : i32
          %add3A_483 = arith.addi %mul3A_465, %add3A_482 : i32
          %get3A_484 = arith.index_cast %add3A_483 : i32 to index
          %get3A_485 = tpu.vector_load %arg13[%get3A_484] {strides = array<i32>} : memref<28672xf32, #tpu.memory_space<vmem>>, vector<16xf32>,
          %add3A_486 = arith.constant 80 : i32
          %add3A_487 = arith.addi %mul3A_465, %add3A_486 : i32
          %get3A_488 = arith.index_cast %add3A_487 : i32 to index
          %get3A_489 = tpu.vector_load %arg13[%get3A_488] {strides = array<i32>} : memref<28672xf32, #tpu.memory_space<vmem>>, vector<16xf32>,
          %add3A_490 = arith.constant 96 : i32
          %add3A_491 = arith.addi %mul3A_465, %add3A_490 : i32
          %get3A_492 = arith.index_cast %add3A_491 : i32 to index
          %get3A_493 = tpu.vector_load %arg13[%get3A_492] {strides = array<i32>} : memref<28672xf32, #tpu.memory_space<vmem>>, vector<16xf32>,
          %add3A_494 = arith.constant 112 : i32
          %add3A_495 = arith.addi %mul3A_465, %add3A_494 : i32
          %get3A_496 = arith.index_cast %add3A_495 : i32 to index
          %get3A_497 = tpu.vector_load %arg13[%get3A_496] {strides = array<i32>} : memref<28672xf32, #tpu.memory_space<vmem>>, vector<16xf32>,
          %mul3A_498 = arith.mulf %get3A_469, %get3A_93 : vector<16xf32>
          %mul3A_499 = arith.mulf %get3A_473, %get3A_95 : vector<16xf32>
          %add3A_500 = arith.addf %mul3A_498, %mul3A_499 : vector<16xf32>
          %mul3A_501 = arith.mulf %get3A_477, %get3A_97 : vector<16xf32>
          %mul3A_502 = arith.mulf %get3A_481, %get3A_99 : vector<16xf32>
          %add3A_503 = arith.addf %mul3A_501, %mul3A_502 : vector<16xf32>
          %add3A_504 = arith.addf %add3A_500, %add3A_503 : vector<16xf32>
          %mul3A_505 = arith.mulf %get3A_485, %get3A_101 : vector<16xf32>
          %mul3A_506 = arith.mulf %get3A_489, %get3A_103 : vector<16xf32>
          %add3A_507 = arith.addf %mul3A_505, %mul3A_506 : vector<16xf32>
          %mul3A_508 = arith.mulf %get3A_493, %get3A_105 : vector<16xf32>
          %mul3A_509 = arith.mulf %get3A_497, %get3A_107 : vector<16xf32>
          %add3A_510 = arith.addf %mul3A_508, %mul3A_509 : vector<16xf32>
          %add3A_511 = arith.addf %add3A_507, %add3A_510 : vector<16xf32>
          %mul3A_512 = arith.mulf %get3A_469, %get3A_469 : vector<16xf32>
          %mul3A_513 = arith.mulf %get3A_473, %get3A_473 : vector<16xf32>
          %add3A_514 = arith.addf %mul3A_512, %mul3A_513 : vector<16xf32>
          %mul3A_515 = arith.mulf %get3A_477, %get3A_477 : vector<16xf32>
          %mul3A_516 = arith.mulf %get3A_481, %get3A_481 : vector<16xf32>
          %add3A_517 = arith.addf %mul3A_515, %mul3A_516 : vector<16xf32>
          %add3A_518 = arith.addf %add3A_514, %add3A_517 : vector<16xf32>
          %mul3A_519 = arith.mulf %get3A_485, %get3A_485 : vector<16xf32>
          %mul3A_520 = arith.mulf %get3A_489, %get3A_489 : vector<16xf32>
          %add3A_521 = arith.addf %mul3A_519, %mul3A_520 : vector<16xf32>
          %mul3A_522 = arith.mulf %get3A_493, %get3A_493 : vector<16xf32>
          %mul3A_523 = arith.mulf %get3A_497, %get3A_497 : vector<16xf32>
          %add3A_524 = arith.addf %mul3A_522, %mul3A_523 : vector<16xf32>
          %add3A_525 = arith.addf %add3A_521, %add3A_524 : vector<16xf32>
          %add3A_526 = arith.addf %add3A_504, %add3A_511 : vector<16xf32>
          %swap3A_527 = arith.constant 68 : index
          %swap3A_528 = tpu.vector_load %arg18[%swap3A_527] {strides = array<i32>} : memref<272xf32, #tpu.memory_space<vmem>>, vector<16xf32>,
          tpu.vector_store %arg18[%swap3A_527], %add3A_526 {strides = array<i32>} : memref<272xf32, #tpu.memory_space<vmem>>, vector<16xf32>,
          %add3A_529 = arith.addf %add3A_518, %add3A_525 : vector<16xf32>
          %swap3A_530 = arith.constant 68 : index
          %swap3A_531 = tpu.vector_load %arg19[%swap3A_530] {strides = array<i32>} : memref<272xf32, #tpu.memory_space<vmem>>, vector<16xf32>,
          tpu.vector_store %arg19[%swap3A_530], %add3A_529 {strides = array<i32>} : memref<272xf32, #tpu.memory_space<vmem>>, vector<16xf32>,
          %add3A_532 = arith.constant 5 : i32
          %add3A_533 = arith.addi %mul3A_181, %add3A_532 : i32
          %mul3A_534 = arith.constant 128 : i32
          %mul3A_535 = arith.muli %add3A_533, %mul3A_534 : i32
          %add3A_536 = arith.constant 0 : i32
          %add3A_537 = arith.addi %mul3A_535, %add3A_536 : i32
          %get3A_538 = arith.index_cast %add3A_537 : i32 to index
          %get3A_539 = tpu.vector_load %arg13[%get3A_538] {strides = array<i32>} : memref<28672xf32, #tpu.memory_space<vmem>>, vector<16xf32>,
          %add3A_540 = arith.constant 16 : i32
          %add3A_541 = arith.addi %mul3A_535, %add3A_540 : i32
          %get3A_542 = arith.index_cast %add3A_541 : i32 to index
          %get3A_543 = tpu.vector_load %arg13[%get3A_542] {strides = array<i32>} : memref<28672xf32, #tpu.memory_space<vmem>>, vector<16xf32>,
          %add3A_544 = arith.constant 32 : i32
          %add3A_545 = arith.addi %mul3A_535, %add3A_544 : i32
          %get3A_546 = arith.index_cast %add3A_545 : i32 to index
          %get3A_547 = tpu.vector_load %arg13[%get3A_546] {strides = array<i32>} : memref<28672xf32, #tpu.memory_space<vmem>>, vector<16xf32>,
          %add3A_548 = arith.constant 48 : i32
          %add3A_549 = arith.addi %mul3A_535, %add3A_548 : i32
          %get3A_550 = arith.index_cast %add3A_549 : i32 to index
          %get3A_551 = tpu.vector_load %arg13[%get3A_550] {strides = array<i32>} : memref<28672xf32, #tpu.memory_space<vmem>>, vector<16xf32>,
          %add3A_552 = arith.constant 64 : i32
          %add3A_553 = arith.addi %mul3A_535, %add3A_552 : i32
          %get3A_554 = arith.index_cast %add3A_553 : i32 to index
          %get3A_555 = tpu.vector_load %arg13[%get3A_554] {strides = array<i32>} : memref<28672xf32, #tpu.memory_space<vmem>>, vector<16xf32>,
          %add3A_556 = arith.constant 80 : i32
          %add3A_557 = arith.addi %mul3A_535, %add3A_556 : i32
          %get3A_558 = arith.index_cast %add3A_557 : i32 to index
          %get3A_559 = tpu.vector_load %arg13[%get3A_558] {strides = array<i32>} : memref<28672xf32, #tpu.memory_space<vmem>>, vector<16xf32>,
          %add3A_560 = arith.constant 96 : i32
          %add3A_561 = arith.addi %mul3A_535, %add3A_560 : i32
          %get3A_562 = arith.index_cast %add3A_561 : i32 to index
          %get3A_563 = tpu.vector_load %arg13[%get3A_562] {strides = array<i32>} : memref<28672xf32, #tpu.memory_space<vmem>>, vector<16xf32>,
          %add3A_564 = arith.constant 112 : i32
          %add3A_565 = arith.addi %mul3A_535, %add3A_564 : i32
          %get3A_566 = arith.index_cast %add3A_565 : i32 to index
          %get3A_567 = tpu.vector_load %arg13[%get3A_566] {strides = array<i32>} : memref<28672xf32, #tpu.memory_space<vmem>>, vector<16xf32>,
          %mul3A_568 = arith.mulf %get3A_539, %get3A_93 : vector<16xf32>
          %mul3A_569 = arith.mulf %get3A_543, %get3A_95 : vector<16xf32>
          %add3A_570 = arith.addf %mul3A_568, %mul3A_569 : vector<16xf32>
          %mul3A_571 = arith.mulf %get3A_547, %get3A_97 : vector<16xf32>
          %mul3A_572 = arith.mulf %get3A_551, %get3A_99 : vector<16xf32>
          %add3A_573 = arith.addf %mul3A_571, %mul3A_572 : vector<16xf32>
          %add3A_574 = arith.addf %add3A_570, %add3A_573 : vector<16xf32>
          %mul3A_575 = arith.mulf %get3A_555, %get3A_101 : vector<16xf32>
          %mul3A_576 = arith.mulf %get3A_559, %get3A_103 : vector<16xf32>
          %add3A_577 = arith.addf %mul3A_575, %mul3A_576 : vector<16xf32>
          %mul3A_578 = arith.mulf %get3A_563, %get3A_105 : vector<16xf32>
          %mul3A_579 = arith.mulf %get3A_567, %get3A_107 : vector<16xf32>
          %add3A_580 = arith.addf %mul3A_578, %mul3A_579 : vector<16xf32>
          %add3A_581 = arith.addf %add3A_577, %add3A_580 : vector<16xf32>
          %mul3A_582 = arith.mulf %get3A_539, %get3A_539 : vector<16xf32>
          %mul3A_583 = arith.mulf %get3A_543, %get3A_543 : vector<16xf32>
          %add3A_584 = arith.addf %mul3A_582, %mul3A_583 : vector<16xf32>
          %mul3A_585 = arith.mulf %get3A_547, %get3A_547 : vector<16xf32>
          %mul3A_586 = arith.mulf %get3A_551, %get3A_551 : vector<16xf32>
          %add3A_587 = arith.addf %mul3A_585, %mul3A_586 : vector<16xf32>
          %add3A_588 = arith.addf %add3A_584, %add3A_587 : vector<16xf32>
          %mul3A_589 = arith.mulf %get3A_555, %get3A_555 : vector<16xf32>
          %mul3A_590 = arith.mulf %get3A_559, %get3A_559 : vector<16xf32>
          %add3A_591 = arith.addf %mul3A_589, %mul3A_590 : vector<16xf32>
          %mul3A_592 = arith.mulf %get3A_563, %get3A_563 : vector<16xf32>
          %mul3A_593 = arith.mulf %get3A_567, %get3A_567 : vector<16xf32>
          %add3A_594 = arith.addf %mul3A_592, %mul3A_593 : vector<16xf32>
          %add3A_595 = arith.addf %add3A_591, %add3A_594 : vector<16xf32>
          %add3A_596 = arith.addf %add3A_574, %add3A_581 : vector<16xf32>
          %swap3A_597 = arith.constant 85 : index
          %swap3A_598 = tpu.vector_load %arg18[%swap3A_597] {strides = array<i32>} : memref<272xf32, #tpu.memory_space<vmem>>, vector<16xf32>,
          tpu.vector_store %arg18[%swap3A_597], %add3A_596 {strides = array<i32>} : memref<272xf32, #tpu.memory_space<vmem>>, vector<16xf32>,
          %add3A_599 = arith.addf %add3A_588, %add3A_595 : vector<16xf32>
          %swap3A_600 = arith.constant 85 : index
          %swap3A_601 = tpu.vector_load %arg19[%swap3A_600] {strides = array<i32>} : memref<272xf32, #tpu.memory_space<vmem>>, vector<16xf32>,
          tpu.vector_store %arg19[%swap3A_600], %add3A_599 {strides = array<i32>} : memref<272xf32, #tpu.memory_space<vmem>>, vector<16xf32>,
          %add3A_602 = arith.constant 6 : i32
          %add3A_603 = arith.addi %mul3A_181, %add3A_602 : i32
          %mul3A_604 = arith.constant 128 : i32
          %mul3A_605 = arith.muli %add3A_603, %mul3A_604 : i32
          %add3A_606 = arith.constant 0 : i32
          %add3A_607 = arith.addi %mul3A_605, %add3A_606 : i32
          %get3A_608 = arith.index_cast %add3A_607 : i32 to index
          %get3A_609 = tpu.vector_load %arg13[%get3A_608] {strides = array<i32>} : memref<28672xf32, #tpu.memory_space<vmem>>, vector<16xf32>,
          %add3A_610 = arith.constant 16 : i32
          %add3A_611 = arith.addi %mul3A_605, %add3A_610 : i32
          %get3A_612 = arith.index_cast %add3A_611 : i32 to index
          %get3A_613 = tpu.vector_load %arg13[%get3A_612] {strides = array<i32>} : memref<28672xf32, #tpu.memory_space<vmem>>, vector<16xf32>,
          %add3A_614 = arith.constant 32 : i32
          %add3A_615 = arith.addi %mul3A_605, %add3A_614 : i32
          %get3A_616 = arith.index_cast %add3A_615 : i32 to index
          %get3A_617 = tpu.vector_load %arg13[%get3A_616] {strides = array<i32>} : memref<28672xf32, #tpu.memory_space<vmem>>, vector<16xf32>,
          %add3A_618 = arith.constant 48 : i32
          %add3A_619 = arith.addi %mul3A_605, %add3A_618 : i32
          %get3A_620 = arith.index_cast %add3A_619 : i32 to index
          %get3A_621 = tpu.vector_load %arg13[%get3A_620] {strides = array<i32>} : memref<28672xf32, #tpu.memory_space<vmem>>, vector<16xf32>,
          %add3A_622 = arith.constant 64 : i32
          %add3A_623 = arith.addi %mul3A_605, %add3A_622 : i32
          %get3A_624 = arith.index_cast %add3A_623 : i32 to index
          %get3A_625 = tpu.vector_load %arg13[%get3A_624] {strides = array<i32>} : memref<28672xf32, #tpu.memory_space<vmem>>, vector<16xf32>,
          %add3A_626 = arith.constant 80 : i32
          %add3A_627 = arith.addi %mul3A_605, %add3A_626 : i32
          %get3A_628 = arith.index_cast %add3A_627 : i32 to index
          %get3A_629 = tpu.vector_load %arg13[%get3A_628] {strides = array<i32>} : memref<28672xf32, #tpu.memory_space<vmem>>, vector<16xf32>,
          %add3A_630 = arith.constant 96 : i32
          %add3A_631 = arith.addi %mul3A_605, %add3A_630 : i32
          %get3A_632 = arith.index_cast %add3A_631 : i32 to index
          %get3A_633 = tpu.vector_load %arg13[%get3A_632] {strides = array<i32>} : memref<28672xf32, #tpu.memory_space<vmem>>, vector<16xf32>,
          %add3A_634 = arith.constant 112 : i32
          %add3A_635 = arith.addi %mul3A_605, %add3A_634 : i32
          %get3A_636 = arith.index_cast %add3A_635 : i32 to index
          %get3A_637 = tpu.vector_load %arg13[%get3A_636] {strides = array<i32>} : memref<28672xf32, #tpu.memory_space<vmem>>, vector<16xf32>,
          %mul3A_638 = arith.mulf %get3A_609, %get3A_93 : vector<16xf32>
          %mul3A_639 = arith.mulf %get3A_613, %get3A_95 : vector<16xf32>
          %add3A_640 = arith.addf %mul3A_638, %mul3A_639 : vector<16xf32>
          %mul3A_641 = arith.mulf %get3A_617, %get3A_97 : vector<16xf32>
          %mul3A_642 = arith.mulf %get3A_621, %get3A_99 : vector<16xf32>
          %add3A_643 = arith.addf %mul3A_641, %mul3A_642 : vector<16xf32>
          %add3A_644 = arith.addf %add3A_640, %add3A_643 : vector<16xf32>
          %mul3A_645 = arith.mulf %get3A_625, %get3A_101 : vector<16xf32>
          %mul3A_646 = arith.mulf %get3A_629, %get3A_103 : vector<16xf32>
          %add3A_647 = arith.addf %mul3A_645, %mul3A_646 : vector<16xf32>
          %mul3A_648 = arith.mulf %get3A_633, %get3A_105 : vector<16xf32>
          %mul3A_649 = arith.mulf %get3A_637, %get3A_107 : vector<16xf32>
          %add3A_650 = arith.addf %mul3A_648, %mul3A_649 : vector<16xf32>
          %add3A_651 = arith.addf %add3A_647, %add3A_650 : vector<16xf32>
          %mul3A_652 = arith.mulf %get3A_609, %get3A_609 : vector<16xf32>
          %mul3A_653 = arith.mulf %get3A_613, %get3A_613 : vector<16xf32>
          %add3A_654 = arith.addf %mul3A_652, %mul3A_653 : vector<16xf32>
          %mul3A_655 = arith.mulf %get3A_617, %get3A_617 : vector<16xf32>
          %mul3A_656 = arith.mulf %get3A_621, %get3A_621 : vector<16xf32>
          %add3A_657 = arith.addf %mul3A_655, %mul3A_656 : vector<16xf32>
          %add3A_658 = arith.addf %add3A_654, %add3A_657 : vector<16xf32>
          %mul3A_659 = arith.mulf %get3A_625, %get3A_625 : vector<16xf32>
          %mul3A_660 = arith.mulf %get3A_629, %get3A_629 : vector<16xf32>
          %add3A_661 = arith.addf %mul3A_659, %mul3A_660 : vector<16xf32>
          %mul3A_662 = arith.mulf %get3A_633, %get3A_633 : vector<16xf32>
          %mul3A_663 = arith.mulf %get3A_637, %get3A_637 : vector<16xf32>
          %add3A_664 = arith.addf %mul3A_662, %mul3A_663 : vector<16xf32>
          %add3A_665 = arith.addf %add3A_661, %add3A_664 : vector<16xf32>
          %add3A_666 = arith.addf %add3A_644, %add3A_651 : vector<16xf32>
          %swap3A_667 = arith.constant 102 : index
          %swap3A_668 = tpu.vector_load %arg18[%swap3A_667] {strides = array<i32>} : memref<272xf32, #tpu.memory_space<vmem>>, vector<16xf32>,
          tpu.vector_store %arg18[%swap3A_667], %add3A_666 {strides = array<i32>} : memref<272xf32, #tpu.memory_space<vmem>>, vector<16xf32>,
          %add3A_669 = arith.addf %add3A_658, %add3A_665 : vector<16xf32>
          %swap3A_670 = arith.constant 102 : index
          %swap3A_671 = tpu.vector_load %arg19[%swap3A_670] {strides = array<i32>} : memref<272xf32, #tpu.memory_space<vmem>>, vector<16xf32>,
          tpu.vector_store %arg19[%swap3A_670], %add3A_669 {strides = array<i32>} : memref<272xf32, #tpu.memory_space<vmem>>, vector<16xf32>,
          %add3A_672 = arith.constant 7 : i32
          %add3A_673 = arith.addi %mul3A_181, %add3A_672 : i32
          %mul3A_674 = arith.constant 128 : i32
          %mul3A_675 = arith.muli %add3A_673, %mul3A_674 : i32
          %add3A_676 = arith.constant 0 : i32
          %add3A_677 = arith.addi %mul3A_675, %add3A_676 : i32
          %get3A_678 = arith.index_cast %add3A_677 : i32 to index
          %get3A_679 = tpu.vector_load %arg13[%get3A_678] {strides = array<i32>} : memref<28672xf32, #tpu.memory_space<vmem>>, vector<16xf32>,
          %add3A_680 = arith.constant 16 : i32
          %add3A_681 = arith.addi %mul3A_675, %add3A_680 : i32
          %get3A_682 = arith.index_cast %add3A_681 : i32 to index
          %get3A_683 = tpu.vector_load %arg13[%get3A_682] {strides = array<i32>} : memref<28672xf32, #tpu.memory_space<vmem>>, vector<16xf32>,
          %add3A_684 = arith.constant 32 : i32
          %add3A_685 = arith.addi %mul3A_675, %add3A_684 : i32
          %get3A_686 = arith.index_cast %add3A_685 : i32 to index
          %get3A_687 = tpu.vector_load %arg13[%get3A_686] {strides = array<i32>} : memref<28672xf32, #tpu.memory_space<vmem>>, vector<16xf32>,
          %add3A_688 = arith.constant 48 : i32
          %add3A_689 = arith.addi %mul3A_675, %add3A_688 : i32
          %get3A_690 = arith.index_cast %add3A_689 : i32 to index
          %get3A_691 = tpu.vector_load %arg13[%get3A_690] {strides = array<i32>} : memref<28672xf32, #tpu.memory_space<vmem>>, vector<16xf32>,
          %add3A_692 = arith.constant 64 : i32
          %add3A_693 = arith.addi %mul3A_675, %add3A_692 : i32
          %get3A_694 = arith.index_cast %add3A_693 : i32 to index
          %get3A_695 = tpu.vector_load %arg13[%get3A_694] {strides = array<i32>} : memref<28672xf32, #tpu.memory_space<vmem>>, vector<16xf32>,
          %add3A_696 = arith.constant 80 : i32
          %add3A_697 = arith.addi %mul3A_675, %add3A_696 : i32
          %get3A_698 = arith.index_cast %add3A_697 : i32 to index
          %get3A_699 = tpu.vector_load %arg13[%get3A_698] {strides = array<i32>} : memref<28672xf32, #tpu.memory_space<vmem>>, vector<16xf32>,
          %add3A_700 = arith.constant 96 : i32
          %add3A_701 = arith.addi %mul3A_675, %add3A_700 : i32
          %get3A_702 = arith.index_cast %add3A_701 : i32 to index
          %get3A_703 = tpu.vector_load %arg13[%get3A_702] {strides = array<i32>} : memref<28672xf32, #tpu.memory_space<vmem>>, vector<16xf32>,
          %add3A_704 = arith.constant 112 : i32
          %add3A_705 = arith.addi %mul3A_675, %add3A_704 : i32
          %get3A_706 = arith.index_cast %add3A_705 : i32 to index
          %get3A_707 = tpu.vector_load %arg13[%get3A_706] {strides = array<i32>} : memref<28672xf32, #tpu.memory_space<vmem>>, vector<16xf32>,
          %mul3A_708 = arith.mulf %get3A_679, %get3A_93 : vector<16xf32>
          %mul3A_709 = arith.mulf %get3A_683, %get3A_95 : vector<16xf32>
          %add3A_710 = arith.addf %mul3A_708, %mul3A_709 : vector<16xf32>
          %mul3A_711 = arith.mulf %get3A_687, %get3A_97 : vector<16xf32>
          %mul3A_712 = arith.mulf %get3A_691, %get3A_99 : vector<16xf32>
          %add3A_713 = arith.addf %mul3A_711, %mul3A_712 : vector<16xf32>
          %add3A_714 = arith.addf %add3A_710, %add3A_713 : vector<16xf32>
          %mul3A_715 = arith.mulf %get3A_695, %get3A_101 : vector<16xf32>
          %mul3A_716 = arith.mulf %get3A_699, %get3A_103 : vector<16xf32>
          %add3A_717 = arith.addf %mul3A_715, %mul3A_716 : vector<16xf32>
          %mul3A_718 = arith.mulf %get3A_703, %get3A_105 : vector<16xf32>
          %mul3A_719 = arith.mulf %get3A_707, %get3A_107 : vector<16xf32>
          %add3A_720 = arith.addf %mul3A_718, %mul3A_719 : vector<16xf32>
          %add3A_721 = arith.addf %add3A_717, %add3A_720 : vector<16xf32>
          %mul3A_722 = arith.mulf %get3A_679, %get3A_679 : vector<16xf32>
          %mul3A_723 = arith.mulf %get3A_683, %get3A_683 : vector<16xf32>
          %add3A_724 = arith.addf %mul3A_722, %mul3A_723 : vector<16xf32>
          %mul3A_725 = arith.mulf %get3A_687, %get3A_687 : vector<16xf32>
          %mul3A_726 = arith.mulf %get3A_691, %get3A_691 : vector<16xf32>
          %add3A_727 = arith.addf %mul3A_725, %mul3A_726 : vector<16xf32>
          %add3A_728 = arith.addf %add3A_724, %add3A_727 : vector<16xf32>
          %mul3A_729 = arith.mulf %get3A_695, %get3A_695 : vector<16xf32>
          %mul3A_730 = arith.mulf %get3A_699, %get3A_699 : vector<16xf32>
          %add3A_731 = arith.addf %mul3A_729, %mul3A_730 : vector<16xf32>
          %mul3A_732 = arith.mulf %get3A_703, %get3A_703 : vector<16xf32>
          %mul3A_733 = arith.mulf %get3A_707, %get3A_707 : vector<16xf32>
          %add3A_734 = arith.addf %mul3A_732, %mul3A_733 : vector<16xf32>
          %add3A_735 = arith.addf %add3A_731, %add3A_734 : vector<16xf32>
          %add3A_736 = arith.addf %add3A_714, %add3A_721 : vector<16xf32>
          %swap3A_737 = arith.constant 119 : index
          %swap3A_738 = tpu.vector_load %arg18[%swap3A_737] {strides = array<i32>} : memref<272xf32, #tpu.memory_space<vmem>>, vector<16xf32>,
          tpu.vector_store %arg18[%swap3A_737], %add3A_736 {strides = array<i32>} : memref<272xf32, #tpu.memory_space<vmem>>, vector<16xf32>,
          %add3A_739 = arith.addf %add3A_728, %add3A_735 : vector<16xf32>
          %swap3A_740 = arith.constant 119 : index
          %swap3A_741 = tpu.vector_load %arg19[%swap3A_740] {strides = array<i32>} : memref<272xf32, #tpu.memory_space<vmem>>, vector<16xf32>,
          tpu.vector_store %arg19[%swap3A_740], %add3A_739 {strides = array<i32>} : memref<272xf32, #tpu.memory_space<vmem>>, vector<16xf32>,
          %add3A_742 = arith.constant 8 : i32
          %add3A_743 = arith.addi %mul3A_181, %add3A_742 : i32
          %mul3A_744 = arith.constant 128 : i32
          %mul3A_745 = arith.muli %add3A_743, %mul3A_744 : i32
          %add3A_746 = arith.constant 0 : i32
          %add3A_747 = arith.addi %mul3A_745, %add3A_746 : i32
          %get3A_748 = arith.index_cast %add3A_747 : i32 to index
          %get3A_749 = tpu.vector_load %arg13[%get3A_748] {strides = array<i32>} : memref<28672xf32, #tpu.memory_space<vmem>>, vector<16xf32>,
          %add3A_750 = arith.constant 16 : i32
          %add3A_751 = arith.addi %mul3A_745, %add3A_750 : i32
          %get3A_752 = arith.index_cast %add3A_751 : i32 to index
          %get3A_753 = tpu.vector_load %arg13[%get3A_752] {strides = array<i32>} : memref<28672xf32, #tpu.memory_space<vmem>>, vector<16xf32>,
          %add3A_754 = arith.constant 32 : i32
          %add3A_755 = arith.addi %mul3A_745, %add3A_754 : i32
          %get3A_756 = arith.index_cast %add3A_755 : i32 to index
          %get3A_757 = tpu.vector_load %arg13[%get3A_756] {strides = array<i32>} : memref<28672xf32, #tpu.memory_space<vmem>>, vector<16xf32>,
          %add3A_758 = arith.constant 48 : i32
          %add3A_759 = arith.addi %mul3A_745, %add3A_758 : i32
          %get3A_760 = arith.index_cast %add3A_759 : i32 to index
          %get3A_761 = tpu.vector_load %arg13[%get3A_760] {strides = array<i32>} : memref<28672xf32, #tpu.memory_space<vmem>>, vector<16xf32>,
          %add3A_762 = arith.constant 64 : i32
          %add3A_763 = arith.addi %mul3A_745, %add3A_762 : i32
          %get3A_764 = arith.index_cast %add3A_763 : i32 to index
          %get3A_765 = tpu.vector_load %arg13[%get3A_764] {strides = array<i32>} : memref<28672xf32, #tpu.memory_space<vmem>>, vector<16xf32>,
          %add3A_766 = arith.constant 80 : i32
          %add3A_767 = arith.addi %mul3A_745, %add3A_766 : i32
          %get3A_768 = arith.index_cast %add3A_767 : i32 to index
          %get3A_769 = tpu.vector_load %arg13[%get3A_768] {strides = array<i32>} : memref<28672xf32, #tpu.memory_space<vmem>>, vector<16xf32>,
          %add3A_770 = arith.constant 96 : i32
          %add3A_771 = arith.addi %mul3A_745, %add3A_770 : i32
          %get3A_772 = arith.index_cast %add3A_771 : i32 to index
          %get3A_773 = tpu.vector_load %arg13[%get3A_772] {strides = array<i32>} : memref<28672xf32, #tpu.memory_space<vmem>>, vector<16xf32>,
          %add3A_774 = arith.constant 112 : i32
          %add3A_775 = arith.addi %mul3A_745, %add3A_774 : i32
          %get3A_776 = arith.index_cast %add3A_775 : i32 to index
          %get3A_777 = tpu.vector_load %arg13[%get3A_776] {strides = array<i32>} : memref<28672xf32, #tpu.memory_space<vmem>>, vector<16xf32>,
          %mul3A_778 = arith.mulf %get3A_749, %get3A_93 : vector<16xf32>
          %mul3A_779 = arith.mulf %get3A_753, %get3A_95 : vector<16xf32>
          %add3A_780 = arith.addf %mul3A_778, %mul3A_779 : vector<16xf32>
          %mul3A_781 = arith.mulf %get3A_757, %get3A_97 : vector<16xf32>
          %mul3A_782 = arith.mulf %get3A_761, %get3A_99 : vector<16xf32>
          %add3A_783 = arith.addf %mul3A_781, %mul3A_782 : vector<16xf32>
          %add3A_784 = arith.addf %add3A_780, %add3A_783 : vector<16xf32>
          %mul3A_785 = arith.mulf %get3A_765, %get3A_101 : vector<16xf32>
          %mul3A_786 = arith.mulf %get3A_769, %get3A_103 : vector<16xf32>
          %add3A_787 = arith.addf %mul3A_785, %mul3A_786 : vector<16xf32>
          %mul3A_788 = arith.mulf %get3A_773, %get3A_105 : vector<16xf32>
          %mul3A_789 = arith.mulf %get3A_777, %get3A_107 : vector<16xf32>
          %add3A_790 = arith.addf %mul3A_788, %mul3A_789 : vector<16xf32>
          %add3A_791 = arith.addf %add3A_787, %add3A_790 : vector<16xf32>
          %mul3A_792 = arith.mulf %get3A_749, %get3A_749 : vector<16xf32>
          %mul3A_793 = arith.mulf %get3A_753, %get3A_753 : vector<16xf32>
          %add3A_794 = arith.addf %mul3A_792, %mul3A_793 : vector<16xf32>
          %mul3A_795 = arith.mulf %get3A_757, %get3A_757 : vector<16xf32>
          %mul3A_796 = arith.mulf %get3A_761, %get3A_761 : vector<16xf32>
          %add3A_797 = arith.addf %mul3A_795, %mul3A_796 : vector<16xf32>
          %add3A_798 = arith.addf %add3A_794, %add3A_797 : vector<16xf32>
          %mul3A_799 = arith.mulf %get3A_765, %get3A_765 : vector<16xf32>
          %mul3A_800 = arith.mulf %get3A_769, %get3A_769 : vector<16xf32>
          %add3A_801 = arith.addf %mul3A_799, %mul3A_800 : vector<16xf32>
          %mul3A_802 = arith.mulf %get3A_773, %get3A_773 : vector<16xf32>
          %mul3A_803 = arith.mulf %get3A_777, %get3A_777 : vector<16xf32>
          %add3A_804 = arith.addf %mul3A_802, %mul3A_803 : vector<16xf32>
          %add3A_805 = arith.addf %add3A_801, %add3A_804 : vector<16xf32>
          %add3A_806 = arith.addf %add3A_784, %add3A_791 : vector<16xf32>
          %swap3A_807 = arith.constant 136 : index
          %swap3A_808 = tpu.vector_load %arg18[%swap3A_807] {strides = array<i32>} : memref<272xf32, #tpu.memory_space<vmem>>, vector<16xf32>,
          tpu.vector_store %arg18[%swap3A_807], %add3A_806 {strides = array<i32>} : memref<272xf32, #tpu.memory_space<vmem>>, vector<16xf32>,
          %add3A_809 = arith.addf %add3A_798, %add3A_805 : vector<16xf32>
          %swap3A_810 = arith.constant 136 : index
          %swap3A_811 = tpu.vector_load %arg19[%swap3A_810] {strides = array<i32>} : memref<272xf32, #tpu.memory_space<vmem>>, vector<16xf32>,
          tpu.vector_store %arg19[%swap3A_810], %add3A_809 {strides = array<i32>} : memref<272xf32, #tpu.memory_space<vmem>>, vector<16xf32>,
          %add3A_812 = arith.constant 9 : i32
          %add3A_813 = arith.addi %mul3A_181, %add3A_812 : i32
          %mul3A_814 = arith.constant 128 : i32
          %mul3A_815 = arith.muli %add3A_813, %mul3A_814 : i32
          %add3A_816 = arith.constant 0 : i32
          %add3A_817 = arith.addi %mul3A_815, %add3A_816 : i32
          %get3A_818 = arith.index_cast %add3A_817 : i32 to index
          %get3A_819 = tpu.vector_load %arg13[%get3A_818] {strides = array<i32>} : memref<28672xf32, #tpu.memory_space<vmem>>, vector<16xf32>,
          %add3A_820 = arith.constant 16 : i32
          %add3A_821 = arith.addi %mul3A_815, %add3A_820 : i32
          %get3A_822 = arith.index_cast %add3A_821 : i32 to index
          %get3A_823 = tpu.vector_load %arg13[%get3A_822] {strides = array<i32>} : memref<28672xf32, #tpu.memory_space<vmem>>, vector<16xf32>,
          %add3A_824 = arith.constant 32 : i32
          %add3A_825 = arith.addi %mul3A_815, %add3A_824 : i32
          %get3A_826 = arith.index_cast %add3A_825 : i32 to index
          %get3A_827 = tpu.vector_load %arg13[%get3A_826] {strides = array<i32>} : memref<28672xf32, #tpu.memory_space<vmem>>, vector<16xf32>,
          %add3A_828 = arith.constant 48 : i32
          %add3A_829 = arith.addi %mul3A_815, %add3A_828 : i32
          %get3A_830 = arith.index_cast %add3A_829 : i32 to index
          %get3A_831 = tpu.vector_load %arg13[%get3A_830] {strides = array<i32>} : memref<28672xf32, #tpu.memory_space<vmem>>, vector<16xf32>,
          %add3A_832 = arith.constant 64 : i32
          %add3A_833 = arith.addi %mul3A_815, %add3A_832 : i32
          %get3A_834 = arith.index_cast %add3A_833 : i32 to index
          %get3A_835 = tpu.vector_load %arg13[%get3A_834] {strides = array<i32>} : memref<28672xf32, #tpu.memory_space<vmem>>, vector<16xf32>,
          %add3A_836 = arith.constant 80 : i32
          %add3A_837 = arith.addi %mul3A_815, %add3A_836 : i32
          %get3A_838 = arith.index_cast %add3A_837 : i32 to index
          %get3A_839 = tpu.vector_load %arg13[%get3A_838] {strides = array<i32>} : memref<28672xf32, #tpu.memory_space<vmem>>, vector<16xf32>,
          %add3A_840 = arith.constant 96 : i32
          %add3A_841 = arith.addi %mul3A_815, %add3A_840 : i32
          %get3A_842 = arith.index_cast %add3A_841 : i32 to index
          %get3A_843 = tpu.vector_load %arg13[%get3A_842] {strides = array<i32>} : memref<28672xf32, #tpu.memory_space<vmem>>, vector<16xf32>,
          %add3A_844 = arith.constant 112 : i32
          %add3A_845 = arith.addi %mul3A_815, %add3A_844 : i32
          %get3A_846 = arith.index_cast %add3A_845 : i32 to index
          %get3A_847 = tpu.vector_load %arg13[%get3A_846] {strides = array<i32>} : memref<28672xf32, #tpu.memory_space<vmem>>, vector<16xf32>,
          %mul3A_848 = arith.mulf %get3A_819, %get3A_93 : vector<16xf32>
          %mul3A_849 = arith.mulf %get3A_823, %get3A_95 : vector<16xf32>
          %add3A_850 = arith.addf %mul3A_848, %mul3A_849 : vector<16xf32>
          %mul3A_851 = arith.mulf %get3A_827, %get3A_97 : vector<16xf32>
          %mul3A_852 = arith.mulf %get3A_831, %get3A_99 : vector<16xf32>
          %add3A_853 = arith.addf %mul3A_851, %mul3A_852 : vector<16xf32>
          %add3A_854 = arith.addf %add3A_850, %add3A_853 : vector<16xf32>
          %mul3A_855 = arith.mulf %get3A_835, %get3A_101 : vector<16xf32>
          %mul3A_856 = arith.mulf %get3A_839, %get3A_103 : vector<16xf32>
          %add3A_857 = arith.addf %mul3A_855, %mul3A_856 : vector<16xf32>
          %mul3A_858 = arith.mulf %get3A_843, %get3A_105 : vector<16xf32>
          %mul3A_859 = arith.mulf %get3A_847, %get3A_107 : vector<16xf32>
          %add3A_860 = arith.addf %mul3A_858, %mul3A_859 : vector<16xf32>
          %add3A_861 = arith.addf %add3A_857, %add3A_860 : vector<16xf32>
          %mul3A_862 = arith.mulf %get3A_819, %get3A_819 : vector<16xf32>
          %mul3A_863 = arith.mulf %get3A_823, %get3A_823 : vector<16xf32>
          %add3A_864 = arith.addf %mul3A_862, %mul3A_863 : vector<16xf32>
          %mul3A_865 = arith.mulf %get3A_827, %get3A_827 : vector<16xf32>
          %mul3A_866 = arith.mulf %get3A_831, %get3A_831 : vector<16xf32>
          %add3A_867 = arith.addf %mul3A_865, %mul3A_866 : vector<16xf32>
          %add3A_868 = arith.addf %add3A_864, %add3A_867 : vector<16xf32>
          %mul3A_869 = arith.mulf %get3A_835, %get3A_835 : vector<16xf32>
          %mul3A_870 = arith.mulf %get3A_839, %get3A_839 : vector<16xf32>
          %add3A_871 = arith.addf %mul3A_869, %mul3A_870 : vector<16xf32>
          %mul3A_872 = arith.mulf %get3A_843, %get3A_843 : vector<16xf32>
          %mul3A_873 = arith.mulf %get3A_847, %get3A_847 : vector<16xf32>
          %add3A_874 = arith.addf %mul3A_872, %mul3A_873 : vector<16xf32>
          %add3A_875 = arith.addf %add3A_871, %add3A_874 : vector<16xf32>
          %add3A_876 = arith.addf %add3A_854, %add3A_861 : vector<16xf32>
          %swap3A_877 = arith.constant 153 : index
          %swap3A_878 = tpu.vector_load %arg18[%swap3A_877] {strides = array<i32>} : memref<272xf32, #tpu.memory_space<vmem>>, vector<16xf32>,
          tpu.vector_store %arg18[%swap3A_877], %add3A_876 {strides = array<i32>} : memref<272xf32, #tpu.memory_space<vmem>>, vector<16xf32>,
          %add3A_879 = arith.addf %add3A_868, %add3A_875 : vector<16xf32>
          %swap3A_880 = arith.constant 153 : index
          %swap3A_881 = tpu.vector_load %arg19[%swap3A_880] {strides = array<i32>} : memref<272xf32, #tpu.memory_space<vmem>>, vector<16xf32>,
          tpu.vector_store %arg19[%swap3A_880], %add3A_879 {strides = array<i32>} : memref<272xf32, #tpu.memory_space<vmem>>, vector<16xf32>,
          %add3A_882 = arith.constant 10 : i32
          %add3A_883 = arith.addi %mul3A_181, %add3A_882 : i32
          %mul3A_884 = arith.constant 128 : i32
          %mul3A_885 = arith.muli %add3A_883, %mul3A_884 : i32
          %add3A_886 = arith.constant 0 : i32
          %add3A_887 = arith.addi %mul3A_885, %add3A_886 : i32
          %get3A_888 = arith.index_cast %add3A_887 : i32 to index
          %get3A_889 = tpu.vector_load %arg13[%get3A_888] {strides = array<i32>} : memref<28672xf32, #tpu.memory_space<vmem>>, vector<16xf32>,
          %add3A_890 = arith.constant 16 : i32
          %add3A_891 = arith.addi %mul3A_885, %add3A_890 : i32
          %get3A_892 = arith.index_cast %add3A_891 : i32 to index
          %get3A_893 = tpu.vector_load %arg13[%get3A_892] {strides = array<i32>} : memref<28672xf32, #tpu.memory_space<vmem>>, vector<16xf32>,
          %add3A_894 = arith.constant 32 : i32
          %add3A_895 = arith.addi %mul3A_885, %add3A_894 : i32
          %get3A_896 = arith.index_cast %add3A_895 : i32 to index
          %get3A_897 = tpu.vector_load %arg13[%get3A_896] {strides = array<i32>} : memref<28672xf32, #tpu.memory_space<vmem>>, vector<16xf32>,
          %add3A_898 = arith.constant 48 : i32
          %add3A_899 = arith.addi %mul3A_885, %add3A_898 : i32
          %get3A_900 = arith.index_cast %add3A_899 : i32 to index
          %get3A_901 = tpu.vector_load %arg13[%get3A_900] {strides = array<i32>} : memref<28672xf32, #tpu.memory_space<vmem>>, vector<16xf32>,
          %add3A_902 = arith.constant 64 : i32
          %add3A_903 = arith.addi %mul3A_885, %add3A_902 : i32
          %get3A_904 = arith.index_cast %add3A_903 : i32 to index
          %get3A_905 = tpu.vector_load %arg13[%get3A_904] {strides = array<i32>} : memref<28672xf32, #tpu.memory_space<vmem>>, vector<16xf32>,
          %add3A_906 = arith.constant 80 : i32
          %add3A_907 = arith.addi %mul3A_885, %add3A_906 : i32
          %get3A_908 = arith.index_cast %add3A_907 : i32 to index
          %get3A_909 = tpu.vector_load %arg13[%get3A_908] {strides = array<i32>} : memref<28672xf32, #tpu.memory_space<vmem>>, vector<16xf32>,
          %add3A_910 = arith.constant 96 : i32
          %add3A_911 = arith.addi %mul3A_885, %add3A_910 : i32
          %get3A_912 = arith.index_cast %add3A_911 : i32 to index
          %get3A_913 = tpu.vector_load %arg13[%get3A_912] {strides = array<i32>} : memref<28672xf32, #tpu.memory_space<vmem>>, vector<16xf32>,
          %add3A_914 = arith.constant 112 : i32
          %add3A_915 = arith.addi %mul3A_885, %add3A_914 : i32
          %get3A_916 = arith.index_cast %add3A_915 : i32 to index
          %get3A_917 = tpu.vector_load %arg13[%get3A_916] {strides = array<i32>} : memref<28672xf32, #tpu.memory_space<vmem>>, vector<16xf32>,
          %mul3A_918 = arith.mulf %get3A_889, %get3A_93 : vector<16xf32>
          %mul3A_919 = arith.mulf %get3A_893, %get3A_95 : vector<16xf32>
          %add3A_920 = arith.addf %mul3A_918, %mul3A_919 : vector<16xf32>
          %mul3A_921 = arith.mulf %get3A_897, %get3A_97 : vector<16xf32>
          %mul3A_922 = arith.mulf %get3A_901, %get3A_99 : vector<16xf32>
          %add3A_923 = arith.addf %mul3A_921, %mul3A_922 : vector<16xf32>
          %add3A_924 = arith.addf %add3A_920, %add3A_923 : vector<16xf32>
          %mul3A_925 = arith.mulf %get3A_905, %get3A_101 : vector<16xf32>
          %mul3A_926 = arith.mulf %get3A_909, %get3A_103 : vector<16xf32>
          %add3A_927 = arith.addf %mul3A_925, %mul3A_926 : vector<16xf32>
          %mul3A_928 = arith.mulf %get3A_913, %get3A_105 : vector<16xf32>
          %mul3A_929 = arith.mulf %get3A_917, %get3A_107 : vector<16xf32>
          %add3A_930 = arith.addf %mul3A_928, %mul3A_929 : vector<16xf32>
          %add3A_931 = arith.addf %add3A_927, %add3A_930 : vector<16xf32>
          %mul3A_932 = arith.mulf %get3A_889, %get3A_889 : vector<16xf32>
          %mul3A_933 = arith.mulf %get3A_893, %get3A_893 : vector<16xf32>
          %add3A_934 = arith.addf %mul3A_932, %mul3A_933 : vector<16xf32>
          %mul3A_935 = arith.mulf %get3A_897, %get3A_897 : vector<16xf32>
          %mul3A_936 = arith.mulf %get3A_901, %get3A_901 : vector<16xf32>
          %add3A_937 = arith.addf %mul3A_935, %mul3A_936 : vector<16xf32>
          %add3A_938 = arith.addf %add3A_934, %add3A_937 : vector<16xf32>
          %mul3A_939 = arith.mulf %get3A_905, %get3A_905 : vector<16xf32>
          %mul3A_940 = arith.mulf %get3A_909, %get3A_909 : vector<16xf32>
          %add3A_941 = arith.addf %mul3A_939, %mul3A_940 : vector<16xf32>
          %mul3A_942 = arith.mulf %get3A_913, %get3A_913 : vector<16xf32>
          %mul3A_943 = arith.mulf %get3A_917, %get3A_917 : vector<16xf32>
          %add3A_944 = arith.addf %mul3A_942, %mul3A_943 : vector<16xf32>
          %add3A_945 = arith.addf %add3A_941, %add3A_944 : vector<16xf32>
          %add3A_946 = arith.addf %add3A_924, %add3A_931 : vector<16xf32>
          %swap3A_947 = arith.constant 170 : index
          %swap3A_948 = tpu.vector_load %arg18[%swap3A_947] {strides = array<i32>} : memref<272xf32, #tpu.memory_space<vmem>>, vector<16xf32>,
          tpu.vector_store %arg18[%swap3A_947], %add3A_946 {strides = array<i32>} : memref<272xf32, #tpu.memory_space<vmem>>, vector<16xf32>,
          %add3A_949 = arith.addf %add3A_938, %add3A_945 : vector<16xf32>
          %swap3A_950 = arith.constant 170 : index
          %swap3A_951 = tpu.vector_load %arg19[%swap3A_950] {strides = array<i32>} : memref<272xf32, #tpu.memory_space<vmem>>, vector<16xf32>,
          tpu.vector_store %arg19[%swap3A_950], %add3A_949 {strides = array<i32>} : memref<272xf32, #tpu.memory_space<vmem>>, vector<16xf32>,
          %add3A_952 = arith.constant 11 : i32
          %add3A_953 = arith.addi %mul3A_181, %add3A_952 : i32
          %mul3A_954 = arith.constant 128 : i32
          %mul3A_955 = arith.muli %add3A_953, %mul3A_954 : i32
          %add3A_956 = arith.constant 0 : i32
          %add3A_957 = arith.addi %mul3A_955, %add3A_956 : i32
          %get3A_958 = arith.index_cast %add3A_957 : i32 to index
          %get3A_959 = tpu.vector_load %arg13[%get3A_958] {strides = array<i32>} : memref<28672xf32, #tpu.memory_space<vmem>>, vector<16xf32>,
          %add3A_960 = arith.constant 16 : i32
          %add3A_961 = arith.addi %mul3A_955, %add3A_960 : i32
          %get3A_962 = arith.index_cast %add3A_961 : i32 to index
          %get3A_963 = tpu.vector_load %arg13[%get3A_962] {strides = array<i32>} : memref<28672xf32, #tpu.memory_space<vmem>>, vector<16xf32>,
          %add3A_964 = arith.constant 32 : i32
          %add3A_965 = arith.addi %mul3A_955, %add3A_964 : i32
          %get3A_966 = arith.index_cast %add3A_965 : i32 to index
          %get3A_967 = tpu.vector_load %arg13[%get3A_966] {strides = array<i32>} : memref<28672xf32, #tpu.memory_space<vmem>>, vector<16xf32>,
          %add3A_968 = arith.constant 48 : i32
          %add3A_969 = arith.addi %mul3A_955, %add3A_968 : i32
          %get3A_970 = arith.index_cast %add3A_969 : i32 to index
          %get3A_971 = tpu.vector_load %arg13[%get3A_970] {strides = array<i32>} : memref<28672xf32, #tpu.memory_space<vmem>>, vector<16xf32>,
          %add3A_972 = arith.constant 64 : i32
          %add3A_973 = arith.addi %mul3A_955, %add3A_972 : i32
          %get3A_974 = arith.index_cast %add3A_973 : i32 to index
          %get3A_975 = tpu.vector_load %arg13[%get3A_974] {strides = array<i32>} : memref<28672xf32, #tpu.memory_space<vmem>>, vector<16xf32>,
          %add3A_976 = arith.constant 80 : i32
          %add3A_977 = arith.addi %mul3A_955, %add3A_976 : i32
          %get3A_978 = arith.index_cast %add3A_977 : i32 to index
          %get3A_979 = tpu.vector_load %arg13[%get3A_978] {strides = array<i32>} : memref<28672xf32, #tpu.memory_space<vmem>>, vector<16xf32>,
          %add3A_980 = arith.constant 96 : i32
          %add3A_981 = arith.addi %mul3A_955, %add3A_980 : i32
          %get3A_982 = arith.index_cast %add3A_981 : i32 to index
          %get3A_983 = tpu.vector_load %arg13[%get3A_982] {strides = array<i32>} : memref<28672xf32, #tpu.memory_space<vmem>>, vector<16xf32>,
          %add3A_984 = arith.constant 112 : i32
          %add3A_985 = arith.addi %mul3A_955, %add3A_984 : i32
          %get3A_986 = arith.index_cast %add3A_985 : i32 to index
          %get3A_987 = tpu.vector_load %arg13[%get3A_986] {strides = array<i32>} : memref<28672xf32, #tpu.memory_space<vmem>>, vector<16xf32>,
          %mul3A_988 = arith.mulf %get3A_959, %get3A_93 : vector<16xf32>
          %mul3A_989 = arith.mulf %get3A_963, %get3A_95 : vector<16xf32>
          %add3A_990 = arith.addf %mul3A_988, %mul3A_989 : vector<16xf32>
          %mul3A_991 = arith.mulf %get3A_967, %get3A_97 : vector<16xf32>
          %mul3A_992 = arith.mulf %get3A_971, %get3A_99 : vector<16xf32>
          %add3A_993 = arith.addf %mul3A_991, %mul3A_992 : vector<16xf32>
          %add3A_994 = arith.addf %add3A_990, %add3A_993 : vector<16xf32>
          %mul3A_995 = arith.mulf %get3A_975, %get3A_101 : vector<16xf32>
          %mul3A_996 = arith.mulf %get3A_979, %get3A_103 : vector<16xf32>
          %add3A_997 = arith.addf %mul3A_995, %mul3A_996 : vector<16xf32>
          %mul3A_998 = arith.mulf %get3A_983, %get3A_105 : vector<16xf32>
          %mul3A_999 = arith.mulf %get3A_987, %get3A_107 : vector<16xf32>
          %add3A_1000 = arith.addf %mul3A_998, %mul3A_999 : vector<16xf32>
          %add3A_1001 = arith.addf %add3A_997, %add3A_1000 : vector<16xf32>
          %mul3A_1002 = arith.mulf %get3A_959, %get3A_959 : vector<16xf32>
          %mul3A_1003 = arith.mulf %get3A_963, %get3A_963 : vector<16xf32>
          %add3A_1004 = arith.addf %mul3A_1002, %mul3A_1003 : vector<16xf32>
          %mul3A_1005 = arith.mulf %get3A_967, %get3A_967 : vector<16xf32>
          %mul3A_1006 = arith.mulf %get3A_971, %get3A_971 : vector<16xf32>
          %add3A_1007 = arith.addf %mul3A_1005, %mul3A_1006 : vector<16xf32>
          %add3A_1008 = arith.addf %add3A_1004, %add3A_1007 : vector<16xf32>
          %mul3A_1009 = arith.mulf %get3A_975, %get3A_975 : vector<16xf32>
          %mul3A_1010 = arith.mulf %get3A_979, %get3A_979 : vector<16xf32>
          %add3A_1011 = arith.addf %mul3A_1009, %mul3A_1010 : vector<16xf32>
          %mul3A_1012 = arith.mulf %get3A_983, %get3A_983 : vector<16xf32>
          %mul3A_1013 = arith.mulf %get3A_987, %get3A_987 : vector<16xf32>
          %add3A_1014 = arith.addf %mul3A_1012, %mul3A_1013 : vector<16xf32>
          %add3A_1015 = arith.addf %add3A_1011, %add3A_1014 : vector<16xf32>
          %add3A_1016 = arith.addf %add3A_994, %add3A_1001 : vector<16xf32>
          %swap3A_1017 = arith.constant 187 : index
          %swap3A_1018 = tpu.vector_load %arg18[%swap3A_1017] {strides = array<i32>} : memref<272xf32, #tpu.memory_space<vmem>>, vector<16xf32>,
          tpu.vector_store %arg18[%swap3A_1017], %add3A_1016 {strides = array<i32>} : memref<272xf32, #tpu.memory_space<vmem>>, vector<16xf32>,
          %add3A_1019 = arith.addf %add3A_1008, %add3A_1015 : vector<16xf32>
          %swap3A_1020 = arith.constant 187 : index
          %swap3A_1021 = tpu.vector_load %arg19[%swap3A_1020] {strides = array<i32>} : memref<272xf32, #tpu.memory_space<vmem>>, vector<16xf32>,
          tpu.vector_store %arg19[%swap3A_1020], %add3A_1019 {strides = array<i32>} : memref<272xf32, #tpu.memory_space<vmem>>, vector<16xf32>,
          %add3A_1022 = arith.constant 12 : i32
          %add3A_1023 = arith.addi %mul3A_181, %add3A_1022 : i32
          %mul3A_1024 = arith.constant 128 : i32
          %mul3A_1025 = arith.muli %add3A_1023, %mul3A_1024 : i32
          %add3A_1026 = arith.constant 0 : i32
          %add3A_1027 = arith.addi %mul3A_1025, %add3A_1026 : i32
          %get3A_1028 = arith.index_cast %add3A_1027 : i32 to index
          %get3A_1029 = tpu.vector_load %arg13[%get3A_1028] {strides = array<i32>} : memref<28672xf32, #tpu.memory_space<vmem>>, vector<16xf32>,
          %add3A_1030 = arith.constant 16 : i32
          %add3A_1031 = arith.addi %mul3A_1025, %add3A_1030 : i32
          %get3A_1032 = arith.index_cast %add3A_1031 : i32 to index
          %get3A_1033 = tpu.vector_load %arg13[%get3A_1032] {strides = array<i32>} : memref<28672xf32, #tpu.memory_space<vmem>>, vector<16xf32>,
          %add3A_1034 = arith.constant 32 : i32
          %add3A_1035 = arith.addi %mul3A_1025, %add3A_1034 : i32
          %get3A_1036 = arith.index_cast %add3A_1035 : i32 to index
          %get3A_1037 = tpu.vector_load %arg13[%get3A_1036] {strides = array<i32>} : memref<28672xf32, #tpu.memory_space<vmem>>, vector<16xf32>,
          %add3A_1038 = arith.constant 48 : i32
          %add3A_1039 = arith.addi %mul3A_1025, %add3A_1038 : i32
          %get3A_1040 = arith.index_cast %add3A_1039 : i32 to index
          %get3A_1041 = tpu.vector_load %arg13[%get3A_1040] {strides = array<i32>} : memref<28672xf32, #tpu.memory_space<vmem>>, vector<16xf32>,
          %add3A_1042 = arith.constant 64 : i32
          %add3A_1043 = arith.addi %mul3A_1025, %add3A_1042 : i32
          %get3A_1044 = arith.index_cast %add3A_1043 : i32 to index
          %get3A_1045 = tpu.vector_load %arg13[%get3A_1044] {strides = array<i32>} : memref<28672xf32, #tpu.memory_space<vmem>>, vector<16xf32>,
          %add3A_1046 = arith.constant 80 : i32
          %add3A_1047 = arith.addi %mul3A_1025, %add3A_1046 : i32
          %get3A_1048 = arith.index_cast %add3A_1047 : i32 to index
          %get3A_1049 = tpu.vector_load %arg13[%get3A_1048] {strides = array<i32>} : memref<28672xf32, #tpu.memory_space<vmem>>, vector<16xf32>,
          %add3A_1050 = arith.constant 96 : i32
          %add3A_1051 = arith.addi %mul3A_1025, %add3A_1050 : i32
          %get3A_1052 = arith.index_cast %add3A_1051 : i32 to index
          %get3A_1053 = tpu.vector_load %arg13[%get3A_1052] {strides = array<i32>} : memref<28672xf32, #tpu.memory_space<vmem>>, vector<16xf32>,
          %add3A_1054 = arith.constant 112 : i32
          %add3A_1055 = arith.addi %mul3A_1025, %add3A_1054 : i32
          %get3A_1056 = arith.index_cast %add3A_1055 : i32 to index
          %get3A_1057 = tpu.vector_load %arg13[%get3A_1056] {strides = array<i32>} : memref<28672xf32, #tpu.memory_space<vmem>>, vector<16xf32>,
          %mul3A_1058 = arith.mulf %get3A_1029, %get3A_93 : vector<16xf32>
          %mul3A_1059 = arith.mulf %get3A_1033, %get3A_95 : vector<16xf32>
          %add3A_1060 = arith.addf %mul3A_1058, %mul3A_1059 : vector<16xf32>
          %mul3A_1061 = arith.mulf %get3A_1037, %get3A_97 : vector<16xf32>
          %mul3A_1062 = arith.mulf %get3A_1041, %get3A_99 : vector<16xf32>
          %add3A_1063 = arith.addf %mul3A_1061, %mul3A_1062 : vector<16xf32>
          %add3A_1064 = arith.addf %add3A_1060, %add3A_1063 : vector<16xf32>
          %mul3A_1065 = arith.mulf %get3A_1045, %get3A_101 : vector<16xf32>
          %mul3A_1066 = arith.mulf %get3A_1049, %get3A_103 : vector<16xf32>
          %add3A_1067 = arith.addf %mul3A_1065, %mul3A_1066 : vector<16xf32>
          %mul3A_1068 = arith.mulf %get3A_1053, %get3A_105 : vector<16xf32>
          %mul3A_1069 = arith.mulf %get3A_1057, %get3A_107 : vector<16xf32>
          %add3A_1070 = arith.addf %mul3A_1068, %mul3A_1069 : vector<16xf32>
          %add3A_1071 = arith.addf %add3A_1067, %add3A_1070 : vector<16xf32>
          %mul3A_1072 = arith.mulf %get3A_1029, %get3A_1029 : vector<16xf32>
          %mul3A_1073 = arith.mulf %get3A_1033, %get3A_1033 : vector<16xf32>
          %add3A_1074 = arith.addf %mul3A_1072, %mul3A_1073 : vector<16xf32>
          %mul3A_1075 = arith.mulf %get3A_1037, %get3A_1037 : vector<16xf32>
          %mul3A_1076 = arith.mulf %get3A_1041, %get3A_1041 : vector<16xf32>
          %add3A_1077 = arith.addf %mul3A_1075, %mul3A_1076 : vector<16xf32>
          %add3A_1078 = arith.addf %add3A_1074, %add3A_1077 : vector<16xf32>
          %mul3A_1079 = arith.mulf %get3A_1045, %get3A_1045 : vector<16xf32>
          %mul3A_1080 = arith.mulf %get3A_1049, %get3A_1049 : vector<16xf32>
          %add3A_1081 = arith.addf %mul3A_1079, %mul3A_1080 : vector<16xf32>
          %mul3A_1082 = arith.mulf %get3A_1053, %get3A_1053 : vector<16xf32>
          %mul3A_1083 = arith.mulf %get3A_1057, %get3A_1057 : vector<16xf32>
          %add3A_1084 = arith.addf %mul3A_1082, %mul3A_1083 : vector<16xf32>
          %add3A_1085 = arith.addf %add3A_1081, %add3A_1084 : vector<16xf32>
          %add3A_1086 = arith.addf %add3A_1064, %add3A_1071 : vector<16xf32>
          %swap3A_1087 = arith.constant 204 : index
          %swap3A_1088 = tpu.vector_load %arg18[%swap3A_1087] {strides = array<i32>} : memref<272xf32, #tpu.memory_space<vmem>>, vector<16xf32>,
          tpu.vector_store %arg18[%swap3A_1087], %add3A_1086 {strides = array<i32>} : memref<272xf32, #tpu.memory_space<vmem>>, vector<16xf32>,
          %add3A_1089 = arith.addf %add3A_1078, %add3A_1085 : vector<16xf32>
          %swap3A_1090 = arith.constant 204 : index
          %swap3A_1091 = tpu.vector_load %arg19[%swap3A_1090] {strides = array<i32>} : memref<272xf32, #tpu.memory_space<vmem>>, vector<16xf32>,
          tpu.vector_store %arg19[%swap3A_1090], %add3A_1089 {strides = array<i32>} : memref<272xf32, #tpu.memory_space<vmem>>, vector<16xf32>,
          %add3A_1092 = arith.constant 13 : i32
          %add3A_1093 = arith.addi %mul3A_181, %add3A_1092 : i32
          %mul3A_1094 = arith.constant 128 : i32
          %mul3A_1095 = arith.muli %add3A_1093, %mul3A_1094 : i32
          %add3A_1096 = arith.constant 0 : i32
          %add3A_1097 = arith.addi %mul3A_1095, %add3A_1096 : i32
          %get3A_1098 = arith.index_cast %add3A_1097 : i32 to index
          %get3A_1099 = tpu.vector_load %arg13[%get3A_1098] {strides = array<i32>} : memref<28672xf32, #tpu.memory_space<vmem>>, vector<16xf32>,
          %add3A_1100 = arith.constant 16 : i32
          %add3A_1101 = arith.addi %mul3A_1095, %add3A_1100 : i32
          %get3A_1102 = arith.index_cast %add3A_1101 : i32 to index
          %get3A_1103 = tpu.vector_load %arg13[%get3A_1102] {strides = array<i32>} : memref<28672xf32, #tpu.memory_space<vmem>>, vector<16xf32>,
          %add3A_1104 = arith.constant 32 : i32
          %add3A_1105 = arith.addi %mul3A_1095, %add3A_1104 : i32
          %get3A_1106 = arith.index_cast %add3A_1105 : i32 to index
          %get3A_1107 = tpu.vector_load %arg13[%get3A_1106] {strides = array<i32>} : memref<28672xf32, #tpu.memory_space<vmem>>, vector<16xf32>,
          %add3A_1108 = arith.constant 48 : i32
          %add3A_1109 = arith.addi %mul3A_1095, %add3A_1108 : i32
          %get3A_1110 = arith.index_cast %add3A_1109 : i32 to index
          %get3A_1111 = tpu.vector_load %arg13[%get3A_1110] {strides = array<i32>} : memref<28672xf32, #tpu.memory_space<vmem>>, vector<16xf32>,
          %add3A_1112 = arith.constant 64 : i32
          %add3A_1113 = arith.addi %mul3A_1095, %add3A_1112 : i32
          %get3A_1114 = arith.index_cast %add3A_1113 : i32 to index
          %get3A_1115 = tpu.vector_load %arg13[%get3A_1114] {strides = array<i32>} : memref<28672xf32, #tpu.memory_space<vmem>>, vector<16xf32>,
          %add3A_1116 = arith.constant 80 : i32
          %add3A_1117 = arith.addi %mul3A_1095, %add3A_1116 : i32
          %get3A_1118 = arith.index_cast %add3A_1117 : i32 to index
          %get3A_1119 = tpu.vector_load %arg13[%get3A_1118] {strides = array<i32>} : memref<28672xf32, #tpu.memory_space<vmem>>, vector<16xf32>,
          %add3A_1120 = arith.constant 96 : i32
          %add3A_1121 = arith.addi %mul3A_1095, %add3A_1120 : i32
          %get3A_1122 = arith.index_cast %add3A_1121 : i32 to index
          %get3A_1123 = tpu.vector_load %arg13[%get3A_1122] {strides = array<i32>} : memref<28672xf32, #tpu.memory_space<vmem>>, vector<16xf32>,
          %add3A_1124 = arith.constant 112 : i32
          %add3A_1125 = arith.addi %mul3A_1095, %add3A_1124 : i32
          %get3A_1126 = arith.index_cast %add3A_1125 : i32 to index
          %get3A_1127 = tpu.vector_load %arg13[%get3A_1126] {strides = array<i32>} : memref<28672xf32, #tpu.memory_space<vmem>>, vector<16xf32>,
          %mul3A_1128 = arith.mulf %get3A_1099, %get3A_93 : vector<16xf32>
          %mul3A_1129 = arith.mulf %get3A_1103, %get3A_95 : vector<16xf32>
          %add3A_1130 = arith.addf %mul3A_1128, %mul3A_1129 : vector<16xf32>
          %mul3A_1131 = arith.mulf %get3A_1107, %get3A_97 : vector<16xf32>
          %mul3A_1132 = arith.mulf %get3A_1111, %get3A_99 : vector<16xf32>
          %add3A_1133 = arith.addf %mul3A_1131, %mul3A_1132 : vector<16xf32>
          %add3A_1134 = arith.addf %add3A_1130, %add3A_1133 : vector<16xf32>
          %mul3A_1135 = arith.mulf %get3A_1115, %get3A_101 : vector<16xf32>
          %mul3A_1136 = arith.mulf %get3A_1119, %get3A_103 : vector<16xf32>
          %add3A_1137 = arith.addf %mul3A_1135, %mul3A_1136 : vector<16xf32>
          %mul3A_1138 = arith.mulf %get3A_1123, %get3A_105 : vector<16xf32>
          %mul3A_1139 = arith.mulf %get3A_1127, %get3A_107 : vector<16xf32>
          %add3A_1140 = arith.addf %mul3A_1138, %mul3A_1139 : vector<16xf32>
          %add3A_1141 = arith.addf %add3A_1137, %add3A_1140 : vector<16xf32>
          %mul3A_1142 = arith.mulf %get3A_1099, %get3A_1099 : vector<16xf32>
          %mul3A_1143 = arith.mulf %get3A_1103, %get3A_1103 : vector<16xf32>
          %add3A_1144 = arith.addf %mul3A_1142, %mul3A_1143 : vector<16xf32>
          %mul3A_1145 = arith.mulf %get3A_1107, %get3A_1107 : vector<16xf32>
          %mul3A_1146 = arith.mulf %get3A_1111, %get3A_1111 : vector<16xf32>
          %add3A_1147 = arith.addf %mul3A_1145, %mul3A_1146 : vector<16xf32>
          %add3A_1148 = arith.addf %add3A_1144, %add3A_1147 : vector<16xf32>
          %mul3A_1149 = arith.mulf %get3A_1115, %get3A_1115 : vector<16xf32>
          %mul3A_1150 = arith.mulf %get3A_1119, %get3A_1119 : vector<16xf32>
          %add3A_1151 = arith.addf %mul3A_1149, %mul3A_1150 : vector<16xf32>
          %mul3A_1152 = arith.mulf %get3A_1123, %get3A_1123 : vector<16xf32>
          %mul3A_1153 = arith.mulf %get3A_1127, %get3A_1127 : vector<16xf32>
          %add3A_1154 = arith.addf %mul3A_1152, %mul3A_1153 : vector<16xf32>
          %add3A_1155 = arith.addf %add3A_1151, %add3A_1154 : vector<16xf32>
          %add3A_1156 = arith.addf %add3A_1134, %add3A_1141 : vector<16xf32>
          %swap3A_1157 = arith.constant 221 : index
          %swap3A_1158 = tpu.vector_load %arg18[%swap3A_1157] {strides = array<i32>} : memref<272xf32, #tpu.memory_space<vmem>>, vector<16xf32>,
          tpu.vector_store %arg18[%swap3A_1157], %add3A_1156 {strides = array<i32>} : memref<272xf32, #tpu.memory_space<vmem>>, vector<16xf32>,
          %add3A_1159 = arith.addf %add3A_1148, %add3A_1155 : vector<16xf32>
          %swap3A_1160 = arith.constant 221 : index
          %swap3A_1161 = tpu.vector_load %arg19[%swap3A_1160] {strides = array<i32>} : memref<272xf32, #tpu.memory_space<vmem>>, vector<16xf32>,
          tpu.vector_store %arg19[%swap3A_1160], %add3A_1159 {strides = array<i32>} : memref<272xf32, #tpu.memory_space<vmem>>, vector<16xf32>,
          %add3A_1162 = arith.constant 14 : i32
          %add3A_1163 = arith.addi %mul3A_181, %add3A_1162 : i32
          %mul3A_1164 = arith.constant 128 : i32
          %mul3A_1165 = arith.muli %add3A_1163, %mul3A_1164 : i32
          %add3A_1166 = arith.constant 0 : i32
          %add3A_1167 = arith.addi %mul3A_1165, %add3A_1166 : i32
          %get3A_1168 = arith.index_cast %add3A_1167 : i32 to index
          %get3A_1169 = tpu.vector_load %arg13[%get3A_1168] {strides = array<i32>} : memref<28672xf32, #tpu.memory_space<vmem>>, vector<16xf32>,
          %add3A_1170 = arith.constant 16 : i32
          %add3A_1171 = arith.addi %mul3A_1165, %add3A_1170 : i32
          %get3A_1172 = arith.index_cast %add3A_1171 : i32 to index
          %get3A_1173 = tpu.vector_load %arg13[%get3A_1172] {strides = array<i32>} : memref<28672xf32, #tpu.memory_space<vmem>>, vector<16xf32>,
          %add3A_1174 = arith.constant 32 : i32
          %add3A_1175 = arith.addi %mul3A_1165, %add3A_1174 : i32
          %get3A_1176 = arith.index_cast %add3A_1175 : i32 to index
          %get3A_1177 = tpu.vector_load %arg13[%get3A_1176] {strides = array<i32>} : memref<28672xf32, #tpu.memory_space<vmem>>, vector<16xf32>,
          %add3A_1178 = arith.constant 48 : i32
          %add3A_1179 = arith.addi %mul3A_1165, %add3A_1178 : i32
          %get3A_1180 = arith.index_cast %add3A_1179 : i32 to index
          %get3A_1181 = tpu.vector_load %arg13[%get3A_1180] {strides = array<i32>} : memref<28672xf32, #tpu.memory_space<vmem>>, vector<16xf32>,
          %add3A_1182 = arith.constant 64 : i32
          %add3A_1183 = arith.addi %mul3A_1165, %add3A_1182 : i32
          %get3A_1184 = arith.index_cast %add3A_1183 : i32 to index
          %get3A_1185 = tpu.vector_load %arg13[%get3A_1184] {strides = array<i32>} : memref<28672xf32, #tpu.memory_space<vmem>>, vector<16xf32>,
          %add3A_1186 = arith.constant 80 : i32
          %add3A_1187 = arith.addi %mul3A_1165, %add3A_1186 : i32
          %get3A_1188 = arith.index_cast %add3A_1187 : i32 to index
          %get3A_1189 = tpu.vector_load %arg13[%get3A_1188] {strides = array<i32>} : memref<28672xf32, #tpu.memory_space<vmem>>, vector<16xf32>,
          %add3A_1190 = arith.constant 96 : i32
          %add3A_1191 = arith.addi %mul3A_1165, %add3A_1190 : i32
          %get3A_1192 = arith.index_cast %add3A_1191 : i32 to index
          %get3A_1193 = tpu.vector_load %arg13[%get3A_1192] {strides = array<i32>} : memref<28672xf32, #tpu.memory_space<vmem>>, vector<16xf32>,
          %add3A_1194 = arith.constant 112 : i32
          %add3A_1195 = arith.addi %mul3A_1165, %add3A_1194 : i32
          %get3A_1196 = arith.index_cast %add3A_1195 : i32 to index
          %get3A_1197 = tpu.vector_load %arg13[%get3A_1196] {strides = array<i32>} : memref<28672xf32, #tpu.memory_space<vmem>>, vector<16xf32>,
          %mul3A_1198 = arith.mulf %get3A_1169, %get3A_93 : vector<16xf32>
          %mul3A_1199 = arith.mulf %get3A_1173, %get3A_95 : vector<16xf32>
          %add3A_1200 = arith.addf %mul3A_1198, %mul3A_1199 : vector<16xf32>
          %mul3A_1201 = arith.mulf %get3A_1177, %get3A_97 : vector<16xf32>
          %mul3A_1202 = arith.mulf %get3A_1181, %get3A_99 : vector<16xf32>
          %add3A_1203 = arith.addf %mul3A_1201, %mul3A_1202 : vector<16xf32>
          %add3A_1204 = arith.addf %add3A_1200, %add3A_1203 : vector<16xf32>
          %mul3A_1205 = arith.mulf %get3A_1185, %get3A_101 : vector<16xf32>
          %mul3A_1206 = arith.mulf %get3A_1189, %get3A_103 : vector<16xf32>
          %add3A_1207 = arith.addf %mul3A_1205, %mul3A_1206 : vector<16xf32>
          %mul3A_1208 = arith.mulf %get3A_1193, %get3A_105 : vector<16xf32>
          %mul3A_1209 = arith.mulf %get3A_1197, %get3A_107 : vector<16xf32>
          %add3A_1210 = arith.addf %mul3A_1208, %mul3A_1209 : vector<16xf32>
          %add3A_1211 = arith.addf %add3A_1207, %add3A_1210 : vector<16xf32>
          %mul3A_1212 = arith.mulf %get3A_1169, %get3A_1169 : vector<16xf32>
          %mul3A_1213 = arith.mulf %get3A_1173, %get3A_1173 : vector<16xf32>
          %add3A_1214 = arith.addf %mul3A_1212, %mul3A_1213 : vector<16xf32>
          %mul3A_1215 = arith.mulf %get3A_1177, %get3A_1177 : vector<16xf32>
          %mul3A_1216 = arith.mulf %get3A_1181, %get3A_1181 : vector<16xf32>
          %add3A_1217 = arith.addf %mul3A_1215, %mul3A_1216 : vector<16xf32>
          %add3A_1218 = arith.addf %add3A_1214, %add3A_1217 : vector<16xf32>
          %mul3A_1219 = arith.mulf %get3A_1185, %get3A_1185 : vector<16xf32>
          %mul3A_1220 = arith.mulf %get3A_1189, %get3A_1189 : vector<16xf32>
          %add3A_1221 = arith.addf %mul3A_1219, %mul3A_1220 : vector<16xf32>
          %mul3A_1222 = arith.mulf %get3A_1193, %get3A_1193 : vector<16xf32>
          %mul3A_1223 = arith.mulf %get3A_1197, %get3A_1197 : vector<16xf32>
          %add3A_1224 = arith.addf %mul3A_1222, %mul3A_1223 : vector<16xf32>
          %add3A_1225 = arith.addf %add3A_1221, %add3A_1224 : vector<16xf32>
          %add3A_1226 = arith.addf %add3A_1204, %add3A_1211 : vector<16xf32>
          %swap3A_1227 = arith.constant 238 : index
          %swap3A_1228 = tpu.vector_load %arg18[%swap3A_1227] {strides = array<i32>} : memref<272xf32, #tpu.memory_space<vmem>>, vector<16xf32>,
          tpu.vector_store %arg18[%swap3A_1227], %add3A_1226 {strides = array<i32>} : memref<272xf32, #tpu.memory_space<vmem>>, vector<16xf32>,
          %add3A_1229 = arith.addf %add3A_1218, %add3A_1225 : vector<16xf32>
          %swap3A_1230 = arith.constant 238 : index
          %swap3A_1231 = tpu.vector_load %arg19[%swap3A_1230] {strides = array<i32>} : memref<272xf32, #tpu.memory_space<vmem>>, vector<16xf32>,
          tpu.vector_store %arg19[%swap3A_1230], %add3A_1229 {strides = array<i32>} : memref<272xf32, #tpu.memory_space<vmem>>, vector<16xf32>,
          %add3A_1232 = arith.constant 15 : i32
          %add3A_1233 = arith.addi %mul3A_181, %add3A_1232 : i32
          %mul3A_1234 = arith.constant 128 : i32
          %mul3A_1235 = arith.muli %add3A_1233, %mul3A_1234 : i32
          %add3A_1236 = arith.constant 0 : i32
          %add3A_1237 = arith.addi %mul3A_1235, %add3A_1236 : i32
          %get3A_1238 = arith.index_cast %add3A_1237 : i32 to index
          %get3A_1239 = tpu.vector_load %arg13[%get3A_1238] {strides = array<i32>} : memref<28672xf32, #tpu.memory_space<vmem>>, vector<16xf32>,
          %add3A_1240 = arith.constant 16 : i32
          %add3A_1241 = arith.addi %mul3A_1235, %add3A_1240 : i32
          %get3A_1242 = arith.index_cast %add3A_1241 : i32 to index
          %get3A_1243 = tpu.vector_load %arg13[%get3A_1242] {strides = array<i32>} : memref<28672xf32, #tpu.memory_space<vmem>>, vector<16xf32>,
          %add3A_1244 = arith.constant 32 : i32
          %add3A_1245 = arith.addi %mul3A_1235, %add3A_1244 : i32
          %get3A_1246 = arith.index_cast %add3A_1245 : i32 to index
          %get3A_1247 = tpu.vector_load %arg13[%get3A_1246] {strides = array<i32>} : memref<28672xf32, #tpu.memory_space<vmem>>, vector<16xf32>,
          %add3A_1248 = arith.constant 48 : i32
          %add3A_1249 = arith.addi %mul3A_1235, %add3A_1248 : i32
          %get3A_1250 = arith.index_cast %add3A_1249 : i32 to index
          %get3A_1251 = tpu.vector_load %arg13[%get3A_1250] {strides = array<i32>} : memref<28672xf32, #tpu.memory_space<vmem>>, vector<16xf32>,
          %add3A_1252 = arith.constant 64 : i32
          %add3A_1253 = arith.addi %mul3A_1235, %add3A_1252 : i32
          %get3A_1254 = arith.index_cast %add3A_1253 : i32 to index
          %get3A_1255 = tpu.vector_load %arg13[%get3A_1254] {strides = array<i32>} : memref<28672xf32, #tpu.memory_space<vmem>>, vector<16xf32>,
          %add3A_1256 = arith.constant 80 : i32
          %add3A_1257 = arith.addi %mul3A_1235, %add3A_1256 : i32
          %get3A_1258 = arith.index_cast %add3A_1257 : i32 to index
          %get3A_1259 = tpu.vector_load %arg13[%get3A_1258] {strides = array<i32>} : memref<28672xf32, #tpu.memory_space<vmem>>, vector<16xf32>,
          %add3A_1260 = arith.constant 96 : i32
          %add3A_1261 = arith.addi %mul3A_1235, %add3A_1260 : i32
          %get3A_1262 = arith.index_cast %add3A_1261 : i32 to index
          %get3A_1263 = tpu.vector_load %arg13[%get3A_1262] {strides = array<i32>} : memref<28672xf32, #tpu.memory_space<vmem>>, vector<16xf32>,
          %add3A_1264 = arith.constant 112 : i32
          %add3A_1265 = arith.addi %mul3A_1235, %add3A_1264 : i32
          %get3A_1266 = arith.index_cast %add3A_1265 : i32 to index
          %get3A_1267 = tpu.vector_load %arg13[%get3A_1266] {strides = array<i32>} : memref<28672xf32, #tpu.memory_space<vmem>>, vector<16xf32>,
          %mul3A_1268 = arith.mulf %get3A_1239, %get3A_93 : vector<16xf32>
          %mul3A_1269 = arith.mulf %get3A_1243, %get3A_95 : vector<16xf32>
          %add3A_1270 = arith.addf %mul3A_1268, %mul3A_1269 : vector<16xf32>
          %mul3A_1271 = arith.mulf %get3A_1247, %get3A_97 : vector<16xf32>
          %mul3A_1272 = arith.mulf %get3A_1251, %get3A_99 : vector<16xf32>
          %add3A_1273 = arith.addf %mul3A_1271, %mul3A_1272 : vector<16xf32>
          %add3A_1274 = arith.addf %add3A_1270, %add3A_1273 : vector<16xf32>
          %mul3A_1275 = arith.mulf %get3A_1255, %get3A_101 : vector<16xf32>
          %mul3A_1276 = arith.mulf %get3A_1259, %get3A_103 : vector<16xf32>
          %add3A_1277 = arith.addf %mul3A_1275, %mul3A_1276 : vector<16xf32>
          %mul3A_1278 = arith.mulf %get3A_1263, %get3A_105 : vector<16xf32>
          %mul3A_1279 = arith.mulf %get3A_1267, %get3A_107 : vector<16xf32>
          %add3A_1280 = arith.addf %mul3A_1278, %mul3A_1279 : vector<16xf32>
          %add3A_1281 = arith.addf %add3A_1277, %add3A_1280 : vector<16xf32>
          %mul3A_1282 = arith.mulf %get3A_1239, %get3A_1239 : vector<16xf32>
          %mul3A_1283 = arith.mulf %get3A_1243, %get3A_1243 : vector<16xf32>
          %add3A_1284 = arith.addf %mul3A_1282, %mul3A_1283 : vector<16xf32>
          %mul3A_1285 = arith.mulf %get3A_1247, %get3A_1247 : vector<16xf32>
          %mul3A_1286 = arith.mulf %get3A_1251, %get3A_1251 : vector<16xf32>
          %add3A_1287 = arith.addf %mul3A_1285, %mul3A_1286 : vector<16xf32>
          %add3A_1288 = arith.addf %add3A_1284, %add3A_1287 : vector<16xf32>
          %mul3A_1289 = arith.mulf %get3A_1255, %get3A_1255 : vector<16xf32>
          %mul3A_1290 = arith.mulf %get3A_1259, %get3A_1259 : vector<16xf32>
          %add3A_1291 = arith.addf %mul3A_1289, %mul3A_1290 : vector<16xf32>
          %mul3A_1292 = arith.mulf %get3A_1263, %get3A_1263 : vector<16xf32>
          %mul3A_1293 = arith.mulf %get3A_1267, %get3A_1267 : vector<16xf32>
          %add3A_1294 = arith.addf %mul3A_1292, %mul3A_1293 : vector<16xf32>
          %add3A_1295 = arith.addf %add3A_1291, %add3A_1294 : vector<16xf32>
          %add3A_1296 = arith.addf %add3A_1274, %add3A_1281 : vector<16xf32>
          %swap3A_1297 = arith.constant 255 : index
          %swap3A_1298 = tpu.vector_load %arg18[%swap3A_1297] {strides = array<i32>} : memref<272xf32, #tpu.memory_space<vmem>>, vector<16xf32>,
          tpu.vector_store %arg18[%swap3A_1297], %add3A_1296 {strides = array<i32>} : memref<272xf32, #tpu.memory_space<vmem>>, vector<16xf32>,
          %add3A_1299 = arith.addf %add3A_1288, %add3A_1295 : vector<16xf32>
          %swap3A_1300 = arith.constant 255 : index
          %swap3A_1301 = tpu.vector_load %arg19[%swap3A_1300] {strides = array<i32>} : memref<272xf32, #tpu.memory_space<vmem>>, vector<16xf32>,
          tpu.vector_store %arg19[%swap3A_1300], %add3A_1299 {strides = array<i32>} : memref<272xf32, #tpu.memory_space<vmem>>, vector<16xf32>,
          %mul3A_1302 = arith.constant 17 : i32
          %mul3A_1303 = vector.broadcast %mul3A_1302 : i32 to vector<16xi32>
          %mul3A_1304 = arith.muli %iota3A, %mul3A_1303 : vector<16xi32>
          %add3A_1305 = arith.constant 0 : i32
          %add3A_1306 = vector.broadcast %add3A_1305 : i32 to vector<16xi32>
          %add3A_1307 = arith.addi %mul3A_1304, %add3A_1306 : vector<16xi32>
          %gather3A = tpu.vector_load_idx %arg18[%add3A_1307] : memref<272xf32, #tpu.memory_space<vmem>>[vector<16xi32>], vector<16xf32>,
          %add3A_1308 = arith.constant 0 : i32
          %add3A_1309 = vector.broadcast %add3A_1308 : i32 to vector<16xi32>
          %add3A_1310 = arith.addi %mul3A_1304, %add3A_1309 : vector<16xi32>
          %gather3A_1311 = tpu.vector_load_idx %arg19[%add3A_1310] : memref<272xf32, #tpu.memory_space<vmem>>[vector<16xi32>], vector<16xf32>,
          %add3A_1312 = arith.constant 1 : i32
          %add3A_1313 = vector.broadcast %add3A_1312 : i32 to vector<16xi32>
          %add3A_1314 = arith.addi %mul3A_1304, %add3A_1313 : vector<16xi32>
          %gather3A_1315 = tpu.vector_load_idx %arg18[%add3A_1314] : memref<272xf32, #tpu.memory_space<vmem>>[vector<16xi32>], vector<16xf32>,
          %add3A_1316 = arith.constant 1 : i32
          %add3A_1317 = vector.broadcast %add3A_1316 : i32 to vector<16xi32>
          %add3A_1318 = arith.addi %mul3A_1304, %add3A_1317 : vector<16xi32>
          %gather3A_1319 = tpu.vector_load_idx %arg19[%add3A_1318] : memref<272xf32, #tpu.memory_space<vmem>>[vector<16xi32>], vector<16xf32>,
          %add3A_1320 = arith.constant 2 : i32
          %add3A_1321 = vector.broadcast %add3A_1320 : i32 to vector<16xi32>
          %add3A_1322 = arith.addi %mul3A_1304, %add3A_1321 : vector<16xi32>
          %gather3A_1323 = tpu.vector_load_idx %arg18[%add3A_1322] : memref<272xf32, #tpu.memory_space<vmem>>[vector<16xi32>], vector<16xf32>,
          %add3A_1324 = arith.constant 2 : i32
          %add3A_1325 = vector.broadcast %add3A_1324 : i32 to vector<16xi32>
          %add3A_1326 = arith.addi %mul3A_1304, %add3A_1325 : vector<16xi32>
          %gather3A_1327 = tpu.vector_load_idx %arg19[%add3A_1326] : memref<272xf32, #tpu.memory_space<vmem>>[vector<16xi32>], vector<16xf32>,
          %add3A_1328 = arith.constant 3 : i32
          %add3A_1329 = vector.broadcast %add3A_1328 : i32 to vector<16xi32>
          %add3A_1330 = arith.addi %mul3A_1304, %add3A_1329 : vector<16xi32>
          %gather3A_1331 = tpu.vector_load_idx %arg18[%add3A_1330] : memref<272xf32, #tpu.memory_space<vmem>>[vector<16xi32>], vector<16xf32>,
          %add3A_1332 = arith.constant 3 : i32
          %add3A_1333 = vector.broadcast %add3A_1332 : i32 to vector<16xi32>
          %add3A_1334 = arith.addi %mul3A_1304, %add3A_1333 : vector<16xi32>
          %gather3A_1335 = tpu.vector_load_idx %arg19[%add3A_1334] : memref<272xf32, #tpu.memory_space<vmem>>[vector<16xi32>], vector<16xf32>,
          %add3A_1336 = arith.constant 4 : i32
          %add3A_1337 = vector.broadcast %add3A_1336 : i32 to vector<16xi32>
          %add3A_1338 = arith.addi %mul3A_1304, %add3A_1337 : vector<16xi32>
          %gather3A_1339 = tpu.vector_load_idx %arg18[%add3A_1338] : memref<272xf32, #tpu.memory_space<vmem>>[vector<16xi32>], vector<16xf32>,
          %add3A_1340 = arith.constant 4 : i32
          %add3A_1341 = vector.broadcast %add3A_1340 : i32 to vector<16xi32>
          %add3A_1342 = arith.addi %mul3A_1304, %add3A_1341 : vector<16xi32>
          %gather3A_1343 = tpu.vector_load_idx %arg19[%add3A_1342] : memref<272xf32, #tpu.memory_space<vmem>>[vector<16xi32>], vector<16xf32>,
          %add3A_1344 = arith.addf %gather3A, %gather3A_1339 : vector<16xf32>
          %add3A_1345 = arith.addf %gather3A_1311, %gather3A_1343 : vector<16xf32>
          %add3A_1346 = arith.constant 5 : i32
          %add3A_1347 = vector.broadcast %add3A_1346 : i32 to vector<16xi32>
          %add3A_1348 = arith.addi %mul3A_1304, %add3A_1347 : vector<16xi32>
          %gather3A_1349 = tpu.vector_load_idx %arg18[%add3A_1348] : memref<272xf32, #tpu.memory_space<vmem>>[vector<16xi32>], vector<16xf32>,
          %add3A_1350 = arith.constant 5 : i32
          %add3A_1351 = vector.broadcast %add3A_1350 : i32 to vector<16xi32>
          %add3A_1352 = arith.addi %mul3A_1304, %add3A_1351 : vector<16xi32>
          %gather3A_1353 = tpu.vector_load_idx %arg19[%add3A_1352] : memref<272xf32, #tpu.memory_space<vmem>>[vector<16xi32>], vector<16xf32>,
          %add3A_1354 = arith.addf %gather3A_1315, %gather3A_1349 : vector<16xf32>
          %add3A_1355 = arith.addf %gather3A_1319, %gather3A_1353 : vector<16xf32>
          %add3A_1356 = arith.constant 6 : i32
          %add3A_1357 = vector.broadcast %add3A_1356 : i32 to vector<16xi32>
          %add3A_1358 = arith.addi %mul3A_1304, %add3A_1357 : vector<16xi32>
          %gather3A_1359 = tpu.vector_load_idx %arg18[%add3A_1358] : memref<272xf32, #tpu.memory_space<vmem>>[vector<16xi32>], vector<16xf32>,
          %add3A_1360 = arith.constant 6 : i32
          %add3A_1361 = vector.broadcast %add3A_1360 : i32 to vector<16xi32>
          %add3A_1362 = arith.addi %mul3A_1304, %add3A_1361 : vector<16xi32>
          %gather3A_1363 = tpu.vector_load_idx %arg19[%add3A_1362] : memref<272xf32, #tpu.memory_space<vmem>>[vector<16xi32>], vector<16xf32>,
          %add3A_1364 = arith.addf %gather3A_1323, %gather3A_1359 : vector<16xf32>
          %add3A_1365 = arith.addf %gather3A_1327, %gather3A_1363 : vector<16xf32>
          %add3A_1366 = arith.constant 7 : i32
          %add3A_1367 = vector.broadcast %add3A_1366 : i32 to vector<16xi32>
          %add3A_1368 = arith.addi %mul3A_1304, %add3A_1367 : vector<16xi32>
          %gather3A_1369 = tpu.vector_load_idx %arg18[%add3A_1368] : memref<272xf32, #tpu.memory_space<vmem>>[vector<16xi32>], vector<16xf32>,
          %add3A_1370 = arith.constant 7 : i32
          %add3A_1371 = vector.broadcast %add3A_1370 : i32 to vector<16xi32>
          %add3A_1372 = arith.addi %mul3A_1304, %add3A_1371 : vector<16xi32>
          %gather3A_1373 = tpu.vector_load_idx %arg19[%add3A_1372] : memref<272xf32, #tpu.memory_space<vmem>>[vector<16xi32>], vector<16xf32>,
          %add3A_1374 = arith.addf %gather3A_1331, %gather3A_1369 : vector<16xf32>
          %add3A_1375 = arith.addf %gather3A_1335, %gather3A_1373 : vector<16xf32>
          %add3A_1376 = arith.constant 8 : i32
          %add3A_1377 = vector.broadcast %add3A_1376 : i32 to vector<16xi32>
          %add3A_1378 = arith.addi %mul3A_1304, %add3A_1377 : vector<16xi32>
          %gather3A_1379 = tpu.vector_load_idx %arg18[%add3A_1378] : memref<272xf32, #tpu.memory_space<vmem>>[vector<16xi32>], vector<16xf32>,
          %add3A_1380 = arith.constant 8 : i32
          %add3A_1381 = vector.broadcast %add3A_1380 : i32 to vector<16xi32>
          %add3A_1382 = arith.addi %mul3A_1304, %add3A_1381 : vector<16xi32>
          %gather3A_1383 = tpu.vector_load_idx %arg19[%add3A_1382] : memref<272xf32, #tpu.memory_space<vmem>>[vector<16xi32>], vector<16xf32>,
          %add3A_1384 = arith.addf %add3A_1344, %gather3A_1379 : vector<16xf32>
          %add3A_1385 = arith.addf %add3A_1345, %gather3A_1383 : vector<16xf32>
          %add3A_1386 = arith.constant 9 : i32
          %add3A_1387 = vector.broadcast %add3A_1386 : i32 to vector<16xi32>
          %add3A_1388 = arith.addi %mul3A_1304, %add3A_1387 : vector<16xi32>
          %gather3A_1389 = tpu.vector_load_idx %arg18[%add3A_1388] : memref<272xf32, #tpu.memory_space<vmem>>[vector<16xi32>], vector<16xf32>,
          %add3A_1390 = arith.constant 9 : i32
          %add3A_1391 = vector.broadcast %add3A_1390 : i32 to vector<16xi32>
          %add3A_1392 = arith.addi %mul3A_1304, %add3A_1391 : vector<16xi32>
          %gather3A_1393 = tpu.vector_load_idx %arg19[%add3A_1392] : memref<272xf32, #tpu.memory_space<vmem>>[vector<16xi32>], vector<16xf32>,
          %add3A_1394 = arith.addf %add3A_1354, %gather3A_1389 : vector<16xf32>
          %add3A_1395 = arith.addf %add3A_1355, %gather3A_1393 : vector<16xf32>
          %add3A_1396 = arith.constant 10 : i32
          %add3A_1397 = vector.broadcast %add3A_1396 : i32 to vector<16xi32>
          %add3A_1398 = arith.addi %mul3A_1304, %add3A_1397 : vector<16xi32>
          %gather3A_1399 = tpu.vector_load_idx %arg18[%add3A_1398] : memref<272xf32, #tpu.memory_space<vmem>>[vector<16xi32>], vector<16xf32>,
          %add3A_1400 = arith.constant 10 : i32
          %add3A_1401 = vector.broadcast %add3A_1400 : i32 to vector<16xi32>
          %add3A_1402 = arith.addi %mul3A_1304, %add3A_1401 : vector<16xi32>
          %gather3A_1403 = tpu.vector_load_idx %arg19[%add3A_1402] : memref<272xf32, #tpu.memory_space<vmem>>[vector<16xi32>], vector<16xf32>,
          %add3A_1404 = arith.addf %add3A_1364, %gather3A_1399 : vector<16xf32>
          %add3A_1405 = arith.addf %add3A_1365, %gather3A_1403 : vector<16xf32>
          %add3A_1406 = arith.constant 11 : i32
          %add3A_1407 = vector.broadcast %add3A_1406 : i32 to vector<16xi32>
          %add3A_1408 = arith.addi %mul3A_1304, %add3A_1407 : vector<16xi32>
          %gather3A_1409 = tpu.vector_load_idx %arg18[%add3A_1408] : memref<272xf32, #tpu.memory_space<vmem>>[vector<16xi32>], vector<16xf32>,
          %add3A_1410 = arith.constant 11 : i32
          %add3A_1411 = vector.broadcast %add3A_1410 : i32 to vector<16xi32>
          %add3A_1412 = arith.addi %mul3A_1304, %add3A_1411 : vector<16xi32>
          %gather3A_1413 = tpu.vector_load_idx %arg19[%add3A_1412] : memref<272xf32, #tpu.memory_space<vmem>>[vector<16xi32>], vector<16xf32>,
          %add3A_1414 = arith.addf %add3A_1374, %gather3A_1409 : vector<16xf32>
          %add3A_1415 = arith.addf %add3A_1375, %gather3A_1413 : vector<16xf32>
          %add3A_1416 = arith.constant 12 : i32
          %add3A_1417 = vector.broadcast %add3A_1416 : i32 to vector<16xi32>
          %add3A_1418 = arith.addi %mul3A_1304, %add3A_1417 : vector<16xi32>
          %gather3A_1419 = tpu.vector_load_idx %arg18[%add3A_1418] : memref<272xf32, #tpu.memory_space<vmem>>[vector<16xi32>], vector<16xf32>,
          %add3A_1420 = arith.constant 12 : i32
          %add3A_1421 = vector.broadcast %add3A_1420 : i32 to vector<16xi32>
          %add3A_1422 = arith.addi %mul3A_1304, %add3A_1421 : vector<16xi32>
          %gather3A_1423 = tpu.vector_load_idx %arg19[%add3A_1422] : memref<272xf32, #tpu.memory_space<vmem>>[vector<16xi32>], vector<16xf32>,
          %add3A_1424 = arith.addf %add3A_1384, %gather3A_1419 : vector<16xf32>
          %add3A_1425 = arith.addf %add3A_1385, %gather3A_1423 : vector<16xf32>
          %add3A_1426 = arith.constant 13 : i32
          %add3A_1427 = vector.broadcast %add3A_1426 : i32 to vector<16xi32>
          %add3A_1428 = arith.addi %mul3A_1304, %add3A_1427 : vector<16xi32>
          %gather3A_1429 = tpu.vector_load_idx %arg18[%add3A_1428] : memref<272xf32, #tpu.memory_space<vmem>>[vector<16xi32>], vector<16xf32>,
          %add3A_1430 = arith.constant 13 : i32
          %add3A_1431 = vector.broadcast %add3A_1430 : i32 to vector<16xi32>
          %add3A_1432 = arith.addi %mul3A_1304, %add3A_1431 : vector<16xi32>
          %gather3A_1433 = tpu.vector_load_idx %arg19[%add3A_1432] : memref<272xf32, #tpu.memory_space<vmem>>[vector<16xi32>], vector<16xf32>,
          %add3A_1434 = arith.addf %add3A_1394, %gather3A_1429 : vector<16xf32>
          %add3A_1435 = arith.addf %add3A_1395, %gather3A_1433 : vector<16xf32>
          %add3A_1436 = arith.constant 14 : i32
          %add3A_1437 = vector.broadcast %add3A_1436 : i32 to vector<16xi32>
          %add3A_1438 = arith.addi %mul3A_1304, %add3A_1437 : vector<16xi32>
          %gather3A_1439 = tpu.vector_load_idx %arg18[%add3A_1438] : memref<272xf32, #tpu.memory_space<vmem>>[vector<16xi32>], vector<16xf32>,
          %add3A_1440 = arith.constant 14 : i32
          %add3A_1441 = vector.broadcast %add3A_1440 : i32 to vector<16xi32>
          %add3A_1442 = arith.addi %mul3A_1304, %add3A_1441 : vector<16xi32>
          %gather3A_1443 = tpu.vector_load_idx %arg19[%add3A_1442] : memref<272xf32, #tpu.memory_space<vmem>>[vector<16xi32>], vector<16xf32>,
          %add3A_1444 = arith.addf %add3A_1404, %gather3A_1439 : vector<16xf32>
          %add3A_1445 = arith.addf %add3A_1405, %gather3A_1443 : vector<16xf32>
          %add3A_1446 = arith.constant 15 : i32
          %add3A_1447 = vector.broadcast %add3A_1446 : i32 to vector<16xi32>
          %add3A_1448 = arith.addi %mul3A_1304, %add3A_1447 : vector<16xi32>
          %gather3A_1449 = tpu.vector_load_idx %arg18[%add3A_1448] : memref<272xf32, #tpu.memory_space<vmem>>[vector<16xi32>], vector<16xf32>,
          %add3A_1450 = arith.constant 15 : i32
          %add3A_1451 = vector.broadcast %add3A_1450 : i32 to vector<16xi32>
          %add3A_1452 = arith.addi %mul3A_1304, %add3A_1451 : vector<16xi32>
          %gather3A_1453 = tpu.vector_load_idx %arg19[%add3A_1452] : memref<272xf32, #tpu.memory_space<vmem>>[vector<16xi32>], vector<16xf32>,
          %add3A_1454 = arith.addf %add3A_1414, %gather3A_1449 : vector<16xf32>
          %add3A_1455 = arith.addf %add3A_1415, %gather3A_1453 : vector<16xf32>
          %add3A_1456 = arith.addf %add3A_1424, %add3A_1434 : vector<16xf32>
          %add3A_1457 = arith.addf %add3A_1444, %add3A_1454 : vector<16xf32>
          %add3A_1458 = arith.addf %add3A_1456, %add3A_1457 : vector<16xf32>
          %add3A_1459 = arith.addf %add3A_1425, %add3A_1435 : vector<16xf32>
          %add3A_1460 = arith.addf %add3A_1445, %add3A_1455 : vector<16xf32>
          %add3A_1461 = arith.addf %add3A_1459, %add3A_1460 : vector<16xf32>
          %max3A = arith.constant 1.000000e-24 : f32
          %max3A_1462 = vector.broadcast %max3A : f32 to vector<16xf32>
          %max3A_1463 = arith.maximumf %add3A_1461, %max3A_1462 : vector<16xf32>
          %bitcast3A = vector.bitcast %max3A_1463 : vector<16xf32> to vector<16xi32>
          %shift_right_arithmetic3A = arith.constant 1 : i32
          %shift_right_arithmetic3A_1464 = vector.broadcast %shift_right_arithmetic3A : i32 to vector<16xi32>
          %shift_right_arithmetic3A_1465 = arith.shrsi %bitcast3A, %shift_right_arithmetic3A_1464 : vector<16xi32>
          %sub3A = arith.constant 1597463007 : i32
          %sub3A_1466 = vector.broadcast %sub3A : i32 to vector<16xi32>
          %sub3A_1467 = arith.subi %sub3A_1466, %shift_right_arithmetic3A_1465 : vector<16xi32>
          %bitcast3A_1468 = vector.bitcast %sub3A_1467 : vector<16xi32> to vector<16xf32>
          %mul3A_1469 = arith.constant 5.000000e-01 : f32
          %mul3A_1470 = vector.broadcast %mul3A_1469 : f32 to vector<16xf32>
          %mul3A_1471 = arith.mulf %mul3A_1470, %max3A_1463 : vector<16xf32>
          %mul3A_1472 = arith.mulf %mul3A_1471, %bitcast3A_1468 : vector<16xf32>
          %mul3A_1473 = arith.mulf %mul3A_1472, %bitcast3A_1468 : vector<16xf32>
          %sub3A_1474 = arith.constant 1.500000e+00 : f32
          %sub3A_1475 = vector.broadcast %sub3A_1474 : f32 to vector<16xf32>
          %sub3A_1476 = arith.subf %sub3A_1475, %mul3A_1473 : vector<16xf32>
          %mul3A_1477 = arith.mulf %bitcast3A_1468, %sub3A_1476 : vector<16xf32>
          %mul3A_1478 = arith.constant 5.000000e-01 : f32
          %mul3A_1479 = vector.broadcast %mul3A_1478 : f32 to vector<16xf32>
          %mul3A_1480 = arith.mulf %mul3A_1479, %max3A_1463 : vector<16xf32>
          %mul3A_1481 = arith.mulf %mul3A_1480, %mul3A_1477 : vector<16xf32>
          %mul3A_1482 = arith.mulf %mul3A_1481, %mul3A_1477 : vector<16xf32>
          %sub3A_1483 = arith.constant 1.500000e+00 : f32
          %sub3A_1484 = vector.broadcast %sub3A_1483 : f32 to vector<16xf32>
          %sub3A_1485 = arith.subf %sub3A_1484, %mul3A_1482 : vector<16xf32>
          %mul3A_1486 = arith.mulf %mul3A_1477, %sub3A_1485 : vector<16xf32>
          %mul3A_1487 = arith.constant 5.000000e-01 : f32
          %mul3A_1488 = vector.broadcast %mul3A_1487 : f32 to vector<16xf32>
          %mul3A_1489 = arith.mulf %mul3A_1488, %max3A_1463 : vector<16xf32>
          %mul3A_1490 = arith.mulf %mul3A_1489, %mul3A_1486 : vector<16xf32>
          %mul3A_1491 = arith.mulf %mul3A_1490, %mul3A_1486 : vector<16xf32>
          %sub3A_1492 = arith.constant 1.500000e+00 : f32
          %sub3A_1493 = vector.broadcast %sub3A_1492 : f32 to vector<16xf32>
          %sub3A_1494 = arith.subf %sub3A_1493, %mul3A_1491 : vector<16xf32>
          %mul3A_1495 = arith.mulf %mul3A_1486, %sub3A_1494 : vector<16xf32>
          %mul3A_1496 = arith.mulf %add3A_1458, %mul3A_1495 : vector<16xf32>
          %mul3A_1497 = arith.constant 224 : i32
          %mul3A_1498 = arith.muli %scan3A_137, %mul3A_1497 : i32
          %add3A_1499 = arith.addi %mul3A_1498, %mul3A_181 : i32
          %get3A_1500 = arith.index_cast %add3A_1499 : i32 to index
          %get3A_1501 = tpu.vector_load %arg15[%get3A_1500] {strides = array<i32>} : memref<3136xf32, #tpu.memory_space<vmem>>, vector<16xf32>,
          %get3A_1502 = arith.index_cast %add3A_1499 : i32 to index
          %get3A_1503 = tpu.vector_load %arg16[%get3A_1502] {strides = array<i32>} : memref<3136xf32, #tpu.memory_space<vmem>>, vector<16xf32>,
          %abs3A = math.absf %get3A_1503 : vector<16xf32>
          %max3A_1504 = arith.constant 9.99999997E-7 : f32
          %max3A_1505 = vector.broadcast %max3A_1504 : f32 to vector<16xf32>
          %max3A_1506 = arith.maximumf %abs3A, %max3A_1505 : vector<16xf32>
          %sub3A_1507 = arith.constant 1.000000e+05 : f32
          %sub3A_1508 = vector.broadcast %sub3A_1507 : f32 to vector<16xf32>
          %sub3A_1509 = arith.subf %sub3A_1508, %get3A_1501 : vector<16xf32>
          %div3A = vector.broadcast %squeeze3A_90 : f32 to vector<16xf32>
          %div3A_1510 = arith.divf %sub3A_1509, %div3A : vector<16xf32>
          %sub3A_1511 = arith.constant 1.000000e+00 : f32
          %sub3A_1512 = vector.broadcast %sub3A_1511 : f32 to vector<16xf32>
          %sub3A_1513 = arith.subf %sub3A_1512, %div3A_1510 : vector<16xf32>
          %broadcast_in_dim3A_1514 = arith.constant 0.000000e+00 : f32
          %broadcast_in_dim3A_1515 = vector.broadcast %broadcast_in_dim3A_1514 : f32 to vector<16xf32>
          %add3A_1516 = vector.broadcast %squeeze3A_88 : f32 to vector<16xf32>
          %add3A_1517 = arith.addf %broadcast_in_dim3A_1515, %add3A_1516 : vector<16xf32>
          %mul3A_1518 = vector.broadcast %squeeze3A : f32 to vector<16xf32>
          %mul3A_1519 = arith.mulf %mul3A_1518, %mul3A_1496 : vector<16xf32>
          %mul3A_1520 = vector.broadcast %squeeze3A_10 : f32 to vector<16xf32>
          %mul3A_1521 = arith.mulf %mul3A_1520, %max3A_1506 : vector<16xf32>
          %add3A_1522 = arith.addf %mul3A_1519, %mul3A_1521 : vector<16xf32>
          %mul3A_1523 = vector.broadcast %squeeze3A_12 : f32 to vector<16xf32>
          %mul3A_1524 = arith.mulf %mul3A_1523, %sub3A_1513 : vector<16xf32>
          %add3A_1525 = arith.addf %add3A_1522, %mul3A_1524 : vector<16xf32>
          %add3A_1526 = vector.broadcast %squeeze3A_56 : f32 to vector<16xf32>
          %add3A_1527 = arith.addf %add3A_1525, %add3A_1526 : vector<16xf32>
          %max3A_1528 = arith.constant 0.000000e+00 : f32
          %max3A_1529 = vector.broadcast %max3A_1528 : f32 to vector<16xf32>
          %max3A_1530 = arith.maximumf %add3A_1527, %max3A_1529 : vector<16xf32>
          %mul3A_1531 = vector.broadcast %squeeze3A_72 : f32 to vector<16xf32>
          %mul3A_1532 = arith.mulf %mul3A_1531, %max3A_1530 : vector<16xf32>
          %add3A_1533 = arith.addf %add3A_1517, %mul3A_1532 : vector<16xf32>
          %mul3A_1534 = vector.broadcast %squeeze3A_14 : f32 to vector<16xf32>
          %mul3A_1535 = arith.mulf %mul3A_1534, %mul3A_1496 : vector<16xf32>
          %mul3A_1536 = vector.broadcast %squeeze3A_16 : f32 to vector<16xf32>
          %mul3A_1537 = arith.mulf %mul3A_1536, %max3A_1506 : vector<16xf32>
          %add3A_1538 = arith.addf %mul3A_1535, %mul3A_1537 : vector<16xf32>
          %mul3A_1539 = vector.broadcast %squeeze3A_18 : f32 to vector<16xf32>
          %mul3A_1540 = arith.mulf %mul3A_1539, %sub3A_1513 : vector<16xf32>
          %add3A_1541 = arith.addf %add3A_1538, %mul3A_1540 : vector<16xf32>
          %add3A_1542 = vector.broadcast %squeeze3A_58 : f32 to vector<16xf32>
          %add3A_1543 = arith.addf %add3A_1541, %add3A_1542 : vector<16xf32>
          %max3A_1544 = arith.constant 0.000000e+00 : f32
          %max3A_1545 = vector.broadcast %max3A_1544 : f32 to vector<16xf32>
          %max3A_1546 = arith.maximumf %add3A_1543, %max3A_1545 : vector<16xf32>
          %mul3A_1547 = vector.broadcast %squeeze3A_74 : f32 to vector<16xf32>
          %mul3A_1548 = arith.mulf %mul3A_1547, %max3A_1546 : vector<16xf32>
          %add3A_1549 = arith.addf %add3A_1533, %mul3A_1548 : vector<16xf32>
          %mul3A_1550 = vector.broadcast %squeeze3A_20 : f32 to vector<16xf32>
          %mul3A_1551 = arith.mulf %mul3A_1550, %mul3A_1496 : vector<16xf32>
          %mul3A_1552 = vector.broadcast %squeeze3A_22 : f32 to vector<16xf32>
          %mul3A_1553 = arith.mulf %mul3A_1552, %max3A_1506 : vector<16xf32>
          %add3A_1554 = arith.addf %mul3A_1551, %mul3A_1553 : vector<16xf32>
          %mul3A_1555 = vector.broadcast %squeeze3A_24 : f32 to vector<16xf32>
          %mul3A_1556 = arith.mulf %mul3A_1555, %sub3A_1513 : vector<16xf32>
          %add3A_1557 = arith.addf %add3A_1554, %mul3A_1556 : vector<16xf32>
          %add3A_1558 = vector.broadcast %squeeze3A_60 : f32 to vector<16xf32>
          %add3A_1559 = arith.addf %add3A_1557, %add3A_1558 : vector<16xf32>
          %max3A_1560 = arith.constant 0.000000e+00 : f32
          %max3A_1561 = vector.broadcast %max3A_1560 : f32 to vector<16xf32>
          %max3A_1562 = arith.maximumf %add3A_1559, %max3A_1561 : vector<16xf32>
          %mul3A_1563 = vector.broadcast %squeeze3A_76 : f32 to vector<16xf32>
          %mul3A_1564 = arith.mulf %mul3A_1563, %max3A_1562 : vector<16xf32>
          %add3A_1565 = arith.addf %add3A_1549, %mul3A_1564 : vector<16xf32>
          %mul3A_1566 = vector.broadcast %squeeze3A_26 : f32 to vector<16xf32>
          %mul3A_1567 = arith.mulf %mul3A_1566, %mul3A_1496 : vector<16xf32>
          %mul3A_1568 = vector.broadcast %squeeze3A_28 : f32 to vector<16xf32>
          %mul3A_1569 = arith.mulf %mul3A_1568, %max3A_1506 : vector<16xf32>
          %add3A_1570 = arith.addf %mul3A_1567, %mul3A_1569 : vector<16xf32>
          %mul3A_1571 = vector.broadcast %squeeze3A_30 : f32 to vector<16xf32>
          %mul3A_1572 = arith.mulf %mul3A_1571, %sub3A_1513 : vector<16xf32>
          %add3A_1573 = arith.addf %add3A_1570, %mul3A_1572 : vector<16xf32>
          %add3A_1574 = vector.broadcast %squeeze3A_62 : f32 to vector<16xf32>
          %add3A_1575 = arith.addf %add3A_1573, %add3A_1574 : vector<16xf32>
          %max3A_1576 = arith.constant 0.000000e+00 : f32
          %max3A_1577 = vector.broadcast %max3A_1576 : f32 to vector<16xf32>
          %max3A_1578 = arith.maximumf %add3A_1575, %max3A_1577 : vector<16xf32>
          %mul3A_1579 = vector.broadcast %squeeze3A_78 : f32 to vector<16xf32>
          %mul3A_1580 = arith.mulf %mul3A_1579, %max3A_1578 : vector<16xf32>
          %add3A_1581 = arith.addf %add3A_1565, %mul3A_1580 : vector<16xf32>
          %mul3A_1582 = vector.broadcast %squeeze3A_32 : f32 to vector<16xf32>
          %mul3A_1583 = arith.mulf %mul3A_1582, %mul3A_1496 : vector<16xf32>
          %mul3A_1584 = vector.broadcast %squeeze3A_34 : f32 to vector<16xf32>
          %mul3A_1585 = arith.mulf %mul3A_1584, %max3A_1506 : vector<16xf32>
          %add3A_1586 = arith.addf %mul3A_1583, %mul3A_1585 : vector<16xf32>
          %mul3A_1587 = vector.broadcast %squeeze3A_36 : f32 to vector<16xf32>
          %mul3A_1588 = arith.mulf %mul3A_1587, %sub3A_1513 : vector<16xf32>
          %add3A_1589 = arith.addf %add3A_1586, %mul3A_1588 : vector<16xf32>
          %add3A_1590 = vector.broadcast %squeeze3A_64 : f32 to vector<16xf32>
          %add3A_1591 = arith.addf %add3A_1589, %add3A_1590 : vector<16xf32>
          %max3A_1592 = arith.constant 0.000000e+00 : f32
          %max3A_1593 = vector.broadcast %max3A_1592 : f32 to vector<16xf32>
          %max3A_1594 = arith.maximumf %add3A_1591, %max3A_1593 : vector<16xf32>
          %mul3A_1595 = vector.broadcast %squeeze3A_80 : f32 to vector<16xf32>
          %mul3A_1596 = arith.mulf %mul3A_1595, %max3A_1594 : vector<16xf32>
          %add3A_1597 = arith.addf %add3A_1581, %mul3A_1596 : vector<16xf32>
          %mul3A_1598 = vector.broadcast %squeeze3A_38 : f32 to vector<16xf32>
          %mul3A_1599 = arith.mulf %mul3A_1598, %mul3A_1496 : vector<16xf32>
          %mul3A_1600 = vector.broadcast %squeeze3A_40 : f32 to vector<16xf32>
          %mul3A_1601 = arith.mulf %mul3A_1600, %max3A_1506 : vector<16xf32>
          %add3A_1602 = arith.addf %mul3A_1599, %mul3A_1601 : vector<16xf32>
          %mul3A_1603 = vector.broadcast %squeeze3A_42 : f32 to vector<16xf32>
          %mul3A_1604 = arith.mulf %mul3A_1603, %sub3A_1513 : vector<16xf32>
          %add3A_1605 = arith.addf %add3A_1602, %mul3A_1604 : vector<16xf32>
          %add3A_1606 = vector.broadcast %squeeze3A_66 : f32 to vector<16xf32>
          %add3A_1607 = arith.addf %add3A_1605, %add3A_1606 : vector<16xf32>
          %max3A_1608 = arith.constant 0.000000e+00 : f32
          %max3A_1609 = vector.broadcast %max3A_1608 : f32 to vector<16xf32>
          %max3A_1610 = arith.maximumf %add3A_1607, %max3A_1609 : vector<16xf32>
          %mul3A_1611 = vector.broadcast %squeeze3A_82 : f32 to vector<16xf32>
          %mul3A_1612 = arith.mulf %mul3A_1611, %max3A_1610 : vector<16xf32>
          %add3A_1613 = arith.addf %add3A_1597, %mul3A_1612 : vector<16xf32>
          %mul3A_1614 = vector.broadcast %squeeze3A_44 : f32 to vector<16xf32>
          %mul3A_1615 = arith.mulf %mul3A_1614, %mul3A_1496 : vector<16xf32>
          %mul3A_1616 = vector.broadcast %squeeze3A_46 : f32 to vector<16xf32>
          %mul3A_1617 = arith.mulf %mul3A_1616, %max3A_1506 : vector<16xf32>
          %add3A_1618 = arith.addf %mul3A_1615, %mul3A_1617 : vector<16xf32>
          %mul3A_1619 = vector.broadcast %squeeze3A_48 : f32 to vector<16xf32>
          %mul3A_1620 = arith.mulf %mul3A_1619, %sub3A_1513 : vector<16xf32>
          %add3A_1621 = arith.addf %add3A_1618, %mul3A_1620 : vector<16xf32>
          %add3A_1622 = vector.broadcast %squeeze3A_68 : f32 to vector<16xf32>
          %add3A_1623 = arith.addf %add3A_1621, %add3A_1622 : vector<16xf32>
          %max3A_1624 = arith.constant 0.000000e+00 : f32
          %max3A_1625 = vector.broadcast %max3A_1624 : f32 to vector<16xf32>
          %max3A_1626 = arith.maximumf %add3A_1623, %max3A_1625 : vector<16xf32>
          %mul3A_1627 = vector.broadcast %squeeze3A_84 : f32 to vector<16xf32>
          %mul3A_1628 = arith.mulf %mul3A_1627, %max3A_1626 : vector<16xf32>
          %add3A_1629 = arith.addf %add3A_1613, %mul3A_1628 : vector<16xf32>
          %mul3A_1630 = vector.broadcast %squeeze3A_50 : f32 to vector<16xf32>
          %mul3A_1631 = arith.mulf %mul3A_1630, %mul3A_1496 : vector<16xf32>
          %mul3A_1632 = vector.broadcast %squeeze3A_52 : f32 to vector<16xf32>
          %mul3A_1633 = arith.mulf %mul3A_1632, %max3A_1506 : vector<16xf32>
          %add3A_1634 = arith.addf %mul3A_1631, %mul3A_1633 : vector<16xf32>
          %mul3A_1635 = vector.broadcast %squeeze3A_54 : f32 to vector<16xf32>
          %mul3A_1636 = arith.mulf %mul3A_1635, %sub3A_1513 : vector<16xf32>
          %add3A_1637 = arith.addf %add3A_1634, %mul3A_1636 : vector<16xf32>
          %add3A_1638 = vector.broadcast %squeeze3A_70 : f32 to vector<16xf32>
          %add3A_1639 = arith.addf %add3A_1637, %add3A_1638 : vector<16xf32>
          %max3A_1640 = arith.constant 0.000000e+00 : f32
          %max3A_1641 = vector.broadcast %max3A_1640 : f32 to vector<16xf32>
          %max3A_1642 = arith.maximumf %add3A_1639, %max3A_1641 : vector<16xf32>
          %mul3A_1643 = vector.broadcast %squeeze3A_86 : f32 to vector<16xf32>
          %mul3A_1644 = arith.mulf %mul3A_1643, %max3A_1642 : vector<16xf32>
          %add3A_1645 = arith.addf %add3A_1629, %mul3A_1644 : vector<16xf32>
          %mul3A_1646 = arith.constant 224 : i32
          %mul3A_1647 = arith.muli %scan3A_137, %mul3A_1646 : i32
          %add3A_1648 = arith.addi %min3A_3, %mul3A_1647 : i32
          %add3A_1649 = arith.addi %add3A_1648, %mul3A_181 : i32
          %add3A_1650 = vector.broadcast %add3A_1649 : i32 to vector<16xi32>
          %add3A_1651 = arith.addi %add3A_1650, %iota3A : vector<16xi32>
          %gt3A = arith.cmpf ogt, %add3A_1645, %scan3A_176 : vector<16xf32>
          %select_n3A_1652 = arith.select %gt3A, %add3A_1645, %scan3A_176 : vector<16xi1>, vector<16xf32>
          %select_n3A_1653 = arith.select %gt3A, %add3A_1651, %scan3A_177 : vector<16xi1>, vector<16xi32>
          %select_n3A_1654 = arith.select %gt3A, %mul3A_1496, %scan3A_178 : vector<16xi1>, vector<16xf32>
          %select_n3A_1655 = arith.select %gt3A, %get3A_1503, %scan3A_179 : vector<16xi1>, vector<16xf32>
          scf.yield %select_n3A_1652, %select_n3A_1653, %select_n3A_1654, %select_n3A_1655 : vector<16xf32>, vector<16xi32>, vector<16xf32>, vector<16xf32>
        }
        %scan3A_174 = arith.constant 14 : i32
        scf.yield %scan3A_173#0, %scan3A_173#1, %scan3A_173#2, %scan3A_173#3 : vector<16xf32>, vector<16xi32>, vector<16xf32>, vector<16xf32>
      } else {
        %mul3A_156 = arith.constant 224 : i32
        %mul3A_157 = arith.muli %scan3A_137, %mul3A_156 : i32
        %add3A_158 = arith.addi %min3A_3, %mul3A_157 : i32
        %mul3A_159 = arith.constant 128 : i32
        %mul3A_160 = arith.muli %add3A_158, %mul3A_159 : i32
        %dma_wait3A = tpu.memref_slice %arg3[%mul3A_160] : memref<12800000xf32, #tpu.memory_space<hbm>> -> memref<28672xf32, #tpu.memory_space<hbm>>
        %dma_wait3A_161 = tpu.memref_slice %arg3[%mul3A_160] : memref<12800000xf32, #tpu.memory_space<hbm>> -> memref<28672xf32, #tpu.memory_space<hbm>>
        tpu.wait_dma2 semaphore(%arg21 : memref<!tpu.dma_semaphore, #tpu.memory_space<semaphore_mem>>) src(%dma_wait3A_161 : memref<28672xf32, #tpu.memory_space<hbm>>) dst(%arg14 : memref<28672xf32, #tpu.memory_space<vmem>>)
        %add3A_162 = arith.constant 1 : i32
        %add3A_163 = arith.addi %scan3A_137, %add3A_162 : i32
        %lt3A_164 = arith.constant 14 : i32
        %lt3A_165 = arith.cmpi slt, %add3A_163, %lt3A_164 : i32
        %convert_element_type3A_166 = arith.extui %lt3A_165 : i1 to i32
        %cond3A_167 = arith.constant 0 : i32
        %cond3A_168 = arith.cmpi ne, %convert_element_type3A_166, %cond3A_167 : i32
        scf.if %cond3A_168 {
          %add3A_175 = arith.constant 1 : i32
          %add3A_176 = arith.addi %scan3A_137, %add3A_175 : i32
          %mul3A_177 = arith.constant 224 : i32
          %mul3A_178 = arith.muli %add3A_176, %mul3A_177 : i32
          %add3A_179 = arith.addi %min3A_3, %mul3A_178 : i32
          %mul3A_180 = arith.constant 128 : i32
          %mul3A_181 = arith.muli %add3A_179, %mul3A_180 : i32
          %dma_start3A_182 = tpu.memref_slice %arg3[%mul3A_181] : memref<12800000xf32, #tpu.memory_space<hbm>> -> memref<28672xf32, #tpu.memory_space<hbm>>
          %dma_start3A_183 = tpu.memref_slice %arg3[%mul3A_181] : memref<12800000xf32, #tpu.memory_space<hbm>> -> memref<28672xf32, #tpu.memory_space<hbm>>
          tpu.enqueue_dma source(%dma_start3A_183 : memref<28672xf32, #tpu.memory_space<hbm>>) target(%arg13 : memref<28672xf32, #tpu.memory_space<vmem>>) target_semaphore(%arg20 : memref<!tpu.dma_semaphore, #tpu.memory_space<semaphore_mem>>)
        } else {
        }
        %scan3A_169 = arith.constant 0 : i32
        %scan3A_170 = arith.constant 14 : i32
        %scan3A_171 = arith.addi %scan3A_169, %scan3A_170 : i32
        %scan3A_172 = arith.constant 1 : i32
        %scan3A_173:4 = scf.for %scan3A_175 = %scan3A_169 to %scan3A_171 step %scan3A_172 iter_args(%scan3A_176 = %scan3A_138, %scan3A_177 = %scan3A_139, %scan3A_178 = %scan3A_140, %scan3A_179 = %scan3A_141) -> (vector<16xf32>, vector<16xi32>, vector<16xf32>, vector<16xf32>)  : i32 {
          %mul3A_180 = arith.constant 16 : i32
          %mul3A_181 = arith.muli %scan3A_175, %mul3A_180 : i32
          %add3A_182 = arith.constant 0 : i32
          %add3A_183 = arith.addi %mul3A_181, %add3A_182 : i32
          %mul3A_184 = arith.constant 128 : i32
          %mul3A_185 = arith.muli %add3A_183, %mul3A_184 : i32
          %add3A_186 = arith.constant 0 : i32
          %add3A_187 = arith.addi %mul3A_185, %add3A_186 : i32
          %get3A_188 = arith.index_cast %add3A_187 : i32 to index
          %get3A_189 = tpu.vector_load %arg14[%get3A_188] {strides = array<i32>} : memref<28672xf32, #tpu.memory_space<vmem>>, vector<16xf32>,
          %add3A_190 = arith.constant 16 : i32
          %add3A_191 = arith.addi %mul3A_185, %add3A_190 : i32
          %get3A_192 = arith.index_cast %add3A_191 : i32 to index
          %get3A_193 = tpu.vector_load %arg14[%get3A_192] {strides = array<i32>} : memref<28672xf32, #tpu.memory_space<vmem>>, vector<16xf32>,
          %add3A_194 = arith.constant 32 : i32
          %add3A_195 = arith.addi %mul3A_185, %add3A_194 : i32
          %get3A_196 = arith.index_cast %add3A_195 : i32 to index
          %get3A_197 = tpu.vector_load %arg14[%get3A_196] {strides = array<i32>} : memref<28672xf32, #tpu.memory_space<vmem>>, vector<16xf32>,
          %add3A_198 = arith.constant 48 : i32
          %add3A_199 = arith.addi %mul3A_185, %add3A_198 : i32
          %get3A_200 = arith.index_cast %add3A_199 : i32 to index
          %get3A_201 = tpu.vector_load %arg14[%get3A_200] {strides = array<i32>} : memref<28672xf32, #tpu.memory_space<vmem>>, vector<16xf32>,
          %add3A_202 = arith.constant 64 : i32
          %add3A_203 = arith.addi %mul3A_185, %add3A_202 : i32
          %get3A_204 = arith.index_cast %add3A_203 : i32 to index
          %get3A_205 = tpu.vector_load %arg14[%get3A_204] {strides = array<i32>} : memref<28672xf32, #tpu.memory_space<vmem>>, vector<16xf32>,
          %add3A_206 = arith.constant 80 : i32
          %add3A_207 = arith.addi %mul3A_185, %add3A_206 : i32
          %get3A_208 = arith.index_cast %add3A_207 : i32 to index
          %get3A_209 = tpu.vector_load %arg14[%get3A_208] {strides = array<i32>} : memref<28672xf32, #tpu.memory_space<vmem>>, vector<16xf32>,
          %add3A_210 = arith.constant 96 : i32
          %add3A_211 = arith.addi %mul3A_185, %add3A_210 : i32
          %get3A_212 = arith.index_cast %add3A_211 : i32 to index
          %get3A_213 = tpu.vector_load %arg14[%get3A_212] {strides = array<i32>} : memref<28672xf32, #tpu.memory_space<vmem>>, vector<16xf32>,
          %add3A_214 = arith.constant 112 : i32
          %add3A_215 = arith.addi %mul3A_185, %add3A_214 : i32
          %get3A_216 = arith.index_cast %add3A_215 : i32 to index
          %get3A_217 = tpu.vector_load %arg14[%get3A_216] {strides = array<i32>} : memref<28672xf32, #tpu.memory_space<vmem>>, vector<16xf32>,
          %mul3A_218 = arith.mulf %get3A_189, %get3A_93 : vector<16xf32>
          %mul3A_219 = arith.mulf %get3A_193, %get3A_95 : vector<16xf32>
          %add3A_220 = arith.addf %mul3A_218, %mul3A_219 : vector<16xf32>
          %mul3A_221 = arith.mulf %get3A_197, %get3A_97 : vector<16xf32>
          %mul3A_222 = arith.mulf %get3A_201, %get3A_99 : vector<16xf32>
          %add3A_223 = arith.addf %mul3A_221, %mul3A_222 : vector<16xf32>
          %add3A_224 = arith.addf %add3A_220, %add3A_223 : vector<16xf32>
          %mul3A_225 = arith.mulf %get3A_205, %get3A_101 : vector<16xf32>
          %mul3A_226 = arith.mulf %get3A_209, %get3A_103 : vector<16xf32>
          %add3A_227 = arith.addf %mul3A_225, %mul3A_226 : vector<16xf32>
          %mul3A_228 = arith.mulf %get3A_213, %get3A_105 : vector<16xf32>
          %mul3A_229 = arith.mulf %get3A_217, %get3A_107 : vector<16xf32>
          %add3A_230 = arith.addf %mul3A_228, %mul3A_229 : vector<16xf32>
          %add3A_231 = arith.addf %add3A_227, %add3A_230 : vector<16xf32>
          %mul3A_232 = arith.mulf %get3A_189, %get3A_189 : vector<16xf32>
          %mul3A_233 = arith.mulf %get3A_193, %get3A_193 : vector<16xf32>
          %add3A_234 = arith.addf %mul3A_232, %mul3A_233 : vector<16xf32>
          %mul3A_235 = arith.mulf %get3A_197, %get3A_197 : vector<16xf32>
          %mul3A_236 = arith.mulf %get3A_201, %get3A_201 : vector<16xf32>
          %add3A_237 = arith.addf %mul3A_235, %mul3A_236 : vector<16xf32>
          %add3A_238 = arith.addf %add3A_234, %add3A_237 : vector<16xf32>
          %mul3A_239 = arith.mulf %get3A_205, %get3A_205 : vector<16xf32>
          %mul3A_240 = arith.mulf %get3A_209, %get3A_209 : vector<16xf32>
          %add3A_241 = arith.addf %mul3A_239, %mul3A_240 : vector<16xf32>
          %mul3A_242 = arith.mulf %get3A_213, %get3A_213 : vector<16xf32>
          %mul3A_243 = arith.mulf %get3A_217, %get3A_217 : vector<16xf32>
          %add3A_244 = arith.addf %mul3A_242, %mul3A_243 : vector<16xf32>
          %add3A_245 = arith.addf %add3A_241, %add3A_244 : vector<16xf32>
          %add3A_246 = arith.addf %add3A_224, %add3A_231 : vector<16xf32>
          %swap3A_247 = arith.constant 0 : index
          %swap3A_248 = tpu.vector_load %arg18[%swap3A_247] {strides = array<i32>} : memref<272xf32, #tpu.memory_space<vmem>>, vector<16xf32>,
          tpu.vector_store %arg18[%swap3A_247], %add3A_246 {strides = array<i32>} : memref<272xf32, #tpu.memory_space<vmem>>, vector<16xf32>,
          %add3A_249 = arith.addf %add3A_238, %add3A_245 : vector<16xf32>
          %swap3A_250 = arith.constant 0 : index
          %swap3A_251 = tpu.vector_load %arg19[%swap3A_250] {strides = array<i32>} : memref<272xf32, #tpu.memory_space<vmem>>, vector<16xf32>,
          tpu.vector_store %arg19[%swap3A_250], %add3A_249 {strides = array<i32>} : memref<272xf32, #tpu.memory_space<vmem>>, vector<16xf32>,
          %add3A_252 = arith.constant 1 : i32
          %add3A_253 = arith.addi %mul3A_181, %add3A_252 : i32
          %mul3A_254 = arith.constant 128 : i32
          %mul3A_255 = arith.muli %add3A_253, %mul3A_254 : i32
          %add3A_256 = arith.constant 0 : i32
          %add3A_257 = arith.addi %mul3A_255, %add3A_256 : i32
          %get3A_258 = arith.index_cast %add3A_257 : i32 to index
          %get3A_259 = tpu.vector_load %arg14[%get3A_258] {strides = array<i32>} : memref<28672xf32, #tpu.memory_space<vmem>>, vector<16xf32>,
          %add3A_260 = arith.constant 16 : i32
          %add3A_261 = arith.addi %mul3A_255, %add3A_260 : i32
          %get3A_262 = arith.index_cast %add3A_261 : i32 to index
          %get3A_263 = tpu.vector_load %arg14[%get3A_262] {strides = array<i32>} : memref<28672xf32, #tpu.memory_space<vmem>>, vector<16xf32>,
          %add3A_264 = arith.constant 32 : i32
          %add3A_265 = arith.addi %mul3A_255, %add3A_264 : i32
          %get3A_266 = arith.index_cast %add3A_265 : i32 to index
          %get3A_267 = tpu.vector_load %arg14[%get3A_266] {strides = array<i32>} : memref<28672xf32, #tpu.memory_space<vmem>>, vector<16xf32>,
          %add3A_268 = arith.constant 48 : i32
          %add3A_269 = arith.addi %mul3A_255, %add3A_268 : i32
          %get3A_270 = arith.index_cast %add3A_269 : i32 to index
          %get3A_271 = tpu.vector_load %arg14[%get3A_270] {strides = array<i32>} : memref<28672xf32, #tpu.memory_space<vmem>>, vector<16xf32>,
          %add3A_272 = arith.constant 64 : i32
          %add3A_273 = arith.addi %mul3A_255, %add3A_272 : i32
          %get3A_274 = arith.index_cast %add3A_273 : i32 to index
          %get3A_275 = tpu.vector_load %arg14[%get3A_274] {strides = array<i32>} : memref<28672xf32, #tpu.memory_space<vmem>>, vector<16xf32>,
          %add3A_276 = arith.constant 80 : i32
          %add3A_277 = arith.addi %mul3A_255, %add3A_276 : i32
          %get3A_278 = arith.index_cast %add3A_277 : i32 to index
          %get3A_279 = tpu.vector_load %arg14[%get3A_278] {strides = array<i32>} : memref<28672xf32, #tpu.memory_space<vmem>>, vector<16xf32>,
          %add3A_280 = arith.constant 96 : i32
          %add3A_281 = arith.addi %mul3A_255, %add3A_280 : i32
          %get3A_282 = arith.index_cast %add3A_281 : i32 to index
          %get3A_283 = tpu.vector_load %arg14[%get3A_282] {strides = array<i32>} : memref<28672xf32, #tpu.memory_space<vmem>>, vector<16xf32>,
          %add3A_284 = arith.constant 112 : i32
          %add3A_285 = arith.addi %mul3A_255, %add3A_284 : i32
          %get3A_286 = arith.index_cast %add3A_285 : i32 to index
          %get3A_287 = tpu.vector_load %arg14[%get3A_286] {strides = array<i32>} : memref<28672xf32, #tpu.memory_space<vmem>>, vector<16xf32>,
          %mul3A_288 = arith.mulf %get3A_259, %get3A_93 : vector<16xf32>
          %mul3A_289 = arith.mulf %get3A_263, %get3A_95 : vector<16xf32>
          %add3A_290 = arith.addf %mul3A_288, %mul3A_289 : vector<16xf32>
          %mul3A_291 = arith.mulf %get3A_267, %get3A_97 : vector<16xf32>
          %mul3A_292 = arith.mulf %get3A_271, %get3A_99 : vector<16xf32>
          %add3A_293 = arith.addf %mul3A_291, %mul3A_292 : vector<16xf32>
          %add3A_294 = arith.addf %add3A_290, %add3A_293 : vector<16xf32>
          %mul3A_295 = arith.mulf %get3A_275, %get3A_101 : vector<16xf32>
          %mul3A_296 = arith.mulf %get3A_279, %get3A_103 : vector<16xf32>
          %add3A_297 = arith.addf %mul3A_295, %mul3A_296 : vector<16xf32>
          %mul3A_298 = arith.mulf %get3A_283, %get3A_105 : vector<16xf32>
          %mul3A_299 = arith.mulf %get3A_287, %get3A_107 : vector<16xf32>
          %add3A_300 = arith.addf %mul3A_298, %mul3A_299 : vector<16xf32>
          %add3A_301 = arith.addf %add3A_297, %add3A_300 : vector<16xf32>
          %mul3A_302 = arith.mulf %get3A_259, %get3A_259 : vector<16xf32>
          %mul3A_303 = arith.mulf %get3A_263, %get3A_263 : vector<16xf32>
          %add3A_304 = arith.addf %mul3A_302, %mul3A_303 : vector<16xf32>
          %mul3A_305 = arith.mulf %get3A_267, %get3A_267 : vector<16xf32>
          %mul3A_306 = arith.mulf %get3A_271, %get3A_271 : vector<16xf32>
          %add3A_307 = arith.addf %mul3A_305, %mul3A_306 : vector<16xf32>
          %add3A_308 = arith.addf %add3A_304, %add3A_307 : vector<16xf32>
          %mul3A_309 = arith.mulf %get3A_275, %get3A_275 : vector<16xf32>
          %mul3A_310 = arith.mulf %get3A_279, %get3A_279 : vector<16xf32>
          %add3A_311 = arith.addf %mul3A_309, %mul3A_310 : vector<16xf32>
          %mul3A_312 = arith.mulf %get3A_283, %get3A_283 : vector<16xf32>
          %mul3A_313 = arith.mulf %get3A_287, %get3A_287 : vector<16xf32>
          %add3A_314 = arith.addf %mul3A_312, %mul3A_313 : vector<16xf32>
          %add3A_315 = arith.addf %add3A_311, %add3A_314 : vector<16xf32>
          %add3A_316 = arith.addf %add3A_294, %add3A_301 : vector<16xf32>
          %swap3A_317 = arith.constant 17 : index
          %swap3A_318 = tpu.vector_load %arg18[%swap3A_317] {strides = array<i32>} : memref<272xf32, #tpu.memory_space<vmem>>, vector<16xf32>,
          tpu.vector_store %arg18[%swap3A_317], %add3A_316 {strides = array<i32>} : memref<272xf32, #tpu.memory_space<vmem>>, vector<16xf32>,
          %add3A_319 = arith.addf %add3A_308, %add3A_315 : vector<16xf32>
          %swap3A_320 = arith.constant 17 : index
          %swap3A_321 = tpu.vector_load %arg19[%swap3A_320] {strides = array<i32>} : memref<272xf32, #tpu.memory_space<vmem>>, vector<16xf32>,
          tpu.vector_store %arg19[%swap3A_320], %add3A_319 {strides = array<i32>} : memref<272xf32, #tpu.memory_space<vmem>>, vector<16xf32>,
          %add3A_322 = arith.constant 2 : i32
          %add3A_323 = arith.addi %mul3A_181, %add3A_322 : i32
          %mul3A_324 = arith.constant 128 : i32
          %mul3A_325 = arith.muli %add3A_323, %mul3A_324 : i32
          %add3A_326 = arith.constant 0 : i32
          %add3A_327 = arith.addi %mul3A_325, %add3A_326 : i32
          %get3A_328 = arith.index_cast %add3A_327 : i32 to index
          %get3A_329 = tpu.vector_load %arg14[%get3A_328] {strides = array<i32>} : memref<28672xf32, #tpu.memory_space<vmem>>, vector<16xf32>,
          %add3A_330 = arith.constant 16 : i32
          %add3A_331 = arith.addi %mul3A_325, %add3A_330 : i32
          %get3A_332 = arith.index_cast %add3A_331 : i32 to index
          %get3A_333 = tpu.vector_load %arg14[%get3A_332] {strides = array<i32>} : memref<28672xf32, #tpu.memory_space<vmem>>, vector<16xf32>,
          %add3A_334 = arith.constant 32 : i32
          %add3A_335 = arith.addi %mul3A_325, %add3A_334 : i32
          %get3A_336 = arith.index_cast %add3A_335 : i32 to index
          %get3A_337 = tpu.vector_load %arg14[%get3A_336] {strides = array<i32>} : memref<28672xf32, #tpu.memory_space<vmem>>, vector<16xf32>,
          %add3A_338 = arith.constant 48 : i32
          %add3A_339 = arith.addi %mul3A_325, %add3A_338 : i32
          %get3A_340 = arith.index_cast %add3A_339 : i32 to index
          %get3A_341 = tpu.vector_load %arg14[%get3A_340] {strides = array<i32>} : memref<28672xf32, #tpu.memory_space<vmem>>, vector<16xf32>,
          %add3A_342 = arith.constant 64 : i32
          %add3A_343 = arith.addi %mul3A_325, %add3A_342 : i32
          %get3A_344 = arith.index_cast %add3A_343 : i32 to index
          %get3A_345 = tpu.vector_load %arg14[%get3A_344] {strides = array<i32>} : memref<28672xf32, #tpu.memory_space<vmem>>, vector<16xf32>,
          %add3A_346 = arith.constant 80 : i32
          %add3A_347 = arith.addi %mul3A_325, %add3A_346 : i32
          %get3A_348 = arith.index_cast %add3A_347 : i32 to index
          %get3A_349 = tpu.vector_load %arg14[%get3A_348] {strides = array<i32>} : memref<28672xf32, #tpu.memory_space<vmem>>, vector<16xf32>,
          %add3A_350 = arith.constant 96 : i32
          %add3A_351 = arith.addi %mul3A_325, %add3A_350 : i32
          %get3A_352 = arith.index_cast %add3A_351 : i32 to index
          %get3A_353 = tpu.vector_load %arg14[%get3A_352] {strides = array<i32>} : memref<28672xf32, #tpu.memory_space<vmem>>, vector<16xf32>,
          %add3A_354 = arith.constant 112 : i32
          %add3A_355 = arith.addi %mul3A_325, %add3A_354 : i32
          %get3A_356 = arith.index_cast %add3A_355 : i32 to index
          %get3A_357 = tpu.vector_load %arg14[%get3A_356] {strides = array<i32>} : memref<28672xf32, #tpu.memory_space<vmem>>, vector<16xf32>,
          %mul3A_358 = arith.mulf %get3A_329, %get3A_93 : vector<16xf32>
          %mul3A_359 = arith.mulf %get3A_333, %get3A_95 : vector<16xf32>
          %add3A_360 = arith.addf %mul3A_358, %mul3A_359 : vector<16xf32>
          %mul3A_361 = arith.mulf %get3A_337, %get3A_97 : vector<16xf32>
          %mul3A_362 = arith.mulf %get3A_341, %get3A_99 : vector<16xf32>
          %add3A_363 = arith.addf %mul3A_361, %mul3A_362 : vector<16xf32>
          %add3A_364 = arith.addf %add3A_360, %add3A_363 : vector<16xf32>
          %mul3A_365 = arith.mulf %get3A_345, %get3A_101 : vector<16xf32>
          %mul3A_366 = arith.mulf %get3A_349, %get3A_103 : vector<16xf32>
          %add3A_367 = arith.addf %mul3A_365, %mul3A_366 : vector<16xf32>
          %mul3A_368 = arith.mulf %get3A_353, %get3A_105 : vector<16xf32>
          %mul3A_369 = arith.mulf %get3A_357, %get3A_107 : vector<16xf32>
          %add3A_370 = arith.addf %mul3A_368, %mul3A_369 : vector<16xf32>
          %add3A_371 = arith.addf %add3A_367, %add3A_370 : vector<16xf32>
          %mul3A_372 = arith.mulf %get3A_329, %get3A_329 : vector<16xf32>
          %mul3A_373 = arith.mulf %get3A_333, %get3A_333 : vector<16xf32>
          %add3A_374 = arith.addf %mul3A_372, %mul3A_373 : vector<16xf32>
          %mul3A_375 = arith.mulf %get3A_337, %get3A_337 : vector<16xf32>
          %mul3A_376 = arith.mulf %get3A_341, %get3A_341 : vector<16xf32>
          %add3A_377 = arith.addf %mul3A_375, %mul3A_376 : vector<16xf32>
          %add3A_378 = arith.addf %add3A_374, %add3A_377 : vector<16xf32>
          %mul3A_379 = arith.mulf %get3A_345, %get3A_345 : vector<16xf32>
          %mul3A_380 = arith.mulf %get3A_349, %get3A_349 : vector<16xf32>
          %add3A_381 = arith.addf %mul3A_379, %mul3A_380 : vector<16xf32>
          %mul3A_382 = arith.mulf %get3A_353, %get3A_353 : vector<16xf32>
          %mul3A_383 = arith.mulf %get3A_357, %get3A_357 : vector<16xf32>
          %add3A_384 = arith.addf %mul3A_382, %mul3A_383 : vector<16xf32>
          %add3A_385 = arith.addf %add3A_381, %add3A_384 : vector<16xf32>
          %add3A_386 = arith.addf %add3A_364, %add3A_371 : vector<16xf32>
          %swap3A_387 = arith.constant 34 : index
          %swap3A_388 = tpu.vector_load %arg18[%swap3A_387] {strides = array<i32>} : memref<272xf32, #tpu.memory_space<vmem>>, vector<16xf32>,
          tpu.vector_store %arg18[%swap3A_387], %add3A_386 {strides = array<i32>} : memref<272xf32, #tpu.memory_space<vmem>>, vector<16xf32>,
          %add3A_389 = arith.addf %add3A_378, %add3A_385 : vector<16xf32>
          %swap3A_390 = arith.constant 34 : index
          %swap3A_391 = tpu.vector_load %arg19[%swap3A_390] {strides = array<i32>} : memref<272xf32, #tpu.memory_space<vmem>>, vector<16xf32>,
          tpu.vector_store %arg19[%swap3A_390], %add3A_389 {strides = array<i32>} : memref<272xf32, #tpu.memory_space<vmem>>, vector<16xf32>,
          %add3A_392 = arith.constant 3 : i32
          %add3A_393 = arith.addi %mul3A_181, %add3A_392 : i32
          %mul3A_394 = arith.constant 128 : i32
          %mul3A_395 = arith.muli %add3A_393, %mul3A_394 : i32
          %add3A_396 = arith.constant 0 : i32
          %add3A_397 = arith.addi %mul3A_395, %add3A_396 : i32
          %get3A_398 = arith.index_cast %add3A_397 : i32 to index
          %get3A_399 = tpu.vector_load %arg14[%get3A_398] {strides = array<i32>} : memref<28672xf32, #tpu.memory_space<vmem>>, vector<16xf32>,
          %add3A_400 = arith.constant 16 : i32
          %add3A_401 = arith.addi %mul3A_395, %add3A_400 : i32
          %get3A_402 = arith.index_cast %add3A_401 : i32 to index
          %get3A_403 = tpu.vector_load %arg14[%get3A_402] {strides = array<i32>} : memref<28672xf32, #tpu.memory_space<vmem>>, vector<16xf32>,
          %add3A_404 = arith.constant 32 : i32
          %add3A_405 = arith.addi %mul3A_395, %add3A_404 : i32
          %get3A_406 = arith.index_cast %add3A_405 : i32 to index
          %get3A_407 = tpu.vector_load %arg14[%get3A_406] {strides = array<i32>} : memref<28672xf32, #tpu.memory_space<vmem>>, vector<16xf32>,
          %add3A_408 = arith.constant 48 : i32
          %add3A_409 = arith.addi %mul3A_395, %add3A_408 : i32
          %get3A_410 = arith.index_cast %add3A_409 : i32 to index
          %get3A_411 = tpu.vector_load %arg14[%get3A_410] {strides = array<i32>} : memref<28672xf32, #tpu.memory_space<vmem>>, vector<16xf32>,
          %add3A_412 = arith.constant 64 : i32
          %add3A_413 = arith.addi %mul3A_395, %add3A_412 : i32
          %get3A_414 = arith.index_cast %add3A_413 : i32 to index
          %get3A_415 = tpu.vector_load %arg14[%get3A_414] {strides = array<i32>} : memref<28672xf32, #tpu.memory_space<vmem>>, vector<16xf32>,
          %add3A_416 = arith.constant 80 : i32
          %add3A_417 = arith.addi %mul3A_395, %add3A_416 : i32
          %get3A_418 = arith.index_cast %add3A_417 : i32 to index
          %get3A_419 = tpu.vector_load %arg14[%get3A_418] {strides = array<i32>} : memref<28672xf32, #tpu.memory_space<vmem>>, vector<16xf32>,
          %add3A_420 = arith.constant 96 : i32
          %add3A_421 = arith.addi %mul3A_395, %add3A_420 : i32
          %get3A_422 = arith.index_cast %add3A_421 : i32 to index
          %get3A_423 = tpu.vector_load %arg14[%get3A_422] {strides = array<i32>} : memref<28672xf32, #tpu.memory_space<vmem>>, vector<16xf32>,
          %add3A_424 = arith.constant 112 : i32
          %add3A_425 = arith.addi %mul3A_395, %add3A_424 : i32
          %get3A_426 = arith.index_cast %add3A_425 : i32 to index
          %get3A_427 = tpu.vector_load %arg14[%get3A_426] {strides = array<i32>} : memref<28672xf32, #tpu.memory_space<vmem>>, vector<16xf32>,
          %mul3A_428 = arith.mulf %get3A_399, %get3A_93 : vector<16xf32>
          %mul3A_429 = arith.mulf %get3A_403, %get3A_95 : vector<16xf32>
          %add3A_430 = arith.addf %mul3A_428, %mul3A_429 : vector<16xf32>
          %mul3A_431 = arith.mulf %get3A_407, %get3A_97 : vector<16xf32>
          %mul3A_432 = arith.mulf %get3A_411, %get3A_99 : vector<16xf32>
          %add3A_433 = arith.addf %mul3A_431, %mul3A_432 : vector<16xf32>
          %add3A_434 = arith.addf %add3A_430, %add3A_433 : vector<16xf32>
          %mul3A_435 = arith.mulf %get3A_415, %get3A_101 : vector<16xf32>
          %mul3A_436 = arith.mulf %get3A_419, %get3A_103 : vector<16xf32>
          %add3A_437 = arith.addf %mul3A_435, %mul3A_436 : vector<16xf32>
          %mul3A_438 = arith.mulf %get3A_423, %get3A_105 : vector<16xf32>
          %mul3A_439 = arith.mulf %get3A_427, %get3A_107 : vector<16xf32>
          %add3A_440 = arith.addf %mul3A_438, %mul3A_439 : vector<16xf32>
          %add3A_441 = arith.addf %add3A_437, %add3A_440 : vector<16xf32>
          %mul3A_442 = arith.mulf %get3A_399, %get3A_399 : vector<16xf32>
          %mul3A_443 = arith.mulf %get3A_403, %get3A_403 : vector<16xf32>
          %add3A_444 = arith.addf %mul3A_442, %mul3A_443 : vector<16xf32>
          %mul3A_445 = arith.mulf %get3A_407, %get3A_407 : vector<16xf32>
          %mul3A_446 = arith.mulf %get3A_411, %get3A_411 : vector<16xf32>
          %add3A_447 = arith.addf %mul3A_445, %mul3A_446 : vector<16xf32>
          %add3A_448 = arith.addf %add3A_444, %add3A_447 : vector<16xf32>
          %mul3A_449 = arith.mulf %get3A_415, %get3A_415 : vector<16xf32>
          %mul3A_450 = arith.mulf %get3A_419, %get3A_419 : vector<16xf32>
          %add3A_451 = arith.addf %mul3A_449, %mul3A_450 : vector<16xf32>
          %mul3A_452 = arith.mulf %get3A_423, %get3A_423 : vector<16xf32>
          %mul3A_453 = arith.mulf %get3A_427, %get3A_427 : vector<16xf32>
          %add3A_454 = arith.addf %mul3A_452, %mul3A_453 : vector<16xf32>
          %add3A_455 = arith.addf %add3A_451, %add3A_454 : vector<16xf32>
          %add3A_456 = arith.addf %add3A_434, %add3A_441 : vector<16xf32>
          %swap3A_457 = arith.constant 51 : index
          %swap3A_458 = tpu.vector_load %arg18[%swap3A_457] {strides = array<i32>} : memref<272xf32, #tpu.memory_space<vmem>>, vector<16xf32>,
          tpu.vector_store %arg18[%swap3A_457], %add3A_456 {strides = array<i32>} : memref<272xf32, #tpu.memory_space<vmem>>, vector<16xf32>,
          %add3A_459 = arith.addf %add3A_448, %add3A_455 : vector<16xf32>
          %swap3A_460 = arith.constant 51 : index
          %swap3A_461 = tpu.vector_load %arg19[%swap3A_460] {strides = array<i32>} : memref<272xf32, #tpu.memory_space<vmem>>, vector<16xf32>,
          tpu.vector_store %arg19[%swap3A_460], %add3A_459 {strides = array<i32>} : memref<272xf32, #tpu.memory_space<vmem>>, vector<16xf32>,
          %add3A_462 = arith.constant 4 : i32
          %add3A_463 = arith.addi %mul3A_181, %add3A_462 : i32
          %mul3A_464 = arith.constant 128 : i32
          %mul3A_465 = arith.muli %add3A_463, %mul3A_464 : i32
          %add3A_466 = arith.constant 0 : i32
          %add3A_467 = arith.addi %mul3A_465, %add3A_466 : i32
          %get3A_468 = arith.index_cast %add3A_467 : i32 to index
          %get3A_469 = tpu.vector_load %arg14[%get3A_468] {strides = array<i32>} : memref<28672xf32, #tpu.memory_space<vmem>>, vector<16xf32>,
          %add3A_470 = arith.constant 16 : i32
          %add3A_471 = arith.addi %mul3A_465, %add3A_470 : i32
          %get3A_472 = arith.index_cast %add3A_471 : i32 to index
          %get3A_473 = tpu.vector_load %arg14[%get3A_472] {strides = array<i32>} : memref<28672xf32, #tpu.memory_space<vmem>>, vector<16xf32>,
          %add3A_474 = arith.constant 32 : i32
          %add3A_475 = arith.addi %mul3A_465, %add3A_474 : i32
          %get3A_476 = arith.index_cast %add3A_475 : i32 to index
          %get3A_477 = tpu.vector_load %arg14[%get3A_476] {strides = array<i32>} : memref<28672xf32, #tpu.memory_space<vmem>>, vector<16xf32>,
          %add3A_478 = arith.constant 48 : i32
          %add3A_479 = arith.addi %mul3A_465, %add3A_478 : i32
          %get3A_480 = arith.index_cast %add3A_479 : i32 to index
          %get3A_481 = tpu.vector_load %arg14[%get3A_480] {strides = array<i32>} : memref<28672xf32, #tpu.memory_space<vmem>>, vector<16xf32>,
          %add3A_482 = arith.constant 64 : i32
          %add3A_483 = arith.addi %mul3A_465, %add3A_482 : i32
          %get3A_484 = arith.index_cast %add3A_483 : i32 to index
          %get3A_485 = tpu.vector_load %arg14[%get3A_484] {strides = array<i32>} : memref<28672xf32, #tpu.memory_space<vmem>>, vector<16xf32>,
          %add3A_486 = arith.constant 80 : i32
          %add3A_487 = arith.addi %mul3A_465, %add3A_486 : i32
          %get3A_488 = arith.index_cast %add3A_487 : i32 to index
          %get3A_489 = tpu.vector_load %arg14[%get3A_488] {strides = array<i32>} : memref<28672xf32, #tpu.memory_space<vmem>>, vector<16xf32>,
          %add3A_490 = arith.constant 96 : i32
          %add3A_491 = arith.addi %mul3A_465, %add3A_490 : i32
          %get3A_492 = arith.index_cast %add3A_491 : i32 to index
          %get3A_493 = tpu.vector_load %arg14[%get3A_492] {strides = array<i32>} : memref<28672xf32, #tpu.memory_space<vmem>>, vector<16xf32>,
          %add3A_494 = arith.constant 112 : i32
          %add3A_495 = arith.addi %mul3A_465, %add3A_494 : i32
          %get3A_496 = arith.index_cast %add3A_495 : i32 to index
          %get3A_497 = tpu.vector_load %arg14[%get3A_496] {strides = array<i32>} : memref<28672xf32, #tpu.memory_space<vmem>>, vector<16xf32>,
          %mul3A_498 = arith.mulf %get3A_469, %get3A_93 : vector<16xf32>
          %mul3A_499 = arith.mulf %get3A_473, %get3A_95 : vector<16xf32>
          %add3A_500 = arith.addf %mul3A_498, %mul3A_499 : vector<16xf32>
          %mul3A_501 = arith.mulf %get3A_477, %get3A_97 : vector<16xf32>
          %mul3A_502 = arith.mulf %get3A_481, %get3A_99 : vector<16xf32>
          %add3A_503 = arith.addf %mul3A_501, %mul3A_502 : vector<16xf32>
          %add3A_504 = arith.addf %add3A_500, %add3A_503 : vector<16xf32>
          %mul3A_505 = arith.mulf %get3A_485, %get3A_101 : vector<16xf32>
          %mul3A_506 = arith.mulf %get3A_489, %get3A_103 : vector<16xf32>
          %add3A_507 = arith.addf %mul3A_505, %mul3A_506 : vector<16xf32>
          %mul3A_508 = arith.mulf %get3A_493, %get3A_105 : vector<16xf32>
          %mul3A_509 = arith.mulf %get3A_497, %get3A_107 : vector<16xf32>
          %add3A_510 = arith.addf %mul3A_508, %mul3A_509 : vector<16xf32>
          %add3A_511 = arith.addf %add3A_507, %add3A_510 : vector<16xf32>
          %mul3A_512 = arith.mulf %get3A_469, %get3A_469 : vector<16xf32>
          %mul3A_513 = arith.mulf %get3A_473, %get3A_473 : vector<16xf32>
          %add3A_514 = arith.addf %mul3A_512, %mul3A_513 : vector<16xf32>
          %mul3A_515 = arith.mulf %get3A_477, %get3A_477 : vector<16xf32>
          %mul3A_516 = arith.mulf %get3A_481, %get3A_481 : vector<16xf32>
          %add3A_517 = arith.addf %mul3A_515, %mul3A_516 : vector<16xf32>
          %add3A_518 = arith.addf %add3A_514, %add3A_517 : vector<16xf32>
          %mul3A_519 = arith.mulf %get3A_485, %get3A_485 : vector<16xf32>
          %mul3A_520 = arith.mulf %get3A_489, %get3A_489 : vector<16xf32>
          %add3A_521 = arith.addf %mul3A_519, %mul3A_520 : vector<16xf32>
          %mul3A_522 = arith.mulf %get3A_493, %get3A_493 : vector<16xf32>
          %mul3A_523 = arith.mulf %get3A_497, %get3A_497 : vector<16xf32>
          %add3A_524 = arith.addf %mul3A_522, %mul3A_523 : vector<16xf32>
          %add3A_525 = arith.addf %add3A_521, %add3A_524 : vector<16xf32>
          %add3A_526 = arith.addf %add3A_504, %add3A_511 : vector<16xf32>
          %swap3A_527 = arith.constant 68 : index
          %swap3A_528 = tpu.vector_load %arg18[%swap3A_527] {strides = array<i32>} : memref<272xf32, #tpu.memory_space<vmem>>, vector<16xf32>,
          tpu.vector_store %arg18[%swap3A_527], %add3A_526 {strides = array<i32>} : memref<272xf32, #tpu.memory_space<vmem>>, vector<16xf32>,
          %add3A_529 = arith.addf %add3A_518, %add3A_525 : vector<16xf32>
          %swap3A_530 = arith.constant 68 : index
          %swap3A_531 = tpu.vector_load %arg19[%swap3A_530] {strides = array<i32>} : memref<272xf32, #tpu.memory_space<vmem>>, vector<16xf32>,
          tpu.vector_store %arg19[%swap3A_530], %add3A_529 {strides = array<i32>} : memref<272xf32, #tpu.memory_space<vmem>>, vector<16xf32>,
          %add3A_532 = arith.constant 5 : i32
          %add3A_533 = arith.addi %mul3A_181, %add3A_532 : i32
          %mul3A_534 = arith.constant 128 : i32
          %mul3A_535 = arith.muli %add3A_533, %mul3A_534 : i32
          %add3A_536 = arith.constant 0 : i32
          %add3A_537 = arith.addi %mul3A_535, %add3A_536 : i32
          %get3A_538 = arith.index_cast %add3A_537 : i32 to index
          %get3A_539 = tpu.vector_load %arg14[%get3A_538] {strides = array<i32>} : memref<28672xf32, #tpu.memory_space<vmem>>, vector<16xf32>,
          %add3A_540 = arith.constant 16 : i32
          %add3A_541 = arith.addi %mul3A_535, %add3A_540 : i32
          %get3A_542 = arith.index_cast %add3A_541 : i32 to index
          %get3A_543 = tpu.vector_load %arg14[%get3A_542] {strides = array<i32>} : memref<28672xf32, #tpu.memory_space<vmem>>, vector<16xf32>,
          %add3A_544 = arith.constant 32 : i32
          %add3A_545 = arith.addi %mul3A_535, %add3A_544 : i32
          %get3A_546 = arith.index_cast %add3A_545 : i32 to index
          %get3A_547 = tpu.vector_load %arg14[%get3A_546] {strides = array<i32>} : memref<28672xf32, #tpu.memory_space<vmem>>, vector<16xf32>,
          %add3A_548 = arith.constant 48 : i32
          %add3A_549 = arith.addi %mul3A_535, %add3A_548 : i32
          %get3A_550 = arith.index_cast %add3A_549 : i32 to index
          %get3A_551 = tpu.vector_load %arg14[%get3A_550] {strides = array<i32>} : memref<28672xf32, #tpu.memory_space<vmem>>, vector<16xf32>,
          %add3A_552 = arith.constant 64 : i32
          %add3A_553 = arith.addi %mul3A_535, %add3A_552 : i32
          %get3A_554 = arith.index_cast %add3A_553 : i32 to index
          %get3A_555 = tpu.vector_load %arg14[%get3A_554] {strides = array<i32>} : memref<28672xf32, #tpu.memory_space<vmem>>, vector<16xf32>,
          %add3A_556 = arith.constant 80 : i32
          %add3A_557 = arith.addi %mul3A_535, %add3A_556 : i32
          %get3A_558 = arith.index_cast %add3A_557 : i32 to index
          %get3A_559 = tpu.vector_load %arg14[%get3A_558] {strides = array<i32>} : memref<28672xf32, #tpu.memory_space<vmem>>, vector<16xf32>,
          %add3A_560 = arith.constant 96 : i32
          %add3A_561 = arith.addi %mul3A_535, %add3A_560 : i32
          %get3A_562 = arith.index_cast %add3A_561 : i32 to index
          %get3A_563 = tpu.vector_load %arg14[%get3A_562] {strides = array<i32>} : memref<28672xf32, #tpu.memory_space<vmem>>, vector<16xf32>,
          %add3A_564 = arith.constant 112 : i32
          %add3A_565 = arith.addi %mul3A_535, %add3A_564 : i32
          %get3A_566 = arith.index_cast %add3A_565 : i32 to index
          %get3A_567 = tpu.vector_load %arg14[%get3A_566] {strides = array<i32>} : memref<28672xf32, #tpu.memory_space<vmem>>, vector<16xf32>,
          %mul3A_568 = arith.mulf %get3A_539, %get3A_93 : vector<16xf32>
          %mul3A_569 = arith.mulf %get3A_543, %get3A_95 : vector<16xf32>
          %add3A_570 = arith.addf %mul3A_568, %mul3A_569 : vector<16xf32>
          %mul3A_571 = arith.mulf %get3A_547, %get3A_97 : vector<16xf32>
          %mul3A_572 = arith.mulf %get3A_551, %get3A_99 : vector<16xf32>
          %add3A_573 = arith.addf %mul3A_571, %mul3A_572 : vector<16xf32>
          %add3A_574 = arith.addf %add3A_570, %add3A_573 : vector<16xf32>
          %mul3A_575 = arith.mulf %get3A_555, %get3A_101 : vector<16xf32>
          %mul3A_576 = arith.mulf %get3A_559, %get3A_103 : vector<16xf32>
          %add3A_577 = arith.addf %mul3A_575, %mul3A_576 : vector<16xf32>
          %mul3A_578 = arith.mulf %get3A_563, %get3A_105 : vector<16xf32>
          %mul3A_579 = arith.mulf %get3A_567, %get3A_107 : vector<16xf32>
          %add3A_580 = arith.addf %mul3A_578, %mul3A_579 : vector<16xf32>
          %add3A_581 = arith.addf %add3A_577, %add3A_580 : vector<16xf32>
          %mul3A_582 = arith.mulf %get3A_539, %get3A_539 : vector<16xf32>
          %mul3A_583 = arith.mulf %get3A_543, %get3A_543 : vector<16xf32>
          %add3A_584 = arith.addf %mul3A_582, %mul3A_583 : vector<16xf32>
          %mul3A_585 = arith.mulf %get3A_547, %get3A_547 : vector<16xf32>
          %mul3A_586 = arith.mulf %get3A_551, %get3A_551 : vector<16xf32>
          %add3A_587 = arith.addf %mul3A_585, %mul3A_586 : vector<16xf32>
          %add3A_588 = arith.addf %add3A_584, %add3A_587 : vector<16xf32>
          %mul3A_589 = arith.mulf %get3A_555, %get3A_555 : vector<16xf32>
          %mul3A_590 = arith.mulf %get3A_559, %get3A_559 : vector<16xf32>
          %add3A_591 = arith.addf %mul3A_589, %mul3A_590 : vector<16xf32>
          %mul3A_592 = arith.mulf %get3A_563, %get3A_563 : vector<16xf32>
          %mul3A_593 = arith.mulf %get3A_567, %get3A_567 : vector<16xf32>
          %add3A_594 = arith.addf %mul3A_592, %mul3A_593 : vector<16xf32>
          %add3A_595 = arith.addf %add3A_591, %add3A_594 : vector<16xf32>
          %add3A_596 = arith.addf %add3A_574, %add3A_581 : vector<16xf32>
          %swap3A_597 = arith.constant 85 : index
          %swap3A_598 = tpu.vector_load %arg18[%swap3A_597] {strides = array<i32>} : memref<272xf32, #tpu.memory_space<vmem>>, vector<16xf32>,
          tpu.vector_store %arg18[%swap3A_597], %add3A_596 {strides = array<i32>} : memref<272xf32, #tpu.memory_space<vmem>>, vector<16xf32>,
          %add3A_599 = arith.addf %add3A_588, %add3A_595 : vector<16xf32>
          %swap3A_600 = arith.constant 85 : index
          %swap3A_601 = tpu.vector_load %arg19[%swap3A_600] {strides = array<i32>} : memref<272xf32, #tpu.memory_space<vmem>>, vector<16xf32>,
          tpu.vector_store %arg19[%swap3A_600], %add3A_599 {strides = array<i32>} : memref<272xf32, #tpu.memory_space<vmem>>, vector<16xf32>,
          %add3A_602 = arith.constant 6 : i32
          %add3A_603 = arith.addi %mul3A_181, %add3A_602 : i32
          %mul3A_604 = arith.constant 128 : i32
          %mul3A_605 = arith.muli %add3A_603, %mul3A_604 : i32
          %add3A_606 = arith.constant 0 : i32
          %add3A_607 = arith.addi %mul3A_605, %add3A_606 : i32
          %get3A_608 = arith.index_cast %add3A_607 : i32 to index
          %get3A_609 = tpu.vector_load %arg14[%get3A_608] {strides = array<i32>} : memref<28672xf32, #tpu.memory_space<vmem>>, vector<16xf32>,
          %add3A_610 = arith.constant 16 : i32
          %add3A_611 = arith.addi %mul3A_605, %add3A_610 : i32
          %get3A_612 = arith.index_cast %add3A_611 : i32 to index
          %get3A_613 = tpu.vector_load %arg14[%get3A_612] {strides = array<i32>} : memref<28672xf32, #tpu.memory_space<vmem>>, vector<16xf32>,
          %add3A_614 = arith.constant 32 : i32
          %add3A_615 = arith.addi %mul3A_605, %add3A_614 : i32
          %get3A_616 = arith.index_cast %add3A_615 : i32 to index
          %get3A_617 = tpu.vector_load %arg14[%get3A_616] {strides = array<i32>} : memref<28672xf32, #tpu.memory_space<vmem>>, vector<16xf32>,
          %add3A_618 = arith.constant 48 : i32
          %add3A_619 = arith.addi %mul3A_605, %add3A_618 : i32
          %get3A_620 = arith.index_cast %add3A_619 : i32 to index
          %get3A_621 = tpu.vector_load %arg14[%get3A_620] {strides = array<i32>} : memref<28672xf32, #tpu.memory_space<vmem>>, vector<16xf32>,
          %add3A_622 = arith.constant 64 : i32
          %add3A_623 = arith.addi %mul3A_605, %add3A_622 : i32
          %get3A_624 = arith.index_cast %add3A_623 : i32 to index
          %get3A_625 = tpu.vector_load %arg14[%get3A_624] {strides = array<i32>} : memref<28672xf32, #tpu.memory_space<vmem>>, vector<16xf32>,
          %add3A_626 = arith.constant 80 : i32
          %add3A_627 = arith.addi %mul3A_605, %add3A_626 : i32
          %get3A_628 = arith.index_cast %add3A_627 : i32 to index
          %get3A_629 = tpu.vector_load %arg14[%get3A_628] {strides = array<i32>} : memref<28672xf32, #tpu.memory_space<vmem>>, vector<16xf32>,
          %add3A_630 = arith.constant 96 : i32
          %add3A_631 = arith.addi %mul3A_605, %add3A_630 : i32
          %get3A_632 = arith.index_cast %add3A_631 : i32 to index
          %get3A_633 = tpu.vector_load %arg14[%get3A_632] {strides = array<i32>} : memref<28672xf32, #tpu.memory_space<vmem>>, vector<16xf32>,
          %add3A_634 = arith.constant 112 : i32
          %add3A_635 = arith.addi %mul3A_605, %add3A_634 : i32
          %get3A_636 = arith.index_cast %add3A_635 : i32 to index
          %get3A_637 = tpu.vector_load %arg14[%get3A_636] {strides = array<i32>} : memref<28672xf32, #tpu.memory_space<vmem>>, vector<16xf32>,
          %mul3A_638 = arith.mulf %get3A_609, %get3A_93 : vector<16xf32>
          %mul3A_639 = arith.mulf %get3A_613, %get3A_95 : vector<16xf32>
          %add3A_640 = arith.addf %mul3A_638, %mul3A_639 : vector<16xf32>
          %mul3A_641 = arith.mulf %get3A_617, %get3A_97 : vector<16xf32>
          %mul3A_642 = arith.mulf %get3A_621, %get3A_99 : vector<16xf32>
          %add3A_643 = arith.addf %mul3A_641, %mul3A_642 : vector<16xf32>
          %add3A_644 = arith.addf %add3A_640, %add3A_643 : vector<16xf32>
          %mul3A_645 = arith.mulf %get3A_625, %get3A_101 : vector<16xf32>
          %mul3A_646 = arith.mulf %get3A_629, %get3A_103 : vector<16xf32>
          %add3A_647 = arith.addf %mul3A_645, %mul3A_646 : vector<16xf32>
          %mul3A_648 = arith.mulf %get3A_633, %get3A_105 : vector<16xf32>
          %mul3A_649 = arith.mulf %get3A_637, %get3A_107 : vector<16xf32>
          %add3A_650 = arith.addf %mul3A_648, %mul3A_649 : vector<16xf32>
          %add3A_651 = arith.addf %add3A_647, %add3A_650 : vector<16xf32>
          %mul3A_652 = arith.mulf %get3A_609, %get3A_609 : vector<16xf32>
          %mul3A_653 = arith.mulf %get3A_613, %get3A_613 : vector<16xf32>
          %add3A_654 = arith.addf %mul3A_652, %mul3A_653 : vector<16xf32>
          %mul3A_655 = arith.mulf %get3A_617, %get3A_617 : vector<16xf32>
          %mul3A_656 = arith.mulf %get3A_621, %get3A_621 : vector<16xf32>
          %add3A_657 = arith.addf %mul3A_655, %mul3A_656 : vector<16xf32>
          %add3A_658 = arith.addf %add3A_654, %add3A_657 : vector<16xf32>
          %mul3A_659 = arith.mulf %get3A_625, %get3A_625 : vector<16xf32>
          %mul3A_660 = arith.mulf %get3A_629, %get3A_629 : vector<16xf32>
          %add3A_661 = arith.addf %mul3A_659, %mul3A_660 : vector<16xf32>
          %mul3A_662 = arith.mulf %get3A_633, %get3A_633 : vector<16xf32>
          %mul3A_663 = arith.mulf %get3A_637, %get3A_637 : vector<16xf32>
          %add3A_664 = arith.addf %mul3A_662, %mul3A_663 : vector<16xf32>
          %add3A_665 = arith.addf %add3A_661, %add3A_664 : vector<16xf32>
          %add3A_666 = arith.addf %add3A_644, %add3A_651 : vector<16xf32>
          %swap3A_667 = arith.constant 102 : index
          %swap3A_668 = tpu.vector_load %arg18[%swap3A_667] {strides = array<i32>} : memref<272xf32, #tpu.memory_space<vmem>>, vector<16xf32>,
          tpu.vector_store %arg18[%swap3A_667], %add3A_666 {strides = array<i32>} : memref<272xf32, #tpu.memory_space<vmem>>, vector<16xf32>,
          %add3A_669 = arith.addf %add3A_658, %add3A_665 : vector<16xf32>
          %swap3A_670 = arith.constant 102 : index
          %swap3A_671 = tpu.vector_load %arg19[%swap3A_670] {strides = array<i32>} : memref<272xf32, #tpu.memory_space<vmem>>, vector<16xf32>,
          tpu.vector_store %arg19[%swap3A_670], %add3A_669 {strides = array<i32>} : memref<272xf32, #tpu.memory_space<vmem>>, vector<16xf32>,
          %add3A_672 = arith.constant 7 : i32
          %add3A_673 = arith.addi %mul3A_181, %add3A_672 : i32
          %mul3A_674 = arith.constant 128 : i32
          %mul3A_675 = arith.muli %add3A_673, %mul3A_674 : i32
          %add3A_676 = arith.constant 0 : i32
          %add3A_677 = arith.addi %mul3A_675, %add3A_676 : i32
          %get3A_678 = arith.index_cast %add3A_677 : i32 to index
          %get3A_679 = tpu.vector_load %arg14[%get3A_678] {strides = array<i32>} : memref<28672xf32, #tpu.memory_space<vmem>>, vector<16xf32>,
          %add3A_680 = arith.constant 16 : i32
          %add3A_681 = arith.addi %mul3A_675, %add3A_680 : i32
          %get3A_682 = arith.index_cast %add3A_681 : i32 to index
          %get3A_683 = tpu.vector_load %arg14[%get3A_682] {strides = array<i32>} : memref<28672xf32, #tpu.memory_space<vmem>>, vector<16xf32>,
          %add3A_684 = arith.constant 32 : i32
          %add3A_685 = arith.addi %mul3A_675, %add3A_684 : i32
          %get3A_686 = arith.index_cast %add3A_685 : i32 to index
          %get3A_687 = tpu.vector_load %arg14[%get3A_686] {strides = array<i32>} : memref<28672xf32, #tpu.memory_space<vmem>>, vector<16xf32>,
          %add3A_688 = arith.constant 48 : i32
          %add3A_689 = arith.addi %mul3A_675, %add3A_688 : i32
          %get3A_690 = arith.index_cast %add3A_689 : i32 to index
          %get3A_691 = tpu.vector_load %arg14[%get3A_690] {strides = array<i32>} : memref<28672xf32, #tpu.memory_space<vmem>>, vector<16xf32>,
          %add3A_692 = arith.constant 64 : i32
          %add3A_693 = arith.addi %mul3A_675, %add3A_692 : i32
          %get3A_694 = arith.index_cast %add3A_693 : i32 to index
          %get3A_695 = tpu.vector_load %arg14[%get3A_694] {strides = array<i32>} : memref<28672xf32, #tpu.memory_space<vmem>>, vector<16xf32>,
          %add3A_696 = arith.constant 80 : i32
          %add3A_697 = arith.addi %mul3A_675, %add3A_696 : i32
          %get3A_698 = arith.index_cast %add3A_697 : i32 to index
          %get3A_699 = tpu.vector_load %arg14[%get3A_698] {strides = array<i32>} : memref<28672xf32, #tpu.memory_space<vmem>>, vector<16xf32>,
          %add3A_700 = arith.constant 96 : i32
          %add3A_701 = arith.addi %mul3A_675, %add3A_700 : i32
          %get3A_702 = arith.index_cast %add3A_701 : i32 to index
          %get3A_703 = tpu.vector_load %arg14[%get3A_702] {strides = array<i32>} : memref<28672xf32, #tpu.memory_space<vmem>>, vector<16xf32>,
          %add3A_704 = arith.constant 112 : i32
          %add3A_705 = arith.addi %mul3A_675, %add3A_704 : i32
          %get3A_706 = arith.index_cast %add3A_705 : i32 to index
          %get3A_707 = tpu.vector_load %arg14[%get3A_706] {strides = array<i32>} : memref<28672xf32, #tpu.memory_space<vmem>>, vector<16xf32>,
          %mul3A_708 = arith.mulf %get3A_679, %get3A_93 : vector<16xf32>
          %mul3A_709 = arith.mulf %get3A_683, %get3A_95 : vector<16xf32>
          %add3A_710 = arith.addf %mul3A_708, %mul3A_709 : vector<16xf32>
          %mul3A_711 = arith.mulf %get3A_687, %get3A_97 : vector<16xf32>
          %mul3A_712 = arith.mulf %get3A_691, %get3A_99 : vector<16xf32>
          %add3A_713 = arith.addf %mul3A_711, %mul3A_712 : vector<16xf32>
          %add3A_714 = arith.addf %add3A_710, %add3A_713 : vector<16xf32>
          %mul3A_715 = arith.mulf %get3A_695, %get3A_101 : vector<16xf32>
          %mul3A_716 = arith.mulf %get3A_699, %get3A_103 : vector<16xf32>
          %add3A_717 = arith.addf %mul3A_715, %mul3A_716 : vector<16xf32>
          %mul3A_718 = arith.mulf %get3A_703, %get3A_105 : vector<16xf32>
          %mul3A_719 = arith.mulf %get3A_707, %get3A_107 : vector<16xf32>
          %add3A_720 = arith.addf %mul3A_718, %mul3A_719 : vector<16xf32>
          %add3A_721 = arith.addf %add3A_717, %add3A_720 : vector<16xf32>
          %mul3A_722 = arith.mulf %get3A_679, %get3A_679 : vector<16xf32>
          %mul3A_723 = arith.mulf %get3A_683, %get3A_683 : vector<16xf32>
          %add3A_724 = arith.addf %mul3A_722, %mul3A_723 : vector<16xf32>
          %mul3A_725 = arith.mulf %get3A_687, %get3A_687 : vector<16xf32>
          %mul3A_726 = arith.mulf %get3A_691, %get3A_691 : vector<16xf32>
          %add3A_727 = arith.addf %mul3A_725, %mul3A_726 : vector<16xf32>
          %add3A_728 = arith.addf %add3A_724, %add3A_727 : vector<16xf32>
          %mul3A_729 = arith.mulf %get3A_695, %get3A_695 : vector<16xf32>
          %mul3A_730 = arith.mulf %get3A_699, %get3A_699 : vector<16xf32>
          %add3A_731 = arith.addf %mul3A_729, %mul3A_730 : vector<16xf32>
          %mul3A_732 = arith.mulf %get3A_703, %get3A_703 : vector<16xf32>
          %mul3A_733 = arith.mulf %get3A_707, %get3A_707 : vector<16xf32>
          %add3A_734 = arith.addf %mul3A_732, %mul3A_733 : vector<16xf32>
          %add3A_735 = arith.addf %add3A_731, %add3A_734 : vector<16xf32>
          %add3A_736 = arith.addf %add3A_714, %add3A_721 : vector<16xf32>
          %swap3A_737 = arith.constant 119 : index
          %swap3A_738 = tpu.vector_load %arg18[%swap3A_737] {strides = array<i32>} : memref<272xf32, #tpu.memory_space<vmem>>, vector<16xf32>,
          tpu.vector_store %arg18[%swap3A_737], %add3A_736 {strides = array<i32>} : memref<272xf32, #tpu.memory_space<vmem>>, vector<16xf32>,
          %add3A_739 = arith.addf %add3A_728, %add3A_735 : vector<16xf32>
          %swap3A_740 = arith.constant 119 : index
          %swap3A_741 = tpu.vector_load %arg19[%swap3A_740] {strides = array<i32>} : memref<272xf32, #tpu.memory_space<vmem>>, vector<16xf32>,
          tpu.vector_store %arg19[%swap3A_740], %add3A_739 {strides = array<i32>} : memref<272xf32, #tpu.memory_space<vmem>>, vector<16xf32>,
          %add3A_742 = arith.constant 8 : i32
          %add3A_743 = arith.addi %mul3A_181, %add3A_742 : i32
          %mul3A_744 = arith.constant 128 : i32
          %mul3A_745 = arith.muli %add3A_743, %mul3A_744 : i32
          %add3A_746 = arith.constant 0 : i32
          %add3A_747 = arith.addi %mul3A_745, %add3A_746 : i32
          %get3A_748 = arith.index_cast %add3A_747 : i32 to index
          %get3A_749 = tpu.vector_load %arg14[%get3A_748] {strides = array<i32>} : memref<28672xf32, #tpu.memory_space<vmem>>, vector<16xf32>,
          %add3A_750 = arith.constant 16 : i32
          %add3A_751 = arith.addi %mul3A_745, %add3A_750 : i32
          %get3A_752 = arith.index_cast %add3A_751 : i32 to index
          %get3A_753 = tpu.vector_load %arg14[%get3A_752] {strides = array<i32>} : memref<28672xf32, #tpu.memory_space<vmem>>, vector<16xf32>,
          %add3A_754 = arith.constant 32 : i32
          %add3A_755 = arith.addi %mul3A_745, %add3A_754 : i32
          %get3A_756 = arith.index_cast %add3A_755 : i32 to index
          %get3A_757 = tpu.vector_load %arg14[%get3A_756] {strides = array<i32>} : memref<28672xf32, #tpu.memory_space<vmem>>, vector<16xf32>,
          %add3A_758 = arith.constant 48 : i32
          %add3A_759 = arith.addi %mul3A_745, %add3A_758 : i32
          %get3A_760 = arith.index_cast %add3A_759 : i32 to index
          %get3A_761 = tpu.vector_load %arg14[%get3A_760] {strides = array<i32>} : memref<28672xf32, #tpu.memory_space<vmem>>, vector<16xf32>,
          %add3A_762 = arith.constant 64 : i32
          %add3A_763 = arith.addi %mul3A_745, %add3A_762 : i32
          %get3A_764 = arith.index_cast %add3A_763 : i32 to index
          %get3A_765 = tpu.vector_load %arg14[%get3A_764] {strides = array<i32>} : memref<28672xf32, #tpu.memory_space<vmem>>, vector<16xf32>,
          %add3A_766 = arith.constant 80 : i32
          %add3A_767 = arith.addi %mul3A_745, %add3A_766 : i32
          %get3A_768 = arith.index_cast %add3A_767 : i32 to index
          %get3A_769 = tpu.vector_load %arg14[%get3A_768] {strides = array<i32>} : memref<28672xf32, #tpu.memory_space<vmem>>, vector<16xf32>,
          %add3A_770 = arith.constant 96 : i32
          %add3A_771 = arith.addi %mul3A_745, %add3A_770 : i32
          %get3A_772 = arith.index_cast %add3A_771 : i32 to index
          %get3A_773 = tpu.vector_load %arg14[%get3A_772] {strides = array<i32>} : memref<28672xf32, #tpu.memory_space<vmem>>, vector<16xf32>,
          %add3A_774 = arith.constant 112 : i32
          %add3A_775 = arith.addi %mul3A_745, %add3A_774 : i32
          %get3A_776 = arith.index_cast %add3A_775 : i32 to index
          %get3A_777 = tpu.vector_load %arg14[%get3A_776] {strides = array<i32>} : memref<28672xf32, #tpu.memory_space<vmem>>, vector<16xf32>,
          %mul3A_778 = arith.mulf %get3A_749, %get3A_93 : vector<16xf32>
          %mul3A_779 = arith.mulf %get3A_753, %get3A_95 : vector<16xf32>
          %add3A_780 = arith.addf %mul3A_778, %mul3A_779 : vector<16xf32>
          %mul3A_781 = arith.mulf %get3A_757, %get3A_97 : vector<16xf32>
          %mul3A_782 = arith.mulf %get3A_761, %get3A_99 : vector<16xf32>
          %add3A_783 = arith.addf %mul3A_781, %mul3A_782 : vector<16xf32>
          %add3A_784 = arith.addf %add3A_780, %add3A_783 : vector<16xf32>
          %mul3A_785 = arith.mulf %get3A_765, %get3A_101 : vector<16xf32>
          %mul3A_786 = arith.mulf %get3A_769, %get3A_103 : vector<16xf32>
          %add3A_787 = arith.addf %mul3A_785, %mul3A_786 : vector<16xf32>
          %mul3A_788 = arith.mulf %get3A_773, %get3A_105 : vector<16xf32>
          %mul3A_789 = arith.mulf %get3A_777, %get3A_107 : vector<16xf32>
          %add3A_790 = arith.addf %mul3A_788, %mul3A_789 : vector<16xf32>
          %add3A_791 = arith.addf %add3A_787, %add3A_790 : vector<16xf32>
          %mul3A_792 = arith.mulf %get3A_749, %get3A_749 : vector<16xf32>
          %mul3A_793 = arith.mulf %get3A_753, %get3A_753 : vector<16xf32>
          %add3A_794 = arith.addf %mul3A_792, %mul3A_793 : vector<16xf32>
          %mul3A_795 = arith.mulf %get3A_757, %get3A_757 : vector<16xf32>
          %mul3A_796 = arith.mulf %get3A_761, %get3A_761 : vector<16xf32>
          %add3A_797 = arith.addf %mul3A_795, %mul3A_796 : vector<16xf32>
          %add3A_798 = arith.addf %add3A_794, %add3A_797 : vector<16xf32>
          %mul3A_799 = arith.mulf %get3A_765, %get3A_765 : vector<16xf32>
          %mul3A_800 = arith.mulf %get3A_769, %get3A_769 : vector<16xf32>
          %add3A_801 = arith.addf %mul3A_799, %mul3A_800 : vector<16xf32>
          %mul3A_802 = arith.mulf %get3A_773, %get3A_773 : vector<16xf32>
          %mul3A_803 = arith.mulf %get3A_777, %get3A_777 : vector<16xf32>
          %add3A_804 = arith.addf %mul3A_802, %mul3A_803 : vector<16xf32>
          %add3A_805 = arith.addf %add3A_801, %add3A_804 : vector<16xf32>
          %add3A_806 = arith.addf %add3A_784, %add3A_791 : vector<16xf32>
          %swap3A_807 = arith.constant 136 : index
          %swap3A_808 = tpu.vector_load %arg18[%swap3A_807] {strides = array<i32>} : memref<272xf32, #tpu.memory_space<vmem>>, vector<16xf32>,
          tpu.vector_store %arg18[%swap3A_807], %add3A_806 {strides = array<i32>} : memref<272xf32, #tpu.memory_space<vmem>>, vector<16xf32>,
          %add3A_809 = arith.addf %add3A_798, %add3A_805 : vector<16xf32>
          %swap3A_810 = arith.constant 136 : index
          %swap3A_811 = tpu.vector_load %arg19[%swap3A_810] {strides = array<i32>} : memref<272xf32, #tpu.memory_space<vmem>>, vector<16xf32>,
          tpu.vector_store %arg19[%swap3A_810], %add3A_809 {strides = array<i32>} : memref<272xf32, #tpu.memory_space<vmem>>, vector<16xf32>,
          %add3A_812 = arith.constant 9 : i32
          %add3A_813 = arith.addi %mul3A_181, %add3A_812 : i32
          %mul3A_814 = arith.constant 128 : i32
          %mul3A_815 = arith.muli %add3A_813, %mul3A_814 : i32
          %add3A_816 = arith.constant 0 : i32
          %add3A_817 = arith.addi %mul3A_815, %add3A_816 : i32
          %get3A_818 = arith.index_cast %add3A_817 : i32 to index
          %get3A_819 = tpu.vector_load %arg14[%get3A_818] {strides = array<i32>} : memref<28672xf32, #tpu.memory_space<vmem>>, vector<16xf32>,
          %add3A_820 = arith.constant 16 : i32
          %add3A_821 = arith.addi %mul3A_815, %add3A_820 : i32
          %get3A_822 = arith.index_cast %add3A_821 : i32 to index
          %get3A_823 = tpu.vector_load %arg14[%get3A_822] {strides = array<i32>} : memref<28672xf32, #tpu.memory_space<vmem>>, vector<16xf32>,
          %add3A_824 = arith.constant 32 : i32
          %add3A_825 = arith.addi %mul3A_815, %add3A_824 : i32
          %get3A_826 = arith.index_cast %add3A_825 : i32 to index
          %get3A_827 = tpu.vector_load %arg14[%get3A_826] {strides = array<i32>} : memref<28672xf32, #tpu.memory_space<vmem>>, vector<16xf32>,
          %add3A_828 = arith.constant 48 : i32
          %add3A_829 = arith.addi %mul3A_815, %add3A_828 : i32
          %get3A_830 = arith.index_cast %add3A_829 : i32 to index
          %get3A_831 = tpu.vector_load %arg14[%get3A_830] {strides = array<i32>} : memref<28672xf32, #tpu.memory_space<vmem>>, vector<16xf32>,
          %add3A_832 = arith.constant 64 : i32
          %add3A_833 = arith.addi %mul3A_815, %add3A_832 : i32
          %get3A_834 = arith.index_cast %add3A_833 : i32 to index
          %get3A_835 = tpu.vector_load %arg14[%get3A_834] {strides = array<i32>} : memref<28672xf32, #tpu.memory_space<vmem>>, vector<16xf32>,
          %add3A_836 = arith.constant 80 : i32
          %add3A_837 = arith.addi %mul3A_815, %add3A_836 : i32
          %get3A_838 = arith.index_cast %add3A_837 : i32 to index
          %get3A_839 = tpu.vector_load %arg14[%get3A_838] {strides = array<i32>} : memref<28672xf32, #tpu.memory_space<vmem>>, vector<16xf32>,
          %add3A_840 = arith.constant 96 : i32
          %add3A_841 = arith.addi %mul3A_815, %add3A_840 : i32
          %get3A_842 = arith.index_cast %add3A_841 : i32 to index
          %get3A_843 = tpu.vector_load %arg14[%get3A_842] {strides = array<i32>} : memref<28672xf32, #tpu.memory_space<vmem>>, vector<16xf32>,
          %add3A_844 = arith.constant 112 : i32
          %add3A_845 = arith.addi %mul3A_815, %add3A_844 : i32
          %get3A_846 = arith.index_cast %add3A_845 : i32 to index
          %get3A_847 = tpu.vector_load %arg14[%get3A_846] {strides = array<i32>} : memref<28672xf32, #tpu.memory_space<vmem>>, vector<16xf32>,
          %mul3A_848 = arith.mulf %get3A_819, %get3A_93 : vector<16xf32>
          %mul3A_849 = arith.mulf %get3A_823, %get3A_95 : vector<16xf32>
          %add3A_850 = arith.addf %mul3A_848, %mul3A_849 : vector<16xf32>
          %mul3A_851 = arith.mulf %get3A_827, %get3A_97 : vector<16xf32>
          %mul3A_852 = arith.mulf %get3A_831, %get3A_99 : vector<16xf32>
          %add3A_853 = arith.addf %mul3A_851, %mul3A_852 : vector<16xf32>
          %add3A_854 = arith.addf %add3A_850, %add3A_853 : vector<16xf32>
          %mul3A_855 = arith.mulf %get3A_835, %get3A_101 : vector<16xf32>
          %mul3A_856 = arith.mulf %get3A_839, %get3A_103 : vector<16xf32>
          %add3A_857 = arith.addf %mul3A_855, %mul3A_856 : vector<16xf32>
          %mul3A_858 = arith.mulf %get3A_843, %get3A_105 : vector<16xf32>
          %mul3A_859 = arith.mulf %get3A_847, %get3A_107 : vector<16xf32>
          %add3A_860 = arith.addf %mul3A_858, %mul3A_859 : vector<16xf32>
          %add3A_861 = arith.addf %add3A_857, %add3A_860 : vector<16xf32>
          %mul3A_862 = arith.mulf %get3A_819, %get3A_819 : vector<16xf32>
          %mul3A_863 = arith.mulf %get3A_823, %get3A_823 : vector<16xf32>
          %add3A_864 = arith.addf %mul3A_862, %mul3A_863 : vector<16xf32>
          %mul3A_865 = arith.mulf %get3A_827, %get3A_827 : vector<16xf32>
          %mul3A_866 = arith.mulf %get3A_831, %get3A_831 : vector<16xf32>
          %add3A_867 = arith.addf %mul3A_865, %mul3A_866 : vector<16xf32>
          %add3A_868 = arith.addf %add3A_864, %add3A_867 : vector<16xf32>
          %mul3A_869 = arith.mulf %get3A_835, %get3A_835 : vector<16xf32>
          %mul3A_870 = arith.mulf %get3A_839, %get3A_839 : vector<16xf32>
          %add3A_871 = arith.addf %mul3A_869, %mul3A_870 : vector<16xf32>
          %mul3A_872 = arith.mulf %get3A_843, %get3A_843 : vector<16xf32>
          %mul3A_873 = arith.mulf %get3A_847, %get3A_847 : vector<16xf32>
          %add3A_874 = arith.addf %mul3A_872, %mul3A_873 : vector<16xf32>
          %add3A_875 = arith.addf %add3A_871, %add3A_874 : vector<16xf32>
          %add3A_876 = arith.addf %add3A_854, %add3A_861 : vector<16xf32>
          %swap3A_877 = arith.constant 153 : index
          %swap3A_878 = tpu.vector_load %arg18[%swap3A_877] {strides = array<i32>} : memref<272xf32, #tpu.memory_space<vmem>>, vector<16xf32>,
          tpu.vector_store %arg18[%swap3A_877], %add3A_876 {strides = array<i32>} : memref<272xf32, #tpu.memory_space<vmem>>, vector<16xf32>,
          %add3A_879 = arith.addf %add3A_868, %add3A_875 : vector<16xf32>
          %swap3A_880 = arith.constant 153 : index
          %swap3A_881 = tpu.vector_load %arg19[%swap3A_880] {strides = array<i32>} : memref<272xf32, #tpu.memory_space<vmem>>, vector<16xf32>,
          tpu.vector_store %arg19[%swap3A_880], %add3A_879 {strides = array<i32>} : memref<272xf32, #tpu.memory_space<vmem>>, vector<16xf32>,
          %add3A_882 = arith.constant 10 : i32
          %add3A_883 = arith.addi %mul3A_181, %add3A_882 : i32
          %mul3A_884 = arith.constant 128 : i32
          %mul3A_885 = arith.muli %add3A_883, %mul3A_884 : i32
          %add3A_886 = arith.constant 0 : i32
          %add3A_887 = arith.addi %mul3A_885, %add3A_886 : i32
          %get3A_888 = arith.index_cast %add3A_887 : i32 to index
          %get3A_889 = tpu.vector_load %arg14[%get3A_888] {strides = array<i32>} : memref<28672xf32, #tpu.memory_space<vmem>>, vector<16xf32>,
          %add3A_890 = arith.constant 16 : i32
          %add3A_891 = arith.addi %mul3A_885, %add3A_890 : i32
          %get3A_892 = arith.index_cast %add3A_891 : i32 to index
          %get3A_893 = tpu.vector_load %arg14[%get3A_892] {strides = array<i32>} : memref<28672xf32, #tpu.memory_space<vmem>>, vector<16xf32>,
          %add3A_894 = arith.constant 32 : i32
          %add3A_895 = arith.addi %mul3A_885, %add3A_894 : i32
          %get3A_896 = arith.index_cast %add3A_895 : i32 to index
          %get3A_897 = tpu.vector_load %arg14[%get3A_896] {strides = array<i32>} : memref<28672xf32, #tpu.memory_space<vmem>>, vector<16xf32>,
          %add3A_898 = arith.constant 48 : i32
          %add3A_899 = arith.addi %mul3A_885, %add3A_898 : i32
          %get3A_900 = arith.index_cast %add3A_899 : i32 to index
          %get3A_901 = tpu.vector_load %arg14[%get3A_900] {strides = array<i32>} : memref<28672xf32, #tpu.memory_space<vmem>>, vector<16xf32>,
          %add3A_902 = arith.constant 64 : i32
          %add3A_903 = arith.addi %mul3A_885, %add3A_902 : i32
          %get3A_904 = arith.index_cast %add3A_903 : i32 to index
          %get3A_905 = tpu.vector_load %arg14[%get3A_904] {strides = array<i32>} : memref<28672xf32, #tpu.memory_space<vmem>>, vector<16xf32>,
          %add3A_906 = arith.constant 80 : i32
          %add3A_907 = arith.addi %mul3A_885, %add3A_906 : i32
          %get3A_908 = arith.index_cast %add3A_907 : i32 to index
          %get3A_909 = tpu.vector_load %arg14[%get3A_908] {strides = array<i32>} : memref<28672xf32, #tpu.memory_space<vmem>>, vector<16xf32>,
          %add3A_910 = arith.constant 96 : i32
          %add3A_911 = arith.addi %mul3A_885, %add3A_910 : i32
          %get3A_912 = arith.index_cast %add3A_911 : i32 to index
          %get3A_913 = tpu.vector_load %arg14[%get3A_912] {strides = array<i32>} : memref<28672xf32, #tpu.memory_space<vmem>>, vector<16xf32>,
          %add3A_914 = arith.constant 112 : i32
          %add3A_915 = arith.addi %mul3A_885, %add3A_914 : i32
          %get3A_916 = arith.index_cast %add3A_915 : i32 to index
          %get3A_917 = tpu.vector_load %arg14[%get3A_916] {strides = array<i32>} : memref<28672xf32, #tpu.memory_space<vmem>>, vector<16xf32>,
          %mul3A_918 = arith.mulf %get3A_889, %get3A_93 : vector<16xf32>
          %mul3A_919 = arith.mulf %get3A_893, %get3A_95 : vector<16xf32>
          %add3A_920 = arith.addf %mul3A_918, %mul3A_919 : vector<16xf32>
          %mul3A_921 = arith.mulf %get3A_897, %get3A_97 : vector<16xf32>
          %mul3A_922 = arith.mulf %get3A_901, %get3A_99 : vector<16xf32>
          %add3A_923 = arith.addf %mul3A_921, %mul3A_922 : vector<16xf32>
          %add3A_924 = arith.addf %add3A_920, %add3A_923 : vector<16xf32>
          %mul3A_925 = arith.mulf %get3A_905, %get3A_101 : vector<16xf32>
          %mul3A_926 = arith.mulf %get3A_909, %get3A_103 : vector<16xf32>
          %add3A_927 = arith.addf %mul3A_925, %mul3A_926 : vector<16xf32>
          %mul3A_928 = arith.mulf %get3A_913, %get3A_105 : vector<16xf32>
          %mul3A_929 = arith.mulf %get3A_917, %get3A_107 : vector<16xf32>
          %add3A_930 = arith.addf %mul3A_928, %mul3A_929 : vector<16xf32>
          %add3A_931 = arith.addf %add3A_927, %add3A_930 : vector<16xf32>
          %mul3A_932 = arith.mulf %get3A_889, %get3A_889 : vector<16xf32>
          %mul3A_933 = arith.mulf %get3A_893, %get3A_893 : vector<16xf32>
          %add3A_934 = arith.addf %mul3A_932, %mul3A_933 : vector<16xf32>
          %mul3A_935 = arith.mulf %get3A_897, %get3A_897 : vector<16xf32>
          %mul3A_936 = arith.mulf %get3A_901, %get3A_901 : vector<16xf32>
          %add3A_937 = arith.addf %mul3A_935, %mul3A_936 : vector<16xf32>
          %add3A_938 = arith.addf %add3A_934, %add3A_937 : vector<16xf32>
          %mul3A_939 = arith.mulf %get3A_905, %get3A_905 : vector<16xf32>
          %mul3A_940 = arith.mulf %get3A_909, %get3A_909 : vector<16xf32>
          %add3A_941 = arith.addf %mul3A_939, %mul3A_940 : vector<16xf32>
          %mul3A_942 = arith.mulf %get3A_913, %get3A_913 : vector<16xf32>
          %mul3A_943 = arith.mulf %get3A_917, %get3A_917 : vector<16xf32>
          %add3A_944 = arith.addf %mul3A_942, %mul3A_943 : vector<16xf32>
          %add3A_945 = arith.addf %add3A_941, %add3A_944 : vector<16xf32>
          %add3A_946 = arith.addf %add3A_924, %add3A_931 : vector<16xf32>
          %swap3A_947 = arith.constant 170 : index
          %swap3A_948 = tpu.vector_load %arg18[%swap3A_947] {strides = array<i32>} : memref<272xf32, #tpu.memory_space<vmem>>, vector<16xf32>,
          tpu.vector_store %arg18[%swap3A_947], %add3A_946 {strides = array<i32>} : memref<272xf32, #tpu.memory_space<vmem>>, vector<16xf32>,
          %add3A_949 = arith.addf %add3A_938, %add3A_945 : vector<16xf32>
          %swap3A_950 = arith.constant 170 : index
          %swap3A_951 = tpu.vector_load %arg19[%swap3A_950] {strides = array<i32>} : memref<272xf32, #tpu.memory_space<vmem>>, vector<16xf32>,
          tpu.vector_store %arg19[%swap3A_950], %add3A_949 {strides = array<i32>} : memref<272xf32, #tpu.memory_space<vmem>>, vector<16xf32>,
          %add3A_952 = arith.constant 11 : i32
          %add3A_953 = arith.addi %mul3A_181, %add3A_952 : i32
          %mul3A_954 = arith.constant 128 : i32
          %mul3A_955 = arith.muli %add3A_953, %mul3A_954 : i32
          %add3A_956 = arith.constant 0 : i32
          %add3A_957 = arith.addi %mul3A_955, %add3A_956 : i32
          %get3A_958 = arith.index_cast %add3A_957 : i32 to index
          %get3A_959 = tpu.vector_load %arg14[%get3A_958] {strides = array<i32>} : memref<28672xf32, #tpu.memory_space<vmem>>, vector<16xf32>,
          %add3A_960 = arith.constant 16 : i32
          %add3A_961 = arith.addi %mul3A_955, %add3A_960 : i32
          %get3A_962 = arith.index_cast %add3A_961 : i32 to index
          %get3A_963 = tpu.vector_load %arg14[%get3A_962] {strides = array<i32>} : memref<28672xf32, #tpu.memory_space<vmem>>, vector<16xf32>,
          %add3A_964 = arith.constant 32 : i32
          %add3A_965 = arith.addi %mul3A_955, %add3A_964 : i32
          %get3A_966 = arith.index_cast %add3A_965 : i32 to index
          %get3A_967 = tpu.vector_load %arg14[%get3A_966] {strides = array<i32>} : memref<28672xf32, #tpu.memory_space<vmem>>, vector<16xf32>,
          %add3A_968 = arith.constant 48 : i32
          %add3A_969 = arith.addi %mul3A_955, %add3A_968 : i32
          %get3A_970 = arith.index_cast %add3A_969 : i32 to index
          %get3A_971 = tpu.vector_load %arg14[%get3A_970] {strides = array<i32>} : memref<28672xf32, #tpu.memory_space<vmem>>, vector<16xf32>,
          %add3A_972 = arith.constant 64 : i32
          %add3A_973 = arith.addi %mul3A_955, %add3A_972 : i32
          %get3A_974 = arith.index_cast %add3A_973 : i32 to index
          %get3A_975 = tpu.vector_load %arg14[%get3A_974] {strides = array<i32>} : memref<28672xf32, #tpu.memory_space<vmem>>, vector<16xf32>,
          %add3A_976 = arith.constant 80 : i32
          %add3A_977 = arith.addi %mul3A_955, %add3A_976 : i32
          %get3A_978 = arith.index_cast %add3A_977 : i32 to index
          %get3A_979 = tpu.vector_load %arg14[%get3A_978] {strides = array<i32>} : memref<28672xf32, #tpu.memory_space<vmem>>, vector<16xf32>,
          %add3A_980 = arith.constant 96 : i32
          %add3A_981 = arith.addi %mul3A_955, %add3A_980 : i32
          %get3A_982 = arith.index_cast %add3A_981 : i32 to index
          %get3A_983 = tpu.vector_load %arg14[%get3A_982] {strides = array<i32>} : memref<28672xf32, #tpu.memory_space<vmem>>, vector<16xf32>,
          %add3A_984 = arith.constant 112 : i32
          %add3A_985 = arith.addi %mul3A_955, %add3A_984 : i32
          %get3A_986 = arith.index_cast %add3A_985 : i32 to index
          %get3A_987 = tpu.vector_load %arg14[%get3A_986] {strides = array<i32>} : memref<28672xf32, #tpu.memory_space<vmem>>, vector<16xf32>,
          %mul3A_988 = arith.mulf %get3A_959, %get3A_93 : vector<16xf32>
          %mul3A_989 = arith.mulf %get3A_963, %get3A_95 : vector<16xf32>
          %add3A_990 = arith.addf %mul3A_988, %mul3A_989 : vector<16xf32>
          %mul3A_991 = arith.mulf %get3A_967, %get3A_97 : vector<16xf32>
          %mul3A_992 = arith.mulf %get3A_971, %get3A_99 : vector<16xf32>
          %add3A_993 = arith.addf %mul3A_991, %mul3A_992 : vector<16xf32>
          %add3A_994 = arith.addf %add3A_990, %add3A_993 : vector<16xf32>
          %mul3A_995 = arith.mulf %get3A_975, %get3A_101 : vector<16xf32>
          %mul3A_996 = arith.mulf %get3A_979, %get3A_103 : vector<16xf32>
          %add3A_997 = arith.addf %mul3A_995, %mul3A_996 : vector<16xf32>
          %mul3A_998 = arith.mulf %get3A_983, %get3A_105 : vector<16xf32>
          %mul3A_999 = arith.mulf %get3A_987, %get3A_107 : vector<16xf32>
          %add3A_1000 = arith.addf %mul3A_998, %mul3A_999 : vector<16xf32>
          %add3A_1001 = arith.addf %add3A_997, %add3A_1000 : vector<16xf32>
          %mul3A_1002 = arith.mulf %get3A_959, %get3A_959 : vector<16xf32>
          %mul3A_1003 = arith.mulf %get3A_963, %get3A_963 : vector<16xf32>
          %add3A_1004 = arith.addf %mul3A_1002, %mul3A_1003 : vector<16xf32>
          %mul3A_1005 = arith.mulf %get3A_967, %get3A_967 : vector<16xf32>
          %mul3A_1006 = arith.mulf %get3A_971, %get3A_971 : vector<16xf32>
          %add3A_1007 = arith.addf %mul3A_1005, %mul3A_1006 : vector<16xf32>
          %add3A_1008 = arith.addf %add3A_1004, %add3A_1007 : vector<16xf32>
          %mul3A_1009 = arith.mulf %get3A_975, %get3A_975 : vector<16xf32>
          %mul3A_1010 = arith.mulf %get3A_979, %get3A_979 : vector<16xf32>
          %add3A_1011 = arith.addf %mul3A_1009, %mul3A_1010 : vector<16xf32>
          %mul3A_1012 = arith.mulf %get3A_983, %get3A_983 : vector<16xf32>
          %mul3A_1013 = arith.mulf %get3A_987, %get3A_987 : vector<16xf32>
          %add3A_1014 = arith.addf %mul3A_1012, %mul3A_1013 : vector<16xf32>
          %add3A_1015 = arith.addf %add3A_1011, %add3A_1014 : vector<16xf32>
          %add3A_1016 = arith.addf %add3A_994, %add3A_1001 : vector<16xf32>
          %swap3A_1017 = arith.constant 187 : index
          %swap3A_1018 = tpu.vector_load %arg18[%swap3A_1017] {strides = array<i32>} : memref<272xf32, #tpu.memory_space<vmem>>, vector<16xf32>,
          tpu.vector_store %arg18[%swap3A_1017], %add3A_1016 {strides = array<i32>} : memref<272xf32, #tpu.memory_space<vmem>>, vector<16xf32>,
          %add3A_1019 = arith.addf %add3A_1008, %add3A_1015 : vector<16xf32>
          %swap3A_1020 = arith.constant 187 : index
          %swap3A_1021 = tpu.vector_load %arg19[%swap3A_1020] {strides = array<i32>} : memref<272xf32, #tpu.memory_space<vmem>>, vector<16xf32>,
          tpu.vector_store %arg19[%swap3A_1020], %add3A_1019 {strides = array<i32>} : memref<272xf32, #tpu.memory_space<vmem>>, vector<16xf32>,
          %add3A_1022 = arith.constant 12 : i32
          %add3A_1023 = arith.addi %mul3A_181, %add3A_1022 : i32
          %mul3A_1024 = arith.constant 128 : i32
          %mul3A_1025 = arith.muli %add3A_1023, %mul3A_1024 : i32
          %add3A_1026 = arith.constant 0 : i32
          %add3A_1027 = arith.addi %mul3A_1025, %add3A_1026 : i32
          %get3A_1028 = arith.index_cast %add3A_1027 : i32 to index
          %get3A_1029 = tpu.vector_load %arg14[%get3A_1028] {strides = array<i32>} : memref<28672xf32, #tpu.memory_space<vmem>>, vector<16xf32>,
          %add3A_1030 = arith.constant 16 : i32
          %add3A_1031 = arith.addi %mul3A_1025, %add3A_1030 : i32
          %get3A_1032 = arith.index_cast %add3A_1031 : i32 to index
          %get3A_1033 = tpu.vector_load %arg14[%get3A_1032] {strides = array<i32>} : memref<28672xf32, #tpu.memory_space<vmem>>, vector<16xf32>,
          %add3A_1034 = arith.constant 32 : i32
          %add3A_1035 = arith.addi %mul3A_1025, %add3A_1034 : i32
          %get3A_1036 = arith.index_cast %add3A_1035 : i32 to index
          %get3A_1037 = tpu.vector_load %arg14[%get3A_1036] {strides = array<i32>} : memref<28672xf32, #tpu.memory_space<vmem>>, vector<16xf32>,
          %add3A_1038 = arith.constant 48 : i32
          %add3A_1039 = arith.addi %mul3A_1025, %add3A_1038 : i32
          %get3A_1040 = arith.index_cast %add3A_1039 : i32 to index
          %get3A_1041 = tpu.vector_load %arg14[%get3A_1040] {strides = array<i32>} : memref<28672xf32, #tpu.memory_space<vmem>>, vector<16xf32>,
          %add3A_1042 = arith.constant 64 : i32
          %add3A_1043 = arith.addi %mul3A_1025, %add3A_1042 : i32
          %get3A_1044 = arith.index_cast %add3A_1043 : i32 to index
          %get3A_1045 = tpu.vector_load %arg14[%get3A_1044] {strides = array<i32>} : memref<28672xf32, #tpu.memory_space<vmem>>, vector<16xf32>,
          %add3A_1046 = arith.constant 80 : i32
          %add3A_1047 = arith.addi %mul3A_1025, %add3A_1046 : i32
          %get3A_1048 = arith.index_cast %add3A_1047 : i32 to index
          %get3A_1049 = tpu.vector_load %arg14[%get3A_1048] {strides = array<i32>} : memref<28672xf32, #tpu.memory_space<vmem>>, vector<16xf32>,
          %add3A_1050 = arith.constant 96 : i32
          %add3A_1051 = arith.addi %mul3A_1025, %add3A_1050 : i32
          %get3A_1052 = arith.index_cast %add3A_1051 : i32 to index
          %get3A_1053 = tpu.vector_load %arg14[%get3A_1052] {strides = array<i32>} : memref<28672xf32, #tpu.memory_space<vmem>>, vector<16xf32>,
          %add3A_1054 = arith.constant 112 : i32
          %add3A_1055 = arith.addi %mul3A_1025, %add3A_1054 : i32
          %get3A_1056 = arith.index_cast %add3A_1055 : i32 to index
          %get3A_1057 = tpu.vector_load %arg14[%get3A_1056] {strides = array<i32>} : memref<28672xf32, #tpu.memory_space<vmem>>, vector<16xf32>,
          %mul3A_1058 = arith.mulf %get3A_1029, %get3A_93 : vector<16xf32>
          %mul3A_1059 = arith.mulf %get3A_1033, %get3A_95 : vector<16xf32>
          %add3A_1060 = arith.addf %mul3A_1058, %mul3A_1059 : vector<16xf32>
          %mul3A_1061 = arith.mulf %get3A_1037, %get3A_97 : vector<16xf32>
          %mul3A_1062 = arith.mulf %get3A_1041, %get3A_99 : vector<16xf32>
          %add3A_1063 = arith.addf %mul3A_1061, %mul3A_1062 : vector<16xf32>
          %add3A_1064 = arith.addf %add3A_1060, %add3A_1063 : vector<16xf32>
          %mul3A_1065 = arith.mulf %get3A_1045, %get3A_101 : vector<16xf32>
          %mul3A_1066 = arith.mulf %get3A_1049, %get3A_103 : vector<16xf32>
          %add3A_1067 = arith.addf %mul3A_1065, %mul3A_1066 : vector<16xf32>
          %mul3A_1068 = arith.mulf %get3A_1053, %get3A_105 : vector<16xf32>
          %mul3A_1069 = arith.mulf %get3A_1057, %get3A_107 : vector<16xf32>
          %add3A_1070 = arith.addf %mul3A_1068, %mul3A_1069 : vector<16xf32>
          %add3A_1071 = arith.addf %add3A_1067, %add3A_1070 : vector<16xf32>
          %mul3A_1072 = arith.mulf %get3A_1029, %get3A_1029 : vector<16xf32>
          %mul3A_1073 = arith.mulf %get3A_1033, %get3A_1033 : vector<16xf32>
          %add3A_1074 = arith.addf %mul3A_1072, %mul3A_1073 : vector<16xf32>
          %mul3A_1075 = arith.mulf %get3A_1037, %get3A_1037 : vector<16xf32>
          %mul3A_1076 = arith.mulf %get3A_1041, %get3A_1041 : vector<16xf32>
          %add3A_1077 = arith.addf %mul3A_1075, %mul3A_1076 : vector<16xf32>
          %add3A_1078 = arith.addf %add3A_1074, %add3A_1077 : vector<16xf32>
          %mul3A_1079 = arith.mulf %get3A_1045, %get3A_1045 : vector<16xf32>
          %mul3A_1080 = arith.mulf %get3A_1049, %get3A_1049 : vector<16xf32>
          %add3A_1081 = arith.addf %mul3A_1079, %mul3A_1080 : vector<16xf32>
          %mul3A_1082 = arith.mulf %get3A_1053, %get3A_1053 : vector<16xf32>
          %mul3A_1083 = arith.mulf %get3A_1057, %get3A_1057 : vector<16xf32>
          %add3A_1084 = arith.addf %mul3A_1082, %mul3A_1083 : vector<16xf32>
          %add3A_1085 = arith.addf %add3A_1081, %add3A_1084 : vector<16xf32>
          %add3A_1086 = arith.addf %add3A_1064, %add3A_1071 : vector<16xf32>
          %swap3A_1087 = arith.constant 204 : index
          %swap3A_1088 = tpu.vector_load %arg18[%swap3A_1087] {strides = array<i32>} : memref<272xf32, #tpu.memory_space<vmem>>, vector<16xf32>,
          tpu.vector_store %arg18[%swap3A_1087], %add3A_1086 {strides = array<i32>} : memref<272xf32, #tpu.memory_space<vmem>>, vector<16xf32>,
          %add3A_1089 = arith.addf %add3A_1078, %add3A_1085 : vector<16xf32>
          %swap3A_1090 = arith.constant 204 : index
          %swap3A_1091 = tpu.vector_load %arg19[%swap3A_1090] {strides = array<i32>} : memref<272xf32, #tpu.memory_space<vmem>>, vector<16xf32>,
          tpu.vector_store %arg19[%swap3A_1090], %add3A_1089 {strides = array<i32>} : memref<272xf32, #tpu.memory_space<vmem>>, vector<16xf32>,
          %add3A_1092 = arith.constant 13 : i32
          %add3A_1093 = arith.addi %mul3A_181, %add3A_1092 : i32
          %mul3A_1094 = arith.constant 128 : i32
          %mul3A_1095 = arith.muli %add3A_1093, %mul3A_1094 : i32
          %add3A_1096 = arith.constant 0 : i32
          %add3A_1097 = arith.addi %mul3A_1095, %add3A_1096 : i32
          %get3A_1098 = arith.index_cast %add3A_1097 : i32 to index
          %get3A_1099 = tpu.vector_load %arg14[%get3A_1098] {strides = array<i32>} : memref<28672xf32, #tpu.memory_space<vmem>>, vector<16xf32>,
          %add3A_1100 = arith.constant 16 : i32
          %add3A_1101 = arith.addi %mul3A_1095, %add3A_1100 : i32
          %get3A_1102 = arith.index_cast %add3A_1101 : i32 to index
          %get3A_1103 = tpu.vector_load %arg14[%get3A_1102] {strides = array<i32>} : memref<28672xf32, #tpu.memory_space<vmem>>, vector<16xf32>,
          %add3A_1104 = arith.constant 32 : i32
          %add3A_1105 = arith.addi %mul3A_1095, %add3A_1104 : i32
          %get3A_1106 = arith.index_cast %add3A_1105 : i32 to index
          %get3A_1107 = tpu.vector_load %arg14[%get3A_1106] {strides = array<i32>} : memref<28672xf32, #tpu.memory_space<vmem>>, vector<16xf32>,
          %add3A_1108 = arith.constant 48 : i32
          %add3A_1109 = arith.addi %mul3A_1095, %add3A_1108 : i32
          %get3A_1110 = arith.index_cast %add3A_1109 : i32 to index
          %get3A_1111 = tpu.vector_load %arg14[%get3A_1110] {strides = array<i32>} : memref<28672xf32, #tpu.memory_space<vmem>>, vector<16xf32>,
          %add3A_1112 = arith.constant 64 : i32
          %add3A_1113 = arith.addi %mul3A_1095, %add3A_1112 : i32
          %get3A_1114 = arith.index_cast %add3A_1113 : i32 to index
          %get3A_1115 = tpu.vector_load %arg14[%get3A_1114] {strides = array<i32>} : memref<28672xf32, #tpu.memory_space<vmem>>, vector<16xf32>,
          %add3A_1116 = arith.constant 80 : i32
          %add3A_1117 = arith.addi %mul3A_1095, %add3A_1116 : i32
          %get3A_1118 = arith.index_cast %add3A_1117 : i32 to index
          %get3A_1119 = tpu.vector_load %arg14[%get3A_1118] {strides = array<i32>} : memref<28672xf32, #tpu.memory_space<vmem>>, vector<16xf32>,
          %add3A_1120 = arith.constant 96 : i32
          %add3A_1121 = arith.addi %mul3A_1095, %add3A_1120 : i32
          %get3A_1122 = arith.index_cast %add3A_1121 : i32 to index
          %get3A_1123 = tpu.vector_load %arg14[%get3A_1122] {strides = array<i32>} : memref<28672xf32, #tpu.memory_space<vmem>>, vector<16xf32>,
          %add3A_1124 = arith.constant 112 : i32
          %add3A_1125 = arith.addi %mul3A_1095, %add3A_1124 : i32
          %get3A_1126 = arith.index_cast %add3A_1125 : i32 to index
          %get3A_1127 = tpu.vector_load %arg14[%get3A_1126] {strides = array<i32>} : memref<28672xf32, #tpu.memory_space<vmem>>, vector<16xf32>,
          %mul3A_1128 = arith.mulf %get3A_1099, %get3A_93 : vector<16xf32>
          %mul3A_1129 = arith.mulf %get3A_1103, %get3A_95 : vector<16xf32>
          %add3A_1130 = arith.addf %mul3A_1128, %mul3A_1129 : vector<16xf32>
          %mul3A_1131 = arith.mulf %get3A_1107, %get3A_97 : vector<16xf32>
          %mul3A_1132 = arith.mulf %get3A_1111, %get3A_99 : vector<16xf32>
          %add3A_1133 = arith.addf %mul3A_1131, %mul3A_1132 : vector<16xf32>
          %add3A_1134 = arith.addf %add3A_1130, %add3A_1133 : vector<16xf32>
          %mul3A_1135 = arith.mulf %get3A_1115, %get3A_101 : vector<16xf32>
          %mul3A_1136 = arith.mulf %get3A_1119, %get3A_103 : vector<16xf32>
          %add3A_1137 = arith.addf %mul3A_1135, %mul3A_1136 : vector<16xf32>
          %mul3A_1138 = arith.mulf %get3A_1123, %get3A_105 : vector<16xf32>
          %mul3A_1139 = arith.mulf %get3A_1127, %get3A_107 : vector<16xf32>
          %add3A_1140 = arith.addf %mul3A_1138, %mul3A_1139 : vector<16xf32>
          %add3A_1141 = arith.addf %add3A_1137, %add3A_1140 : vector<16xf32>
          %mul3A_1142 = arith.mulf %get3A_1099, %get3A_1099 : vector<16xf32>
          %mul3A_1143 = arith.mulf %get3A_1103, %get3A_1103 : vector<16xf32>
          %add3A_1144 = arith.addf %mul3A_1142, %mul3A_1143 : vector<16xf32>
          %mul3A_1145 = arith.mulf %get3A_1107, %get3A_1107 : vector<16xf32>
          %mul3A_1146 = arith.mulf %get3A_1111, %get3A_1111 : vector<16xf32>
          %add3A_1147 = arith.addf %mul3A_1145, %mul3A_1146 : vector<16xf32>
          %add3A_1148 = arith.addf %add3A_1144, %add3A_1147 : vector<16xf32>
          %mul3A_1149 = arith.mulf %get3A_1115, %get3A_1115 : vector<16xf32>
          %mul3A_1150 = arith.mulf %get3A_1119, %get3A_1119 : vector<16xf32>
          %add3A_1151 = arith.addf %mul3A_1149, %mul3A_1150 : vector<16xf32>
          %mul3A_1152 = arith.mulf %get3A_1123, %get3A_1123 : vector<16xf32>
          %mul3A_1153 = arith.mulf %get3A_1127, %get3A_1127 : vector<16xf32>
          %add3A_1154 = arith.addf %mul3A_1152, %mul3A_1153 : vector<16xf32>
          %add3A_1155 = arith.addf %add3A_1151, %add3A_1154 : vector<16xf32>
          %add3A_1156 = arith.addf %add3A_1134, %add3A_1141 : vector<16xf32>
          %swap3A_1157 = arith.constant 221 : index
          %swap3A_1158 = tpu.vector_load %arg18[%swap3A_1157] {strides = array<i32>} : memref<272xf32, #tpu.memory_space<vmem>>, vector<16xf32>,
          tpu.vector_store %arg18[%swap3A_1157], %add3A_1156 {strides = array<i32>} : memref<272xf32, #tpu.memory_space<vmem>>, vector<16xf32>,
          %add3A_1159 = arith.addf %add3A_1148, %add3A_1155 : vector<16xf32>
          %swap3A_1160 = arith.constant 221 : index
          %swap3A_1161 = tpu.vector_load %arg19[%swap3A_1160] {strides = array<i32>} : memref<272xf32, #tpu.memory_space<vmem>>, vector<16xf32>,
          tpu.vector_store %arg19[%swap3A_1160], %add3A_1159 {strides = array<i32>} : memref<272xf32, #tpu.memory_space<vmem>>, vector<16xf32>,
          %add3A_1162 = arith.constant 14 : i32
          %add3A_1163 = arith.addi %mul3A_181, %add3A_1162 : i32
          %mul3A_1164 = arith.constant 128 : i32
          %mul3A_1165 = arith.muli %add3A_1163, %mul3A_1164 : i32
          %add3A_1166 = arith.constant 0 : i32
          %add3A_1167 = arith.addi %mul3A_1165, %add3A_1166 : i32
          %get3A_1168 = arith.index_cast %add3A_1167 : i32 to index
          %get3A_1169 = tpu.vector_load %arg14[%get3A_1168] {strides = array<i32>} : memref<28672xf32, #tpu.memory_space<vmem>>, vector<16xf32>,
          %add3A_1170 = arith.constant 16 : i32
          %add3A_1171 = arith.addi %mul3A_1165, %add3A_1170 : i32
          %get3A_1172 = arith.index_cast %add3A_1171 : i32 to index
          %get3A_1173 = tpu.vector_load %arg14[%get3A_1172] {strides = array<i32>} : memref<28672xf32, #tpu.memory_space<vmem>>, vector<16xf32>,
          %add3A_1174 = arith.constant 32 : i32
          %add3A_1175 = arith.addi %mul3A_1165, %add3A_1174 : i32
          %get3A_1176 = arith.index_cast %add3A_1175 : i32 to index
          %get3A_1177 = tpu.vector_load %arg14[%get3A_1176] {strides = array<i32>} : memref<28672xf32, #tpu.memory_space<vmem>>, vector<16xf32>,
          %add3A_1178 = arith.constant 48 : i32
          %add3A_1179 = arith.addi %mul3A_1165, %add3A_1178 : i32
          %get3A_1180 = arith.index_cast %add3A_1179 : i32 to index
          %get3A_1181 = tpu.vector_load %arg14[%get3A_1180] {strides = array<i32>} : memref<28672xf32, #tpu.memory_space<vmem>>, vector<16xf32>,
          %add3A_1182 = arith.constant 64 : i32
          %add3A_1183 = arith.addi %mul3A_1165, %add3A_1182 : i32
          %get3A_1184 = arith.index_cast %add3A_1183 : i32 to index
          %get3A_1185 = tpu.vector_load %arg14[%get3A_1184] {strides = array<i32>} : memref<28672xf32, #tpu.memory_space<vmem>>, vector<16xf32>,
          %add3A_1186 = arith.constant 80 : i32
          %add3A_1187 = arith.addi %mul3A_1165, %add3A_1186 : i32
          %get3A_1188 = arith.index_cast %add3A_1187 : i32 to index
          %get3A_1189 = tpu.vector_load %arg14[%get3A_1188] {strides = array<i32>} : memref<28672xf32, #tpu.memory_space<vmem>>, vector<16xf32>,
          %add3A_1190 = arith.constant 96 : i32
          %add3A_1191 = arith.addi %mul3A_1165, %add3A_1190 : i32
          %get3A_1192 = arith.index_cast %add3A_1191 : i32 to index
          %get3A_1193 = tpu.vector_load %arg14[%get3A_1192] {strides = array<i32>} : memref<28672xf32, #tpu.memory_space<vmem>>, vector<16xf32>,
          %add3A_1194 = arith.constant 112 : i32
          %add3A_1195 = arith.addi %mul3A_1165, %add3A_1194 : i32
          %get3A_1196 = arith.index_cast %add3A_1195 : i32 to index
          %get3A_1197 = tpu.vector_load %arg14[%get3A_1196] {strides = array<i32>} : memref<28672xf32, #tpu.memory_space<vmem>>, vector<16xf32>,
          %mul3A_1198 = arith.mulf %get3A_1169, %get3A_93 : vector<16xf32>
          %mul3A_1199 = arith.mulf %get3A_1173, %get3A_95 : vector<16xf32>
          %add3A_1200 = arith.addf %mul3A_1198, %mul3A_1199 : vector<16xf32>
          %mul3A_1201 = arith.mulf %get3A_1177, %get3A_97 : vector<16xf32>
          %mul3A_1202 = arith.mulf %get3A_1181, %get3A_99 : vector<16xf32>
          %add3A_1203 = arith.addf %mul3A_1201, %mul3A_1202 : vector<16xf32>
          %add3A_1204 = arith.addf %add3A_1200, %add3A_1203 : vector<16xf32>
          %mul3A_1205 = arith.mulf %get3A_1185, %get3A_101 : vector<16xf32>
          %mul3A_1206 = arith.mulf %get3A_1189, %get3A_103 : vector<16xf32>
          %add3A_1207 = arith.addf %mul3A_1205, %mul3A_1206 : vector<16xf32>
          %mul3A_1208 = arith.mulf %get3A_1193, %get3A_105 : vector<16xf32>
          %mul3A_1209 = arith.mulf %get3A_1197, %get3A_107 : vector<16xf32>
          %add3A_1210 = arith.addf %mul3A_1208, %mul3A_1209 : vector<16xf32>
          %add3A_1211 = arith.addf %add3A_1207, %add3A_1210 : vector<16xf32>
          %mul3A_1212 = arith.mulf %get3A_1169, %get3A_1169 : vector<16xf32>
          %mul3A_1213 = arith.mulf %get3A_1173, %get3A_1173 : vector<16xf32>
          %add3A_1214 = arith.addf %mul3A_1212, %mul3A_1213 : vector<16xf32>
          %mul3A_1215 = arith.mulf %get3A_1177, %get3A_1177 : vector<16xf32>
          %mul3A_1216 = arith.mulf %get3A_1181, %get3A_1181 : vector<16xf32>
          %add3A_1217 = arith.addf %mul3A_1215, %mul3A_1216 : vector<16xf32>
          %add3A_1218 = arith.addf %add3A_1214, %add3A_1217 : vector<16xf32>
          %mul3A_1219 = arith.mulf %get3A_1185, %get3A_1185 : vector<16xf32>
          %mul3A_1220 = arith.mulf %get3A_1189, %get3A_1189 : vector<16xf32>
          %add3A_1221 = arith.addf %mul3A_1219, %mul3A_1220 : vector<16xf32>
          %mul3A_1222 = arith.mulf %get3A_1193, %get3A_1193 : vector<16xf32>
          %mul3A_1223 = arith.mulf %get3A_1197, %get3A_1197 : vector<16xf32>
          %add3A_1224 = arith.addf %mul3A_1222, %mul3A_1223 : vector<16xf32>
          %add3A_1225 = arith.addf %add3A_1221, %add3A_1224 : vector<16xf32>
          %add3A_1226 = arith.addf %add3A_1204, %add3A_1211 : vector<16xf32>
          %swap3A_1227 = arith.constant 238 : index
          %swap3A_1228 = tpu.vector_load %arg18[%swap3A_1227] {strides = array<i32>} : memref<272xf32, #tpu.memory_space<vmem>>, vector<16xf32>,
          tpu.vector_store %arg18[%swap3A_1227], %add3A_1226 {strides = array<i32>} : memref<272xf32, #tpu.memory_space<vmem>>, vector<16xf32>,
          %add3A_1229 = arith.addf %add3A_1218, %add3A_1225 : vector<16xf32>
          %swap3A_1230 = arith.constant 238 : index
          %swap3A_1231 = tpu.vector_load %arg19[%swap3A_1230] {strides = array<i32>} : memref<272xf32, #tpu.memory_space<vmem>>, vector<16xf32>,
          tpu.vector_store %arg19[%swap3A_1230], %add3A_1229 {strides = array<i32>} : memref<272xf32, #tpu.memory_space<vmem>>, vector<16xf32>,
          %add3A_1232 = arith.constant 15 : i32
          %add3A_1233 = arith.addi %mul3A_181, %add3A_1232 : i32
          %mul3A_1234 = arith.constant 128 : i32
          %mul3A_1235 = arith.muli %add3A_1233, %mul3A_1234 : i32
          %add3A_1236 = arith.constant 0 : i32
          %add3A_1237 = arith.addi %mul3A_1235, %add3A_1236 : i32
          %get3A_1238 = arith.index_cast %add3A_1237 : i32 to index
          %get3A_1239 = tpu.vector_load %arg14[%get3A_1238] {strides = array<i32>} : memref<28672xf32, #tpu.memory_space<vmem>>, vector<16xf32>,
          %add3A_1240 = arith.constant 16 : i32
          %add3A_1241 = arith.addi %mul3A_1235, %add3A_1240 : i32
          %get3A_1242 = arith.index_cast %add3A_1241 : i32 to index
          %get3A_1243 = tpu.vector_load %arg14[%get3A_1242] {strides = array<i32>} : memref<28672xf32, #tpu.memory_space<vmem>>, vector<16xf32>,
          %add3A_1244 = arith.constant 32 : i32
          %add3A_1245 = arith.addi %mul3A_1235, %add3A_1244 : i32
          %get3A_1246 = arith.index_cast %add3A_1245 : i32 to index
          %get3A_1247 = tpu.vector_load %arg14[%get3A_1246] {strides = array<i32>} : memref<28672xf32, #tpu.memory_space<vmem>>, vector<16xf32>,
          %add3A_1248 = arith.constant 48 : i32
          %add3A_1249 = arith.addi %mul3A_1235, %add3A_1248 : i32
          %get3A_1250 = arith.index_cast %add3A_1249 : i32 to index
          %get3A_1251 = tpu.vector_load %arg14[%get3A_1250] {strides = array<i32>} : memref<28672xf32, #tpu.memory_space<vmem>>, vector<16xf32>,
          %add3A_1252 = arith.constant 64 : i32
          %add3A_1253 = arith.addi %mul3A_1235, %add3A_1252 : i32
          %get3A_1254 = arith.index_cast %add3A_1253 : i32 to index
          %get3A_1255 = tpu.vector_load %arg14[%get3A_1254] {strides = array<i32>} : memref<28672xf32, #tpu.memory_space<vmem>>, vector<16xf32>,
          %add3A_1256 = arith.constant 80 : i32
          %add3A_1257 = arith.addi %mul3A_1235, %add3A_1256 : i32
          %get3A_1258 = arith.index_cast %add3A_1257 : i32 to index
          %get3A_1259 = tpu.vector_load %arg14[%get3A_1258] {strides = array<i32>} : memref<28672xf32, #tpu.memory_space<vmem>>, vector<16xf32>,
          %add3A_1260 = arith.constant 96 : i32
          %add3A_1261 = arith.addi %mul3A_1235, %add3A_1260 : i32
          %get3A_1262 = arith.index_cast %add3A_1261 : i32 to index
          %get3A_1263 = tpu.vector_load %arg14[%get3A_1262] {strides = array<i32>} : memref<28672xf32, #tpu.memory_space<vmem>>, vector<16xf32>,
          %add3A_1264 = arith.constant 112 : i32
          %add3A_1265 = arith.addi %mul3A_1235, %add3A_1264 : i32
          %get3A_1266 = arith.index_cast %add3A_1265 : i32 to index
          %get3A_1267 = tpu.vector_load %arg14[%get3A_1266] {strides = array<i32>} : memref<28672xf32, #tpu.memory_space<vmem>>, vector<16xf32>,
          %mul3A_1268 = arith.mulf %get3A_1239, %get3A_93 : vector<16xf32>
          %mul3A_1269 = arith.mulf %get3A_1243, %get3A_95 : vector<16xf32>
          %add3A_1270 = arith.addf %mul3A_1268, %mul3A_1269 : vector<16xf32>
          %mul3A_1271 = arith.mulf %get3A_1247, %get3A_97 : vector<16xf32>
          %mul3A_1272 = arith.mulf %get3A_1251, %get3A_99 : vector<16xf32>
          %add3A_1273 = arith.addf %mul3A_1271, %mul3A_1272 : vector<16xf32>
          %add3A_1274 = arith.addf %add3A_1270, %add3A_1273 : vector<16xf32>
          %mul3A_1275 = arith.mulf %get3A_1255, %get3A_101 : vector<16xf32>
          %mul3A_1276 = arith.mulf %get3A_1259, %get3A_103 : vector<16xf32>
          %add3A_1277 = arith.addf %mul3A_1275, %mul3A_1276 : vector<16xf32>
          %mul3A_1278 = arith.mulf %get3A_1263, %get3A_105 : vector<16xf32>
          %mul3A_1279 = arith.mulf %get3A_1267, %get3A_107 : vector<16xf32>
          %add3A_1280 = arith.addf %mul3A_1278, %mul3A_1279 : vector<16xf32>
          %add3A_1281 = arith.addf %add3A_1277, %add3A_1280 : vector<16xf32>
          %mul3A_1282 = arith.mulf %get3A_1239, %get3A_1239 : vector<16xf32>
          %mul3A_1283 = arith.mulf %get3A_1243, %get3A_1243 : vector<16xf32>
          %add3A_1284 = arith.addf %mul3A_1282, %mul3A_1283 : vector<16xf32>
          %mul3A_1285 = arith.mulf %get3A_1247, %get3A_1247 : vector<16xf32>
          %mul3A_1286 = arith.mulf %get3A_1251, %get3A_1251 : vector<16xf32>
          %add3A_1287 = arith.addf %mul3A_1285, %mul3A_1286 : vector<16xf32>
          %add3A_1288 = arith.addf %add3A_1284, %add3A_1287 : vector<16xf32>
          %mul3A_1289 = arith.mulf %get3A_1255, %get3A_1255 : vector<16xf32>
          %mul3A_1290 = arith.mulf %get3A_1259, %get3A_1259 : vector<16xf32>
          %add3A_1291 = arith.addf %mul3A_1289, %mul3A_1290 : vector<16xf32>
          %mul3A_1292 = arith.mulf %get3A_1263, %get3A_1263 : vector<16xf32>
          %mul3A_1293 = arith.mulf %get3A_1267, %get3A_1267 : vector<16xf32>
          %add3A_1294 = arith.addf %mul3A_1292, %mul3A_1293 : vector<16xf32>
          %add3A_1295 = arith.addf %add3A_1291, %add3A_1294 : vector<16xf32>
          %add3A_1296 = arith.addf %add3A_1274, %add3A_1281 : vector<16xf32>
          %swap3A_1297 = arith.constant 255 : index
          %swap3A_1298 = tpu.vector_load %arg18[%swap3A_1297] {strides = array<i32>} : memref<272xf32, #tpu.memory_space<vmem>>, vector<16xf32>,
          tpu.vector_store %arg18[%swap3A_1297], %add3A_1296 {strides = array<i32>} : memref<272xf32, #tpu.memory_space<vmem>>, vector<16xf32>,
          %add3A_1299 = arith.addf %add3A_1288, %add3A_1295 : vector<16xf32>
          %swap3A_1300 = arith.constant 255 : index
          %swap3A_1301 = tpu.vector_load %arg19[%swap3A_1300] {strides = array<i32>} : memref<272xf32, #tpu.memory_space<vmem>>, vector<16xf32>,
          tpu.vector_store %arg19[%swap3A_1300], %add3A_1299 {strides = array<i32>} : memref<272xf32, #tpu.memory_space<vmem>>, vector<16xf32>,
          %mul3A_1302 = arith.constant 17 : i32
          %mul3A_1303 = vector.broadcast %mul3A_1302 : i32 to vector<16xi32>
          %mul3A_1304 = arith.muli %iota3A, %mul3A_1303 : vector<16xi32>
          %add3A_1305 = arith.constant 0 : i32
          %add3A_1306 = vector.broadcast %add3A_1305 : i32 to vector<16xi32>
          %add3A_1307 = arith.addi %mul3A_1304, %add3A_1306 : vector<16xi32>
          %gather3A = tpu.vector_load_idx %arg18[%add3A_1307] : memref<272xf32, #tpu.memory_space<vmem>>[vector<16xi32>], vector<16xf32>,
          %add3A_1308 = arith.constant 0 : i32
          %add3A_1309 = vector.broadcast %add3A_1308 : i32 to vector<16xi32>
          %add3A_1310 = arith.addi %mul3A_1304, %add3A_1309 : vector<16xi32>
          %gather3A_1311 = tpu.vector_load_idx %arg19[%add3A_1310] : memref<272xf32, #tpu.memory_space<vmem>>[vector<16xi32>], vector<16xf32>,
          %add3A_1312 = arith.constant 1 : i32
          %add3A_1313 = vector.broadcast %add3A_1312 : i32 to vector<16xi32>
          %add3A_1314 = arith.addi %mul3A_1304, %add3A_1313 : vector<16xi32>
          %gather3A_1315 = tpu.vector_load_idx %arg18[%add3A_1314] : memref<272xf32, #tpu.memory_space<vmem>>[vector<16xi32>], vector<16xf32>,
          %add3A_1316 = arith.constant 1 : i32
          %add3A_1317 = vector.broadcast %add3A_1316 : i32 to vector<16xi32>
          %add3A_1318 = arith.addi %mul3A_1304, %add3A_1317 : vector<16xi32>
          %gather3A_1319 = tpu.vector_load_idx %arg19[%add3A_1318] : memref<272xf32, #tpu.memory_space<vmem>>[vector<16xi32>], vector<16xf32>,
          %add3A_1320 = arith.constant 2 : i32
          %add3A_1321 = vector.broadcast %add3A_1320 : i32 to vector<16xi32>
          %add3A_1322 = arith.addi %mul3A_1304, %add3A_1321 : vector<16xi32>
          %gather3A_1323 = tpu.vector_load_idx %arg18[%add3A_1322] : memref<272xf32, #tpu.memory_space<vmem>>[vector<16xi32>], vector<16xf32>,
          %add3A_1324 = arith.constant 2 : i32
          %add3A_1325 = vector.broadcast %add3A_1324 : i32 to vector<16xi32>
          %add3A_1326 = arith.addi %mul3A_1304, %add3A_1325 : vector<16xi32>
          %gather3A_1327 = tpu.vector_load_idx %arg19[%add3A_1326] : memref<272xf32, #tpu.memory_space<vmem>>[vector<16xi32>], vector<16xf32>,
          %add3A_1328 = arith.constant 3 : i32
          %add3A_1329 = vector.broadcast %add3A_1328 : i32 to vector<16xi32>
          %add3A_1330 = arith.addi %mul3A_1304, %add3A_1329 : vector<16xi32>
          %gather3A_1331 = tpu.vector_load_idx %arg18[%add3A_1330] : memref<272xf32, #tpu.memory_space<vmem>>[vector<16xi32>], vector<16xf32>,
          %add3A_1332 = arith.constant 3 : i32
          %add3A_1333 = vector.broadcast %add3A_1332 : i32 to vector<16xi32>
          %add3A_1334 = arith.addi %mul3A_1304, %add3A_1333 : vector<16xi32>
          %gather3A_1335 = tpu.vector_load_idx %arg19[%add3A_1334] : memref<272xf32, #tpu.memory_space<vmem>>[vector<16xi32>], vector<16xf32>,
          %add3A_1336 = arith.constant 4 : i32
          %add3A_1337 = vector.broadcast %add3A_1336 : i32 to vector<16xi32>
          %add3A_1338 = arith.addi %mul3A_1304, %add3A_1337 : vector<16xi32>
          %gather3A_1339 = tpu.vector_load_idx %arg18[%add3A_1338] : memref<272xf32, #tpu.memory_space<vmem>>[vector<16xi32>], vector<16xf32>,
          %add3A_1340 = arith.constant 4 : i32
          %add3A_1341 = vector.broadcast %add3A_1340 : i32 to vector<16xi32>
          %add3A_1342 = arith.addi %mul3A_1304, %add3A_1341 : vector<16xi32>
          %gather3A_1343 = tpu.vector_load_idx %arg19[%add3A_1342] : memref<272xf32, #tpu.memory_space<vmem>>[vector<16xi32>], vector<16xf32>,
          %add3A_1344 = arith.addf %gather3A, %gather3A_1339 : vector<16xf32>
          %add3A_1345 = arith.addf %gather3A_1311, %gather3A_1343 : vector<16xf32>
          %add3A_1346 = arith.constant 5 : i32
          %add3A_1347 = vector.broadcast %add3A_1346 : i32 to vector<16xi32>
          %add3A_1348 = arith.addi %mul3A_1304, %add3A_1347 : vector<16xi32>
          %gather3A_1349 = tpu.vector_load_idx %arg18[%add3A_1348] : memref<272xf32, #tpu.memory_space<vmem>>[vector<16xi32>], vector<16xf32>,
          %add3A_1350 = arith.constant 5 : i32
          %add3A_1351 = vector.broadcast %add3A_1350 : i32 to vector<16xi32>
          %add3A_1352 = arith.addi %mul3A_1304, %add3A_1351 : vector<16xi32>
          %gather3A_1353 = tpu.vector_load_idx %arg19[%add3A_1352] : memref<272xf32, #tpu.memory_space<vmem>>[vector<16xi32>], vector<16xf32>,
          %add3A_1354 = arith.addf %gather3A_1315, %gather3A_1349 : vector<16xf32>
          %add3A_1355 = arith.addf %gather3A_1319, %gather3A_1353 : vector<16xf32>
          %add3A_1356 = arith.constant 6 : i32
          %add3A_1357 = vector.broadcast %add3A_1356 : i32 to vector<16xi32>
          %add3A_1358 = arith.addi %mul3A_1304, %add3A_1357 : vector<16xi32>
          %gather3A_1359 = tpu.vector_load_idx %arg18[%add3A_1358] : memref<272xf32, #tpu.memory_space<vmem>>[vector<16xi32>], vector<16xf32>,
          %add3A_1360 = arith.constant 6 : i32
          %add3A_1361 = vector.broadcast %add3A_1360 : i32 to vector<16xi32>
          %add3A_1362 = arith.addi %mul3A_1304, %add3A_1361 : vector<16xi32>
          %gather3A_1363 = tpu.vector_load_idx %arg19[%add3A_1362] : memref<272xf32, #tpu.memory_space<vmem>>[vector<16xi32>], vector<16xf32>,
          %add3A_1364 = arith.addf %gather3A_1323, %gather3A_1359 : vector<16xf32>
          %add3A_1365 = arith.addf %gather3A_1327, %gather3A_1363 : vector<16xf32>
          %add3A_1366 = arith.constant 7 : i32
          %add3A_1367 = vector.broadcast %add3A_1366 : i32 to vector<16xi32>
          %add3A_1368 = arith.addi %mul3A_1304, %add3A_1367 : vector<16xi32>
          %gather3A_1369 = tpu.vector_load_idx %arg18[%add3A_1368] : memref<272xf32, #tpu.memory_space<vmem>>[vector<16xi32>], vector<16xf32>,
          %add3A_1370 = arith.constant 7 : i32
          %add3A_1371 = vector.broadcast %add3A_1370 : i32 to vector<16xi32>
          %add3A_1372 = arith.addi %mul3A_1304, %add3A_1371 : vector<16xi32>
          %gather3A_1373 = tpu.vector_load_idx %arg19[%add3A_1372] : memref<272xf32, #tpu.memory_space<vmem>>[vector<16xi32>], vector<16xf32>,
          %add3A_1374 = arith.addf %gather3A_1331, %gather3A_1369 : vector<16xf32>
          %add3A_1375 = arith.addf %gather3A_1335, %gather3A_1373 : vector<16xf32>
          %add3A_1376 = arith.constant 8 : i32
          %add3A_1377 = vector.broadcast %add3A_1376 : i32 to vector<16xi32>
          %add3A_1378 = arith.addi %mul3A_1304, %add3A_1377 : vector<16xi32>
          %gather3A_1379 = tpu.vector_load_idx %arg18[%add3A_1378] : memref<272xf32, #tpu.memory_space<vmem>>[vector<16xi32>], vector<16xf32>,
          %add3A_1380 = arith.constant 8 : i32
          %add3A_1381 = vector.broadcast %add3A_1380 : i32 to vector<16xi32>
          %add3A_1382 = arith.addi %mul3A_1304, %add3A_1381 : vector<16xi32>
          %gather3A_1383 = tpu.vector_load_idx %arg19[%add3A_1382] : memref<272xf32, #tpu.memory_space<vmem>>[vector<16xi32>], vector<16xf32>,
          %add3A_1384 = arith.addf %add3A_1344, %gather3A_1379 : vector<16xf32>
          %add3A_1385 = arith.addf %add3A_1345, %gather3A_1383 : vector<16xf32>
          %add3A_1386 = arith.constant 9 : i32
          %add3A_1387 = vector.broadcast %add3A_1386 : i32 to vector<16xi32>
          %add3A_1388 = arith.addi %mul3A_1304, %add3A_1387 : vector<16xi32>
          %gather3A_1389 = tpu.vector_load_idx %arg18[%add3A_1388] : memref<272xf32, #tpu.memory_space<vmem>>[vector<16xi32>], vector<16xf32>,
          %add3A_1390 = arith.constant 9 : i32
          %add3A_1391 = vector.broadcast %add3A_1390 : i32 to vector<16xi32>
          %add3A_1392 = arith.addi %mul3A_1304, %add3A_1391 : vector<16xi32>
          %gather3A_1393 = tpu.vector_load_idx %arg19[%add3A_1392] : memref<272xf32, #tpu.memory_space<vmem>>[vector<16xi32>], vector<16xf32>,
          %add3A_1394 = arith.addf %add3A_1354, %gather3A_1389 : vector<16xf32>
          %add3A_1395 = arith.addf %add3A_1355, %gather3A_1393 : vector<16xf32>
          %add3A_1396 = arith.constant 10 : i32
          %add3A_1397 = vector.broadcast %add3A_1396 : i32 to vector<16xi32>
          %add3A_1398 = arith.addi %mul3A_1304, %add3A_1397 : vector<16xi32>
          %gather3A_1399 = tpu.vector_load_idx %arg18[%add3A_1398] : memref<272xf32, #tpu.memory_space<vmem>>[vector<16xi32>], vector<16xf32>,
          %add3A_1400 = arith.constant 10 : i32
          %add3A_1401 = vector.broadcast %add3A_1400 : i32 to vector<16xi32>
          %add3A_1402 = arith.addi %mul3A_1304, %add3A_1401 : vector<16xi32>
          %gather3A_1403 = tpu.vector_load_idx %arg19[%add3A_1402] : memref<272xf32, #tpu.memory_space<vmem>>[vector<16xi32>], vector<16xf32>,
          %add3A_1404 = arith.addf %add3A_1364, %gather3A_1399 : vector<16xf32>
          %add3A_1405 = arith.addf %add3A_1365, %gather3A_1403 : vector<16xf32>
          %add3A_1406 = arith.constant 11 : i32
          %add3A_1407 = vector.broadcast %add3A_1406 : i32 to vector<16xi32>
          %add3A_1408 = arith.addi %mul3A_1304, %add3A_1407 : vector<16xi32>
          %gather3A_1409 = tpu.vector_load_idx %arg18[%add3A_1408] : memref<272xf32, #tpu.memory_space<vmem>>[vector<16xi32>], vector<16xf32>,
          %add3A_1410 = arith.constant 11 : i32
          %add3A_1411 = vector.broadcast %add3A_1410 : i32 to vector<16xi32>
          %add3A_1412 = arith.addi %mul3A_1304, %add3A_1411 : vector<16xi32>
          %gather3A_1413 = tpu.vector_load_idx %arg19[%add3A_1412] : memref<272xf32, #tpu.memory_space<vmem>>[vector<16xi32>], vector<16xf32>,
          %add3A_1414 = arith.addf %add3A_1374, %gather3A_1409 : vector<16xf32>
          %add3A_1415 = arith.addf %add3A_1375, %gather3A_1413 : vector<16xf32>
          %add3A_1416 = arith.constant 12 : i32
          %add3A_1417 = vector.broadcast %add3A_1416 : i32 to vector<16xi32>
          %add3A_1418 = arith.addi %mul3A_1304, %add3A_1417 : vector<16xi32>
          %gather3A_1419 = tpu.vector_load_idx %arg18[%add3A_1418] : memref<272xf32, #tpu.memory_space<vmem>>[vector<16xi32>], vector<16xf32>,
          %add3A_1420 = arith.constant 12 : i32
          %add3A_1421 = vector.broadcast %add3A_1420 : i32 to vector<16xi32>
          %add3A_1422 = arith.addi %mul3A_1304, %add3A_1421 : vector<16xi32>
          %gather3A_1423 = tpu.vector_load_idx %arg19[%add3A_1422] : memref<272xf32, #tpu.memory_space<vmem>>[vector<16xi32>], vector<16xf32>,
          %add3A_1424 = arith.addf %add3A_1384, %gather3A_1419 : vector<16xf32>
          %add3A_1425 = arith.addf %add3A_1385, %gather3A_1423 : vector<16xf32>
          %add3A_1426 = arith.constant 13 : i32
          %add3A_1427 = vector.broadcast %add3A_1426 : i32 to vector<16xi32>
          %add3A_1428 = arith.addi %mul3A_1304, %add3A_1427 : vector<16xi32>
          %gather3A_1429 = tpu.vector_load_idx %arg18[%add3A_1428] : memref<272xf32, #tpu.memory_space<vmem>>[vector<16xi32>], vector<16xf32>,
          %add3A_1430 = arith.constant 13 : i32
          %add3A_1431 = vector.broadcast %add3A_1430 : i32 to vector<16xi32>
          %add3A_1432 = arith.addi %mul3A_1304, %add3A_1431 : vector<16xi32>
          %gather3A_1433 = tpu.vector_load_idx %arg19[%add3A_1432] : memref<272xf32, #tpu.memory_space<vmem>>[vector<16xi32>], vector<16xf32>,
          %add3A_1434 = arith.addf %add3A_1394, %gather3A_1429 : vector<16xf32>
          %add3A_1435 = arith.addf %add3A_1395, %gather3A_1433 : vector<16xf32>
          %add3A_1436 = arith.constant 14 : i32
          %add3A_1437 = vector.broadcast %add3A_1436 : i32 to vector<16xi32>
          %add3A_1438 = arith.addi %mul3A_1304, %add3A_1437 : vector<16xi32>
          %gather3A_1439 = tpu.vector_load_idx %arg18[%add3A_1438] : memref<272xf32, #tpu.memory_space<vmem>>[vector<16xi32>], vector<16xf32>,
          %add3A_1440 = arith.constant 14 : i32
          %add3A_1441 = vector.broadcast %add3A_1440 : i32 to vector<16xi32>
          %add3A_1442 = arith.addi %mul3A_1304, %add3A_1441 : vector<16xi32>
          %gather3A_1443 = tpu.vector_load_idx %arg19[%add3A_1442] : memref<272xf32, #tpu.memory_space<vmem>>[vector<16xi32>], vector<16xf32>,
          %add3A_1444 = arith.addf %add3A_1404, %gather3A_1439 : vector<16xf32>
          %add3A_1445 = arith.addf %add3A_1405, %gather3A_1443 : vector<16xf32>
          %add3A_1446 = arith.constant 15 : i32
          %add3A_1447 = vector.broadcast %add3A_1446 : i32 to vector<16xi32>
          %add3A_1448 = arith.addi %mul3A_1304, %add3A_1447 : vector<16xi32>
          %gather3A_1449 = tpu.vector_load_idx %arg18[%add3A_1448] : memref<272xf32, #tpu.memory_space<vmem>>[vector<16xi32>], vector<16xf32>,
          %add3A_1450 = arith.constant 15 : i32
          %add3A_1451 = vector.broadcast %add3A_1450 : i32 to vector<16xi32>
          %add3A_1452 = arith.addi %mul3A_1304, %add3A_1451 : vector<16xi32>
          %gather3A_1453 = tpu.vector_load_idx %arg19[%add3A_1452] : memref<272xf32, #tpu.memory_space<vmem>>[vector<16xi32>], vector<16xf32>,
          %add3A_1454 = arith.addf %add3A_1414, %gather3A_1449 : vector<16xf32>
          %add3A_1455 = arith.addf %add3A_1415, %gather3A_1453 : vector<16xf32>
          %add3A_1456 = arith.addf %add3A_1424, %add3A_1434 : vector<16xf32>
          %add3A_1457 = arith.addf %add3A_1444, %add3A_1454 : vector<16xf32>
          %add3A_1458 = arith.addf %add3A_1456, %add3A_1457 : vector<16xf32>
          %add3A_1459 = arith.addf %add3A_1425, %add3A_1435 : vector<16xf32>
          %add3A_1460 = arith.addf %add3A_1445, %add3A_1455 : vector<16xf32>
          %add3A_1461 = arith.addf %add3A_1459, %add3A_1460 : vector<16xf32>
          %max3A = arith.constant 1.000000e-24 : f32
          %max3A_1462 = vector.broadcast %max3A : f32 to vector<16xf32>
          %max3A_1463 = arith.maximumf %add3A_1461, %max3A_1462 : vector<16xf32>
          %bitcast3A = vector.bitcast %max3A_1463 : vector<16xf32> to vector<16xi32>
          %shift_right_arithmetic3A = arith.constant 1 : i32
          %shift_right_arithmetic3A_1464 = vector.broadcast %shift_right_arithmetic3A : i32 to vector<16xi32>
          %shift_right_arithmetic3A_1465 = arith.shrsi %bitcast3A, %shift_right_arithmetic3A_1464 : vector<16xi32>
          %sub3A = arith.constant 1597463007 : i32
          %sub3A_1466 = vector.broadcast %sub3A : i32 to vector<16xi32>
          %sub3A_1467 = arith.subi %sub3A_1466, %shift_right_arithmetic3A_1465 : vector<16xi32>
          %bitcast3A_1468 = vector.bitcast %sub3A_1467 : vector<16xi32> to vector<16xf32>
          %mul3A_1469 = arith.constant 5.000000e-01 : f32
          %mul3A_1470 = vector.broadcast %mul3A_1469 : f32 to vector<16xf32>
          %mul3A_1471 = arith.mulf %mul3A_1470, %max3A_1463 : vector<16xf32>
          %mul3A_1472 = arith.mulf %mul3A_1471, %bitcast3A_1468 : vector<16xf32>
          %mul3A_1473 = arith.mulf %mul3A_1472, %bitcast3A_1468 : vector<16xf32>
          %sub3A_1474 = arith.constant 1.500000e+00 : f32
          %sub3A_1475 = vector.broadcast %sub3A_1474 : f32 to vector<16xf32>
          %sub3A_1476 = arith.subf %sub3A_1475, %mul3A_1473 : vector<16xf32>
          %mul3A_1477 = arith.mulf %bitcast3A_1468, %sub3A_1476 : vector<16xf32>
          %mul3A_1478 = arith.constant 5.000000e-01 : f32
          %mul3A_1479 = vector.broadcast %mul3A_1478 : f32 to vector<16xf32>
          %mul3A_1480 = arith.mulf %mul3A_1479, %max3A_1463 : vector<16xf32>
          %mul3A_1481 = arith.mulf %mul3A_1480, %mul3A_1477 : vector<16xf32>
          %mul3A_1482 = arith.mulf %mul3A_1481, %mul3A_1477 : vector<16xf32>
          %sub3A_1483 = arith.constant 1.500000e+00 : f32
          %sub3A_1484 = vector.broadcast %sub3A_1483 : f32 to vector<16xf32>
          %sub3A_1485 = arith.subf %sub3A_1484, %mul3A_1482 : vector<16xf32>
          %mul3A_1486 = arith.mulf %mul3A_1477, %sub3A_1485 : vector<16xf32>
          %mul3A_1487 = arith.constant 5.000000e-01 : f32
          %mul3A_1488 = vector.broadcast %mul3A_1487 : f32 to vector<16xf32>
          %mul3A_1489 = arith.mulf %mul3A_1488, %max3A_1463 : vector<16xf32>
          %mul3A_1490 = arith.mulf %mul3A_1489, %mul3A_1486 : vector<16xf32>
          %mul3A_1491 = arith.mulf %mul3A_1490, %mul3A_1486 : vector<16xf32>
          %sub3A_1492 = arith.constant 1.500000e+00 : f32
          %sub3A_1493 = vector.broadcast %sub3A_1492 : f32 to vector<16xf32>
          %sub3A_1494 = arith.subf %sub3A_1493, %mul3A_1491 : vector<16xf32>
          %mul3A_1495 = arith.mulf %mul3A_1486, %sub3A_1494 : vector<16xf32>
          %mul3A_1496 = arith.mulf %add3A_1458, %mul3A_1495 : vector<16xf32>
          %mul3A_1497 = arith.constant 224 : i32
          %mul3A_1498 = arith.muli %scan3A_137, %mul3A_1497 : i32
          %add3A_1499 = arith.addi %mul3A_1498, %mul3A_181 : i32
          %get3A_1500 = arith.index_cast %add3A_1499 : i32 to index
          %get3A_1501 = tpu.vector_load %arg15[%get3A_1500] {strides = array<i32>} : memref<3136xf32, #tpu.memory_space<vmem>>, vector<16xf32>,
          %get3A_1502 = arith.index_cast %add3A_1499 : i32 to index
          %get3A_1503 = tpu.vector_load %arg16[%get3A_1502] {strides = array<i32>} : memref<3136xf32, #tpu.memory_space<vmem>>, vector<16xf32>,
          %abs3A = math.absf %get3A_1503 : vector<16xf32>
          %max3A_1504 = arith.constant 9.99999997E-7 : f32
          %max3A_1505 = vector.broadcast %max3A_1504 : f32 to vector<16xf32>
          %max3A_1506 = arith.maximumf %abs3A, %max3A_1505 : vector<16xf32>
          %sub3A_1507 = arith.constant 1.000000e+05 : f32
          %sub3A_1508 = vector.broadcast %sub3A_1507 : f32 to vector<16xf32>
          %sub3A_1509 = arith.subf %sub3A_1508, %get3A_1501 : vector<16xf32>
          %div3A = vector.broadcast %squeeze3A_90 : f32 to vector<16xf32>
          %div3A_1510 = arith.divf %sub3A_1509, %div3A : vector<16xf32>
          %sub3A_1511 = arith.constant 1.000000e+00 : f32
          %sub3A_1512 = vector.broadcast %sub3A_1511 : f32 to vector<16xf32>
          %sub3A_1513 = arith.subf %sub3A_1512, %div3A_1510 : vector<16xf32>
          %broadcast_in_dim3A_1514 = arith.constant 0.000000e+00 : f32
          %broadcast_in_dim3A_1515 = vector.broadcast %broadcast_in_dim3A_1514 : f32 to vector<16xf32>
          %add3A_1516 = vector.broadcast %squeeze3A_88 : f32 to vector<16xf32>
          %add3A_1517 = arith.addf %broadcast_in_dim3A_1515, %add3A_1516 : vector<16xf32>
          %mul3A_1518 = vector.broadcast %squeeze3A : f32 to vector<16xf32>
          %mul3A_1519 = arith.mulf %mul3A_1518, %mul3A_1496 : vector<16xf32>
          %mul3A_1520 = vector.broadcast %squeeze3A_10 : f32 to vector<16xf32>
          %mul3A_1521 = arith.mulf %mul3A_1520, %max3A_1506 : vector<16xf32>
          %add3A_1522 = arith.addf %mul3A_1519, %mul3A_1521 : vector<16xf32>
          %mul3A_1523 = vector.broadcast %squeeze3A_12 : f32 to vector<16xf32>
          %mul3A_1524 = arith.mulf %mul3A_1523, %sub3A_1513 : vector<16xf32>
          %add3A_1525 = arith.addf %add3A_1522, %mul3A_1524 : vector<16xf32>
          %add3A_1526 = vector.broadcast %squeeze3A_56 : f32 to vector<16xf32>
          %add3A_1527 = arith.addf %add3A_1525, %add3A_1526 : vector<16xf32>
          %max3A_1528 = arith.constant 0.000000e+00 : f32
          %max3A_1529 = vector.broadcast %max3A_1528 : f32 to vector<16xf32>
          %max3A_1530 = arith.maximumf %add3A_1527, %max3A_1529 : vector<16xf32>
          %mul3A_1531 = vector.broadcast %squeeze3A_72 : f32 to vector<16xf32>
          %mul3A_1532 = arith.mulf %mul3A_1531, %max3A_1530 : vector<16xf32>
          %add3A_1533 = arith.addf %add3A_1517, %mul3A_1532 : vector<16xf32>
          %mul3A_1534 = vector.broadcast %squeeze3A_14 : f32 to vector<16xf32>
          %mul3A_1535 = arith.mulf %mul3A_1534, %mul3A_1496 : vector<16xf32>
          %mul3A_1536 = vector.broadcast %squeeze3A_16 : f32 to vector<16xf32>
          %mul3A_1537 = arith.mulf %mul3A_1536, %max3A_1506 : vector<16xf32>
          %add3A_1538 = arith.addf %mul3A_1535, %mul3A_1537 : vector<16xf32>
          %mul3A_1539 = vector.broadcast %squeeze3A_18 : f32 to vector<16xf32>
          %mul3A_1540 = arith.mulf %mul3A_1539, %sub3A_1513 : vector<16xf32>
          %add3A_1541 = arith.addf %add3A_1538, %mul3A_1540 : vector<16xf32>
          %add3A_1542 = vector.broadcast %squeeze3A_58 : f32 to vector<16xf32>
          %add3A_1543 = arith.addf %add3A_1541, %add3A_1542 : vector<16xf32>
          %max3A_1544 = arith.constant 0.000000e+00 : f32
          %max3A_1545 = vector.broadcast %max3A_1544 : f32 to vector<16xf32>
          %max3A_1546 = arith.maximumf %add3A_1543, %max3A_1545 : vector<16xf32>
          %mul3A_1547 = vector.broadcast %squeeze3A_74 : f32 to vector<16xf32>
          %mul3A_1548 = arith.mulf %mul3A_1547, %max3A_1546 : vector<16xf32>
          %add3A_1549 = arith.addf %add3A_1533, %mul3A_1548 : vector<16xf32>
          %mul3A_1550 = vector.broadcast %squeeze3A_20 : f32 to vector<16xf32>
          %mul3A_1551 = arith.mulf %mul3A_1550, %mul3A_1496 : vector<16xf32>
          %mul3A_1552 = vector.broadcast %squeeze3A_22 : f32 to vector<16xf32>
          %mul3A_1553 = arith.mulf %mul3A_1552, %max3A_1506 : vector<16xf32>
          %add3A_1554 = arith.addf %mul3A_1551, %mul3A_1553 : vector<16xf32>
          %mul3A_1555 = vector.broadcast %squeeze3A_24 : f32 to vector<16xf32>
          %mul3A_1556 = arith.mulf %mul3A_1555, %sub3A_1513 : vector<16xf32>
          %add3A_1557 = arith.addf %add3A_1554, %mul3A_1556 : vector<16xf32>
          %add3A_1558 = vector.broadcast %squeeze3A_60 : f32 to vector<16xf32>
          %add3A_1559 = arith.addf %add3A_1557, %add3A_1558 : vector<16xf32>
          %max3A_1560 = arith.constant 0.000000e+00 : f32
          %max3A_1561 = vector.broadcast %max3A_1560 : f32 to vector<16xf32>
          %max3A_1562 = arith.maximumf %add3A_1559, %max3A_1561 : vector<16xf32>
          %mul3A_1563 = vector.broadcast %squeeze3A_76 : f32 to vector<16xf32>
          %mul3A_1564 = arith.mulf %mul3A_1563, %max3A_1562 : vector<16xf32>
          %add3A_1565 = arith.addf %add3A_1549, %mul3A_1564 : vector<16xf32>
          %mul3A_1566 = vector.broadcast %squeeze3A_26 : f32 to vector<16xf32>
          %mul3A_1567 = arith.mulf %mul3A_1566, %mul3A_1496 : vector<16xf32>
          %mul3A_1568 = vector.broadcast %squeeze3A_28 : f32 to vector<16xf32>
          %mul3A_1569 = arith.mulf %mul3A_1568, %max3A_1506 : vector<16xf32>
          %add3A_1570 = arith.addf %mul3A_1567, %mul3A_1569 : vector<16xf32>
          %mul3A_1571 = vector.broadcast %squeeze3A_30 : f32 to vector<16xf32>
          %mul3A_1572 = arith.mulf %mul3A_1571, %sub3A_1513 : vector<16xf32>
          %add3A_1573 = arith.addf %add3A_1570, %mul3A_1572 : vector<16xf32>
          %add3A_1574 = vector.broadcast %squeeze3A_62 : f32 to vector<16xf32>
          %add3A_1575 = arith.addf %add3A_1573, %add3A_1574 : vector<16xf32>
          %max3A_1576 = arith.constant 0.000000e+00 : f32
          %max3A_1577 = vector.broadcast %max3A_1576 : f32 to vector<16xf32>
          %max3A_1578 = arith.maximumf %add3A_1575, %max3A_1577 : vector<16xf32>
          %mul3A_1579 = vector.broadcast %squeeze3A_78 : f32 to vector<16xf32>
          %mul3A_1580 = arith.mulf %mul3A_1579, %max3A_1578 : vector<16xf32>
          %add3A_1581 = arith.addf %add3A_1565, %mul3A_1580 : vector<16xf32>
          %mul3A_1582 = vector.broadcast %squeeze3A_32 : f32 to vector<16xf32>
          %mul3A_1583 = arith.mulf %mul3A_1582, %mul3A_1496 : vector<16xf32>
          %mul3A_1584 = vector.broadcast %squeeze3A_34 : f32 to vector<16xf32>
          %mul3A_1585 = arith.mulf %mul3A_1584, %max3A_1506 : vector<16xf32>
          %add3A_1586 = arith.addf %mul3A_1583, %mul3A_1585 : vector<16xf32>
          %mul3A_1587 = vector.broadcast %squeeze3A_36 : f32 to vector<16xf32>
          %mul3A_1588 = arith.mulf %mul3A_1587, %sub3A_1513 : vector<16xf32>
          %add3A_1589 = arith.addf %add3A_1586, %mul3A_1588 : vector<16xf32>
          %add3A_1590 = vector.broadcast %squeeze3A_64 : f32 to vector<16xf32>
          %add3A_1591 = arith.addf %add3A_1589, %add3A_1590 : vector<16xf32>
          %max3A_1592 = arith.constant 0.000000e+00 : f32
          %max3A_1593 = vector.broadcast %max3A_1592 : f32 to vector<16xf32>
          %max3A_1594 = arith.maximumf %add3A_1591, %max3A_1593 : vector<16xf32>
          %mul3A_1595 = vector.broadcast %squeeze3A_80 : f32 to vector<16xf32>
          %mul3A_1596 = arith.mulf %mul3A_1595, %max3A_1594 : vector<16xf32>
          %add3A_1597 = arith.addf %add3A_1581, %mul3A_1596 : vector<16xf32>
          %mul3A_1598 = vector.broadcast %squeeze3A_38 : f32 to vector<16xf32>
          %mul3A_1599 = arith.mulf %mul3A_1598, %mul3A_1496 : vector<16xf32>
          %mul3A_1600 = vector.broadcast %squeeze3A_40 : f32 to vector<16xf32>
          %mul3A_1601 = arith.mulf %mul3A_1600, %max3A_1506 : vector<16xf32>
          %add3A_1602 = arith.addf %mul3A_1599, %mul3A_1601 : vector<16xf32>
          %mul3A_1603 = vector.broadcast %squeeze3A_42 : f32 to vector<16xf32>
          %mul3A_1604 = arith.mulf %mul3A_1603, %sub3A_1513 : vector<16xf32>
          %add3A_1605 = arith.addf %add3A_1602, %mul3A_1604 : vector<16xf32>
          %add3A_1606 = vector.broadcast %squeeze3A_66 : f32 to vector<16xf32>
          %add3A_1607 = arith.addf %add3A_1605, %add3A_1606 : vector<16xf32>
          %max3A_1608 = arith.constant 0.000000e+00 : f32
          %max3A_1609 = vector.broadcast %max3A_1608 : f32 to vector<16xf32>
          %max3A_1610 = arith.maximumf %add3A_1607, %max3A_1609 : vector<16xf32>
          %mul3A_1611 = vector.broadcast %squeeze3A_82 : f32 to vector<16xf32>
          %mul3A_1612 = arith.mulf %mul3A_1611, %max3A_1610 : vector<16xf32>
          %add3A_1613 = arith.addf %add3A_1597, %mul3A_1612 : vector<16xf32>
          %mul3A_1614 = vector.broadcast %squeeze3A_44 : f32 to vector<16xf32>
          %mul3A_1615 = arith.mulf %mul3A_1614, %mul3A_1496 : vector<16xf32>
          %mul3A_1616 = vector.broadcast %squeeze3A_46 : f32 to vector<16xf32>
          %mul3A_1617 = arith.mulf %mul3A_1616, %max3A_1506 : vector<16xf32>
          %add3A_1618 = arith.addf %mul3A_1615, %mul3A_1617 : vector<16xf32>
          %mul3A_1619 = vector.broadcast %squeeze3A_48 : f32 to vector<16xf32>
          %mul3A_1620 = arith.mulf %mul3A_1619, %sub3A_1513 : vector<16xf32>
          %add3A_1621 = arith.addf %add3A_1618, %mul3A_1620 : vector<16xf32>
          %add3A_1622 = vector.broadcast %squeeze3A_68 : f32 to vector<16xf32>
          %add3A_1623 = arith.addf %add3A_1621, %add3A_1622 : vector<16xf32>
          %max3A_1624 = arith.constant 0.000000e+00 : f32
          %max3A_1625 = vector.broadcast %max3A_1624 : f32 to vector<16xf32>
          %max3A_1626 = arith.maximumf %add3A_1623, %max3A_1625 : vector<16xf32>
          %mul3A_1627 = vector.broadcast %squeeze3A_84 : f32 to vector<16xf32>
          %mul3A_1628 = arith.mulf %mul3A_1627, %max3A_1626 : vector<16xf32>
          %add3A_1629 = arith.addf %add3A_1613, %mul3A_1628 : vector<16xf32>
          %mul3A_1630 = vector.broadcast %squeeze3A_50 : f32 to vector<16xf32>
          %mul3A_1631 = arith.mulf %mul3A_1630, %mul3A_1496 : vector<16xf32>
          %mul3A_1632 = vector.broadcast %squeeze3A_52 : f32 to vector<16xf32>
          %mul3A_1633 = arith.mulf %mul3A_1632, %max3A_1506 : vector<16xf32>
          %add3A_1634 = arith.addf %mul3A_1631, %mul3A_1633 : vector<16xf32>
          %mul3A_1635 = vector.broadcast %squeeze3A_54 : f32 to vector<16xf32>
          %mul3A_1636 = arith.mulf %mul3A_1635, %sub3A_1513 : vector<16xf32>
          %add3A_1637 = arith.addf %add3A_1634, %mul3A_1636 : vector<16xf32>
          %add3A_1638 = vector.broadcast %squeeze3A_70 : f32 to vector<16xf32>
          %add3A_1639 = arith.addf %add3A_1637, %add3A_1638 : vector<16xf32>
          %max3A_1640 = arith.constant 0.000000e+00 : f32
          %max3A_1641 = vector.broadcast %max3A_1640 : f32 to vector<16xf32>
          %max3A_1642 = arith.maximumf %add3A_1639, %max3A_1641 : vector<16xf32>
          %mul3A_1643 = vector.broadcast %squeeze3A_86 : f32 to vector<16xf32>
          %mul3A_1644 = arith.mulf %mul3A_1643, %max3A_1642 : vector<16xf32>
          %add3A_1645 = arith.addf %add3A_1629, %mul3A_1644 : vector<16xf32>
          %mul3A_1646 = arith.constant 224 : i32
          %mul3A_1647 = arith.muli %scan3A_137, %mul3A_1646 : i32
          %add3A_1648 = arith.addi %min3A_3, %mul3A_1647 : i32
          %add3A_1649 = arith.addi %add3A_1648, %mul3A_181 : i32
          %add3A_1650 = vector.broadcast %add3A_1649 : i32 to vector<16xi32>
          %add3A_1651 = arith.addi %add3A_1650, %iota3A : vector<16xi32>
          %gt3A = arith.cmpf ogt, %add3A_1645, %scan3A_176 : vector<16xf32>
          %select_n3A_1652 = arith.select %gt3A, %add3A_1645, %scan3A_176 : vector<16xi1>, vector<16xf32>
          %select_n3A_1653 = arith.select %gt3A, %add3A_1651, %scan3A_177 : vector<16xi1>, vector<16xi32>
          %select_n3A_1654 = arith.select %gt3A, %mul3A_1496, %scan3A_178 : vector<16xi1>, vector<16xf32>
          %select_n3A_1655 = arith.select %gt3A, %get3A_1503, %scan3A_179 : vector<16xi1>, vector<16xf32>
          scf.yield %select_n3A_1652, %select_n3A_1653, %select_n3A_1654, %select_n3A_1655 : vector<16xf32>, vector<16xi32>, vector<16xf32>, vector<16xf32>
        }
        %scan3A_174 = arith.constant 14 : i32
        scf.yield %scan3A_173#0, %scan3A_173#1, %scan3A_173#2, %scan3A_173#3 : vector<16xf32>, vector<16xi32>, vector<16xf32>, vector<16xf32>
      }
      scf.yield %cond3A_155#0, %cond3A_155#1, %cond3A_155#2, %cond3A_155#3 : vector<16xf32>, vector<16xi32>, vector<16xf32>, vector<16xf32>
    }
    %scan3A_121 = arith.constant 14 : i32
    %convert_element_type3A = arith.sitofp %scan3A_120#1 : vector<16xi32> to vector<16xf32>
    %swap3A = arith.constant 0 : i32
    %swap3A_122 = arith.index_cast %swap3A : i32 to index
    %swap3A_123 = arith.constant 0 : index
    %swap3A_124 = tpu.vector_load %arg17[%swap3A_122, %swap3A_123] {strides = array<i32>} : memref<1x16xf32, #tpu.memory_space<vmem>>, vector<16xf32>,
    tpu.vector_store %arg17[%swap3A_122, %swap3A_123], %scan3A_120#0 {strides = array<i32>} : memref<1x16xf32, #tpu.memory_space<vmem>>, vector<16xf32>,
    "tpu.region"() ({
      %run_scoped3A = tpu.sem_alloc : memref<!tpu.dma_semaphore, #tpu.memory_space<semaphore_mem>>
      %dma_start3A_137 = arith.constant 0 : i32
      %dma_start3A_138 = tpu.memref_slice %arg7[%add3A, %dma_start3A_137] : memref<32x16xf32, #tpu.memory_space<hbm>> -> memref<1x16xf32, #tpu.memory_space<hbm>>
      %dma_start3A_139 = arith.constant 0 : i32
      %dma_start3A_140 = tpu.memref_slice %arg7[%add3A, %dma_start3A_139] : memref<32x16xf32, #tpu.memory_space<hbm>> -> memref<1x16xf32, #tpu.memory_space<hbm>>
      tpu.enqueue_dma source(%arg17 : memref<1x16xf32, #tpu.memory_space<vmem>>) target(%dma_start3A_140 : memref<1x16xf32, #tpu.memory_space<hbm>>) target_semaphore(%run_scoped3A : memref<!tpu.dma_semaphore, #tpu.memory_space<semaphore_mem>>)
      %dma_wait3A = arith.constant 0 : i32
      %dma_wait3A_141 = tpu.memref_slice %arg7[%add3A, %dma_wait3A] : memref<32x16xf32, #tpu.memory_space<hbm>> -> memref<1x16xf32, #tpu.memory_space<hbm>>
      %dma_wait3A_142 = arith.constant 0 : i32
      %dma_wait3A_143 = tpu.memref_slice %arg7[%add3A, %dma_wait3A_142] : memref<32x16xf32, #tpu.memory_space<hbm>> -> memref<1x16xf32, #tpu.memory_space<hbm>>
      tpu.wait_dma2 semaphore(%run_scoped3A : memref<!tpu.dma_semaphore, #tpu.memory_space<semaphore_mem>>) src(%arg17 : memref<1x16xf32, #tpu.memory_space<vmem>>) dst(%dma_wait3A_143 : memref<1x16xf32, #tpu.memory_space<hbm>>)
      tpu.yield
    }) : () -> ()
    %swap3A_125 = arith.constant 0 : i32
    %swap3A_126 = arith.index_cast %swap3A_125 : i32 to index
    %swap3A_127 = arith.constant 0 : index
    %swap3A_128 = tpu.vector_load %arg17[%swap3A_126, %swap3A_127] {strides = array<i32>} : memref<1x16xf32, #tpu.memory_space<vmem>>, vector<16xf32>,
    tpu.vector_store %arg17[%swap3A_126, %swap3A_127], %convert_element_type3A {strides = array<i32>} : memref<1x16xf32, #tpu.memory_space<vmem>>, vector<16xf32>,
    "tpu.region"() ({
      %run_scoped3A = tpu.sem_alloc : memref<!tpu.dma_semaphore, #tpu.memory_space<semaphore_mem>>
      %dma_start3A_137 = arith.constant 0 : i32
      %dma_start3A_138 = tpu.memref_slice %arg8[%add3A, %dma_start3A_137] : memref<32x16xf32, #tpu.memory_space<hbm>> -> memref<1x16xf32, #tpu.memory_space<hbm>>
      %dma_start3A_139 = arith.constant 0 : i32
      %dma_start3A_140 = tpu.memref_slice %arg8[%add3A, %dma_start3A_139] : memref<32x16xf32, #tpu.memory_space<hbm>> -> memref<1x16xf32, #tpu.memory_space<hbm>>
      tpu.enqueue_dma source(%arg17 : memref<1x16xf32, #tpu.memory_space<vmem>>) target(%dma_start3A_140 : memref<1x16xf32, #tpu.memory_space<hbm>>) target_semaphore(%run_scoped3A : memref<!tpu.dma_semaphore, #tpu.memory_space<semaphore_mem>>)
      %dma_wait3A = arith.constant 0 : i32
      %dma_wait3A_141 = tpu.memref_slice %arg8[%add3A, %dma_wait3A] : memref<32x16xf32, #tpu.memory_space<hbm>> -> memref<1x16xf32, #tpu.memory_space<hbm>>
      %dma_wait3A_142 = arith.constant 0 : i32
      %dma_wait3A_143 = tpu.memref_slice %arg8[%add3A, %dma_wait3A_142] : memref<32x16xf32, #tpu.memory_space<hbm>> -> memref<1x16xf32, #tpu.memory_space<hbm>>
      tpu.wait_dma2 semaphore(%run_scoped3A : memref<!tpu.dma_semaphore, #tpu.memory_space<semaphore_mem>>) src(%arg17 : memref<1x16xf32, #tpu.memory_space<vmem>>) dst(%dma_wait3A_143 : memref<1x16xf32, #tpu.memory_space<hbm>>)
      tpu.yield
    }) : () -> ()
    %swap3A_129 = arith.constant 0 : i32
    %swap3A_130 = arith.index_cast %swap3A_129 : i32 to index
    %swap3A_131 = arith.constant 0 : index
    %swap3A_132 = tpu.vector_load %arg17[%swap3A_130, %swap3A_131] {strides = array<i32>} : memref<1x16xf32, #tpu.memory_space<vmem>>, vector<16xf32>,
    tpu.vector_store %arg17[%swap3A_130, %swap3A_131], %scan3A_120#2 {strides = array<i32>} : memref<1x16xf32, #tpu.memory_space<vmem>>, vector<16xf32>,
    "tpu.region"() ({
      %run_scoped3A = tpu.sem_alloc : memref<!tpu.dma_semaphore, #tpu.memory_space<semaphore_mem>>
      %dma_start3A_137 = arith.constant 0 : i32
      %dma_start3A_138 = tpu.memref_slice %arg9[%add3A, %dma_start3A_137] : memref<32x16xf32, #tpu.memory_space<hbm>> -> memref<1x16xf32, #tpu.memory_space<hbm>>
      %dma_start3A_139 = arith.constant 0 : i32
      %dma_start3A_140 = tpu.memref_slice %arg9[%add3A, %dma_start3A_139] : memref<32x16xf32, #tpu.memory_space<hbm>> -> memref<1x16xf32, #tpu.memory_space<hbm>>
      tpu.enqueue_dma source(%arg17 : memref<1x16xf32, #tpu.memory_space<vmem>>) target(%dma_start3A_140 : memref<1x16xf32, #tpu.memory_space<hbm>>) target_semaphore(%run_scoped3A : memref<!tpu.dma_semaphore, #tpu.memory_space<semaphore_mem>>)
      %dma_wait3A = arith.constant 0 : i32
      %dma_wait3A_141 = tpu.memref_slice %arg9[%add3A, %dma_wait3A] : memref<32x16xf32, #tpu.memory_space<hbm>> -> memref<1x16xf32, #tpu.memory_space<hbm>>
      %dma_wait3A_142 = arith.constant 0 : i32
      %dma_wait3A_143 = tpu.memref_slice %arg9[%add3A, %dma_wait3A_142] : memref<32x16xf32, #tpu.memory_space<hbm>> -> memref<1x16xf32, #tpu.memory_space<hbm>>
      tpu.wait_dma2 semaphore(%run_scoped3A : memref<!tpu.dma_semaphore, #tpu.memory_space<semaphore_mem>>) src(%arg17 : memref<1x16xf32, #tpu.memory_space<vmem>>) dst(%dma_wait3A_143 : memref<1x16xf32, #tpu.memory_space<hbm>>)
      tpu.yield
    }) : () -> ()
    %swap3A_133 = arith.constant 0 : i32
    %swap3A_134 = arith.index_cast %swap3A_133 : i32 to index
    %swap3A_135 = arith.constant 0 : index
    %swap3A_136 = tpu.vector_load %arg17[%swap3A_134, %swap3A_135] {strides = array<i32>} : memref<1x16xf32, #tpu.memory_space<vmem>>, vector<16xf32>,
    tpu.vector_store %arg17[%swap3A_134, %swap3A_135], %scan3A_120#3 {strides = array<i32>} : memref<1x16xf32, #tpu.memory_space<vmem>>, vector<16xf32>,
    "tpu.region"() ({
      %run_scoped3A = tpu.sem_alloc : memref<!tpu.dma_semaphore, #tpu.memory_space<semaphore_mem>>
      %dma_start3A_137 = arith.constant 0 : i32
      %dma_start3A_138 = tpu.memref_slice %arg10[%add3A, %dma_start3A_137] : memref<32x16xf32, #tpu.memory_space<hbm>> -> memref<1x16xf32, #tpu.memory_space<hbm>>
      %dma_start3A_139 = arith.constant 0 : i32
      %dma_start3A_140 = tpu.memref_slice %arg10[%add3A, %dma_start3A_139] : memref<32x16xf32, #tpu.memory_space<hbm>> -> memref<1x16xf32, #tpu.memory_space<hbm>>
      tpu.enqueue_dma source(%arg17 : memref<1x16xf32, #tpu.memory_space<vmem>>) target(%dma_start3A_140 : memref<1x16xf32, #tpu.memory_space<hbm>>) target_semaphore(%run_scoped3A : memref<!tpu.dma_semaphore, #tpu.memory_space<semaphore_mem>>)
      %dma_wait3A = arith.constant 0 : i32
      %dma_wait3A_141 = tpu.memref_slice %arg10[%add3A, %dma_wait3A] : memref<32x16xf32, #tpu.memory_space<hbm>> -> memref<1x16xf32, #tpu.memory_space<hbm>>
      %dma_wait3A_142 = arith.constant 0 : i32
      %dma_wait3A_143 = tpu.memref_slice %arg10[%add3A, %dma_wait3A_142] : memref<32x16xf32, #tpu.memory_space<hbm>> -> memref<1x16xf32, #tpu.memory_space<hbm>>
      tpu.wait_dma2 semaphore(%run_scoped3A : memref<!tpu.dma_semaphore, #tpu.memory_space<semaphore_mem>>) src(%arg17 : memref<1x16xf32, #tpu.memory_space<vmem>>) dst(%dma_wait3A_143 : memref<1x16xf32, #tpu.memory_space<hbm>>)
      tpu.yield
    }) : () -> ()
    return
  }
}

module attributes {stable_mosaic.version = 14 : i64} {
  func.func @_tc1_body(%arg0: memref<1x128xf32, #tpu.memory_space<vmem>>, %arg1: memref<1x32xf32, #tpu.memory_space<vmem>>, %arg2: memref<160x256xf32, #tpu.memory_space<vmem>>, %arg3: memref<1x256xf32, #tpu.memory_space<vmem>>, %arg4: memref<256x128xf32, #tpu.memory_space<vmem>>, %arg5: memref<1x128xf32, #tpu.memory_space<vmem>>, %arg6: memref<8x12500xf32, #tpu.memory_space<vmem>>, %arg7: memref<1x128xf32, #tpu.memory_space<vmem>>, %arg8: memref<1x1xf32, #tpu.memory_space<vmem>>) attributes {dimension_semantics = [], scalar_prefetch = 0 : i64, scratch_operands = 0 : i64, tpu.core_type = #tpu.core_type<tc>} {
    %get3A = arith.constant 0 : index
    %get3A_0 = arith.constant 0 : index
    %get3A_1 = vector.load %arg0[%get3A, %get3A_0] : memref<1x128xf32, #tpu.memory_space<vmem>>, vector<1x128xf32>
    %get3A_2 = arith.constant 0 : index
    %get3A_3 = arith.constant 0 : index
    %get3A_4 = vector.load %arg1[%get3A_2, %get3A_3] : memref<1x32xf32, #tpu.memory_space<vmem>>, vector<1x32xf32>
    %concatenate3A = tpu.concatenate %get3A_1, %get3A_4 in 1 : vector<1x128xf32>, vector<1x32xf32> -> vector<1x160xf32>
    %get3A_5 = arith.constant 0 : index
    %get3A_6 = arith.constant 0 : index
    %get3A_7 = vector.load %arg2[%get3A_5, %get3A_6] : memref<160x256xf32, #tpu.memory_space<vmem>>, vector<160x256xf32>
    %dot_general3A = arith.constant dense<0.000000e+00> : vector<1x256xf32>
    %dot_general3A_8 = tpu.matmul %concatenate3A, %get3A_7, %dot_general3A {dimension_numbers = #tpu.dot_dimension_numbers<[1], [0], [0], [1], [0, 0, 1, 1], [], []>, transpose_lhs_hint = false} : vector<1x160xf32>, vector<160x256xf32>, vector<1x256xf32> -> vector<1x256xf32>
    %get3A_9 = arith.constant 0 : index
    %get3A_10 = arith.constant 0 : index
    %get3A_11 = vector.load %arg3[%get3A_9, %get3A_10] : memref<1x256xf32, #tpu.memory_space<vmem>>, vector<1x256xf32>
    %add3A = arith.addf %dot_general3A_8, %get3A_11 : vector<1x256xf32>
    %max3A = arith.constant 0.000000e+00 : f32
    %max3A_12 = vector.broadcast %max3A : f32 to vector<1x256xf32>
    %max3A_13 = arith.maximumf %add3A, %max3A_12 : vector<1x256xf32>
    %get3A_14 = arith.constant 0 : index
    %get3A_15 = arith.constant 0 : index
    %get3A_16 = vector.load %arg4[%get3A_14, %get3A_15] : memref<256x128xf32, #tpu.memory_space<vmem>>, vector<256x128xf32>
    %dot_general3A_17 = arith.constant dense<0.000000e+00> : vector<1x128xf32>
    %dot_general3A_18 = tpu.matmul %max3A_13, %get3A_16, %dot_general3A_17 {dimension_numbers = #tpu.dot_dimension_numbers<[1], [0], [0], [1], [0, 0, 1, 1], [], []>, transpose_lhs_hint = false} : vector<1x256xf32>, vector<256x128xf32>, vector<1x128xf32> -> vector<1x128xf32>
    %get3A_19 = arith.constant 0 : index
    %get3A_20 = arith.constant 0 : index
    %get3A_21 = vector.load %arg5[%get3A_19, %get3A_20] : memref<1x128xf32, #tpu.memory_space<vmem>>, vector<1x128xf32>
    %add3A_22 = arith.addf %dot_general3A_18, %get3A_21 : vector<1x128xf32>
    %mul3A = arith.mulf %add3A_22, %add3A_22 : vector<1x128xf32>
    %reduce_sum3A = vector.shape_cast %mul3A : vector<1x128xf32> to vector<1x1x128xf32>
    %reduce_sum3A_23 = arith.constant dense<0.000000e+00> : vector<1xf32>
    %reduce_sum3A_24 = vector.multi_reduction <add>, %reduce_sum3A, %reduce_sum3A_23 [1, 2] : vector<1x1x128xf32> to vector<1xf32>
    %reduce_sum3A_25 = vector.shape_cast %reduce_sum3A_24 : vector<1xf32> to vector<1x1x1xf32>
    %reduce_sum3A_26 = vector.extract %reduce_sum3A_25[0, 0, 0] : f32 from vector<1x1x1xf32>
    %sqrt3A = math.sqrt %reduce_sum3A_26 : f32
    %max3A_27 = arith.constant 9.99999996E-13 : f32
    %max3A_28 = arith.maximumf %sqrt3A, %max3A_27 : f32
    %div3A = vector.broadcast %max3A_28 : f32 to vector<1x128xf32>
    %div3A_29 = arith.divf %add3A_22, %div3A : vector<1x128xf32>
    %swap3A = arith.constant 0 : index
    %swap3A_30 = arith.constant 0 : index
    %swap3A_31 = vector.load %arg7[%swap3A, %swap3A_30] : memref<1x128xf32, #tpu.memory_space<vmem>>, vector<1x128xf32>
    tpu.vector_store %arg7[%swap3A, %swap3A_30], %div3A_29 {strides = array<i32>} : memref<1x128xf32, #tpu.memory_space<vmem>>, vector<1x128xf32>,
    %get3A_32 = arith.constant 0 : index
    %get3A_33 = arith.constant 0 : index
    %get3A_34 = vector.load %arg6[%get3A_32, %get3A_33] : memref<8x12500xf32, #tpu.memory_space<vmem>>, vector<8x12500xf32>
    %reduce_min3A = vector.shape_cast %get3A_34 : vector<8x12500xf32> to vector<1x8x12500xf32>
    %reduce_min3A_35 = arith.constant dense<0x7F800000> : vector<1xf32>
    %reduce_min3A_36 = vector.multi_reduction <minimumf>, %reduce_min3A, %reduce_min3A_35 [1, 2] : vector<1x8x12500xf32> to vector<1xf32>
    %reduce_min3A_37 = vector.shape_cast %reduce_min3A_36 : vector<1xf32> to vector<1x1x1xf32>
    %reduce_min3A_38 = vector.extract %reduce_min3A_37[0, 0, 0] : f32 from vector<1x1x1xf32>
    %sub3A = arith.constant 1.000000e+05 : f32
    %sub3A_39 = arith.subf %sub3A, %reduce_min3A_38 : f32
    %max3A_40 = arith.constant 1.000000e+00 : f32
    %max3A_41 = arith.maximumf %sub3A_39, %max3A_40 : f32
    %reshape3A = vector.broadcast %max3A_41 : f32 to vector<1x1xf32>
    %swap3A_42 = arith.constant 0 : index
    %swap3A_43 = arith.constant 0 : index
    %swap3A_44 = vector.load %arg8[%swap3A_42, %swap3A_43] : memref<1x1xf32, #tpu.memory_space<vmem>>, vector<1x1xf32>
    tpu.vector_store %arg8[%swap3A_42, %swap3A_43], %reshape3A {strides = array<i32>} : memref<1x1xf32, #tpu.memory_space<vmem>>, vector<1x1xf32>,
    return
  }
}

module attributes {stable_mosaic.version = 14 : i64} {
  func.func @_tc2_body(%arg0: memref<32x16xf32, #tpu.memory_space<vmem>>, %arg1: memref<32x16xf32, #tpu.memory_space<vmem>>, %arg2: memref<32x16xf32, #tpu.memory_space<vmem>>, %arg3: memref<32x16xf32, #tpu.memory_space<vmem>>, %arg4: memref<16x3xf32, #tpu.memory_space<vmem>>, %arg5: memref<16x1xf32, #tpu.memory_space<vmem>>, %arg6: memref<16x1xf32, #tpu.memory_space<vmem>>, %arg7: memref<1x1xf32, #tpu.memory_space<vmem>>, %arg8: memref<44x32xf32, #tpu.memory_space<vmem>>, %arg9: memref<1x32xf32, #tpu.memory_space<vmem>>, %arg10: memref<44x12xf32, #tpu.memory_space<vmem>>, %arg11: memref<1x12xf32, #tpu.memory_space<vmem>>, %arg12: memref<1x1xf32, #tpu.memory_space<vmem>>, %arg13: memref<100000x44xf32, #tpu.memory_space<any>>, %arg14: memref<1x64xf32, #tpu.memory_space<vmem>>, %arg15: memref<1x44xf32, #tpu.memory_space<vmem>>, %arg16: memref<!tpu.dma_semaphore, #tpu.memory_space<semaphore_mem>>) attributes {dimension_semantics = [], scalar_prefetch = 0 : i64, scratch_operands = 2 : i64, tpu.core_type = #tpu.core_type<tc>} {
    %get3A = arith.constant 0 : index
    %get3A_0 = arith.constant 0 : index
    %get3A_1 = vector.load %arg0[%get3A, %get3A_0] : memref<32x16xf32, #tpu.memory_space<vmem>>, vector<32x16xf32>
    %get3A_2 = arith.constant 0 : index
    %get3A_3 = arith.constant 0 : index
    %get3A_4 = vector.load %arg2[%get3A_2, %get3A_3] : memref<32x16xf32, #tpu.memory_space<vmem>>, vector<32x16xf32>
    %get3A_5 = arith.constant 0 : index
    %get3A_6 = arith.constant 0 : index
    %get3A_7 = vector.load %arg3[%get3A_5, %get3A_6] : memref<32x16xf32, #tpu.memory_space<vmem>>, vector<32x16xf32>
    %get3A_8 = arith.constant 0 : index
    %get3A_9 = arith.constant 0 : index
    %get3A_10 = vector.load %arg1[%get3A_8, %get3A_9] : memref<32x16xf32, #tpu.memory_space<vmem>>, vector<32x16xf32>
    %reduce_max3A = vector.shape_cast %get3A_1 : vector<32x16xf32> to vector<1x32x16xf32>
    %reduce_max3A_11 = arith.constant dense<0xFF800000> : vector<1xf32>
    %reduce_max3A_12 = vector.multi_reduction <maximumf>, %reduce_max3A, %reduce_max3A_11 [1, 2] : vector<1x32x16xf32> to vector<1xf32>
    %reduce_max3A_13 = vector.shape_cast %reduce_max3A_12 : vector<1xf32> to vector<1x1x1xf32>
    %reduce_max3A_14 = vector.extract %reduce_max3A_13[0, 0, 0] : f32 from vector<1x1x1xf32>
    %eq3A = vector.broadcast %reduce_max3A_14 : f32 to vector<32x16xf32>
    %eq3A_15 = arith.cmpf oeq, %get3A_1, %eq3A : vector<32x16xf32>
    %jit3A = arith.constant 3.400000e+38 : f32
    %broadcast_in_dim3A = vector.broadcast %jit3A : f32 to vector<32x16xf32>
    %select_n3A = arith.select %eq3A_15, %get3A_10, %broadcast_in_dim3A : vector<32x16xi1>, vector<32x16xf32>
    %reduce_min3A = vector.shape_cast %select_n3A : vector<32x16xf32> to vector<1x32x16xf32>
    %reduce_min3A_16 = arith.constant dense<0x7F800000> : vector<1xf32>
    %reduce_min3A_17 = vector.multi_reduction <minimumf>, %reduce_min3A, %reduce_min3A_16 [1, 2] : vector<1x32x16xf32> to vector<1xf32>
    %reduce_min3A_18 = vector.shape_cast %reduce_min3A_17 : vector<1xf32> to vector<1x1x1xf32>
    %reduce_min3A_19 = vector.extract %reduce_min3A_18[0, 0, 0] : f32 from vector<1x1x1xf32>
    %eq3A_20 = vector.broadcast %reduce_min3A_19 : f32 to vector<32x16xf32>
    %eq3A_21 = arith.cmpf oeq, %get3A_10, %eq3A_20 : vector<32x16xf32>
    %and3A = arith.andi %eq3A_15, %eq3A_21 : vector<32x16xi1>
    %jit3A_22 = arith.constant -3.400000e+38 : f32
    %broadcast_in_dim3A_23 = vector.broadcast %jit3A_22 : f32 to vector<32x16xf32>
    %select_n3A_24 = arith.select %and3A, %get3A_4, %broadcast_in_dim3A_23 : vector<32x16xi1>, vector<32x16xf32>
    %reduce_max3A_25 = vector.shape_cast %select_n3A_24 : vector<32x16xf32> to vector<1x32x16xf32>
    %reduce_max3A_26 = arith.constant dense<0xFF800000> : vector<1xf32>
    %reduce_max3A_27 = vector.multi_reduction <maximumf>, %reduce_max3A_25, %reduce_max3A_26 [1, 2] : vector<1x32x16xf32> to vector<1xf32>
    %reduce_max3A_28 = vector.shape_cast %reduce_max3A_27 : vector<1xf32> to vector<1x1x1xf32>
    %reduce_max3A_29 = vector.extract %reduce_max3A_28[0, 0, 0] : f32 from vector<1x1x1xf32>
    %jit3A_30 = arith.constant -3.400000e+38 : f32
    %broadcast_in_dim3A_31 = vector.broadcast %jit3A_30 : f32 to vector<32x16xf32>
    %select_n3A_32 = arith.select %and3A, %get3A_7, %broadcast_in_dim3A_31 : vector<32x16xi1>, vector<32x16xf32>
    %reduce_max3A_33 = vector.shape_cast %select_n3A_32 : vector<32x16xf32> to vector<1x32x16xf32>
    %reduce_max3A_34 = arith.constant dense<0xFF800000> : vector<1xf32>
    %reduce_max3A_35 = vector.multi_reduction <maximumf>, %reduce_max3A_33, %reduce_max3A_34 [1, 2] : vector<1x32x16xf32> to vector<1xf32>
    %reduce_max3A_36 = vector.shape_cast %reduce_max3A_35 : vector<1xf32> to vector<1x1x1xf32>
    %reduce_max3A_37 = vector.extract %reduce_max3A_36[0, 0, 0] : f32 from vector<1x1x1xf32>
    %convert_element_type3A = arith.fptosi %reduce_min3A_19 : f32 to i32
    %dma_start3A = arith.constant 0 : i32
    %dma_start3A_38 = tpu.memref_slice %arg13[%convert_element_type3A, %dma_start3A] : memref<100000x44xf32, #tpu.memory_space<any>> -> memref<1x44xf32, #tpu.memory_space<any>>
    tpu.enqueue_dma source(%dma_start3A_38 : memref<1x44xf32, #tpu.memory_space<any>>) target(%arg15 : memref<1x44xf32, #tpu.memory_space<vmem>>) target_semaphore(%arg16 : memref<!tpu.dma_semaphore, #tpu.memory_space<semaphore_mem>>)
    %dma_wait3A = arith.constant 0 : i32
    %dma_wait3A_39 = tpu.memref_slice %arg13[%convert_element_type3A, %dma_wait3A] : memref<100000x44xf32, #tpu.memory_space<any>> -> memref<1x44xf32, #tpu.memory_space<any>>
    tpu.wait_dma2 semaphore(%arg16 : memref<!tpu.dma_semaphore, #tpu.memory_space<semaphore_mem>>) src(%dma_wait3A_39 : memref<1x44xf32, #tpu.memory_space<any>>) dst(%arg15 : memref<1x44xf32, #tpu.memory_space<vmem>>)
    %get3A_40 = arith.constant 0 : index
    %get3A_41 = arith.constant 0 : index
    %get3A_42 = vector.load %arg15[%get3A_40, %get3A_41] : memref<1x44xf32, #tpu.memory_space<vmem>>, vector<1x44xf32>
    %get3A_43 = arith.constant 0 : index
    %get3A_44 = arith.constant 0 : index
    %get3A_45 = vector.load %arg12[%get3A_43, %get3A_44] : memref<1x1xf32, #tpu.memory_space<vmem>>, vector<1x1xf32>
    %get3A_46 = vector.extract %get3A_45[0, 0] : f32 from vector<1x1xf32>
    %abs3A = math.absf %get3A_46 : f32
    %abs3A_47 = math.absf %reduce_max3A_37 : f32
    %get3A_48 = arith.constant 0 : index
    %get3A_49 = arith.constant 0 : index
    %get3A_50 = vector.load %arg4[%get3A_48, %get3A_49] : memref<16x3xf32, #tpu.memory_space<vmem>>, vector<16x1xf32>
    %mul3A = vector.broadcast %reduce_max3A_29 : f32 to vector<16x1xf32>
    %mul3A_51 = arith.mulf %get3A_50, %mul3A : vector<16x1xf32>
    %get3A_52 = arith.constant 0 : index
    %get3A_53 = arith.constant 1 : index
    %get3A_54 = vector.load %arg4[%get3A_52, %get3A_53] : memref<16x3xf32, #tpu.memory_space<vmem>>, vector<16x1xf32>
    %mul3A_55 = vector.broadcast %abs3A : f32 to vector<16x1xf32>
    %mul3A_56 = arith.mulf %get3A_54, %mul3A_55 : vector<16x1xf32>
    %add3A = arith.addf %mul3A_51, %mul3A_56 : vector<16x1xf32>
    %get3A_57 = arith.constant 0 : index
    %get3A_58 = arith.constant 2 : index
    %get3A_59 = vector.load %arg4[%get3A_57, %get3A_58] : memref<16x3xf32, #tpu.memory_space<vmem>>, vector<16x1xf32>
    %mul3A_60 = vector.broadcast %abs3A_47 : f32 to vector<16x1xf32>
    %mul3A_61 = arith.mulf %get3A_59, %mul3A_60 : vector<16x1xf32>
    %add3A_62 = arith.addf %add3A, %mul3A_61 : vector<16x1xf32>
    %get3A_63 = arith.constant 0 : index
    %get3A_64 = arith.constant 0 : index
    %get3A_65 = vector.load %arg5[%get3A_63, %get3A_64] : memref<16x1xf32, #tpu.memory_space<vmem>>, vector<16x1xf32>
    %add3A_66 = arith.addf %add3A_62, %get3A_65 : vector<16x1xf32>
    %tanh3A = math.tanh %add3A_66 : vector<16x1xf32>
    %get3A_67 = arith.constant 0 : index
    %get3A_68 = arith.constant 0 : index
    %get3A_69 = vector.load %arg6[%get3A_67, %get3A_68] : memref<16x1xf32, #tpu.memory_space<vmem>>, vector<16x1xf32>
    %mul3A_70 = arith.mulf %tanh3A, %get3A_69 : vector<16x1xf32>
    %reduce_sum3A = vector.shape_cast %mul3A_70 : vector<16x1xf32> to vector<1x16x1xf32>
    %reduce_sum3A_71 = arith.constant dense<0.000000e+00> : vector<1xf32>
    %reduce_sum3A_72 = vector.multi_reduction <add>, %reduce_sum3A, %reduce_sum3A_71 [1, 2] : vector<1x16x1xf32> to vector<1xf32>
    %reduce_sum3A_73 = vector.shape_cast %reduce_sum3A_72 : vector<1xf32> to vector<1x1x1xf32>
    %reduce_sum3A_74 = vector.extract %reduce_sum3A_73[0, 0, 0] : f32 from vector<1x1x1xf32>
    %get3A_75 = arith.constant 0 : index
    %get3A_76 = arith.constant 0 : index
    %get3A_77 = vector.load %arg7[%get3A_75, %get3A_76] : memref<1x1xf32, #tpu.memory_space<vmem>>, vector<1x1xf32>
    %get3A_78 = vector.extract %get3A_77[0, 0] : f32 from vector<1x1xf32>
    %add3A_79 = arith.addf %reduce_sum3A_74, %get3A_78 : f32
    %broadcast_in_dim3A_80 = arith.constant 0.000000e+00 : f32
    %broadcast_in_dim3A_81 = vector.broadcast %broadcast_in_dim3A_80 : f32 to vector<1x1xf32>
    %add3A_82 = vector.broadcast %add3A_79 : f32 to vector<1x1xf32>
    %add3A_83 = arith.addf %broadcast_in_dim3A_81, %add3A_82 : vector<1x1xf32>
    %tanh3A_84 = math.tanh %add3A_83 : vector<1x1xf32>
    %get3A_85 = arith.constant 0 : index
    %get3A_86 = arith.constant 0 : index
    %get3A_87 = vector.load %arg8[%get3A_85, %get3A_86] : memref<44x32xf32, #tpu.memory_space<vmem>>, vector<44x32xf32>
    %dot_general3A = arith.constant dense<0.000000e+00> : vector<1x32xf32>
    %dot_general3A_88 = tpu.matmul %get3A_42, %get3A_87, %dot_general3A {dimension_numbers = #tpu.dot_dimension_numbers<[1], [0], [0], [1], [0, 0, 1, 1], [], []>, transpose_lhs_hint = false} : vector<1x44xf32>, vector<44x32xf32>, vector<1x32xf32> -> vector<1x32xf32>
    %get3A_89 = arith.constant 0 : index
    %get3A_90 = arith.constant 0 : index
    %get3A_91 = vector.load %arg9[%get3A_89, %get3A_90] : memref<1x32xf32, #tpu.memory_space<vmem>>, vector<1x32xf32>
    %add3A_92 = arith.addf %dot_general3A_88, %get3A_91 : vector<1x32xf32>
    %mul3A_93 = vector.broadcast %tanh3A_84 : vector<1x1xf32> to vector<1x32xf32>
    %mul3A_94 = arith.mulf %mul3A_93, %add3A_92 : vector<1x32xf32>
    %get3A_95 = arith.constant 0 : index
    %get3A_96 = arith.constant 0 : index
    %get3A_97 = vector.load %arg10[%get3A_95, %get3A_96] : memref<44x12xf32, #tpu.memory_space<vmem>>, vector<44x12xf32>
    %dot_general3A_98 = arith.constant dense<0.000000e+00> : vector<1x12xf32>
    %dot_general3A_99 = tpu.matmul %get3A_42, %get3A_97, %dot_general3A_98 {dimension_numbers = #tpu.dot_dimension_numbers<[1], [0], [0], [1], [0, 0, 1, 1], [], []>, transpose_lhs_hint = false} : vector<1x44xf32>, vector<44x12xf32>, vector<1x12xf32> -> vector<1x12xf32>
    %get3A_100 = arith.constant 0 : index
    %get3A_101 = arith.constant 0 : index
    %get3A_102 = vector.load %arg11[%get3A_100, %get3A_101] : memref<1x12xf32, #tpu.memory_space<vmem>>, vector<1x12xf32>
    %add3A_103 = arith.addf %dot_general3A_99, %get3A_102 : vector<1x12xf32>
    %mul3A_104 = vector.broadcast %tanh3A_84 : vector<1x1xf32> to vector<1x12xf32>
    %mul3A_105 = arith.mulf %mul3A_104, %add3A_103 : vector<1x12xf32>
    %broadcast_in_dim3A_106 = arith.constant 0.000000e+00 : f32
    %broadcast_in_dim3A_107 = vector.broadcast %broadcast_in_dim3A_106 : f32 to vector<1x20xf32>
    %concatenate3A = tpu.concatenate %mul3A_94, %mul3A_105, %broadcast_in_dim3A_107 in 1 : vector<1x32xf32>, vector<1x12xf32>, vector<1x20xf32> -> vector<1x64xf32>
    %swap3A = arith.constant 0 : index
    %swap3A_108 = arith.constant 0 : index
    %swap3A_109 = vector.load %arg14[%swap3A, %swap3A_108] : memref<1x64xf32, #tpu.memory_space<vmem>>, vector<1x64xf32>
    tpu.vector_store %arg14[%swap3A, %swap3A_108], %concatenate3A {strides = array<i32>} : memref<1x64xf32, #tpu.memory_space<vmem>>, vector<1x64xf32>,
    return
  }
}

</mosaic_0001>

<sc_bundles>
// kernel: kernel.5.cloned.1.call-start
scs
__scs_entry_jumppad:
0x0: {  	(pc) =	sbr.rel $0x88, $3  }
0x1: {  	(tag) =	ssettag $0x0;
	lr =	simm.s32 $0x1  }
0x2: {  	[smem:$0x3F8A] =	sst lr;
	_ =	strace $0xD0000000  }
0x3: {  	_ = 	snop  }
0x4: {  	_ = 	snop  }
0x5: {  	_ = 	snop  }
0x6: {  	_ = 	snop  }
0x7: {  	_ = 	snop  }
__scs_overlays_trampoline_lowered:
0x8: {  	[smem:$0x3F99] =	sst s0  }
0x9: {  	[smem:$0x3F9A] =	sst s1  }
0xa: {  	[smem:$0x3F9B] =	sst s2  }
0xb: {  	[smem:$0x3F9C] =	sst s3  }
0xc: {  	[smem:$0x3F9D] =	sst s4  }
0xd: {  	[smem:$0x3F9E] =	sst s5  }
0xe: {  	[smem:$0x3F9F] =	sst s6  }
0xf: {  	[smem:$0x3FA0] =	sst s7  }
0x10: {  	[smem:$0x3FA1] =	sst s8  }
0x11: {  	[smem:$0x3FA2] =	sst s9;
	s0 =	simm.s32 @!p0 $0x0  }
0x12: {  	s1 =	sld [smem:$0x3F88];
	s0 =	simm.s32 @p0 $0x1  }
0x13: {  	[smem:$0x3FA3] =	sst s0;
	s0 =	simm.s32 @!p1 $0x0  }
0x14: {  	s2 =	sld [smem:$0x3F87];
	s0 =	simm.s32 @p1 $0x1  }
0x15: {  	[smem:$0x3FA4] =	sst s0;
	s0 =	simm.s32 @!p2 $0x0  }
0x16: {  	s3 =	sld [smem:$0x3FDB];
	s0 =	simm.s32 @p2 $0x1  }
0x17: {  	s4 =	simm.s32 $0x1BF5;
	[smem:$0x3FA6] =	sst s0  }
0x18: {  	s0 =	sld [smem:$0x3F89];
	_ =	swait.ge [sflag:s4], $0x0  }
0x19: {  	s7 =	sld [smem:$0x3F8A]  }
0x1a: {  	s8 =	sadd.s32 $0xFFFFE003, lr  }
0x1b: {  	s9 =	sadd.s32 $0xFFFFFEF7, lr;
	s5 =	simm.s32 $0xFFFFFFFF;
	p2 =	slt.u32 s8, $0xFFFFF086  }
0x1c: {  	p1 =	slt.u32 s9, $0xF7A;
	s5 =	simm.s32 @!p2 $0x0  }
0x1d: {  	s5 =	simm.s32 @p1 $0x1;
	p0 =	seq.s32 s7, s2  }
0x1e: {  	s7 =	smul.u32 @!p0 $0xF7A, s2;
	p2 =	seq.s32 @!p0 s5, $0x0  }
0x1f: {  	s9 =	smul.u32 $0xF7A, s1;
	s8 =	simm.s32 @!p0 $0x1BF5;
	p2 =	por !p2, p0  }
0x20: {  	[sflag:s8] =	ssyncset.s32 @!p0 $0xFFFFF086;
	s6 =	sadd.s32 @!p0 s3, s7;
	s7 =	simm.s32 @!p0 $0x108  }
0x21: {  	s3 =	sadd.s32 s3, s9;
	s6 =	sadd.s32 @!p0 $0x88, s6;
	s7 =	simm.s32 @p2 $0x1082  }
0x22: {  	[simem:s7], [sflag:s8] =	dma.local @!p0 [hbm:s6], $0xF7A  }
0x23: {  	s9 =	sor.u32 $0xD0000000, s2;
	s6 =	simm.s32 $0x108;
	_ =	swait.ge @!p0 [sflag:s8], $0x0  }
0x24: {  	s3 =	sadd.s32 $0x88, s3;
	s6 =	simm.s32 @!p1 $0x1082;
	[sflag:s4] =	ssyncset.s32 $0xFFFFF086  }
0x25: {  	[simem:s6], [sflag:s4] =	dma.local [hbm:s3], $0xF7A  }
0x26: {  	[smem:$0x3F8A] =	sst s1;
	(tag) =	ssettag s2;
	_ =	strace s9  }
0x27: {  	s1 =	sld [smem:$0x3F9A]  }
0x28: {  	s2 =	sld [smem:$0x3F9B]  }
0x29: {  	s4 =	sld [smem:$0x3F9D]  }
0x2a: {  	p0 =	seq.s32 s5, $0x0;
	s5 =	sld [smem:$0x3F9E]  }
0x2b: {  	s6 =	sld [smem:$0x3F9F]  }
0x2c: {  	s7 =	sld [smem:$0x3FA0]  }
0x2d: {  	s3 =	simm.s32 $0x108;
	s8 =	sld [smem:$0x3FA1]  }
0x2e: {  	s3 =	simm.s32 @!p0 $0x1082;
	s9 =	sld [smem:$0x3FA2]  }
0x2f: {  	lr =	sadd.s32 s0, s3;
	s0 =	sld [smem:$0x3F99]  }
0x30: {  	s3 =	sld [smem:$0x3F9C]  }
0x31: {  	[smem:$0x3FA5] =	sst s10  }
0x32: {  	s10 =	sld [smem:$0x3FA3];
	_ =	sdelay $0x3  }
0x33: {  	p0 =	seq.s32 s10, $0x1;
	s10 =	sld [smem:$0x3FA5];
	_ =	sdelay $0x3  }
0x34: {  	[smem:$0x3FA5] =	sst s10  }
0x35: {  	s10 =	sld [smem:$0x3FA4];
	_ =	sdelay $0x3  }
0x36: {  	p1 =	seq.s32 s10, $0x1;
	s10 =	sld [smem:$0x3FA5];
	_ =	sdelay $0x3  }
0x37: {  	[smem:$0x3FA5] =	sst s10  }
0x38: {  	s10 =	sld [smem:$0x3FA6]  }
0x39: {  	_ = 	snop;
	(pc) =	sbr.ind lr, $3  }
0x3a: {  	_ = 	snop  }
0x3b: {  	_ = 	snop  }
0x3c: {  	p2 =	seq.s32 s10, $0x1;
	s10 =	sld [smem:$0x3FA5]  }
0x3d: {  	_ =	shalt  }
0x3e: {  	_ =	shalt  }
0x3f: {  	_ =	shalt  }
0x40: {  	_ =	shalt  }
0x41: {  	_ =	shalt  }
0x42: {  	_ =	shalt  }
0x43: {  	_ =	shalt  }
0x44: {  	_ =	shalt  }
0x45: {  	_ =	shalt  }
0x46: {  	_ =	shalt  }
0x47: {  	_ =	shalt  }
0x48: {  	_ =	shalt  }
0x49: {  	_ =	shalt  }
0x4a: {  	_ =	shalt  }
0x4b: {  	_ =	shalt  }
0x4c: {  	_ =	shalt  }
0x4d: {  	_ =	shalt  }
0x4e: {  	_ =	shalt  }
0x4f: {  	_ =	shalt  }
0x50: {  	_ =	shalt  }
0x51: {  	_ =	shalt  }
0x52: {  	_ =	shalt  }
0x53: {  	_ =	shalt  }
0x54: {  	_ =	shalt  }
0x55: {  	_ =	shalt  }
0x56: {  	_ =	shalt  }
0x57: {  	_ =	shalt  }
0x58: {  	_ =	shalt  }
0x59: {  	_ =	shalt  }
0x5a: {  	_ =	shalt  }
0x5b: {  	_ =	shalt  }
0x5c: {  	_ =	shalt  }
0x5d: {  	_ =	shalt  }
0x5e: {  	_ =	shalt  }
0x5f: {  	_ =	shalt  }
0x60: {  	_ =	shalt  }
0x61: {  	_ =	shalt  }
0x62: {  	_ =	shalt  }
0x63: {  	_ =	shalt  }
0x64: {  	_ =	shalt  }
0x65: {  	_ =	shalt  }
0x66: {  	_ =	shalt  }
0x67: {  	_ =	shalt  }
0x68: {  	_ =	shalt  }
0x69: {  	_ =	shalt  }
0x6a: {  	_ =	shalt  }
0x6b: {  	_ =	shalt  }
0x6c: {  	_ =	shalt  }
0x6d: {  	_ =	shalt  }
0x6e: {  	_ =	shalt  }
0x6f: {  	_ =	shalt  }
0x70: {  	_ =	shalt  }
0x71: {  	_ =	shalt  }
0x72: {  	_ =	shalt  }
0x73: {  	_ =	shalt  }
0x74: {  	_ =	shalt  }
0x75: {  	_ =	shalt  }
0x76: {  	_ =	shalt  }
0x77: {  	_ =	shalt  }
0x78: {  	_ =	shalt  }
0x79: {  	_ =	shalt  }
0x7a: {  	_ =	shalt  }
0x7b: {  	_ =	shalt  }
0x7c: {  	_ =	shalt  }
0x7d: {  	_ =	shalt  }
0x7e: {  	_ =	shalt  }
0x7f: {  	_ =	shalt  }
0x80: {  	_ =	shalt  }
0x81: {  	_ =	shalt  }
0x82: {  	_ =	shalt  }
0x83: {  	_ =	shalt  }
0x84: {  	_ =	shalt  }
0x85: {  	_ =	shalt  }
0x86: {  	_ =	shalt  }
0x87: {  	_ =	shalt  }
.Lfunc_end0:
.L_simem_size_0:
called_computation_lowered:
.L_overlay_start_0:
0x88: {  	s2 =	sld [smem:$0x3FD9]  }
0x89: {  	s3 =	sld [smem:$0x3FFE];
	_ =	sdelay $0x1  }
0x8a: {  	s1 =	srdreg.scid  }
0x8b: {  	s0 =	sand.u32 $0x1, s1  }
0x8c: {  	s17 =	sshll.u32 s0, $0xA;
	s2 =	sadd.s32 s3, s2  }
0x8d: {  	s2 =	sadd.s32 s2, s17  }
0x8e: {  	[smem:$0x3FB1] =	sst s2  }
0x8f: {  	_ = 	snop  }
0x90: {  	s2 =	sld [smem:$0x3FC6]  }
0x91: {  	s18 =	sld [smem:$0x3FC5]  }
0x92: {  	s4 =	sld [smem:$0x3FC4];
	(tm) =	ssettm $0x1  }
0x93: {  	s5 =	sld [smem:$0x3FFB];
	_ =	sdelay $0x3  }
0x94: {  	_ =	strace s5  }
0x95: {  	s5 =	sld [smem:$0x3FFC];
	_ =	sdelay $0x3  }
0x96: {  	_ =	strace s5  }
0x97: {  	s5 =	sld [smem:$0x3FFD];
	_ =	sdelay $0x3  }
0x98: {  	_ =	strace s5  }
0x99: {  	_ =	strace $0x8FFFFFFF  }
0x9a: {  	s19 =	sld [smem:$0x3FDB];
	_ =	sdelay $0x1  }
0x9b: {  	s6 =	simm.s32 $_scs_section_size  }
0x9c: {  	s7 =	simm.s32 $_size__tile_overlayer_lowered;
	s8 =	simm.s32 $_tile_overlayer_lowered  }
0x9d: {  	s22 =	simm.s32 $0x1BFF;
	s21 =	sshll.u32 s8, $0x1;
	s5 =	sadd.s32 s6, s19  }
0x9e: {  	s9 =	simm.s32 $0x0;
	s20 =	sshll.u32 s7, $0x1;
	s7 =	sadd.s32 s21, s5  }
0x9f: {  	[timem:s9], [sflag:s22] =	dma.local [hbm:s7], s20  }
0xa0: {  	_ =	swait.ge [sflag:s22], s20  }
0xa1: {  	s6 =	ssub.s32 $0x0, s20;
	[sflag:s22] =	ssyncset.done $0x0  }
0xa2: {  	[sflag:s22] =	ssyncadd.s32 s6;
	_ =	sdelay $0x1  }
0xa3: {  	s23 =	simm.s32 $0x1B8B  }
0xa4: {  	_ =	swait.ge [sflag:s23], $0x1  }
0xa5: {  	[sflag:s23] =	ssyncset.done $0x0  }
0xa6: {  	s25 =	simm.s32 $0x1B8E;
	s24 =	sld [smem:$0x3FFE];
	[sflag:s23] =	ssyncadd.s32 $0xFFFFFFFF  }
0xa7: {  	s26 =	simm.s32 $execute0_lowered;
	[smem:$0x3FD2] =	sst s25  }
0xa8: {  	s7 =	sshll.u32 s26, $0x1;
	_ =	strace $0x80000046;
	[dreg:$0x1] =	wrdreg $0xFFFFFFFF  }
0xa9: {  	s28 =	simm.s32 $_size_execute0_lowered;
	s5 =	sadd.s32 s5, s7;
	[dreg:$0x0] =	wrdreg $0x0  }
0xaa: {  	s7 =	sshll.u32 s28, $0x1;
	[dreg:$0x2] =	wrdreg s5  }
0xab: {  	[dreg:$0x3] =	wrdreg s7  }
0xac: {  	[dreg:$0x4] =	wrdreg $0xC0  }
0xad: {  	_ =	task [dreg:s9], $0x5FFFF  }
0xae: {  	[dreg:$0x1] =	wrdreg $0xFFFFFFFF  }
0xaf: {  	[dreg:$0x0] =	wrdreg $0x60  }
0xb0: {  	[dreg:$0x2] =	wrdreg s24  }
0xb1: {  	[dreg:$0x3] =	wrdreg s2  }
0xb2: {  	[dreg:$0x4] =	wrdreg s4  }
0xb3: {  	[dreg:$0x5] =	wrdreg s18  }
0xb4: {  	[dreg:$0x6] =	wrdreg $0x9  }
0xb5: {  	_ =	task.clear_ibuf [dreg:s9], $0x7FFFF;
	_ =	strace $0x90000046  }
0xb6: {  	s29 =	simm.s32 $0x9;
	_ =	strace $0x80000048  }
0xb7: {  	_ =	swait.ge [sflag:s29], $0x1  }
0xb8: {  	[sflag:s29] =	ssyncadd.s32 $0xFFFFFFFF  }
0xb9: {  	_ =	strace $0x90000048  }
0xba: {  	_ =	sfence  }
0xbb: {  	s30 =	sld [smem:$0x0];
	_ =	sdelay $0x2  }
0xbc: {  	s31 =	sshll.u32 s1, $0xD;
	s1 =	sshrl.u32 s1, $0x2  }
0xbd: {  	s3 =	sand.u32 $0x4000, s31;
	s1 =	sadd.s32 s1, s30  }
0xbe: {  	s0 =	sor.u32 s3, s0;
	s1 =	sshll.u32 s1, $0x11  }
0xbf: {  	s0 =	sor.u32 s1, s0  }
0xc0: {  	s0 =	sadd.s32 $0x8F2B, s0  }
0xc1: {  	[sflag:s0] =	ssyncadd.remote.s32 $0x1  }
0xc2: {  	_ =	sfence.sel $0xFFFF  }
0xc3: {  	[dreg:$0x0] =	wrdreg $0xFFFFFFFF;
	(pc) =	sbr.abs _section_cstart, $3  }
0xc4: {  	[dreg:$0x1] =	wrdreg $0xFFFFFFFF  }
0xc5: {  	_ =	task.clear_ibuf [dreg:s9], $0x2FFFF;
	_ =	strace $0x9FFFFFFF  }
0xc6: {  	(tm) =	ssettm $0x7FFFFFFF  }
0xc7: {  	_ =	shalt  }
tec
execute0_lowered:
.L_overlay_start_1:
0x0: {  	(tag) =	ssettag $0x1  }
0x1: {  	s0 =	rddreg [dreg:$0x0]  }
0x2: {  	s1 =	rddreg [dreg:$0x1]  }
0x3: {  	s3 =	rddreg [dreg:$0x2]  }
0x4: {  	s7 =	rddreg [dreg:$0x3];
	s2 =	simm.s32 $0x0  }
0x5: {  	s4 =	srdreg.scid;
	s13 =	stileid.u32;
	s16 =	simm.s32 $0x3  }
0x6: {  	s18 =	simm.s32 $0x100;
	s19 =	simm.s32 $0x1;
	s20 =	simm.s32 $0x7100  }
0x7: {  	s21 =	simm.s32 $0xFA80;
	s22 =	simm.s32 $0xFC00;
	s23 =	simm.s32 $0xFA00  }
0x8: {  	s24 =	simm.s32 $0x2;
	s25 =	simm.s32 $0x0;
	[smem:$0x7FF] =	sst s2  }
0x9: {  	s8 =	sand.u32 $0x1, s4;
	s4 =	sadd.s32 $0x2E00, s0;
	s5 =	sadd.s32 $0x3000, s0  }
0xa: {  	s10 =	sshll.u32 s13, $0x4;
	s30 =	smul.u32 $0xC40, s13;
	_ =	strace $0x80000047  }
0xb: {  	s6 =	sshll.u32 s8, $0x4;
	s10 =	sand.u32 $0x70, s10;
	s11 =	ssub.s32 $0x2, s8  }
0xc: {  	s15 =	smul.u32 $0xC400, s8;
	s6 =	sor.u32 s13, s6;
	s26 =	sshrl.u32 s11, $0x1  }
0xd: {  	s9 =	sshll.u32 s6, $0x4;
	s6 =	smul.u32 $0xC40, s6;
	s14 =	ssub.s32 s11, s26  }
0xe: {  	s31 =	sadd.s32 s30, s15;
	s9 =	sand.u32 $0x180, s9;
	s14 =	smax.u32 s14, $0x1  }
.Ltmp0:
0xf: {  	s9 =	sor.u32 s10, s9;
	s12 =	smin.u32 s6, $0x17A60;
	(pc) =	sbr.rel .LBB2_1-.Ltmp0, $4  }
0x10: {  	v0 =	vlaneseq.u32;
	s0 =	sadd.s32 s9, s0;
	s28 =	sshrl.u32 s12, $0x3;
	s29 =	sshll.u32 s12, $0x4  }
0x11: {  	v1 =	vmul.u32 $0x11, v0;
	s9 =	sadd.s32 $0xE0, s12;
	s6 =	sadd.s32 s3, s28;
	s7 =	sadd.s32 s7, s28  }
0x12: {  	s8 =	sadd.s32 s1, s29;
	s10 =	sadd.s32 $0x3200, s0;
	s11 =	sadd.s32 $0x3400, s0  }
0x13: {  	v2 =	vadd.s32 $0x1, v1;
	v3 =	vadd.s32 $0x2, v1;
	s12 =	sadd.s32 $0x3600, s0;
	s13 =	sadd.s32 $0x3800, s0;
	s3 =	smin.u32 s31, $0x17A60  }
.LBB2_8:
0x14: {  	[tilespmem:$0xFA00] =	vst v55  }
0x15: {  	[hbm4b:s10+s2] =	stream.linear.scatter [tilespmem:s23], [sflag:$0x3], $0x80, $0x38;
	[tilespmem:$0xFD80] =	vst v63  }
0x16: {  	_ =	swait.ge [sflag:s16], $0x80  }
0x17: {  	v0 =	vcvt.s32.f32 v53;
	[sflag:s16] =	ssyncset.done $0x0  }
0x18: {  	[sflag:s16] =	ssyncadd.s32 $0xFFFFFF80  }
0x19: {  	[tilespmem:$0xFA00] =	vst v0  }
0x1a: {  	[hbm4b:s11+s2] =	stream.linear.scatter [tilespmem:s23], [sflag:$0x3], $0x80, $0x38;
	[tilespmem:$0xFD80] =	vst v63  }
0x1b: {  	_ =	swait.ge [sflag:s16], $0x80  }
0x1c: {  	[sflag:s16] =	ssyncset.done $0x0  }
0x1d: {  	[sflag:s16] =	ssyncadd.s32 $0xFFFFFF80  }
0x1e: {  	[tilespmem:$0xFA00] =	vst v48  }
0x1f: {  	[hbm4b:s12+s2] =	stream.linear.scatter [tilespmem:s23], [sflag:$0x3], $0x80, $0x38;
	[tilespmem:$0xFD80] =	vst v63  }
0x20: {  	_ =	swait.ge [sflag:s16], $0x80  }
0x21: {  	s25 =	sadd.s32 $0x1, s25;
	[sflag:s16] =	ssyncset.done $0x0  }
0x22: {  	p0 =	sne.s32 s25, s14;
	[sflag:s16] =	ssyncadd.s32 $0xFFFFFF80  }
.Ltmp1:
0x23: {  	[tilespmem:$0xFA00] =	vst v40;
	(pc) =	sbr.rel @!p0 .LBB2_9-.Ltmp1, $4  }
0x24: {  	[hbm4b:s13+s2] =	stream.linear.scatter [tilespmem:s23], [sflag:$0x3], $0x80, $0x38;
	[tilespmem:$0xFD80] =	vst v63  }
0x25: {  	_ =	swait.ge [sflag:s16], $0x80  }
0x26: {  	[sflag:s16] =	ssyncset.done $0x0  }
0x27: {  	[sflag:s16] =	ssyncadd.s32 $0xFFFFFF80  }
.LBB2_1:
0x28: {  	[tilespmem:s2], [sflag:$0x3] =	stream.linear.gather [hbm4b:s4+s2], $0x80, $0x38;
	[tilespmem:$0xFD80] =	vst v63  }
0x29: {  	_ =	swait.ge [sflag:s16], $0x80  }
0x2a: {  	[sflag:s16] =	ssyncset.done $0x0  }
0x2b: {  	s0 =	simm.s32 $0x80;
	[sflag:s16] =	ssyncadd.s32 $0xFFFFFF80  }
0x2c: {  	[tilespmem:s0], [sflag:$0x3] =	stream.linear.gather [hbm4b:s5+s2], $0x80, $0x38;
	[tilespmem:$0xFD80] =	vst v63  }
0x2d: {  	_ =	swait.ge [sflag:s16], $0x80  }
0x2e: {  	[sflag:s16] =	ssyncset.done $0x0  }
0x2f: {  	s26 =	simm.s32 $0xE100;
	[sflag:s16] =	ssyncadd.s32 $0xFFFFFF80  }
0x30: {  	[tilespmem:s26], [sflag:$0x3] =	stream.linear.gather [hbm4b:s6+s2], $0xC40, $0x38;
	[tilespmem:$0xFD80] =	vst v63  }
0x31: {  	_ =	swait.ge [sflag:s16], $0xC40  }
0x32: {  	[sflag:s16] =	ssyncset.done $0x0  }
0x33: {  	s28 =	simm.s32 $0xED80;
	[sflag:s16] =	ssyncadd.s32 $0xFFFFF3C0  }
0x34: {  	[tilespmem:s28], [sflag:$0x3] =	stream.linear.gather [hbm4b:s7+s2], $0xC40, $0x38;
	[tilespmem:$0xFD80] =	vst v63  }
0x35: {  	_ =	swait.ge [sflag:s16], $0xC40  }
0x36: {  	[sflag:s16] =	ssyncset.done $0x0  }
0x37: {  	[sflag:s16] =	ssyncadd.s32 $0xFFFFF3C0  }
0x38: {  	v40 =	vld [tilespmem:$0xA0];
	_ =	sdelay $0x3  }
0x39: {  	v33 =	vld [tilespmem:$0x80]  }
0x3a: {  	v5 =	vadd.f32 $0.0e+00, v40;
	_ =	sdelay $0x1  }
0x3b: {  	v0 =	vbroadcast v5, $0x8;
	_ =	sdelay $0x1  }
0x3c: {  	[tilespmem:$0x1FE90] =	vst v0;
	v0 =	vbroadcast v33, $0x0  }
0x3d: {  	v48 =	vld [tilespmem:$0x90]  }
0x3e: {  	[tilespmem:$0x1FEA0] =	vst v0;
	v0 =	vbroadcast v33, $0x1;
	_ =	sdelay $0x1  }
0x3f: {  	[tilespmem:$0x1FEB0] =	vst v0;
	v0 =	vbroadcast v33, $0x2;
	_ =	sdelay $0x1  }
0x40: {  	[tilespmem:$0x1FEC0] =	vst v0;
	v0 =	vbroadcast v48, $0x8;
	_ =	sdelay $0x1  }
0x41: {  	[tilespmem:$0x1FED0] =	vst v0;
	v0 =	vbroadcast v40, $0x0;
	_ =	sdelay $0x1  }
0x42: {  	[tilespmem:$0x1FEE0] =	vst v0;
	v0 =	vbroadcast v33, $0x3;
	_ =	sdelay $0x1  }
0x43: {  	[tilespmem:$0x1FEF0] =	vst v0;
	v0 =	vbroadcast v33, $0x4;
	_ =	sdelay $0x1  }
0x44: {  	[tilespmem:$0x1FF00] =	vst v0;
	v0 =	vbroadcast v33, $0x5;
	_ =	sdelay $0x1  }
0x45: {  	[tilespmem:$0x1FF10] =	vst v0;
	v0 =	vbroadcast v48, $0x9;
	_ =	sdelay $0x1  }
0x46: {  	[tilespmem:$0x1FF20] =	vst v0;
	v0 =	vbroadcast v40, $0x1;
	_ =	sdelay $0x1  }
0x47: {  	[tilespmem:$0x1FF30] =	vst v0;
	v0 =	vbroadcast v33, $0x6;
	_ =	sdelay $0x1  }
0x48: {  	[tilespmem:$0x1FF40] =	vst v0;
	v0 =	vbroadcast v33, $0x7;
	_ =	sdelay $0x1  }
0x49: {  	[tilespmem:$0x1FF50] =	vst v0;
	v0 =	vbroadcast v33, $0x8;
	_ =	sdelay $0x1  }
0x4a: {  	[tilespmem:$0x1FF60] =	vst v0;
	v0 =	vbroadcast v48, $0xA;
	_ =	sdelay $0x1  }
0x4b: {  	[tilespmem:$0x1FF70] =	vst v0;
	v0 =	vbroadcast v40, $0x2;
	_ =	sdelay $0x1  }
0x4c: {  	[tilespmem:$0x1FF80] =	vst v0;
	v0 =	vbroadcast v33, $0x9  }
0x4d: {  	v4 =	vbroadcast v40, $0x9  }
0x4e: {  	v35 =	vbroadcast v33, $0xE;
	[tilespmem:$0x1FF90] =	vst v0;
	v0 =	vbroadcast v33, $0xA  }
0x4f: {  	v36 =	vbroadcast v48, $0xC;
	v38 =	vbroadcast v40, $0x4  }
0x50: {  	v39 =	vbroadcast v33, $0xF;
	[tilespmem:$0x1FFA0] =	vst v0;
	v0 =	vbroadcast v33, $0xB  }
0x51: {  	v42 =	vbroadcast v48, $0x0;
	(erf) = vrcp.f32 v4  }
0x52: {  	v25 =	vld [tilespmem:$0x0];
	v43 =	vbroadcast v48, $0x1;
	[tilespmem:$0x1FFB0] =	vst v0;
	v0 =	vbroadcast v48, $0xB  }
0x53: {  	v28 =	vld [tilespmem:$0x10];
	v45 =	vbroadcast v48, $0xD;
	v46 =	vbroadcast v40, $0x5  }
0x54: {  	v31 =	vld [tilespmem:$0x20];
	v49 =	vbroadcast v48, $0x2;
	[tilespmem:$0x1FFC0] =	vst v0;
	v0 =	vbroadcast v40, $0x3  }
0x55: {  	v34 =	vld [tilespmem:$0x30];
	v50 =	vbroadcast v48, $0x3;
	v51 =	vbroadcast v48, $0x4  }
.Ltmp2:
0x56: {  	v37 =	vld [tilespmem:$0x40];
	v52 =	vbroadcast v48, $0xE;
	[tilespmem:$0x1FFD0] =	vst v0;
	v0 =	vbroadcast v33, $0xC;
	(pc) =	sbr.rel .LBB2_2-.Ltmp2, $4  }
0x57: {  	v41 =	vld [tilespmem:$0x50];
	v54 =	vbroadcast v40, $0x6;
	v56 =	vbroadcast v48, $0x5  }
0x58: {  	v55 =	vimm.f32 $-3.399999950e+38;
	v44 =	vld [tilespmem:$0x60];
	v57 =	vbroadcast v48, $0x6;
	[tilespmem:$0x1FFE0] =	vst v0;
	v0 =	vbroadcast v33, $0xD  }
0x59: {  	v53 =	vimm.s32 $0x0;
	v47 =	vld [tilespmem:$0x70];
	[tilespmem:s18], [sflag:$0x1] =	stream.linear.gather [hbm4b:s8+s2], $0x7000, $0x38;
	v29 =	vbroadcast v48, $0x7;
	v30 =	vbroadcast v48, $0xF  }
0x5a: {  	s15 =	smov.u32 s3;
	s30 =	simm.s32 $0x0;
	v32 =	vbroadcast v40, $0x7;
	v48 =	vimm.f32 $0.0e+00;
	v40 =	vimm.f32 $0.0e+00;
	v33 =	vpop (erf);
	[tilespmem:$0x1FFF0] =	vst v0  }
.LBB2_7:
0x5b: {  	s30 =	sadd.s32 $0x1, s30  }
0x5c: {  	p0 =	sne.s32 s30, $0xE  }
.Ltmp3:
0x5d: {  	_ = 	snop;
	(pc) =	sbr.rel @!p0 .LBB2_8-.Ltmp3, $2  }
0x5e: {  	_ =	sdelay $0x2  }
0x5f: {  	s26 =	sadd.s32 $0xE0, s26;
	s28 =	sadd.s32 $0xE0, s28;
	s15 =	sadd.s32 $0xE0, s15  }
.LBB2_2:
0x60: {  	s0 =	sand.u32 $0x1, s30  }
0x61: {  	p0 =	seq.s32 s0, $0x1  }
.Ltmp4:
0x62: {  	_ = 	snop;
	(pc) =	sbr.rel @p0 .LBB2_5-.Ltmp4, $2  }
0x63: {  	_ =	sdelay $0x2  }
0x64: {  	s0 =	smul.u32 $0xE0, s30  }
0x65: {  	_ = 	snop  }
0x66: {  	_ =	swait.ge [sflag:s19], $0x7000;
	s0 =	sadd.s32 s0, s9  }
0x67: {  	[sflag:s19] =	ssyncset.done $0x0;
	s0 =	sshll.u32 s0, $0x4  }
0x68: {  	s31 =	simm.s32 $0x0;
	[sflag:s19] =	ssyncadd.s32 $0xFFFF9000;
	s0 =	sadd.s32 s1, s0  }
0x69: {  	[tilespmem:s20], [sflag:$0x2] =	stream.linear.gather [hbm4b:s0+s31], $0x7000, $0x38;
	[tilespmem:$0xFD80] =	vst v63  }
0x6a: {  	v58 =	vmov s26;
	v59 =	vmov s28;
	s29 =	smov.u32 s15;
	s0 =	simm.s32 $0x500  }
.LBB2_4:
0x6b: {  	v60 =	vld [tilespmem:s0+$0xFFFFFC00]  }
0x6c: {  	v61 =	vld [tilespmem:s0+$0xFFFFFC10]  }
0x6d: {  	v62 =	vld [tilespmem:s0+$0xFFFFFC20]  }
0x6e: {  	v63 =	vld [tilespmem:s0+$0xFFFFFC30]  }
0x6f: {  	v0 =	vld [tilespmem:s0+$0xFFFFFC40]  }
0x70: {  	v4 =	vld [tilespmem:s0+$0xFFFFFC50]  }
0x71: {  	v5 =	vld [tilespmem:s0+$0xFFFFFC60]  }
0x72: {  	v6 =	vld [tilespmem:s0+$0xFFFFFC70];
	_ =	sdelay $0x1  }
0x73: {  	v7 =	vmul.f32 v60, v25;
	v8 =	vmul.f32 v61, v28  }
0x74: {  	v9 =	vmul.f32 v62, v31;
	v10 =	vmul.f32 v63, v34  }
0x75: {  	v11 =	vmul.f32 v0, v37;
	v12 =	vmul.f32 v4, v41  }
0x76: {  	v13 =	vmul.f32 v5, v44;
	v14 =	vmul.f32 v6, v47  }
0x77: {  	v20 =	vmul.f32 v60, v60;
	v21 =	vmul.f32 v61, v61  }
0x78: {  	v22 =	vmul.f32 v62, v62;
	v23 =	vmul.f32 v63, v63  }
0x79: {  	v0 =	vmul.f32 v0, v0;
	v4 =	vmul.f32 v4, v4  }
0x7a: {  	v5 =	vmul.f32 v5, v5;
	v7 =	vadd.f32 v8, v7;
	v9 =	vadd.f32 v10, v9  }
0x7b: {  	v6 =	vmul.f32 v6, v6;
	v11 =	vadd.f32 v12, v11;
	v63 =	vadd.f32 v14, v13  }
0x7c: {  	v8 =	vadd.f32 v21, v20;
	v10 =	vadd.f32 v23, v22  }
0x7d: {  	v0 =	vadd.f32 v4, v0;
	v4 =	vadd.f32 v6, v5  }
0x7e: {  	v5 =	vadd.f32 v9, v7;
	v15 =	vadd.f32 v63, v11  }
0x7f: {  	v16 =	vadd.f32 v10, v8;
	v0 =	vadd.f32 v4, v0  }
0x80: {  	v4 =	vadd.f32 v15, v5  }
0x81: {  	v0 =	vadd.f32 v0, v16  }
0x82: {  	[tilespmem:$0xFA80] =	vst v4  }
0x83: {  	[tilespmem:$0xFC00] =	vst v0  }
0x84: {  	v0 =	vld [tilespmem:s0+$0xFFFFFC80]  }
0x85: {  	v4 =	vld [tilespmem:s0+$0xFFFFFC90]  }
0x86: {  	v5 =	vld [tilespmem:s0+$0xFFFFFCA0]  }
0x87: {  	v6 =	vld [tilespmem:s0+$0xFFFFFCB0]  }
0x88: {  	v7 =	vld [tilespmem:s0+$0xFFFFFCC0]  }
0x89: {  	v8 =	vld [tilespmem:s0+$0xFFFFFCD0]  }
0x8a: {  	v9 =	vld [tilespmem:s0+$0xFFFFFCE0]  }
0x8b: {  	v10 =	vld [tilespmem:s0+$0xFFFFFCF0];
	_ =	sdelay $0x1  }
0x8c: {  	v17 =	vmul.f32 v0, v25;
	v18 =	vmul.f32 v4, v28  }
0x8d: {  	v19 =	vmul.f32 v5, v31;
	v20 =	vmul.f32 v6, v34  }
0x8e: {  	v21 =	vmul.f32 v7, v37;
	v22 =	vmul.f32 v8, v41  }
0x8f: {  	v23 =	vmul.f32 v9, v44;
	v16 =	vmul.f32 v10, v47  }
0x90: {  	v0 =	vmul.f32 v0, v0;
	v4 =	vmul.f32 v4, v4  }
0x91: {  	v5 =	vmul.f32 v5, v5;
	v6 =	vmul.f32 v6, v6  }
0x92: {  	v7 =	vmul.f32 v7, v7;
	v8 =	vmul.f32 v8, v8  }
0x93: {  	v9 =	vmul.f32 v9, v9;
	v11 =	vadd.f32 v18, v17;
	v17 =	vadd.f32 v20, v19  }
0x94: {  	v10 =	vmul.f32 v10, v10;
	v18 =	vadd.f32 v22, v21;
	v19 =	vadd.f32 v16, v23  }
0x95: {  	v0 =	vadd.f32 v4, v0;
	v4 =	vadd.f32 v6, v5  }
0x96: {  	v5 =	vadd.f32 v8, v7;
	v20 =	vadd.f32 v10, v9  }
0x97: {  	v21 =	vadd.f32 v17, v11;
	v22 =	vadd.f32 v19, v18  }
0x98: {  	v0 =	vadd.f32 v4, v0;
	v4 =	vadd.f32 v20, v5  }
0x99: {  	v5 =	vadd.f32 v22, v21  }
0x9a: {  	v0 =	vadd.f32 v4, v0  }
0x9b: {  	[tilespmem:$0xFA91] =	vst v5  }
0x9c: {  	[tilespmem:$0xFC11] =	vst v0  }
0x9d: {  	v0 =	vld [tilespmem:s0+$0xFFFFFD00]  }
0x9e: {  	v4 =	vld [tilespmem:s0+$0xFFFFFD10]  }
0x9f: {  	v5 =	vld [tilespmem:s0+$0xFFFFFD20]  }
0xa0: {  	v6 =	vld [tilespmem:s0+$0xFFFFFD30]  }
0xa1: {  	v7 =	vld [tilespmem:s0+$0xFFFFFD40]  }
0xa2: {  	v8 =	vld [tilespmem:s0+$0xFFFFFD50]  }
0xa3: {  	v9 =	vld [tilespmem:s0+$0xFFFFFD60]  }
0xa4: {  	v10 =	vld [tilespmem:s0+$0xFFFFFD70];
	_ =	sdelay $0x1  }
0xa5: {  	v23 =	vmul.f32 v0, v25;
	v16 =	vmul.f32 v4, v28  }
0xa6: {  	v17 =	vmul.f32 v5, v31;
	v18 =	vmul.f32 v6, v34  }
0xa7: {  	v19 =	vmul.f32 v7, v37;
	v20 =	vmul.f32 v8, v41  }
0xa8: {  	v21 =	vmul.f32 v9, v44;
	v22 =	vmul.f32 v10, v47  }
0xa9: {  	v0 =	vmul.f32 v0, v0;
	v4 =	vmul.f32 v4, v4  }
0xaa: {  	v5 =	vmul.f32 v5, v5;
	v6 =	vmul.f32 v6, v6  }
0xab: {  	v7 =	vmul.f32 v7, v7;
	v8 =	vmul.f32 v8, v8  }
0xac: {  	v9 =	vmul.f32 v9, v9;
	v11 =	vadd.f32 v16, v23;
	v23 =	vadd.f32 v18, v17  }
0xad: {  	v10 =	vmul.f32 v10, v10;
	v61 =	vadd.f32 v20, v19;
	v62 =	vadd.f32 v22, v21  }
0xae: {  	v0 =	vadd.f32 v4, v0;
	v4 =	vadd.f32 v6, v5  }
0xaf: {  	v5 =	vadd.f32 v8, v7;
	v63 =	vadd.f32 v10, v9  }
0xb0: {  	v15 =	vadd.f32 v23, v11;
	v16 =	vadd.f32 v62, v61  }
0xb1: {  	v0 =	vadd.f32 v4, v0;
	v4 =	vadd.f32 v63, v5  }
0xb2: {  	v5 =	vadd.f32 v16, v15  }
0xb3: {  	v0 =	vadd.f32 v4, v0  }
0xb4: {  	[tilespmem:$0xFAA2] =	vst v5  }
0xb5: {  	[tilespmem:$0xFC22] =	vst v0  }
0xb6: {  	v0 =	vld [tilespmem:s0+$0xFFFFFD80]  }
0xb7: {  	v4 =	vld [tilespmem:s0+$0xFFFFFD90]  }
0xb8: {  	v5 =	vld [tilespmem:s0+$0xFFFFFDA0]  }
0xb9: {  	v6 =	vld [tilespmem:s0+$0xFFFFFDB0]  }
0xba: {  	v7 =	vld [tilespmem:s0+$0xFFFFFDC0]  }
0xbb: {  	v8 =	vld [tilespmem:s0+$0xFFFFFDD0]  }
0xbc: {  	v9 =	vld [tilespmem:s0+$0xFFFFFDE0]  }
0xbd: {  	v10 =	vld [tilespmem:s0+$0xFFFFFDF0];
	_ =	sdelay $0x1  }
0xbe: {  	v17 =	vmul.f32 v0, v25;
	v18 =	vmul.f32 v4, v28  }
0xbf: {  	v19 =	vmul.f32 v5, v31;
	v20 =	vmul.f32 v6, v34  }
0xc0: {  	v21 =	vmul.f32 v7, v37;
	v22 =	vmul.f32 v8, v41  }
0xc1: {  	v23 =	vmul.f32 v9, v44;
	v16 =	vmul.f32 v10, v47  }
0xc2: {  	v0 =	vmul.f32 v0, v0;
	v4 =	vmul.f32 v4, v4  }
0xc3: {  	v5 =	vmul.f32 v5, v5;
	v6 =	vmul.f32 v6, v6  }
0xc4: {  	v7 =	vmul.f32 v7, v7;
	v8 =	vmul.f32 v8, v8  }
0xc5: {  	v9 =	vmul.f32 v9, v9;
	v11 =	vadd.f32 v18, v17;
	v17 =	vadd.f32 v20, v19  }
0xc6: {  	v10 =	vmul.f32 v10, v10;
	v18 =	vadd.f32 v22, v21;
	v19 =	vadd.f32 v16, v23  }
0xc7: {  	v0 =	vadd.f32 v4, v0;
	v4 =	vadd.f32 v6, v5  }
0xc8: {  	v5 =	vadd.f32 v8, v7;
	v20 =	vadd.f32 v10, v9  }
0xc9: {  	v21 =	vadd.f32 v17, v11;
	v22 =	vadd.f32 v19, v18  }
0xca: {  	v0 =	vadd.f32 v4, v0;
	v4 =	vadd.f32 v20, v5  }
0xcb: {  	v5 =	vadd.f32 v22, v21  }
0xcc: {  	v0 =	vadd.f32 v4, v0  }
0xcd: {  	[tilespmem:$0xFAB3] =	vst v5  }
0xce: {  	[tilespmem:$0xFC33] =	vst v0  }
0xcf: {  	v0 =	vld [tilespmem:s0+$0xFFFFFE00]  }
0xd0: {  	v4 =	vld [tilespmem:s0+$0xFFFFFE10]  }
0xd1: {  	v5 =	vld [tilespmem:s0+$0xFFFFFE20]  }
0xd2: {  	v6 =	vld [tilespmem:s0+$0xFFFFFE30]  }
0xd3: {  	v7 =	vld [tilespmem:s0+$0xFFFFFE40]  }
0xd4: {  	v8 =	vld [tilespmem:s0+$0xFFFFFE50]  }
0xd5: {  	v9 =	vld [tilespmem:s0+$0xFFFFFE60]  }
0xd6: {  	v10 =	vld [tilespmem:s0+$0xFFFFFE70];
	_ =	sdelay $0x1  }
0xd7: {  	v23 =	vmul.f32 v0, v25;
	v16 =	vmul.f32 v4, v28  }
0xd8: {  	v17 =	vmul.f32 v5, v31;
	v18 =	vmul.f32 v6, v34  }
0xd9: {  	v19 =	vmul.f32 v7, v37;
	v20 =	vmul.f32 v8, v41  }
0xda: {  	v21 =	vmul.f32 v9, v44;
	v22 =	vmul.f32 v10, v47  }
0xdb: {  	v0 =	vmul.f32 v0, v0;
	v4 =	vmul.f32 v4, v4  }
0xdc: {  	v5 =	vmul.f32 v5, v5;
	v6 =	vmul.f32 v6, v6  }
0xdd: {  	v7 =	vmul.f32 v7, v7;
	v8 =	vmul.f32 v8, v8  }
0xde: {  	v9 =	vmul.f32 v9, v9;
	v11 =	vadd.f32 v16, v23;
	v23 =	vadd.f32 v18, v17  }
0xdf: {  	v10 =	vmul.f32 v10, v10;
	v61 =	vadd.f32 v20, v19;
	v62 =	vadd.f32 v22, v21  }
0xe0: {  	v0 =	vadd.f32 v4, v0;
	v4 =	vadd.f32 v6, v5  }
0xe1: {  	v5 =	vadd.f32 v8, v7;
	v63 =	vadd.f32 v10, v9  }
0xe2: {  	v15 =	vadd.f32 v23, v11;
	v16 =	vadd.f32 v62, v61  }
0xe3: {  	v0 =	vadd.f32 v4, v0;
	v4 =	vadd.f32 v63, v5  }
0xe4: {  	v5 =	vadd.f32 v16, v15  }
0xe5: {  	v0 =	vadd.f32 v4, v0  }
0xe6: {  	[tilespmem:$0xFAC4] =	vst v5  }
0xe7: {  	[tilespmem:$0xFC44] =	vst v0  }
0xe8: {  	v0 =	vld [tilespmem:s0+$0xFFFFFE80]  }
0xe9: {  	v4 =	vld [tilespmem:s0+$0xFFFFFE90]  }
0xea: {  	v5 =	vld [tilespmem:s0+$0xFFFFFEA0]  }
0xeb: {  	v6 =	vld [tilespmem:s0+$0xFFFFFEB0]  }
0xec: {  	v7 =	vld [tilespmem:s0+$0xFFFFFEC0]  }
0xed: {  	v8 =	vld [tilespmem:s0+$0xFFFFFED0]  }
0xee: {  	v9 =	vld [tilespmem:s0+$0xFFFFFEE0]  }
0xef: {  	v10 =	vld [tilespmem:s0+$0xFFFFFEF0];
	_ =	sdelay $0x1  }
0xf0: {  	v17 =	vmul.f32 v0, v25;
	v18 =	vmul.f32 v4, v28  }
0xf1: {  	v19 =	vmul.f32 v5, v31;
	v20 =	vmul.f32 v6, v34  }
0xf2: {  	v21 =	vmul.f32 v7, v37;
	v22 =	vmul.f32 v8, v41  }
0xf3: {  	v23 =	vmul.f32 v9, v44;
	v16 =	vmul.f32 v10, v47  }
0xf4: {  	v0 =	vmul.f32 v0, v0;
	v4 =	vmul.f32 v4, v4  }
0xf5: {  	v5 =	vmul.f32 v5, v5;
	v6 =	vmul.f32 v6, v6  }
0xf6: {  	v7 =	vmul.f32 v7, v7;
	v8 =	vmul.f32 v8, v8  }
0xf7: {  	v9 =	vmul.f32 v9, v9;
	v11 =	vadd.f32 v18, v17;
	v17 =	vadd.f32 v20, v19  }
0xf8: {  	v10 =	vmul.f32 v10, v10;
	v18 =	vadd.f32 v22, v21;
	v19 =	vadd.f32 v16, v23  }
0xf9: {  	v0 =	vadd.f32 v4, v0;
	v4 =	vadd.f32 v6, v5  }
0xfa: {  	v5 =	vadd.f32 v8, v7;
	v20 =	vadd.f32 v10, v9  }
0xfb: {  	v21 =	vadd.f32 v17, v11;
	v22 =	vadd.f32 v19, v18  }
0xfc: {  	v0 =	vadd.f32 v4, v0;
	v4 =	vadd.f32 v20, v5  }
0xfd: {  	v5 =	vadd.f32 v22, v21  }
0xfe: {  	v0 =	vadd.f32 v4, v0  }
0xff: {  	[tilespmem:$0xFAD5] =	vst v5  }
0x100: {  	[tilespmem:$0xFC55] =	vst v0  }
0x101: {  	v0 =	vld [tilespmem:s0+$0xFFFFFF00]  }
0x102: {  	v4 =	vld [tilespmem:s0+$0xFFFFFF10]  }
0x103: {  	v5 =	vld [tilespmem:s0+$0xFFFFFF20]  }
0x104: {  	v6 =	vld [tilespmem:s0+$0xFFFFFF30]  }
0x105: {  	v7 =	vld [tilespmem:s0+$0xFFFFFF40]  }
0x106: {  	v8 =	vld [tilespmem:s0+$0xFFFFFF50]  }
0x107: {  	v9 =	vld [tilespmem:s0+$0xFFFFFF60]  }
0x108: {  	v10 =	vld [tilespmem:s0+$0xFFFFFF70];
	_ =	sdelay $0x1  }
0x109: {  	v23 =	vmul.f32 v0, v25;
	v16 =	vmul.f32 v4, v28  }
0x10a: {  	v17 =	vmul.f32 v5, v31;
	v18 =	vmul.f32 v6, v34  }
0x10b: {  	v19 =	vmul.f32 v7, v37;
	v20 =	vmul.f32 v8, v41  }
0x10c: {  	v21 =	vmul.f32 v9, v44;
	v22 =	vmul.f32 v10, v47  }
0x10d: {  	v0 =	vmul.f32 v0, v0;
	v4 =	vmul.f32 v4, v4  }
0x10e: {  	v5 =	vmul.f32 v5, v5;
	v6 =	vmul.f32 v6, v6  }
0x10f: {  	v7 =	vmul.f32 v7, v7;
	v8 =	vmul.f32 v8, v8  }
0x110: {  	v9 =	vmul.f32 v9, v9;
	v11 =	vadd.f32 v16, v23;
	v23 =	vadd.f32 v18, v17  }
0x111: {  	v10 =	vmul.f32 v10, v10;
	v61 =	vadd.f32 v20, v19;
	v62 =	vadd.f32 v22, v21  }
0x112: {  	v0 =	vadd.f32 v4, v0;
	v4 =	vadd.f32 v6, v5  }
0x113: {  	v5 =	vadd.f32 v8, v7;
	v63 =	vadd.f32 v10, v9  }
0x114: {  	v15 =	vadd.f32 v23, v11;
	v16 =	vadd.f32 v62, v61  }
0x115: {  	v0 =	vadd.f32 v4, v0;
	v4 =	vadd.f32 v63, v5  }
0x116: {  	v5 =	vadd.f32 v16, v15  }
0x117: {  	v0 =	vadd.f32 v4, v0  }
0x118: {  	[tilespmem:$0xFAE6] =	vst v5  }
0x119: {  	[tilespmem:$0xFC66] =	vst v0  }
0x11a: {  	v0 =	vld [tilespmem:s0+$0xFFFFFF80]  }
0x11b: {  	v4 =	vld [tilespmem:s0+$0xFFFFFF90]  }
0x11c: {  	v5 =	vld [tilespmem:s0+$0xFFFFFFA0]  }
0x11d: {  	v6 =	vld [tilespmem:s0+$0xFFFFFFB0]  }
0x11e: {  	v7 =	vld [tilespmem:s0+$0xFFFFFFC0]  }
0x11f: {  	v8 =	vld [tilespmem:s0+$0xFFFFFFD0]  }
0x120: {  	v9 =	vld [tilespmem:s0+$0xFFFFFFE0]  }
0x121: {  	v10 =	vld [tilespmem:s0+$0xFFFFFFF0];
	_ =	sdelay $0x1  }
0x122: {  	v17 =	vmul.f32 v0, v25;
	v18 =	vmul.f32 v4, v28  }
0x123: {  	v19 =	vmul.f32 v5, v31;
	v20 =	vmul.f32 v6, v34  }
0x124: {  	v21 =	vmul.f32 v7, v37;
	v22 =	vmul.f32 v8, v41  }
0x125: {  	v23 =	vmul.f32 v9, v44;
	v16 =	vmul.f32 v10, v47  }
0x126: {  	v0 =	vmul.f32 v0, v0;
	v4 =	vmul.f32 v4, v4  }
0x127: {  	v5 =	vmul.f32 v5, v5;
	v6 =	vmul.f32 v6, v6  }
0x128: {  	v7 =	vmul.f32 v7, v7;
	v8 =	vmul.f32 v8, v8  }
0x129: {  	v9 =	vmul.f32 v9, v9;
	v11 =	vadd.f32 v18, v17;
	v17 =	vadd.f32 v20, v19  }
0x12a: {  	v10 =	vmul.f32 v10, v10;
	v18 =	vadd.f32 v22, v21;
	v19 =	vadd.f32 v16, v23  }
0x12b: {  	v0 =	vadd.f32 v4, v0;
	v4 =	vadd.f32 v6, v5  }
0x12c: {  	v5 =	vadd.f32 v8, v7;
	v20 =	vadd.f32 v10, v9  }
0x12d: {  	v21 =	vadd.f32 v17, v11;
	v22 =	vadd.f32 v19, v18  }
0x12e: {  	v0 =	vadd.f32 v4, v0;
	v4 =	vadd.f32 v20, v5  }
0x12f: {  	v5 =	vadd.f32 v22, v21  }
0x130: {  	v0 =	vadd.f32 v4, v0  }
0x131: {  	[tilespmem:$0xFAF7] =	vst v5  }
0x132: {  	[tilespmem:$0xFC77] =	vst v0  }
0x133: {  	v0 =	vld [tilespmem:s0+$0x0]  }
0x134: {  	v4 =	vld [tilespmem:s0+$0x10]  }
0x135: {  	v5 =	vld [tilespmem:s0+$0x20]  }
0x136: {  	v6 =	vld [tilespmem:s0+$0x30]  }
0x137: {  	v7 =	vld [tilespmem:s0+$0x40]  }
0x138: {  	v8 =	vld [tilespmem:s0+$0x50]  }
0x139: {  	v9 =	vld [tilespmem:s0+$0x60]  }
0x13a: {  	v10 =	vld [tilespmem:s0+$0x70];
	_ =	sdelay $0x1  }
0x13b: {  	v23 =	vmul.f32 v0, v25;
	v16 =	vmul.f32 v4, v28  }
0x13c: {  	v17 =	vmul.f32 v5, v31;
	v18 =	vmul.f32 v6, v34  }
0x13d: {  	v19 =	vmul.f32 v7, v37;
	v20 =	vmul.f32 v8, v41  }
0x13e: {  	v21 =	vmul.f32 v9, v44;
	v22 =	vmul.f32 v10, v47  }
0x13f: {  	v0 =	vmul.f32 v0, v0;
	v4 =	vmul.f32 v4, v4  }
0x140: {  	v5 =	vmul.f32 v5, v5;
	v6 =	vmul.f32 v6, v6  }
0x141: {  	v7 =	vmul.f32 v7, v7;
	v8 =	vmul.f32 v8, v8  }
0x142: {  	v9 =	vmul.f32 v9, v9;
	v11 =	vadd.f32 v16, v23;
	v23 =	vadd.f32 v18, v17  }
0x143: {  	v10 =	vmul.f32 v10, v10;
	v61 =	vadd.f32 v20, v19;
	v62 =	vadd.f32 v22, v21  }
0x144: {  	v0 =	vadd.f32 v4, v0;
	v4 =	vadd.f32 v6, v5  }
0x145: {  	v5 =	vadd.f32 v8, v7;
	v63 =	vadd.f32 v10, v9  }
0x146: {  	v15 =	vadd.f32 v23, v11;
	v16 =	vadd.f32 v62, v61  }
0x147: {  	v0 =	vadd.f32 v4, v0;
	v4 =	vadd.f32 v63, v5  }
0x148: {  	v5 =	vadd.f32 v16, v15  }
0x149: {  	v0 =	vadd.f32 v4, v0  }
0x14a: {  	[tilespmem:$0xFB08] =	vst v5  }
0x14b: {  	[tilespmem:$0xFC88] =	vst v0  }
0x14c: {  	v0 =	vld [tilespmem:s0+$0x80]  }
0x14d: {  	v4 =	vld [tilespmem:s0+$0x90]  }
0x14e: {  	v5 =	vld [tilespmem:s0+$0xA0]  }
0x14f: {  	v6 =	vld [tilespmem:s0+$0xB0]  }
0x150: {  	v7 =	vld [tilespmem:s0+$0xC0]  }
0x151: {  	v8 =	vld [tilespmem:s0+$0xD0]  }
0x152: {  	v9 =	vld [tilespmem:s0+$0xE0]  }
0x153: {  	v10 =	vld [tilespmem:s0+$0xF0];
	_ =	sdelay $0x1  }
0x154: {  	v17 =	vmul.f32 v0, v25;
	v18 =	vmul.f32 v4, v28  }
0x155: {  	v19 =	vmul.f32 v5, v31;
	v20 =	vmul.f32 v6, v34  }
0x156: {  	v21 =	vmul.f32 v7, v37;
	v22 =	vmul.f32 v8, v41  }
0x157: {  	v23 =	vmul.f32 v9, v44;
	v16 =	vmul.f32 v10, v47  }
0x158: {  	v0 =	vmul.f32 v0, v0;
	v4 =	vmul.f32 v4, v4  }
0x159: {  	v5 =	vmul.f32 v5, v5;
	v6 =	vmul.f32 v6, v6  }
0x15a: {  	v7 =	vmul.f32 v7, v7;
	v8 =	vmul.f32 v8, v8  }
0x15b: {  	v9 =	vmul.f32 v9, v9;
	v11 =	vadd.f32 v18, v17;
	v17 =	vadd.f32 v20, v19  }
0x15c: {  	v10 =	vmul.f32 v10, v10;
	v18 =	vadd.f32 v22, v21;
	v19 =	vadd.f32 v16, v23  }
0x15d: {  	v0 =	vadd.f32 v4, v0;
	v4 =	vadd.f32 v6, v5  }
0x15e: {  	v5 =	vadd.f32 v8, v7;
	v20 =	vadd.f32 v10, v9  }
0x15f: {  	v21 =	vadd.f32 v17, v11;
	v22 =	vadd.f32 v19, v18  }
0x160: {  	v0 =	vadd.f32 v4, v0;
	v4 =	vadd.f32 v20, v5  }
0x161: {  	v5 =	vadd.f32 v22, v21  }
0x162: {  	v0 =	vadd.f32 v4, v0  }
0x163: {  	[tilespmem:$0xFB19] =	vst v5  }
0x164: {  	[tilespmem:$0xFC99] =	vst v0  }
0x165: {  	v0 =	vld [tilespmem:s0+$0x100]  }
0x166: {  	v4 =	vld [tilespmem:s0+$0x110]  }
0x167: {  	v5 =	vld [tilespmem:s0+$0x120]  }
0x168: {  	v6 =	vld [tilespmem:s0+$0x130]  }
0x169: {  	v7 =	vld [tilespmem:s0+$0x140]  }
0x16a: {  	v8 =	vld [tilespmem:s0+$0x150]  }
0x16b: {  	v9 =	vld [tilespmem:s0+$0x160]  }
0x16c: {  	v10 =	vld [tilespmem:s0+$0x170];
	_ =	sdelay $0x1  }
0x16d: {  	v23 =	vmul.f32 v0, v25;
	v16 =	vmul.f32 v4, v28  }
0x16e: {  	v17 =	vmul.f32 v5, v31;
	v18 =	vmul.f32 v6, v34  }
0x16f: {  	v19 =	vmul.f32 v7, v37;
	v20 =	vmul.f32 v8, v41  }
0x170: {  	v21 =	vmul.f32 v9, v44;
	v22 =	vmul.f32 v10, v47  }
0x171: {  	v0 =	vmul.f32 v0, v0;
	v4 =	vmul.f32 v4, v4  }
0x172: {  	v5 =	vmul.f32 v5, v5;
	v6 =	vmul.f32 v6, v6  }
0x173: {  	v7 =	vmul.f32 v7, v7;
	v8 =	vmul.f32 v8, v8  }
0x174: {  	v9 =	vmul.f32 v9, v9;
	v11 =	vadd.f32 v16, v23;
	v23 =	vadd.f32 v18, v17  }
0x175: {  	v10 =	vmul.f32 v10, v10;
	v61 =	vadd.f32 v20, v19;
	v62 =	vadd.f32 v22, v21  }
0x176: {  	v0 =	vadd.f32 v4, v0;
	v4 =	vadd.f32 v6, v5  }
0x177: {  	v5 =	vadd.f32 v8, v7;
	v63 =	vadd.f32 v10, v9  }
0x178: {  	v15 =	vadd.f32 v23, v11;
	v16 =	vadd.f32 v62, v61  }
0x179: {  	v0 =	vadd.f32 v4, v0;
	v4 =	vadd.f32 v63, v5  }
0x17a: {  	v5 =	vadd.f32 v16, v15  }
0x17b: {  	v0 =	vadd.f32 v4, v0  }
0x17c: {  	[tilespmem:$0xFB2A] =	vst v5  }
0x17d: {  	[tilespmem:$0xFCAA] =	vst v0  }
0x17e: {  	v0 =	vld [tilespmem:s0+$0x180]  }
0x17f: {  	v4 =	vld [tilespmem:s0+$0x190]  }
0x180: {  	v5 =	vld [tilespmem:s0+$0x1A0]  }
0x181: {  	v6 =	vld [tilespmem:s0+$0x1B0]  }
0x182: {  	v7 =	vld [tilespmem:s0+$0x1C0]  }
0x183: {  	v8 =	vld [tilespmem:s0+$0x1D0]  }
0x184: {  	v9 =	vld [tilespmem:s0+$0x1E0]  }
0x185: {  	v10 =	vld [tilespmem:s0+$0x1F0];
	_ =	sdelay $0x1  }
0x186: {  	v17 =	vmul.f32 v0, v25;
	v18 =	vmul.f32 v4, v28  }
0x187: {  	v19 =	vmul.f32 v5, v31;
	v20 =	vmul.f32 v6, v34  }
0x188: {  	v21 =	vmul.f32 v7, v37;
	v22 =	vmul.f32 v8, v41  }
0x189: {  	v23 =	vmul.f32 v9, v44;
	v16 =	vmul.f32 v10, v47  }
0x18a: {  	v0 =	vmul.f32 v0, v0;
	v4 =	vmul.f32 v4, v4  }
0x18b: {  	v5 =	vmul.f32 v5, v5;
	v6 =	vmul.f32 v6, v6  }
0x18c: {  	v7 =	vmul.f32 v7, v7;
	v8 =	vmul.f32 v8, v8  }
0x18d: {  	v9 =	vmul.f32 v9, v9;
	v11 =	vadd.f32 v18, v17;
	v17 =	vadd.f32 v20, v19  }
0x18e: {  	v10 =	vmul.f32 v10, v10;
	v18 =	vadd.f32 v22, v21;
	v19 =	vadd.f32 v16, v23  }
0x18f: {  	v0 =	vadd.f32 v4, v0;
	v4 =	vadd.f32 v6, v5  }
0x190: {  	v5 =	vadd.f32 v8, v7;
	v20 =	vadd.f32 v10, v9  }
0x191: {  	v21 =	vadd.f32 v17, v11;
	v22 =	vadd.f32 v19, v18  }
0x192: {  	v0 =	vadd.f32 v4, v0;
	v4 =	vadd.f32 v20, v5  }
0x193: {  	v5 =	vadd.f32 v22, v21  }
0x194: {  	v0 =	vadd.f32 v4, v0  }
0x195: {  	[tilespmem:$0xFB3B] =	vst v5  }
0x196: {  	[tilespmem:$0xFCBB] =	vst v0  }
0x197: {  	v0 =	vld [tilespmem:s0+$0x200]  }
0x198: {  	v4 =	vld [tilespmem:s0+$0x210]  }
0x199: {  	v5 =	vld [tilespmem:s0+$0x220]  }
0x19a: {  	v6 =	vld [tilespmem:s0+$0x230]  }
0x19b: {  	v7 =	vld [tilespmem:s0+$0x240]  }
0x19c: {  	v8 =	vld [tilespmem:s0+$0x250]  }
0x19d: {  	v9 =	vld [tilespmem:s0+$0x260]  }
0x19e: {  	v10 =	vld [tilespmem:s0+$0x270];
	_ =	sdelay $0x1  }
0x19f: {  	v23 =	vmul.f32 v0, v25;
	v16 =	vmul.f32 v4, v28  }
0x1a0: {  	v17 =	vmul.f32 v5, v31;
	v18 =	vmul.f32 v6, v34  }
0x1a1: {  	v19 =	vmul.f32 v7, v37;
	v20 =	vmul.f32 v8, v41  }
0x1a2: {  	v21 =	vmul.f32 v9, v44;
	v22 =	vmul.f32 v10, v47  }
0x1a3: {  	v0 =	vmul.f32 v0, v0;
	v4 =	vmul.f32 v4, v4  }
0x1a4: {  	v5 =	vmul.f32 v5, v5;
	v6 =	vmul.f32 v6, v6  }
0x1a5: {  	v7 =	vmul.f32 v7, v7;
	v8 =	vmul.f32 v8, v8  }
0x1a6: {  	v9 =	vmul.f32 v9, v9;
	v11 =	vadd.f32 v16, v23;
	v23 =	vadd.f32 v18, v17  }
0x1a7: {  	v10 =	vmul.f32 v10, v10;
	v61 =	vadd.f32 v20, v19;
	v62 =	vadd.f32 v22, v21  }
0x1a8: {  	v0 =	vadd.f32 v4, v0;
	v4 =	vadd.f32 v6, v5  }
0x1a9: {  	v5 =	vadd.f32 v8, v7;
	v63 =	vadd.f32 v10, v9  }
0x1aa: {  	v15 =	vadd.f32 v23, v11;
	v16 =	vadd.f32 v62, v61  }
0x1ab: {  	v0 =	vadd.f32 v4, v0;
	v4 =	vadd.f32 v63, v5  }
0x1ac: {  	v5 =	vadd.f32 v16, v15  }
0x1ad: {  	v0 =	vadd.f32 v4, v0  }
0x1ae: {  	[tilespmem:$0xFB4C] =	vst v5  }
0x1af: {  	[tilespmem:$0xFCCC] =	vst v0  }
0x1b0: {  	v0 =	vld [tilespmem:s0+$0x280]  }
0x1b1: {  	v4 =	vld [tilespmem:s0+$0x290]  }
0x1b2: {  	v5 =	vld [tilespmem:s0+$0x2A0]  }
0x1b3: {  	v6 =	vld [tilespmem:s0+$0x2B0]  }
0x1b4: {  	v7 =	vld [tilespmem:s0+$0x2C0]  }
0x1b5: {  	v8 =	vld [tilespmem:s0+$0x2D0]  }
0x1b6: {  	v9 =	vld [tilespmem:s0+$0x2E0]  }
0x1b7: {  	v10 =	vld [tilespmem:s0+$0x2F0];
	_ =	sdelay $0x1  }
0x1b8: {  	v17 =	vmul.f32 v0, v25;
	v18 =	vmul.f32 v4, v28  }
0x1b9: {  	v19 =	vmul.f32 v5, v31;
	v20 =	vmul.f32 v6, v34  }
0x1ba: {  	v21 =	vmul.f32 v7, v37;
	v22 =	vmul.f32 v8, v41  }
0x1bb: {  	v23 =	vmul.f32 v9, v44;
	v16 =	vmul.f32 v10, v47  }
0x1bc: {  	v0 =	vmul.f32 v0, v0;
	v4 =	vmul.f32 v4, v4  }
0x1bd: {  	v5 =	vmul.f32 v5, v5;
	v6 =	vmul.f32 v6, v6  }
0x1be: {  	v7 =	vmul.f32 v7, v7;
	v8 =	vmul.f32 v8, v8  }
0x1bf: {  	v9 =	vmul.f32 v9, v9;
	v11 =	vadd.f32 v18, v17;
	v17 =	vadd.f32 v20, v19  }
0x1c0: {  	v10 =	vmul.f32 v10, v10;
	v18 =	vadd.f32 v22, v21;
	v19 =	vadd.f32 v16, v23  }
0x1c1: {  	v0 =	vadd.f32 v4, v0;
	v4 =	vadd.f32 v6, v5  }
0x1c2: {  	v5 =	vadd.f32 v8, v7;
	v20 =	vadd.f32 v10, v9  }
0x1c3: {  	v21 =	vadd.f32 v17, v11;
	v22 =	vadd.f32 v19, v18  }
0x1c4: {  	v0 =	vadd.f32 v4, v0;
	v4 =	vadd.f32 v20, v5  }
0x1c5: {  	v5 =	vadd.f32 v22, v21  }
0x1c6: {  	v0 =	vadd.f32 v4, v0  }
0x1c7: {  	[tilespmem:$0xFB5D] =	vst v5  }
0x1c8: {  	[tilespmem:$0xFCDD] =	vst v0  }
0x1c9: {  	v0 =	vld [tilespmem:s0+$0x300]  }
0x1ca: {  	v4 =	vld [tilespmem:s0+$0x310]  }
0x1cb: {  	v5 =	vld [tilespmem:s0+$0x320]  }
0x1cc: {  	v6 =	vld [tilespmem:s0+$0x330]  }
0x1cd: {  	v7 =	vld [tilespmem:s0+$0x340]  }
0x1ce: {  	v8 =	vld [tilespmem:s0+$0x350]  }
0x1cf: {  	v9 =	vld [tilespmem:s0+$0x360]  }
0x1d0: {  	v10 =	vld [tilespmem:s0+$0x370];
	_ =	sdelay $0x1  }
0x1d1: {  	v23 =	vmul.f32 v0, v25;
	v16 =	vmul.f32 v4, v28  }
0x1d2: {  	v17 =	vmul.f32 v5, v31;
	v18 =	vmul.f32 v6, v34  }
0x1d3: {  	v19 =	vmul.f32 v7, v37;
	v20 =	vmul.f32 v8, v41  }
0x1d4: {  	v21 =	vmul.f32 v9, v44;
	v22 =	vmul.f32 v10, v47  }
0x1d5: {  	v0 =	vmul.f32 v0, v0;
	v4 =	vmul.f32 v4, v4  }
0x1d6: {  	v5 =	vmul.f32 v5, v5;
	v6 =	vmul.f32 v6, v6  }
0x1d7: {  	v7 =	vmul.f32 v7, v7;
	v8 =	vmul.f32 v8, v8  }
0x1d8: {  	v9 =	vmul.f32 v9, v9;
	v11 =	vadd.f32 v16, v23;
	v23 =	vadd.f32 v18, v17  }
0x1d9: {  	v10 =	vmul.f32 v10, v10;
	v61 =	vadd.f32 v20, v19;
	v63 =	vadd.f32 v22, v21  }
0x1da: {  	v0 =	vadd.f32 v4, v0;
	v4 =	vadd.f32 v6, v5  }
0x1db: {  	v5 =	vadd.f32 v8, v7;
	v15 =	vadd.f32 v10, v9  }
0x1dc: {  	v16 =	vadd.f32 v23, v11;
	v17 =	vadd.f32 v63, v61  }
0x1dd: {  	v0 =	vadd.f32 v4, v0;
	v4 =	vadd.f32 v15, v5  }
0x1de: {  	v5 =	vadd.f32 v17, v16  }
0x1df: {  	v0 =	vadd.f32 v4, v0  }
0x1e0: {  	[tilespmem:$0xFB6E] =	vst v5  }
0x1e1: {  	[tilespmem:$0xFCEE] =	vst v0  }
0x1e2: {  	v0 =	vld [tilespmem:s0+$0x380]  }
0x1e3: {  	v4 =	vld [tilespmem:s0+$0x390]  }
0x1e4: {  	v5 =	vld [tilespmem:s0+$0x3A0]  }
0x1e5: {  	v6 =	vld [tilespmem:s0+$0x3B0]  }
0x1e6: {  	v7 =	vld [tilespmem:s0+$0x3C0]  }
0x1e7: {  	v8 =	vld [tilespmem:s0+$0x3D0]  }
0x1e8: {  	v9 =	vld [tilespmem:s0+$0x3E0]  }
0x1e9: {  	v10 =	vld [tilespmem:s0+$0x3F0];
	_ =	sdelay $0x1  }
0x1ea: {  	v18 =	vmul.f32 v0, v25;
	v19 =	vmul.f32 v4, v28  }
0x1eb: {  	v20 =	vmul.f32 v5, v31;
	v21 =	vmul.f32 v6, v34  }
0x1ec: {  	v22 =	vmul.f32 v7, v37;
	v23 =	vmul.f32 v8, v41  }
0x1ed: {  	v16 =	vmul.f32 v9, v44;
	v17 =	vmul.f32 v10, v47  }
0x1ee: {  	v0 =	vmul.f32 v0, v0;
	v4 =	vmul.f32 v4, v4  }
0x1ef: {  	v5 =	vmul.f32 v5, v5;
	v6 =	vmul.f32 v6, v6  }
0x1f0: {  	v7 =	vmul.f32 v7, v7;
	v8 =	vmul.f32 v8, v8  }
0x1f1: {  	v9 =	vmul.f32 v9, v9;
	v11 =	vadd.f32 v19, v18;
	v18 =	vadd.f32 v21, v20  }
0x1f2: {  	v10 =	vmul.f32 v10, v10;
	v19 =	vadd.f32 v23, v22;
	v20 =	vadd.f32 v17, v16  }
0x1f3: {  	v0 =	vadd.f32 v4, v0;
	v4 =	vadd.f32 v6, v5  }
0x1f4: {  	v5 =	vadd.f32 v8, v7;
	v21 =	vadd.f32 v10, v9  }
0x1f5: {  	v22 =	vadd.f32 v18, v11;
	v23 =	vadd.f32 v20, v19  }
0x1f6: {  	v0 =	vadd.f32 v4, v0;
	v4 =	vadd.f32 v21, v5  }
0x1f7: {  	v5 =	vadd.f32 v23, v22  }
0x1f8: {  	v0 =	vadd.f32 v4, v0  }
0x1f9: {  	v6 =	vadd.s32 $0x5, v1;
	[tilespmem:$0xFB7F] =	vst v5  }
0x1fa: {  	v8 =	vadd.s32 $0x6, v1;
	[tilespmem:$0xFCFF] =	vst v0  }
0x1fb: {  	v10 =	vadd.s32 $0x7, v1;
	v5 =	vld.idx.msk [tilespmem:v1+s22+$0x0], $0xffff  }
0x1fc: {  	v12 =	vadd.s32 $0x8, v1;
	v7 =	vld.idx.msk [tilespmem:v2+s22+$0x0], $0xffff  }
0x1fd: {  	v14 =	vadd.s32 $0x9, v1;
	v9 =	vld.idx.msk [tilespmem:v3+s22+$0x0], $0xffff  }
0x1fe: {  	v61 =	vadd.s32 $0xA, v1;
	v60 =	vld.idx.msk [tilespmem:v6+s22+$0x0], $0xffff  }
0x1ff: {  	v63 =	vadd.s32 $0xB, v1;
	v62 =	vld.idx.msk [tilespmem:v8+s22+$0x0], $0xffff  }
0x200: {  	v4 =	vadd.s32 $0x3, v1;
	v15 =	vld.idx.msk [tilespmem:v10+s22+$0x0], $0xffff  }
0x201: {  	v0 =	vadd.s32 $0x4, v1;
	v17 =	vld.idx.msk [tilespmem:v12+s22+$0x0], $0xffff  }
0x202: {  	v16 =	vadd.s32 $0xC, v1;
	v19 =	vld.idx.msk [tilespmem:v14+s22+$0x0], $0xffff  }
0x203: {  	v18 =	vadd.s32 $0xD, v1;
	v21 =	vld.idx.msk [tilespmem:v61+s22+$0x0], $0xffff  }
0x204: {  	v20 =	vadd.s32 $0xE, v1;
	v23 =	vld.idx.msk [tilespmem:v63+s22+$0x0], $0xffff  }
0x205: {  	v22 =	vadd.s32 $0xF, v1;
	v11 =	vld.idx.msk [tilespmem:v4+s22+$0x0], $0xffff  }
0x206: {  	v13 =	vld.idx.msk [tilespmem:v0+s22+$0x0], $0xffff  }
0x207: {  	v24 =	vld.idx.msk [tilespmem:v16+s22+$0x0], $0xffff  }
0x208: {  	v26 =	vld.idx.msk [tilespmem:v18+s22+$0x0], $0xffff  }
0x209: {  	v27 =	vld.idx.msk [tilespmem:v20+s22+$0x0], $0xffff  }
0x20a: {  	v7 =	vadd.f32 v60, v7;
	v60 =	vld.idx.msk [tilespmem:v22+s22+$0x0], $0xffff;
	v9 =	vadd.f32 v62, v9  }
0x20b: {  	v11 =	vadd.f32 v15, v11;
	v5 =	vadd.f32 v13, v5  }
0x20c: {  	v7 =	vadd.f32 v19, v7;
	v9 =	vadd.f32 v21, v9  }
0x20d: {  	v11 =	vadd.f32 v23, v11;
	v5 =	vadd.f32 v17, v5  }
0x20e: {  	v7 =	vadd.f32 v26, v7;
	v9 =	vadd.f32 v27, v9  }
0x20f: {  	v11 =	vadd.f32 v60, v11;
	v5 =	vadd.f32 v24, v5;
	_ =	sdelay $0x1  }
0x210: {  	v19 =	vadd.f32 v11, v9;
	v5 =	vadd.f32 v7, v5;
	_ =	sdelay $0x1  }
0x211: {  	v5 =	vadd.f32 v19, v5;
	_ =	sdelay $0x1  }
0x212: {  	v6 =	vld.idx.msk [tilespmem:v6+s21+$0x0], $0xffff;
	v5 =	vmax.f32 v5, $1.000000020e-24  }
0x213: {  	v8 =	vld.idx.msk [tilespmem:v8+s21+$0x0], $0xffff;
	v21 =	vshra.s32 v5, $0x1;
	v5 =	vmul.f32 $5.000000000e-01, v5  }
0x214: {  	v10 =	vld.idx.msk [tilespmem:v10+s21+$0x0], $0xffff;
	v9 =	vsub.s32 $0x5F3759DF, v21  }
0x215: {  	v12 =	vld.idx.msk [tilespmem:v12+s21+$0x0], $0xffff;
	v23 =	vmul.f32 v9, v5  }
0x216: {  	v14 =	vld.idx.msk [tilespmem:v14+s21+$0x0], $0xffff  }
0x217: {  	v4 =	vld.idx.msk [tilespmem:v4+s21+$0x0], $0xffff;
	v15 =	vmul.f32 v9, v23  }
0x218: {  	v0 =	vld.idx.msk [tilespmem:v0+s21+$0x0], $0xffff  }
0x219: {  	v62 =	vld.idx.msk [tilespmem:v63+s21+$0x0], $0xffff;
	v15 =	vsub.f32 $1.500000000e+00, v15  }
0x21a: {  	v63 =	vld.idx.msk [tilespmem:v22+s21+$0x0], $0xffff  }
0x21b: {  	v60 =	vld.idx.msk [tilespmem:v61+s21+$0x0], $0xffff;
	v9 =	vmul.f32 v9, v15  }
0x21c: {  	v11 =	vld.idx.msk [tilespmem:v2+s21+$0x0], $0xffff  }
0x21d: {  	v7 =	vld.idx.msk [tilespmem:v1+s21+$0x0], $0xffff;
	v61 =	vmul.f32 v9, v5  }
0x21e: {  	v13 =	vld.idx.msk [tilespmem:v3+s21+$0x0], $0xffff  }
0x21f: {  	v16 =	vld.idx.msk [tilespmem:v16+s21+$0x0], $0xffff;
	v4 =	vadd.f32 v10, v4;
	v17 =	vmul.f32 v61, v9  }
0x220: {  	v18 =	vld.idx.msk [tilespmem:v18+s21+$0x0], $0xffff  }
0x221: {  	v20 =	vld.idx.msk [tilespmem:v20+s21+$0x0], $0xffff;
	v4 =	vadd.f32 v62, v4;
	v17 =	vsub.f32 $1.500000000e+00, v17  }
0x222: {  	v22 =	vld [tilespmem:$0x1FF40];
	v6 =	vadd.f32 v6, v11;
	v0 =	vadd.f32 v0, v7  }
0x223: {  	v62 =	vld [tilespmem:$0x1FF60];
	v4 =	vadd.f32 v63, v4;
	v8 =	vadd.f32 v8, v13;
	v9 =	vmul.f32 v17, v9  }
0x224: {  	s17 =	sshra.s32 s31, $0x2;
	v63 =	vld [tilespmem:$0x1FED0];
	v6 =	vadd.f32 v14, v6;
	v0 =	vadd.f32 v12, v0  }
0x225: {  	v8 =	vadd.f32 v60, v8;
	v15 =	vld.idx.msk [tilespmem:v58+s17+$0x0 ss:$0x1], $0xffff;
	v5 =	vmul.f32 v9, v5  }
0x226: {  	v60 =	vld [tilespmem:$0x1FF10];
	v6 =	vadd.f32 v18, v6;
	v0 =	vadd.f32 v16, v0  }
0x227: {  	v19 =	vld [tilespmem:$0x1FEC0];
	v8 =	vadd.f32 v20, v8;
	v5 =	vmul.f32 v5, v9  }
0x228: {  	v0 =	vadd.f32 v6, v0;
	v6 =	vld.idx.msk [tilespmem:v59+s17+$0x0 ss:$0x1], $0xffff  }
0x229: {  	v4 =	vadd.f32 v4, v8;
	v18 =	vld [tilespmem:$0x1FEB0];
	v5 =	vsub.f32 $1.500000000e+00, v5  }
0x22a: {  	v16 =	vsub.f32 $1.000000000e+05, v15;
	v17 =	vld [tilespmem:$0x1FEA0]  }
0x22b: {  	v20 =	vld [tilespmem:$0x1FEF0];
	v0 =	vadd.f32 v4, v0;
	v4 =	vmul.f32 v5, v9  }
0x22c: {  	v21 =	vld [tilespmem:$0x1FF00];
	v5 =	vmul.f32 v16, v33  }
0x22d: {  	v23 =	vld [tilespmem:$0x1FF50];
	v0 =	vmul.f32 v4, v0;
	v4 =	vand.u32 $0x7FFFFFFF, v6  }
0x22e: {  	v16 =	vld [tilespmem:$0x1FF20];
	v5 =	vsub.f32 $1.000000000e+00, v5;
	v4 =	vmax.f32 v4, $9.999999970e-07  }
0x22f: {  	v7 =	vmul.f32 v0, v17;
	v8 =	vmul.f32 v4, v18;
	v17 =	vld [tilespmem:$0x1FEE0]  }
0x230: {  	v9 =	vmul.f32 v5, v19;
	v18 =	vld [tilespmem:$0x1FF70]  }
0x231: {  	v10 =	vmul.f32 v4, v21;
	v19 =	vld [tilespmem:$0x1FF90];
	v7 =	vadd.f32 v7, v8;
	v8 =	vmul.f32 v0, v20  }
0x232: {  	v11 =	vmul.f32 v0, v22;
	v12 =	vmul.f32 v4, v23;
	v21 =	vld [tilespmem:$0x1FE90]  }
0x233: {  	v22 =	vld [tilespmem:$0x1FF30];
	v7 =	vadd.f32 v7, v9;
	v8 =	vadd.f32 v8, v10;
	v9 =	vmul.f32 v5, v60  }
0x234: {  	v61 =	vadd.f32 v11, v12;
	v11 =	vmul.f32 v5, v62;
	v20 =	vld [tilespmem:$0x1FFA0]  }
0x235: {  	v62 =	vld [tilespmem:$0x1FFF0];
	v7 =	vadd.f32 v7, v63;
	v8 =	vadd.f32 v8, v9  }
0x236: {  	v15 =	vadd.f32 v61, v11;
	v60 =	vld [tilespmem:$0x1FFB0]  }
0x237: {  	v61 =	vld [tilespmem:$0x1FFE0];
	v10 =	vmul.f32 v0, v19;
	v7 =	vmax.f32 v7, $0.0e+00;
	v8 =	vadd.f32 v8, v16  }
0x238: {  	v19 =	vmul.f32 v0, v49;
	v9 =	vadd.f32 v15, v18;
	v7 =	vmul.f32 v7, v17  }
0x239: {  	v63 =	vmul.f32 v5, v35;
	v11 =	vmul.f32 v4, v20;
	v8 =	vmax.f32 v8, $0.0e+00  }
0x23a: {  	v23 =	vld [tilespmem:$0x1FF80];
	v18 =	vmul.f32 v4, v42;
	v7 =	vadd.f32 v7, v21;
	v8 =	vmul.f32 v8, v22  }
0x23b: {  	v12 =	vmul.f32 v4, v62;
	v20 =	vmul.f32 v4, v50;
	v16 =	vld [tilespmem:$0x1FFC0];
	v10 =	vadd.f32 v10, v11  }
0x23c: {  	v11 =	vmul.f32 v5, v60;
	v7 =	vadd.f32 v7, v8;
	v8 =	vmul.f32 v0, v61  }
0x23d: {  	v4 =	vmul.f32 v4, v57;
	v17 =	vmul.f32 v0, v39  }
0x23e: {  	v9 =	vmax.f32 v9, $0.0e+00;
	v60 =	vld [tilespmem:$0x1FFD0];
	v10 =	vadd.f32 v10, v11;
	v8 =	vadd.f32 v8, v12  }
0x23f: {  	v9 =	vmul.f32 v9, v23;
	v11 =	vadd.f32 v17, v18;
	v21 =	vmul.f32 v5, v43  }
0x240: {  	v23 =	vmul.f32 v0, v56;
	v10 =	vadd.f32 v10, v16;
	v8 =	vadd.f32 v8, v63  }
0x241: {  	v22 =	vmul.f32 v5, v51;
	v11 =	vadd.f32 v11, v21;
	v7 =	vadd.f32 v7, v9  }
0x242: {  	v9 =	vadd.f32 v19, v20;
	v10 =	vmax.f32 v10, $0.0e+00;
	v8 =	vadd.f32 v8, v36  }
0x243: {  	v4 =	vadd.f32 v23, v4;
	v5 =	vmul.f32 v5, v29;
	v10 =	vmul.f32 v10, v60  }
0x244: {  	v11 =	vadd.f32 v11, v45;
	v9 =	vadd.f32 v9, v22;
	v8 =	vmax.f32 v8, $0.0e+00  }
0x245: {  	v7 =	vadd.f32 v7, v10;
	v8 =	vmul.f32 v8, v38  }
0x246: {  	v4 =	vadd.f32 v4, v5;
	v5 =	vmax.f32 v11, $0.0e+00;
	v9 =	vadd.f32 v9, v52  }
0x247: {  	v5 =	vmul.f32 v5, v46;
	v7 =	vadd.f32 v7, v8  }
0x248: {  	v4 =	vadd.f32 v4, v30;
	v61 =	vmax.f32 v9, $0.0e+00  }
0x249: {  	v62 =	vmul.f32 v61, v54;
	v5 =	vadd.f32 v7, v5  }
0x24a: {  	v4 =	vmax.f32 v4, $0.0e+00  }
0x24b: {  	v4 =	vmul.f32 v4, v32;
	v5 =	vadd.f32 v5, v62  }
0x24c: {  	p0 =	seq.s32 s31, $0x340  }
.Ltmp5:
0x24d: {  	v4 =	vadd.f32 v5, v4;
	(pc) =	sbr.rel @!p0 .LBB2_4-.Ltmp5, $4  }
0x24e: {  	_ = 	snop  }
0x24f: {  	v63 =	vlaneseq.u32;
	vm0 =	vgt.f32 v4, v55  }
0x250: {  	v55 =	vsel vm0, v4, v55;
	v4 =	vor.u32 s29, v63  }
0x251: {  	s31 =	sadd.s32 $0x40, s31;
	s0 =	sadd.s32 $0x800, s0;
	v48 =	vsel vm0, v0, v48;
	v40 =	vsel vm0, v6, v40;
	s29 =	sadd.s32 $0x10, s29;
	v53 =	vsel vm0, v4, v53  }
.Ltmp6:
0x252: {  	_ = 	snop;
	(pc) =	sbr.rel .LBB2_7-.Ltmp6, $1  }
0x253: {  	_ =	sdelay $0x3  }
.LBB2_5:
0x254: {  	p0 =	seq.s32 s30, $0xD  }
0x255: {  	_ =	swait.ge [sflag:s24], $0x7000;
	s0 =	sadd.s32 @!p0 s0, s9  }
0x256: {  	[sflag:s24] =	ssyncset.done $0x0;
	s17 =	simm.s32 @!p0 $0x0;
	s0 =	sshll.u32 @!p0 s0, $0x4  }
0x257: {  	s29 =	simm.s32 @!p0 $0x100;
	[sflag:s24] =	ssyncadd.s32 $0xFFFF9000;
	s0 =	sadd.s32 @!p0 s1, s0  }
0x258: {  	[tilespmem:s29], [sflag:$0x1] =	stream.linear.gather @!p0 [hbm4b:s0+s17], $0x7000, $0x38;
	[tilespmem:$0xFD80] =	vst v63  }
0x259: {  	s31 =	simm.s32 $0x0;
	v58 =	vmov s26;
	v59 =	vmov s28;
	s0 =	simm.s32 $0x7500;
	s29 =	smov.u32 s15  }
.LBB2_6:
0x25a: {  	v0 =	vld [tilespmem:s0+$0xFFFFFC00]  }
0x25b: {  	v4 =	vld [tilespmem:s0+$0xFFFFFC10]  }
0x25c: {  	v5 =	vld [tilespmem:s0+$0xFFFFFC20]  }
0x25d: {  	v6 =	vld [tilespmem:s0+$0xFFFFFC30]  }
0x25e: {  	v7 =	vld [tilespmem:s0+$0xFFFFFC40]  }
0x25f: {  	v8 =	vld [tilespmem:s0+$0xFFFFFC50]  }
0x260: {  	v9 =	vld [tilespmem:s0+$0xFFFFFC60]  }
0x261: {  	v10 =	vld [tilespmem:s0+$0xFFFFFC70];
	_ =	sdelay $0x1  }
0x262: {  	v11 =	vmul.f32 v0, v25;
	v12 =	vmul.f32 v4, v28  }
0x263: {  	v13 =	vmul.f32 v5, v31;
	v14 =	vmul.f32 v6, v34  }
0x264: {  	v15 =	vmul.f32 v7, v37;
	v16 =	vmul.f32 v8, v41  }
0x265: {  	v17 =	vmul.f32 v9, v44;
	v18 =	vmul.f32 v10, v47  }
0x266: {  	v0 =	vmul.f32 v0, v0;
	v4 =	vmul.f32 v4, v4  }
0x267: {  	v5 =	vmul.f32 v5, v5;
	v6 =	vmul.f32 v6, v6  }
0x268: {  	v7 =	vmul.f32 v7, v7;
	v8 =	vmul.f32 v8, v8  }
0x269: {  	v9 =	vmul.f32 v9, v9;
	v11 =	vadd.f32 v12, v11;
	v63 =	vadd.f32 v14, v13  }
0x26a: {  	v10 =	vmul.f32 v10, v10;
	v16 =	vadd.f32 v16, v15;
	v17 =	vadd.f32 v18, v17  }
0x26b: {  	v0 =	vadd.f32 v4, v0;
	v4 =	vadd.f32 v6, v5  }
0x26c: {  	v5 =	vadd.f32 v8, v7;
	v18 =	vadd.f32 v10, v9  }
0x26d: {  	v19 =	vadd.f32 v63, v11;
	v20 =	vadd.f32 v17, v16  }
0x26e: {  	v0 =	vadd.f32 v4, v0;
	v4 =	vadd.f32 v18, v5  }
0x26f: {  	v5 =	vadd.f32 v20, v19  }
0x270: {  	v0 =	vadd.f32 v4, v0  }
0x271: {  	[tilespmem:$0xFA80] =	vst v5  }
0x272: {  	[tilespmem:$0xFC00] =	vst v0  }
0x273: {  	v0 =	vld [tilespmem:s0+$0xFFFFFC80]  }
0x274: {  	v4 =	vld [tilespmem:s0+$0xFFFFFC90]  }
0x275: {  	v5 =	vld [tilespmem:s0+$0xFFFFFCA0]  }
0x276: {  	v6 =	vld [tilespmem:s0+$0xFFFFFCB0]  }
0x277: {  	v7 =	vld [tilespmem:s0+$0xFFFFFCC0]  }
0x278: {  	v8 =	vld [tilespmem:s0+$0xFFFFFCD0]  }
0x279: {  	v9 =	vld [tilespmem:s0+$0xFFFFFCE0]  }
0x27a: {  	v10 =	vld [tilespmem:s0+$0xFFFFFCF0];
	_ =	sdelay $0x1  }
0x27b: {  	v11 =	vmul.f32 v0, v25;
	v21 =	vmul.f32 v4, v28  }
0x27c: {  	v22 =	vmul.f32 v5, v31;
	v23 =	vmul.f32 v6, v34  }
0x27d: {  	v60 =	vmul.f32 v7, v37;
	v61 =	vmul.f32 v8, v41  }
0x27e: {  	v62 =	vmul.f32 v9, v44;
	v63 =	vmul.f32 v10, v47  }
0x27f: {  	v0 =	vmul.f32 v0, v0;
	v4 =	vmul.f32 v4, v4  }
0x280: {  	v5 =	vmul.f32 v5, v5;
	v6 =	vmul.f32 v6, v6  }
0x281: {  	v7 =	vmul.f32 v7, v7;
	v8 =	vmul.f32 v8, v8  }
0x282: {  	v9 =	vmul.f32 v9, v9;
	v11 =	vadd.f32 v21, v11;
	v21 =	vadd.f32 v23, v22  }
0x283: {  	v10 =	vmul.f32 v10, v10;
	v22 =	vadd.f32 v61, v60;
	v23 =	vadd.f32 v63, v62  }
0x284: {  	v0 =	vadd.f32 v4, v0;
	v4 =	vadd.f32 v6, v5  }
0x285: {  	v5 =	vadd.f32 v8, v7;
	v60 =	vadd.f32 v10, v9  }
0x286: {  	v61 =	vadd.f32 v21, v11;
	v62 =	vadd.f32 v23, v22  }
0x287: {  	v0 =	vadd.f32 v4, v0;
	v4 =	vadd.f32 v60, v5  }
0x288: {  	v5 =	vadd.f32 v62, v61  }
0x289: {  	v0 =	vadd.f32 v4, v0  }
0x28a: {  	[tilespmem:$0xFA91] =	vst v5  }
0x28b: {  	[tilespmem:$0xFC11] =	vst v0  }
0x28c: {  	v0 =	vld [tilespmem:s0+$0xFFFFFD00]  }
0x28d: {  	v4 =	vld [tilespmem:s0+$0xFFFFFD10]  }
0x28e: {  	v5 =	vld [tilespmem:s0+$0xFFFFFD20]  }
0x28f: {  	v6 =	vld [tilespmem:s0+$0xFFFFFD30]  }
0x290: {  	v7 =	vld [tilespmem:s0+$0xFFFFFD40]  }
0x291: {  	v8 =	vld [tilespmem:s0+$0xFFFFFD50]  }
0x292: {  	v9 =	vld [tilespmem:s0+$0xFFFFFD60]  }
0x293: {  	v10 =	vld [tilespmem:s0+$0xFFFFFD70];
	_ =	sdelay $0x1  }
0x294: {  	v11 =	vmul.f32 v0, v25;
	v63 =	vmul.f32 v4, v28  }
0x295: {  	v21 =	vmul.f32 v5, v31;
	v22 =	vmul.f32 v6, v34  }
0x296: {  	v23 =	vmul.f32 v7, v37;
	v60 =	vmul.f32 v8, v41  }
0x297: {  	v61 =	vmul.f32 v9, v44;
	v62 =	vmul.f32 v10, v47  }
0x298: {  	v0 =	vmul.f32 v0, v0;
	v4 =	vmul.f32 v4, v4  }
0x299: {  	v5 =	vmul.f32 v5, v5;
	v6 =	vmul.f32 v6, v6  }
0x29a: {  	v7 =	vmul.f32 v7, v7;
	v8 =	vmul.f32 v8, v8  }
0x29b: {  	v9 =	vmul.f32 v9, v9;
	v11 =	vadd.f32 v63, v11;
	v63 =	vadd.f32 v22, v21  }
0x29c: {  	v10 =	vmul.f32 v10, v10;
	v16 =	vadd.f32 v60, v23;
	v17 =	vadd.f32 v62, v61  }
0x29d: {  	v0 =	vadd.f32 v4, v0;
	v4 =	vadd.f32 v6, v5  }
0x29e: {  	v5 =	vadd.f32 v8, v7;
	v18 =	vadd.f32 v10, v9  }
0x29f: {  	v19 =	vadd.f32 v63, v11;
	v20 =	vadd.f32 v17, v16  }
0x2a0: {  	v0 =	vadd.f32 v4, v0;
	v4 =	vadd.f32 v18, v5  }
0x2a1: {  	v5 =	vadd.f32 v20, v19  }
0x2a2: {  	v0 =	vadd.f32 v4, v0  }
0x2a3: {  	[tilespmem:$0xFAA2] =	vst v5  }
0x2a4: {  	[tilespmem:$0xFC22] =	vst v0  }
0x2a5: {  	v0 =	vld [tilespmem:s0+$0xFFFFFD80]  }
0x2a6: {  	v4 =	vld [tilespmem:s0+$0xFFFFFD90]  }
0x2a7: {  	v5 =	vld [tilespmem:s0+$0xFFFFFDA0]  }
0x2a8: {  	v6 =	vld [tilespmem:s0+$0xFFFFFDB0]  }
0x2a9: {  	v7 =	vld [tilespmem:s0+$0xFFFFFDC0]  }
0x2aa: {  	v8 =	vld [tilespmem:s0+$0xFFFFFDD0]  }
0x2ab: {  	v9 =	vld [tilespmem:s0+$0xFFFFFDE0]  }
0x2ac: {  	v10 =	vld [tilespmem:s0+$0xFFFFFDF0];
	_ =	sdelay $0x1  }
0x2ad: {  	v11 =	vmul.f32 v0, v25;
	v21 =	vmul.f32 v4, v28  }
0x2ae: {  	v22 =	vmul.f32 v5, v31;
	v23 =	vmul.f32 v6, v34  }
0x2af: {  	v60 =	vmul.f32 v7, v37;
	v61 =	vmul.f32 v8, v41  }
0x2b0: {  	v62 =	vmul.f32 v9, v44;
	v63 =	vmul.f32 v10, v47  }
0x2b1: {  	v0 =	vmul.f32 v0, v0;
	v4 =	vmul.f32 v4, v4  }
0x2b2: {  	v5 =	vmul.f32 v5, v5;
	v6 =	vmul.f32 v6, v6  }
0x2b3: {  	v7 =	vmul.f32 v7, v7;
	v8 =	vmul.f32 v8, v8  }
0x2b4: {  	v9 =	vmul.f32 v9, v9;
	v11 =	vadd.f32 v21, v11;
	v21 =	vadd.f32 v23, v22  }
0x2b5: {  	v10 =	vmul.f32 v10, v10;
	v22 =	vadd.f32 v61, v60;
	v23 =	vadd.f32 v63, v62  }
0x2b6: {  	v0 =	vadd.f32 v4, v0;
	v4 =	vadd.f32 v6, v5  }
0x2b7: {  	v5 =	vadd.f32 v8, v7;
	v60 =	vadd.f32 v10, v9  }
0x2b8: {  	v61 =	vadd.f32 v21, v11;
	v62 =	vadd.f32 v23, v22  }
0x2b9: {  	v0 =	vadd.f32 v4, v0;
	v4 =	vadd.f32 v60, v5  }
0x2ba: {  	v5 =	vadd.f32 v62, v61  }
0x2bb: {  	v0 =	vadd.f32 v4, v0  }
0x2bc: {  	[tilespmem:$0xFAB3] =	vst v5  }
0x2bd: {  	[tilespmem:$0xFC33] =	vst v0  }
0x2be: {  	v0 =	vld [tilespmem:s0+$0xFFFFFE00]  }
0x2bf: {  	v4 =	vld [tilespmem:s0+$0xFFFFFE10]  }
0x2c0: {  	v5 =	vld [tilespmem:s0+$0xFFFFFE20]  }
0x2c1: {  	v6 =	vld [tilespmem:s0+$0xFFFFFE30]  }
0x2c2: {  	v7 =	vld [tilespmem:s0+$0xFFFFFE40]  }
0x2c3: {  	v8 =	vld [tilespmem:s0+$0xFFFFFE50]  }
0x2c4: {  	v9 =	vld [tilespmem:s0+$0xFFFFFE60]  }
0x2c5: {  	v10 =	vld [tilespmem:s0+$0xFFFFFE70];
	_ =	sdelay $0x1  }
0x2c6: {  	v11 =	vmul.f32 v0, v25;
	v63 =	vmul.f32 v4, v28  }
0x2c7: {  	v21 =	vmul.f32 v5, v31;
	v22 =	vmul.f32 v6, v34  }
0x2c8: {  	v23 =	vmul.f32 v7, v37;
	v60 =	vmul.f32 v8, v41  }
0x2c9: {  	v61 =	vmul.f32 v9, v44;
	v62 =	vmul.f32 v10, v47  }
0x2ca: {  	v0 =	vmul.f32 v0, v0;
	v4 =	vmul.f32 v4, v4  }
0x2cb: {  	v5 =	vmul.f32 v5, v5;
	v6 =	vmul.f32 v6, v6  }
0x2cc: {  	v7 =	vmul.f32 v7, v7;
	v8 =	vmul.f32 v8, v8  }
0x2cd: {  	v9 =	vmul.f32 v9, v9;
	v11 =	vadd.f32 v63, v11;
	v63 =	vadd.f32 v22, v21  }
0x2ce: {  	v10 =	vmul.f32 v10, v10;
	v16 =	vadd.f32 v60, v23;
	v17 =	vadd.f32 v62, v61  }
0x2cf: {  	v0 =	vadd.f32 v4, v0;
	v4 =	vadd.f32 v6, v5  }
0x2d0: {  	v5 =	vadd.f32 v8, v7;
	v18 =	vadd.f32 v10, v9  }
0x2d1: {  	v19 =	vadd.f32 v63, v11;
	v20 =	vadd.f32 v17, v16  }
0x2d2: {  	v0 =	vadd.f32 v4, v0;
	v4 =	vadd.f32 v18, v5  }
0x2d3: {  	v5 =	vadd.f32 v20, v19  }
0x2d4: {  	v0 =	vadd.f32 v4, v0  }
0x2d5: {  	[tilespmem:$0xFAC4] =	vst v5  }
0x2d6: {  	[tilespmem:$0xFC44] =	vst v0  }
0x2d7: {  	v0 =	vld [tilespmem:s0+$0xFFFFFE80]  }
0x2d8: {  	v4 =	vld [tilespmem:s0+$0xFFFFFE90]  }
0x2d9: {  	v5 =	vld [tilespmem:s0+$0xFFFFFEA0]  }
0x2da: {  	v6 =	vld [tilespmem:s0+$0xFFFFFEB0]  }
0x2db: {  	v7 =	vld [tilespmem:s0+$0xFFFFFEC0]  }
0x2dc: {  	v8 =	vld [tilespmem:s0+$0xFFFFFED0]  }
0x2dd: {  	v9 =	vld [tilespmem:s0+$0xFFFFFEE0]  }
0x2de: {  	v10 =	vld [tilespmem:s0+$0xFFFFFEF0];
	_ =	sdelay $0x1  }
0x2df: {  	v11 =	vmul.f32 v0, v25;
	v21 =	vmul.f32 v4, v28  }
0x2e0: {  	v22 =	vmul.f32 v5, v31;
	v23 =	vmul.f32 v6, v34  }
0x2e1: {  	v60 =	vmul.f32 v7, v37;
	v61 =	vmul.f32 v8, v41  }
0x2e2: {  	v62 =	vmul.f32 v9, v44;
	v63 =	vmul.f32 v10, v47  }
0x2e3: {  	v0 =	vmul.f32 v0, v0;
	v4 =	vmul.f32 v4, v4  }
0x2e4: {  	v5 =	vmul.f32 v5, v5;
	v6 =	vmul.f32 v6, v6  }
0x2e5: {  	v7 =	vmul.f32 v7, v7;
	v8 =	vmul.f32 v8, v8  }
0x2e6: {  	v9 =	vmul.f32 v9, v9;
	v11 =	vadd.f32 v21, v11;
	v21 =	vadd.f32 v23, v22  }
0x2e7: {  	v10 =	vmul.f32 v10, v10;
	v22 =	vadd.f32 v61, v60;
	v23 =	vadd.f32 v63, v62  }
0x2e8: {  	v0 =	vadd.f32 v4, v0;
	v4 =	vadd.f32 v6, v5  }
0x2e9: {  	v5 =	vadd.f32 v8, v7;
	v60 =	vadd.f32 v10, v9  }
0x2ea: {  	v61 =	vadd.f32 v21, v11;
	v62 =	vadd.f32 v23, v22  }
0x2eb: {  	v0 =	vadd.f32 v4, v0;
	v4 =	vadd.f32 v60, v5  }
0x2ec: {  	v5 =	vadd.f32 v62, v61  }
0x2ed: {  	v0 =	vadd.f32 v4, v0  }
0x2ee: {  	[tilespmem:$0xFAD5] =	vst v5  }
0x2ef: {  	[tilespmem:$0xFC55] =	vst v0  }
0x2f0: {  	v0 =	vld [tilespmem:s0+$0xFFFFFF00]  }
0x2f1: {  	v4 =	vld [tilespmem:s0+$0xFFFFFF10]  }
0x2f2: {  	v5 =	vld [tilespmem:s0+$0xFFFFFF20]  }
0x2f3: {  	v6 =	vld [tilespmem:s0+$0xFFFFFF30]  }
0x2f4: {  	v7 =	vld [tilespmem:s0+$0xFFFFFF40]  }
0x2f5: {  	v8 =	vld [tilespmem:s0+$0xFFFFFF50]  }
0x2f6: {  	v9 =	vld [tilespmem:s0+$0xFFFFFF60]  }
0x2f7: {  	v10 =	vld [tilespmem:s0+$0xFFFFFF70];
	_ =	sdelay $0x1  }
0x2f8: {  	v11 =	vmul.f32 v0, v25;
	v63 =	vmul.f32 v4, v28  }
0x2f9: {  	v21 =	vmul.f32 v5, v31;
	v22 =	vmul.f32 v6, v34  }
0x2fa: {  	v23 =	vmul.f32 v7, v37;
	v60 =	vmul.f32 v8, v41  }
0x2fb: {  	v61 =	vmul.f32 v9, v44;
	v62 =	vmul.f32 v10, v47  }
0x2fc: {  	v0 =	vmul.f32 v0, v0;
	v4 =	vmul.f32 v4, v4  }
0x2fd: {  	v5 =	vmul.f32 v5, v5;
	v6 =	vmul.f32 v6, v6  }
0x2fe: {  	v7 =	vmul.f32 v7, v7;
	v8 =	vmul.f32 v8, v8  }
0x2ff: {  	v9 =	vmul.f32 v9, v9;
	v11 =	vadd.f32 v63, v11;
	v63 =	vadd.f32 v22, v21  }
0x300: {  	v10 =	vmul.f32 v10, v10;
	v16 =	vadd.f32 v60, v23;
	v17 =	vadd.f32 v62, v61  }
0x301: {  	v0 =	vadd.f32 v4, v0;
	v4 =	vadd.f32 v6, v5  }
0x302: {  	v5 =	vadd.f32 v8, v7;
	v18 =	vadd.f32 v10, v9  }
0x303: {  	v19 =	vadd.f32 v63, v11;
	v20 =	vadd.f32 v17, v16  }
0x304: {  	v0 =	vadd.f32 v4, v0;
	v4 =	vadd.f32 v18, v5  }
0x305: {  	v5 =	vadd.f32 v20, v19  }
0x306: {  	v0 =	vadd.f32 v4, v0  }
0x307: {  	[tilespmem:$0xFAE6] =	vst v5  }
0x308: {  	[tilespmem:$0xFC66] =	vst v0  }
0x309: {  	v0 =	vld [tilespmem:s0+$0xFFFFFF80]  }
0x30a: {  	v4 =	vld [tilespmem:s0+$0xFFFFFF90]  }
0x30b: {  	v5 =	vld [tilespmem:s0+$0xFFFFFFA0]  }
0x30c: {  	v6 =	vld [tilespmem:s0+$0xFFFFFFB0]  }
0x30d: {  	v7 =	vld [tilespmem:s0+$0xFFFFFFC0]  }
0x30e: {  	v8 =	vld [tilespmem:s0+$0xFFFFFFD0]  }
0x30f: {  	v9 =	vld [tilespmem:s0+$0xFFFFFFE0]  }
0x310: {  	v10 =	vld [tilespmem:s0+$0xFFFFFFF0];
	_ =	sdelay $0x1  }
0x311: {  	v11 =	vmul.f32 v0, v25;
	v21 =	vmul.f32 v4, v28  }
0x312: {  	v22 =	vmul.f32 v5, v31;
	v23 =	vmul.f32 v6, v34  }
0x313: {  	v60 =	vmul.f32 v7, v37;
	v61 =	vmul.f32 v8, v41  }
0x314: {  	v62 =	vmul.f32 v9, v44;
	v63 =	vmul.f32 v10, v47  }
0x315: {  	v0 =	vmul.f32 v0, v0;
	v4 =	vmul.f32 v4, v4  }
0x316: {  	v5 =	vmul.f32 v5, v5;
	v6 =	vmul.f32 v6, v6  }
0x317: {  	v7 =	vmul.f32 v7, v7;
	v8 =	vmul.f32 v8, v8  }
0x318: {  	v9 =	vmul.f32 v9, v9;
	v11 =	vadd.f32 v21, v11;
	v21 =	vadd.f32 v23, v22  }
0x319: {  	v10 =	vmul.f32 v10, v10;
	v22 =	vadd.f32 v61, v60;
	v23 =	vadd.f32 v63, v62  }
0x31a: {  	v0 =	vadd.f32 v4, v0;
	v4 =	vadd.f32 v6, v5  }
0x31b: {  	v5 =	vadd.f32 v8, v7;
	v60 =	vadd.f32 v10, v9  }
0x31c: {  	v61 =	vadd.f32 v21, v11;
	v62 =	vadd.f32 v23, v22  }
0x31d: {  	v0 =	vadd.f32 v4, v0;
	v4 =	vadd.f32 v60, v5  }
0x31e: {  	v5 =	vadd.f32 v62, v61  }
0x31f: {  	v0 =	vadd.f32 v4, v0  }
0x320: {  	[tilespmem:$0xFAF7] =	vst v5  }
0x321: {  	[tilespmem:$0xFC77] =	vst v0  }
0x322: {  	v0 =	vld [tilespmem:s0+$0x0]  }
0x323: {  	v4 =	vld [tilespmem:s0+$0x10]  }
0x324: {  	v5 =	vld [tilespmem:s0+$0x20]  }
0x325: {  	v6 =	vld [tilespmem:s0+$0x30]  }
0x326: {  	v7 =	vld [tilespmem:s0+$0x40]  }
0x327: {  	v8 =	vld [tilespmem:s0+$0x50]  }
0x328: {  	v9 =	vld [tilespmem:s0+$0x60]  }
0x329: {  	v10 =	vld [tilespmem:s0+$0x70];
	_ =	sdelay $0x1  }
0x32a: {  	v11 =	vmul.f32 v0, v25;
	v63 =	vmul.f32 v4, v28  }
0x32b: {  	v21 =	vmul.f32 v5, v31;
	v22 =	vmul.f32 v6, v34  }
0x32c: {  	v23 =	vmul.f32 v7, v37;
	v60 =	vmul.f32 v8, v41  }
0x32d: {  	v61 =	vmul.f32 v9, v44;
	v62 =	vmul.f32 v10, v47  }
0x32e: {  	v0 =	vmul.f32 v0, v0;
	v4 =	vmul.f32 v4, v4  }
0x32f: {  	v5 =	vmul.f32 v5, v5;
	v6 =	vmul.f32 v6, v6  }
0x330: {  	v7 =	vmul.f32 v7, v7;
	v8 =	vmul.f32 v8, v8  }
0x331: {  	v9 =	vmul.f32 v9, v9;
	v11 =	vadd.f32 v63, v11;
	v63 =	vadd.f32 v22, v21  }
0x332: {  	v10 =	vmul.f32 v10, v10;
	v16 =	vadd.f32 v60, v23;
	v17 =	vadd.f32 v62, v61  }
0x333: {  	v0 =	vadd.f32 v4, v0;
	v4 =	vadd.f32 v6, v5  }
0x334: {  	v5 =	vadd.f32 v8, v7;
	v18 =	vadd.f32 v10, v9  }
0x335: {  	v19 =	vadd.f32 v63, v11;
	v20 =	vadd.f32 v17, v16  }
0x336: {  	v0 =	vadd.f32 v4, v0;
	v4 =	vadd.f32 v18, v5  }
0x337: {  	v5 =	vadd.f32 v20, v19  }
0x338: {  	v0 =	vadd.f32 v4, v0  }
0x339: {  	[tilespmem:$0xFB08] =	vst v5  }
0x33a: {  	[tilespmem:$0xFC88] =	vst v0  }
0x33b: {  	v0 =	vld [tilespmem:s0+$0x80]  }
0x33c: {  	v4 =	vld [tilespmem:s0+$0x90]  }
0x33d: {  	v5 =	vld [tilespmem:s0+$0xA0]  }
0x33e: {  	v6 =	vld [tilespmem:s0+$0xB0]  }
0x33f: {  	v7 =	vld [tilespmem:s0+$0xC0]  }
0x340: {  	v8 =	vld [tilespmem:s0+$0xD0]  }
0x341: {  	v9 =	vld [tilespmem:s0+$0xE0]  }
0x342: {  	v10 =	vld [tilespmem:s0+$0xF0];
	_ =	sdelay $0x1  }
0x343: {  	v11 =	vmul.f32 v0, v25;
	v21 =	vmul.f32 v4, v28  }
0x344: {  	v22 =	vmul.f32 v5, v31;
	v23 =	vmul.f32 v6, v34  }
0x345: {  	v60 =	vmul.f32 v7, v37;
	v61 =	vmul.f32 v8, v41  }
0x346: {  	v62 =	vmul.f32 v9, v44;
	v63 =	vmul.f32 v10, v47  }
0x347: {  	v0 =	vmul.f32 v0, v0;
	v4 =	vmul.f32 v4, v4  }
0x348: {  	v5 =	vmul.f32 v5, v5;
	v6 =	vmul.f32 v6, v6  }
0x349: {  	v7 =	vmul.f32 v7, v7;
	v8 =	vmul.f32 v8, v8  }
0x34a: {  	v9 =	vmul.f32 v9, v9;
	v11 =	vadd.f32 v21, v11;
	v21 =	vadd.f32 v23, v22  }
0x34b: {  	v10 =	vmul.f32 v10, v10;
	v22 =	vadd.f32 v61, v60;
	v23 =	vadd.f32 v63, v62  }
0x34c: {  	v0 =	vadd.f32 v4, v0;
	v4 =	vadd.f32 v6, v5  }
0x34d: {  	v5 =	vadd.f32 v8, v7;
	v60 =	vadd.f32 v10, v9  }
0x34e: {  	v61 =	vadd.f32 v21, v11;
	v62 =	vadd.f32 v23, v22  }
0x34f: {  	v0 =	vadd.f32 v4, v0;
	v4 =	vadd.f32 v60, v5  }
0x350: {  	v5 =	vadd.f32 v62, v61  }
0x351: {  	v0 =	vadd.f32 v4, v0  }
0x352: {  	[tilespmem:$0xFB19] =	vst v5  }
0x353: {  	[tilespmem:$0xFC99] =	vst v0  }
0x354: {  	v0 =	vld [tilespmem:s0+$0x100]  }
0x355: {  	v4 =	vld [tilespmem:s0+$0x110]  }
0x356: {  	v5 =	vld [tilespmem:s0+$0x120]  }
0x357: {  	v6 =	vld [tilespmem:s0+$0x130]  }
0x358: {  	v7 =	vld [tilespmem:s0+$0x140]  }
0x359: {  	v8 =	vld [tilespmem:s0+$0x150]  }
0x35a: {  	v9 =	vld [tilespmem:s0+$0x160]  }
0x35b: {  	v10 =	vld [tilespmem:s0+$0x170];
	_ =	sdelay $0x1  }
0x35c: {  	v11 =	vmul.f32 v0, v25;
	v63 =	vmul.f32 v4, v28  }
0x35d: {  	v21 =	vmul.f32 v5, v31;
	v22 =	vmul.f32 v6, v34  }
0x35e: {  	v23 =	vmul.f32 v7, v37;
	v60 =	vmul.f32 v8, v41  }
0x35f: {  	v61 =	vmul.f32 v9, v44;
	v62 =	vmul.f32 v10, v47  }
0x360: {  	v0 =	vmul.f32 v0, v0;
	v4 =	vmul.f32 v4, v4  }
0x361: {  	v5 =	vmul.f32 v5, v5;
	v6 =	vmul.f32 v6, v6  }
0x362: {  	v7 =	vmul.f32 v7, v7;
	v8 =	vmul.f32 v8, v8  }
0x363: {  	v9 =	vmul.f32 v9, v9;
	v11 =	vadd.f32 v63, v11;
	v63 =	vadd.f32 v22, v21  }
0x364: {  	v10 =	vmul.f32 v10, v10;
	v16 =	vadd.f32 v60, v23;
	v17 =	vadd.f32 v62, v61  }
0x365: {  	v0 =	vadd.f32 v4, v0;
	v4 =	vadd.f32 v6, v5  }
0x366: {  	v5 =	vadd.f32 v8, v7;
	v18 =	vadd.f32 v10, v9  }
0x367: {  	v19 =	vadd.f32 v63, v11;
	v20 =	vadd.f32 v17, v16  }
0x368: {  	v0 =	vadd.f32 v4, v0;
	v4 =	vadd.f32 v18, v5  }
0x369: {  	v5 =	vadd.f32 v20, v19  }
0x36a: {  	v0 =	vadd.f32 v4, v0  }
0x36b: {  	[tilespmem:$0xFB2A] =	vst v5  }
0x36c: {  	[tilespmem:$0xFCAA] =	vst v0  }
0x36d: {  	v0 =	vld [tilespmem:s0+$0x180]  }
0x36e: {  	v4 =	vld [tilespmem:s0+$0x190]  }
0x36f: {  	v5 =	vld [tilespmem:s0+$0x1A0]  }
0x370: {  	v6 =	vld [tilespmem:s0+$0x1B0]  }
0x371: {  	v7 =	vld [tilespmem:s0+$0x1C0]  }
0x372: {  	v8 =	vld [tilespmem:s0+$0x1D0]  }
0x373: {  	v9 =	vld [tilespmem:s0+$0x1E0]  }
0x374: {  	v10 =	vld [tilespmem:s0+$0x1F0];
	_ =	sdelay $0x1  }
0x375: {  	v11 =	vmul.f32 v0, v25;
	v21 =	vmul.f32 v4, v28  }
0x376: {  	v22 =	vmul.f32 v5, v31;
	v23 =	vmul.f32 v6, v34  }
0x377: {  	v60 =	vmul.f32 v7, v37;
	v61 =	vmul.f32 v8, v41  }
0x378: {  	v62 =	vmul.f32 v9, v44;
	v63 =	vmul.f32 v10, v47  }
0x379: {  	v0 =	vmul.f32 v0, v0;
	v4 =	vmul.f32 v4, v4  }
0x37a: {  	v5 =	vmul.f32 v5, v5;
	v6 =	vmul.f32 v6, v6  }
0x37b: {  	v7 =	vmul.f32 v7, v7;
	v8 =	vmul.f32 v8, v8  }
0x37c: {  	v9 =	vmul.f32 v9, v9;
	v11 =	vadd.f32 v21, v11;
	v21 =	vadd.f32 v23, v22  }
0x37d: {  	v10 =	vmul.f32 v10, v10;
	v22 =	vadd.f32 v61, v60;
	v23 =	vadd.f32 v63, v62  }
0x37e: {  	v0 =	vadd.f32 v4, v0;
	v4 =	vadd.f32 v6, v5  }
0x37f: {  	v5 =	vadd.f32 v8, v7;
	v60 =	vadd.f32 v10, v9  }
0x380: {  	v61 =	vadd.f32 v21, v11;
	v62 =	vadd.f32 v23, v22  }
0x381: {  	v0 =	vadd.f32 v4, v0;
	v4 =	vadd.f32 v60, v5  }
0x382: {  	v5 =	vadd.f32 v62, v61  }
0x383: {  	v0 =	vadd.f32 v4, v0  }
0x384: {  	[tilespmem:$0xFB3B] =	vst v5  }
0x385: {  	[tilespmem:$0xFCBB] =	vst v0  }
0x386: {  	v0 =	vld [tilespmem:s0+$0x200]  }
0x387: {  	v4 =	vld [tilespmem:s0+$0x210]  }
0x388: {  	v5 =	vld [tilespmem:s0+$0x220]  }
0x389: {  	v6 =	vld [tilespmem:s0+$0x230]  }
0x38a: {  	v7 =	vld [tilespmem:s0+$0x240]  }
0x38b: {  	v8 =	vld [tilespmem:s0+$0x250]  }
0x38c: {  	v9 =	vld [tilespmem:s0+$0x260]  }
0x38d: {  	v10 =	vld [tilespmem:s0+$0x270];
	_ =	sdelay $0x1  }
0x38e: {  	v11 =	vmul.f32 v0, v25;
	v63 =	vmul.f32 v4, v28  }
0x38f: {  	v21 =	vmul.f32 v5, v31;
	v22 =	vmul.f32 v6, v34  }
0x390: {  	v23 =	vmul.f32 v7, v37;
	v60 =	vmul.f32 v8, v41  }
0x391: {  	v61 =	vmul.f32 v9, v44;
	v62 =	vmul.f32 v10, v47  }
0x392: {  	v0 =	vmul.f32 v0, v0;
	v4 =	vmul.f32 v4, v4  }
0x393: {  	v5 =	vmul.f32 v5, v5;
	v6 =	vmul.f32 v6, v6  }
0x394: {  	v7 =	vmul.f32 v7, v7;
	v8 =	vmul.f32 v8, v8  }
0x395: {  	v9 =	vmul.f32 v9, v9;
	v11 =	vadd.f32 v63, v11;
	v63 =	vadd.f32 v22, v21  }
0x396: {  	v10 =	vmul.f32 v10, v10;
	v16 =	vadd.f32 v60, v23;
	v17 =	vadd.f32 v62, v61  }
0x397: {  	v0 =	vadd.f32 v4, v0;
	v4 =	vadd.f32 v6, v5  }
0x398: {  	v5 =	vadd.f32 v8, v7;
	v18 =	vadd.f32 v10, v9  }
0x399: {  	v19 =	vadd.f32 v63, v11;
	v20 =	vadd.f32 v17, v16  }
0x39a: {  	v0 =	vadd.f32 v4, v0;
	v4 =	vadd.f32 v18, v5  }
0x39b: {  	v5 =	vadd.f32 v20, v19  }
0x39c: {  	v0 =	vadd.f32 v4, v0  }
0x39d: {  	[tilespmem:$0xFB4C] =	vst v5  }
0x39e: {  	[tilespmem:$0xFCCC] =	vst v0  }
0x39f: {  	v0 =	vld [tilespmem:s0+$0x280]  }
0x3a0: {  	v4 =	vld [tilespmem:s0+$0x290]  }
0x3a1: {  	v5 =	vld [tilespmem:s0+$0x2A0]  }
0x3a2: {  	v6 =	vld [tilespmem:s0+$0x2B0]  }
0x3a3: {  	v7 =	vld [tilespmem:s0+$0x2C0]  }
0x3a4: {  	v8 =	vld [tilespmem:s0+$0x2D0]  }
0x3a5: {  	v9 =	vld [tilespmem:s0+$0x2E0]  }
0x3a6: {  	v10 =	vld [tilespmem:s0+$0x2F0];
	_ =	sdelay $0x1  }
0x3a7: {  	v11 =	vmul.f32 v0, v25;
	v21 =	vmul.f32 v4, v28  }
0x3a8: {  	v22 =	vmul.f32 v5, v31;
	v23 =	vmul.f32 v6, v34  }
0x3a9: {  	v60 =	vmul.f32 v7, v37;
	v61 =	vmul.f32 v8, v41  }
0x3aa: {  	v62 =	vmul.f32 v9, v44;
	v63 =	vmul.f32 v10, v47  }
0x3ab: {  	v0 =	vmul.f32 v0, v0;
	v4 =	vmul.f32 v4, v4  }
0x3ac: {  	v5 =	vmul.f32 v5, v5;
	v6 =	vmul.f32 v6, v6  }
0x3ad: {  	v7 =	vmul.f32 v7, v7;
	v8 =	vmul.f32 v8, v8  }
0x3ae: {  	v9 =	vmul.f32 v9, v9;
	v11 =	vadd.f32 v21, v11;
	v21 =	vadd.f32 v23, v22  }
0x3af: {  	v10 =	vmul.f32 v10, v10;
	v22 =	vadd.f32 v61, v60;
	v23 =	vadd.f32 v63, v62  }
0x3b0: {  	v0 =	vadd.f32 v4, v0;
	v4 =	vadd.f32 v6, v5  }
0x3b1: {  	v5 =	vadd.f32 v8, v7;
	v60 =	vadd.f32 v10, v9  }
0x3b2: {  	v61 =	vadd.f32 v21, v11;
	v62 =	vadd.f32 v23, v22  }
0x3b3: {  	v0 =	vadd.f32 v4, v0;
	v4 =	vadd.f32 v60, v5  }
0x3b4: {  	v5 =	vadd.f32 v62, v61  }
0x3b5: {  	v0 =	vadd.f32 v4, v0  }
0x3b6: {  	[tilespmem:$0xFB5D] =	vst v5  }
0x3b7: {  	[tilespmem:$0xFCDD] =	vst v0  }
0x3b8: {  	v0 =	vld [tilespmem:s0+$0x300]  }
0x3b9: {  	v4 =	vld [tilespmem:s0+$0x310]  }
0x3ba: {  	v5 =	vld [tilespmem:s0+$0x320]  }
0x3bb: {  	v6 =	vld [tilespmem:s0+$0x330]  }
0x3bc: {  	v7 =	vld [tilespmem:s0+$0x340]  }
0x3bd: {  	v8 =	vld [tilespmem:s0+$0x350]  }
0x3be: {  	v9 =	vld [tilespmem:s0+$0x360]  }
0x3bf: {  	v10 =	vld [tilespmem:s0+$0x370];
	_ =	sdelay $0x1  }
0x3c0: {  	v11 =	vmul.f32 v0, v25;
	v63 =	vmul.f32 v4, v28  }
0x3c1: {  	v21 =	vmul.f32 v5, v31;
	v22 =	vmul.f32 v6, v34  }
0x3c2: {  	v23 =	vmul.f32 v7, v37;
	v60 =	vmul.f32 v8, v41  }
0x3c3: {  	v61 =	vmul.f32 v9, v44;
	v62 =	vmul.f32 v10, v47  }
0x3c4: {  	v0 =	vmul.f32 v0, v0;
	v4 =	vmul.f32 v4, v4  }
0x3c5: {  	v5 =	vmul.f32 v5, v5;
	v6 =	vmul.f32 v6, v6  }
0x3c6: {  	v7 =	vmul.f32 v7, v7;
	v8 =	vmul.f32 v8, v8  }
0x3c7: {  	v9 =	vmul.f32 v9, v9;
	v11 =	vadd.f32 v63, v11;
	v63 =	vadd.f32 v22, v21  }
0x3c8: {  	v10 =	vmul.f32 v10, v10;
	v16 =	vadd.f32 v60, v23;
	v17 =	vadd.f32 v62, v61  }
0x3c9: {  	v0 =	vadd.f32 v4, v0;
	v4 =	vadd.f32 v6, v5  }
0x3ca: {  	v5 =	vadd.f32 v8, v7;
	v18 =	vadd.f32 v10, v9  }
0x3cb: {  	v19 =	vadd.f32 v63, v11;
	v20 =	vadd.f32 v17, v16  }
0x3cc: {  	v0 =	vadd.f32 v4, v0;
	v4 =	vadd.f32 v18, v5  }
0x3cd: {  	v5 =	vadd.f32 v20, v19  }
0x3ce: {  	v0 =	vadd.f32 v4, v0  }
0x3cf: {  	[tilespmem:$0xFB6E] =	vst v5  }
0x3d0: {  	[tilespmem:$0xFCEE] =	vst v0  }
0x3d1: {  	v0 =	vld [tilespmem:s0+$0x380]  }
0x3d2: {  	v4 =	vld [tilespmem:s0+$0x390]  }
0x3d3: {  	v5 =	vld [tilespmem:s0+$0x3A0]  }
0x3d4: {  	v6 =	vld [tilespmem:s0+$0x3B0]  }
0x3d5: {  	v7 =	vld [tilespmem:s0+$0x3C0]  }
0x3d6: {  	v8 =	vld [tilespmem:s0+$0x3D0]  }
0x3d7: {  	v9 =	vld [tilespmem:s0+$0x3E0]  }
0x3d8: {  	v10 =	vld [tilespmem:s0+$0x3F0];
	_ =	sdelay $0x1  }
0x3d9: {  	v11 =	vmul.f32 v0, v25;
	v21 =	vmul.f32 v4, v28  }
0x3da: {  	v22 =	vmul.f32 v5, v31;
	v23 =	vmul.f32 v6, v34  }
0x3db: {  	v60 =	vmul.f32 v7, v37;
	v61 =	vmul.f32 v8, v41  }
0x3dc: {  	v62 =	vmul.f32 v9, v44;
	v63 =	vmul.f32 v10, v47  }
0x3dd: {  	v0 =	vmul.f32 v0, v0;
	v4 =	vmul.f32 v4, v4  }
0x3de: {  	v5 =	vmul.f32 v5, v5;
	v6 =	vmul.f32 v6, v6  }
0x3df: {  	v7 =	vmul.f32 v7, v7;
	v8 =	vmul.f32 v8, v8  }
0x3e0: {  	v9 =	vmul.f32 v9, v9;
	v11 =	vadd.f32 v21, v11;
	v19 =	vadd.f32 v23, v22  }
0x3e1: {  	v10 =	vmul.f32 v10, v10;
	v20 =	vadd.f32 v61, v60;
	v21 =	vadd.f32 v63, v62  }
0x3e2: {  	v0 =	vadd.f32 v4, v0;
	v4 =	vadd.f32 v6, v5  }
0x3e3: {  	v5 =	vadd.f32 v8, v7;
	v22 =	vadd.f32 v10, v9  }
0x3e4: {  	v23 =	vadd.f32 v19, v11;
	v60 =	vadd.f32 v21, v20  }
0x3e5: {  	v0 =	vadd.f32 v4, v0;
	v4 =	vadd.f32 v22, v5  }
0x3e6: {  	v5 =	vadd.f32 v60, v23  }
0x3e7: {  	v0 =	vadd.f32 v4, v0  }
0x3e8: {  	v6 =	vadd.s32 $0x5, v1;
	[tilespmem:$0xFB7F] =	vst v5  }
0x3e9: {  	v8 =	vadd.s32 $0x6, v1;
	[tilespmem:$0xFCFF] =	vst v0  }
0x3ea: {  	v10 =	vadd.s32 $0x7, v1;
	v5 =	vld.idx.msk [tilespmem:v1+s22+$0x0], $0xffff  }
0x3eb: {  	v12 =	vadd.s32 $0x8, v1;
	v7 =	vld.idx.msk [tilespmem:v2+s22+$0x0], $0xffff  }
0x3ec: {  	v14 =	vadd.s32 $0x9, v1;
	v9 =	vld.idx.msk [tilespmem:v3+s22+$0x0], $0xffff  }
0x3ed: {  	v16 =	vadd.s32 $0xA, v1;
	v15 =	vld.idx.msk [tilespmem:v6+s22+$0x0], $0xffff  }
0x3ee: {  	v18 =	vadd.s32 $0xB, v1;
	v17 =	vld.idx.msk [tilespmem:v8+s22+$0x0], $0xffff  }
0x3ef: {  	v0 =	vadd.s32 $0x4, v1;
	v19 =	vld.idx.msk [tilespmem:v10+s22+$0x0], $0xffff  }
0x3f0: {  	v4 =	vadd.s32 $0x3, v1;
	v21 =	vld.idx.msk [tilespmem:v12+s22+$0x0], $0xffff  }
0x3f1: {  	v20 =	vadd.s32 $0xC, v1;
	v23 =	vld.idx.msk [tilespmem:v14+s22+$0x0], $0xffff  }
0x3f2: {  	v22 =	vadd.s32 $0xD, v1;
	v26 =	vld.idx.msk [tilespmem:v16+s22+$0x0], $0xffff  }
0x3f3: {  	v24 =	vadd.s32 $0xE, v1;
	v60 =	vld.idx.msk [tilespmem:v18+s22+$0x0], $0xffff  }
0x3f4: {  	v27 =	vadd.s32 $0xF, v1;
	v13 =	vld.idx.msk [tilespmem:v0+s22+$0x0], $0xffff  }
0x3f5: {  	v11 =	vld.idx.msk [tilespmem:v4+s22+$0x0], $0xffff  }
0x3f6: {  	v61 =	vld.idx.msk [tilespmem:v20+s22+$0x0], $0xffff  }
0x3f7: {  	v62 =	vld.idx.msk [tilespmem:v22+s22+$0x0], $0xffff  }
0x3f8: {  	v63 =	vld.idx.msk [tilespmem:v24+s22+$0x0], $0xffff;
	v7 =	vadd.f32 v15, v7  }
0x3f9: {  	v9 =	vadd.f32 v17, v9;
	v5 =	vadd.f32 v13, v5;
	v13 =	vld.idx.msk [tilespmem:v27+s22+$0x0], $0xffff  }
0x3fa: {  	v11 =	vadd.f32 v19, v11  }
0x3fb: {  	v7 =	vadd.f32 v23, v7;
	v9 =	vadd.f32 v26, v9  }
0x3fc: {  	v11 =	vadd.f32 v60, v11;
	v5 =	vadd.f32 v21, v5  }
0x3fd: {  	v7 =	vadd.f32 v62, v7;
	v9 =	vadd.f32 v63, v9  }
0x3fe: {  	v5 =	vadd.f32 v61, v5;
	v11 =	vadd.f32 v13, v11;
	_ =	sdelay $0x1  }
0x3ff: {  	v5 =	vadd.f32 v7, v5;
	v61 =	vadd.f32 v11, v9;
	_ =	sdelay $0x1  }
0x400: {  	v5 =	vadd.f32 v61, v5;
	_ =	sdelay $0x1  }
0x401: {  	v6 =	vld.idx.msk [tilespmem:v6+s21+$0x0], $0xffff;
	v5 =	vmax.f32 v5, $1.000000020e-24  }
0x402: {  	v8 =	vld.idx.msk [tilespmem:v8+s21+$0x0], $0xffff;
	v62 =	vshra.s32 v5, $0x1;
	v5 =	vmul.f32 $5.000000000e-01, v5  }
0x403: {  	v10 =	vld.idx.msk [tilespmem:v10+s21+$0x0], $0xffff;
	v9 =	vsub.s32 $0x5F3759DF, v62  }
0x404: {  	v12 =	vld.idx.msk [tilespmem:v12+s21+$0x0], $0xffff;
	v21 =	vmul.f32 v9, v5  }
0x405: {  	v14 =	vld.idx.msk [tilespmem:v14+s21+$0x0], $0xffff  }
0x406: {  	v4 =	vld.idx.msk [tilespmem:v4+s21+$0x0], $0xffff;
	v15 =	vmul.f32 v9, v21  }
0x407: {  	v0 =	vld.idx.msk [tilespmem:v0+s21+$0x0], $0xffff  }
0x408: {  	v17 =	vld.idx.msk [tilespmem:v18+s21+$0x0], $0xffff;
	v15 =	vsub.f32 $1.500000000e+00, v15  }
0x409: {  	v18 =	vld [tilespmem:$0x1FEB0]  }
0x40a: {  	v63 =	vld.idx.msk [tilespmem:v2+s21+$0x0], $0xffff;
	v9 =	vmul.f32 v9, v15  }
0x40b: {  	v60 =	vld.idx.msk [tilespmem:v20+s21+$0x0], $0xffff  }
0x40c: {  	v7 =	vld.idx.msk [tilespmem:v1+s21+$0x0], $0xffff;
	v23 =	vmul.f32 v9, v5  }
0x40d: {  	v13 =	vld.idx.msk [tilespmem:v3+s21+$0x0], $0xffff  }
0x40e: {  	v15 =	vld.idx.msk [tilespmem:v16+s21+$0x0], $0xffff;
	v16 =	vmul.f32 v23, v9  }
0x40f: {  	v6 =	vadd.f32 v6, v63;
	v63 =	vld.idx.msk [tilespmem:v27+s21+$0x0], $0xffff  }
0x410: {  	v61 =	vld.idx.msk [tilespmem:v22+s21+$0x0], $0xffff;
	v16 =	vsub.f32 $1.500000000e+00, v16  }
0x411: {  	v0 =	vadd.f32 v0, v7;
	v62 =	vld.idx.msk [tilespmem:v24+s21+$0x0], $0xffff  }
0x412: {  	v4 =	vadd.f32 v10, v4;
	v19 =	vld [tilespmem:$0x1FEC0];
	v8 =	vadd.f32 v8, v13;
	v9 =	vmul.f32 v16, v9  }
0x413: {  	s17 =	sshra.s32 s31, $0x2;
	v20 =	vld [tilespmem:$0x1FEF0];
	v6 =	vadd.f32 v14, v6;
	v0 =	vadd.f32 v12, v0  }
0x414: {  	v4 =	vadd.f32 v17, v4;
	v8 =	vadd.f32 v15, v8;
	v15 =	vld.idx.msk [tilespmem:v58+s17+$0x0 ss:$0x1], $0xffff;
	v5 =	vmul.f32 v9, v5  }
0x415: {  	v17 =	vld [tilespmem:$0x1FEA0];
	v6 =	vadd.f32 v61, v6;
	v0 =	vadd.f32 v60, v0  }
0x416: {  	v22 =	vld [tilespmem:$0x1FF40];
	v4 =	vadd.f32 v63, v4;
	v8 =	vadd.f32 v62, v8;
	v5 =	vmul.f32 v5, v9  }
0x417: {  	v0 =	vadd.f32 v6, v0;
	v6 =	vld.idx.msk [tilespmem:v59+s17+$0x0 ss:$0x1], $0xffff  }
0x418: {  	v63 =	vld [tilespmem:$0x1FED0];
	v4 =	vadd.f32 v4, v8;
	v5 =	vsub.f32 $1.500000000e+00, v5  }
0x419: {  	v60 =	vld [tilespmem:$0x1FF10];
	v16 =	vsub.f32 $1.000000000e+05, v15  }
0x41a: {  	v21 =	vld [tilespmem:$0x1FF00];
	v0 =	vadd.f32 v4, v0;
	v4 =	vmul.f32 v5, v9  }
0x41b: {  	v23 =	vld [tilespmem:$0x1FF50];
	v5 =	vmul.f32 v16, v33  }
0x41c: {  	v62 =	vld [tilespmem:$0x1FF60];
	v0 =	vmul.f32 v4, v0;
	v4 =	vand.u32 $0x7FFFFFFF, v6  }
0x41d: {  	v16 =	vld [tilespmem:$0x1FF20];
	v5 =	vsub.f32 $1.000000000e+00, v5;
	v4 =	vmax.f32 v4, $9.999999970e-07  }
0x41e: {  	v7 =	vmul.f32 v0, v17;
	v8 =	vmul.f32 v4, v18;
	v17 =	vld [tilespmem:$0x1FEE0]  }
0x41f: {  	v9 =	vmul.f32 v5, v19;
	v18 =	vld [tilespmem:$0x1FF70]  }
0x420: {  	v10 =	vmul.f32 v4, v21;
	v19 =	vld [tilespmem:$0x1FF90];
	v7 =	vadd.f32 v7, v8;
	v8 =	vmul.f32 v0, v20  }
0x421: {  	v11 =	vmul.f32 v0, v22;
	v12 =	vmul.f32 v4, v23;
	v21 =	vld [tilespmem:$0x1FE90]  }
0x422: {  	v22 =	vld [tilespmem:$0x1FF30];
	v7 =	vadd.f32 v7, v9;
	v8 =	vadd.f32 v8, v10;
	v9 =	vmul.f32 v5, v60  }
0x423: {  	v61 =	vadd.f32 v11, v12;
	v11 =	vmul.f32 v5, v62;
	v20 =	vld [tilespmem:$0x1FFA0]  }
0x424: {  	v62 =	vld [tilespmem:$0x1FFF0];
	v7 =	vadd.f32 v7, v63;
	v8 =	vadd.f32 v8, v9  }
0x425: {  	v15 =	vadd.f32 v61, v11;
	v60 =	vld [tilespmem:$0x1FFB0]  }
0x426: {  	v61 =	vld [tilespmem:$0x1FFE0];
	v10 =	vmul.f32 v0, v19;
	v7 =	vmax.f32 v7, $0.0e+00;
	v8 =	vadd.f32 v8, v16  }
0x427: {  	v19 =	vmul.f32 v0, v49;
	v9 =	vadd.f32 v15, v18;
	v7 =	vmul.f32 v7, v17  }
0x428: {  	v63 =	vmul.f32 v5, v35;
	v11 =	vmul.f32 v4, v20;
	v8 =	vmax.f32 v8, $0.0e+00  }
0x429: {  	v23 =	vld [tilespmem:$0x1FF80];
	v18 =	vmul.f32 v4, v42;
	v7 =	vadd.f32 v7, v21;
	v8 =	vmul.f32 v8, v22  }
0x42a: {  	v12 =	vmul.f32 v4, v62;
	v20 =	vmul.f32 v4, v50;
	v16 =	vld [tilespmem:$0x1FFC0];
	v10 =	vadd.f32 v10, v11  }
0x42b: {  	v11 =	vmul.f32 v5, v60;
	v7 =	vadd.f32 v7, v8;
	v8 =	vmul.f32 v0, v61  }
0x42c: {  	v4 =	vmul.f32 v4, v57;
	v17 =	vmul.f32 v0, v39  }
0x42d: {  	v9 =	vmax.f32 v9, $0.0e+00;
	v60 =	vld [tilespmem:$0x1FFD0];
	v10 =	vadd.f32 v10, v11;
	v8 =	vadd.f32 v8, v12  }
0x42e: {  	v9 =	vmul.f32 v9, v23;
	v11 =	vadd.f32 v17, v18;
	v21 =	vmul.f32 v5, v43  }
0x42f: {  	v23 =	vmul.f32 v0, v56;
	v10 =	vadd.f32 v10, v16;
	v8 =	vadd.f32 v8, v63  }
0x430: {  	v22 =	vmul.f32 v5, v51;
	v11 =	vadd.f32 v11, v21;
	v7 =	vadd.f32 v7, v9  }
0x431: {  	v9 =	vadd.f32 v19, v20;
	v10 =	vmax.f32 v10, $0.0e+00;
	v8 =	vadd.f32 v8, v36  }
0x432: {  	v4 =	vadd.f32 v23, v4;
	v5 =	vmul.f32 v5, v29;
	v10 =	vmul.f32 v10, v60  }
0x433: {  	v11 =	vadd.f32 v11, v45;
	v9 =	vadd.f32 v9, v22;
	v8 =	vmax.f32 v8, $0.0e+00  }
0x434: {  	v7 =	vadd.f32 v7, v10;
	v8 =	vmul.f32 v8, v38  }
0x435: {  	v4 =	vadd.f32 v4, v5;
	v5 =	vmax.f32 v11, $0.0e+00;
	v9 =	vadd.f32 v9, v52  }
0x436: {  	v5 =	vmul.f32 v5, v46;
	v7 =	vadd.f32 v7, v8  }
0x437: {  	v4 =	vadd.f32 v4, v30;
	v61 =	vmax.f32 v9, $0.0e+00  }
0x438: {  	v62 =	vmul.f32 v61, v54;
	v5 =	vadd.f32 v7, v5  }
0x439: {  	v4 =	vmax.f32 v4, $0.0e+00  }
0x43a: {  	v4 =	vmul.f32 v4, v32;
	v5 =	vadd.f32 v5, v62  }
0x43b: {  	p0 =	sne.s32 s31, $0x340  }
.Ltmp7:
0x43c: {  	v4 =	vadd.f32 v5, v4;
	(pc) =	sbr.rel @p0 .LBB2_6-.Ltmp7, $4  }
0x43d: {  	_ = 	snop  }
0x43e: {  	v63 =	vlaneseq.u32;
	vm0 =	vgt.f32 v4, v55  }
0x43f: {  	v55 =	vsel vm0, v4, v55;
	v4 =	vor.u32 s29, v63  }
0x440: {  	s31 =	sadd.s32 $0x40, s31;
	s0 =	sadd.s32 $0x800, s0;
	v48 =	vsel vm0, v0, v48;
	v40 =	vsel vm0, v6, v40;
	s29 =	sadd.s32 $0x10, s29;
	v53 =	vsel vm0, v4, v53  }
.Ltmp8:
0x441: {  	_ = 	snop;
	(pc) =	sbr.rel .LBB2_7-.Ltmp8, $1  }
0x442: {  	_ =	sdelay $0x3  }
.LBB2_9:
0x443: {  	_ =	sfence.sel $0x180000  }
0x444: {  	[bflag:$0x0] =	sbarrier.arrive $0xFFFF  }
0x445: {  	_ =	strace $0x90000047  }
0x446: {  	s0 =	stileid.u32;
	[bflag:$0x2] =	sbarrier.arrive $0xFFFF  }
0x447: {  	p0 =	sne.s32 s0, $0x0;
	s0 =	rddreg [dreg:$0x4]  }
0x448: {  	s0 =	sadd.s32 @!p0 $0x100000, s0  }
0x449: {  	[sflag:s0] =	ssyncadd.tile.s32 @!p0 $0x1;
	_ =	shalt  }
.Lfunc_end2:
_tile_overlayer_lowered:
.L_overlay_start_2:
0x44a: {  	(tag) =	ssettag $0x2  }
0x44b: {  	s0 =	rddreg [dreg:$0x0];
	s2 =	stileid.u32  }
0x44c: {  	s1 =	rddreg [dreg:$0x1];
	p0 =	sne.s32 s2, $0x0  }
0x44d: {  	s3 =	rddreg [dreg:$0x2];
	[bflag:$0x3] =	sbarrier.arrive $0xFFFF;
	s2 =	simm.s32 @!p0 $0x1C03  }
0x44e: {  	[timem:s3], [sflag:s2] =	dma.local @!p0 [hbm:s0], s1  }
0x44f: {  	s0 =	simm.s32 @!p0 $0x3  }
0x450: {  	_ =	swait.ge @!p0 [sflag:s0], s1  }
0x451: {  	s1 =	ssub.s32 @!p0 $0x0, s1;
	[sflag:s0] =	ssyncset.done @!p0 $0x0  }
0x452: {  	[sflag:s0] =	ssyncadd.s32 @!p0 s1  }
0x453: {  	[bflag:$0x3] =	sbarrier.arrive $0xFFFF  }
0x454: {  	_ =	shalt  }

</sc_bundles>
